<compile_context>
chip_gen: v7x
topology: tpu7x:2x2x1
jax: 0.10.2.dev20260603
libtpu: 0.0.44.dev20260713+nightly
codegen_flags: <defaults>
</compile_context>

<pallas_src>
import functools

import jax
import jax.numpy as jnp
from jax import lax
from jax.experimental import pallas as pl
from jax.experimental.pallas import tpu as pltpu
from jax.experimental.pallas import tpu_sc as plsc

B = 4096
L = 200
V = 10000
D = 512
H = 256
NC, NS = 2, 16
NW = NC * NS
RPW = B // NW
UPR = 5
QTR = L // UPR
NUNIT = RPW * UPR
LANES = 16
NCHUNK = H // LANES


def _pool_body(ids_hbm, table_hbm, out_hbm, idx_v, gbuf, accv, gsem, osem):
    c = lax.axis_index("c")
    s = lax.axis_index("s")
    wid = s * NC + c
    base = wid * RPW

    pltpu.sync_copy(ids_hbm.at[pl.ds(base * L, RPW * L)], idx_v)

    def _gather(u, bi):
        return pltpu.make_async_copy(
            table_hbm.at[idx_v.at[pl.ds(u * QTR, QTR)]], gbuf.at[bi],
            gsem.at[bi])

    _gather(0, 0).start()
    _gather(1, 1).start()
    _gather(2, 2).start()
    _gather(3, 3).start()

    inv = jnp.float32(1.0 / L)

    def row_body(r, carry):
        a = r % 2

        @pl.when(r >= 2)
        def _():
            pltpu.make_async_copy(
                accv.at[a], out_hbm.at[base + r - 2], osem.at[a]).wait()

        u0 = r * UPR
        acc = tuple(jnp.zeros((LANES,), jnp.float32) for _ in range(NCHUNK))
        for h in range(UPR):
            @pl.when(u0 + h + 4 < NUNIT)
            def _(h=h):
                _gather(u0 + h + 4, (h + 4) % UPR).start()

            _gather(u0 + h, h).wait()

            def kbody(k4, acc, h=h):
                for kk in range(4):
                    k = k4 * 4 + kk
                    acc = tuple(
                        acc[j] + gbuf[h, k, pl.ds(j * LANES, LANES)]
                        for j in range(NCHUNK))
                return acc

            acc = lax.fori_loop(0, QTR // 4, kbody, acc)

        for j in range(NCHUNK):
            accv[a, pl.ds(j * LANES, LANES)] = acc[j] * inv
        pltpu.async_copy(accv.at[a], out_hbm.at[base + r], osem.at[a])
        return carry

    lax.fori_loop(0, RPW, row_body, 0)

    pltpu.make_async_copy(
        accv.at[0], out_hbm.at[base + RPW - 2], osem.at[0]).wait()
    pltpu.make_async_copy(
        accv.at[1], out_hbm.at[base + RPW - 1], osem.at[1]).wait()


@functools.cache
def _pool():
    return pl.kernel(
        _pool_body,
        out_type=jax.ShapeDtypeStruct((B, H), jnp.float32),
        mesh=plsc.VectorSubcoreMesh(
            core_axis_name="c", subcore_axis_name="s",
            num_cores=NC, num_subcores=NS),
        scratch_types=[
            pltpu.VMEM((RPW * L,), jnp.int32),
            pltpu.VMEM((UPR, QTR, H), jnp.float32),
            pltpu.VMEM((2, H), jnp.float32),
            pltpu.SemaphoreType.DMA((UPR,)),
            pltpu.SemaphoreType.DMA((2,)),
        ],
    )


_PROJ_BLK = 1000


def _proj_body(t_ref, w_ref, o_ref):
    o_ref[...] = jnp.dot(
        t_ref[...], w_ref[...], preferred_element_type=jnp.float32)


def _proj(emb_table, W1):
    return pl.pallas_call(
        _proj_body,
        grid=(V // _PROJ_BLK,),
        in_specs=[
            pl.BlockSpec((_PROJ_BLK, D), lambda i: (i, 0)),
            pl.BlockSpec((D, H), lambda i: (0, 0)),
        ],
        out_specs=pl.BlockSpec((_PROJ_BLK, H), lambda i: (i, 0)),
        out_shape=jax.ShapeDtypeStruct((V, H), jnp.float32),
    )(emb_table, W1)


def _mlp_body(p_ref, b1_ref, w2_ref, b2_ref, f_ref, a_ref):
    h = jnp.maximum(p_ref[...] + b1_ref[...], 0.0)
    f = jnp.dot(h, w2_ref[...], preferred_element_type=jnp.float32) + b2_ref[...]
    f_ref[...] = f
    m = jnp.max(f, axis=1, keepdims=True)
    e = jnp.exp(f - m)
    a_ref[...] = e / jnp.sum(e, axis=1, keepdims=True)


_MLP_BLK = 1024


def _mlp(pooled1, b1, W2, b2):
    return pl.pallas_call(
        _mlp_body,
        grid=(B // _MLP_BLK,),
        in_specs=[
            pl.BlockSpec((_MLP_BLK, H), lambda i: (i, 0)),
            pl.BlockSpec((1, H), lambda i: (0, 0)),
            pl.BlockSpec((H, H), lambda i: (0, 0)),
            pl.BlockSpec((1, H), lambda i: (0, 0)),
        ],
        out_specs=[
            pl.BlockSpec((_MLP_BLK, H), lambda i: (i, 0)),
            pl.BlockSpec((_MLP_BLK, H), lambda i: (i, 0)),
        ],
        out_shape=[
            jax.ShapeDtypeStruct((B, H), jnp.float32),
            jax.ShapeDtypeStruct((B, H), jnp.float32),
        ],
    )(pooled1, b1.reshape(1, H), W2, b2.reshape(1, H))


def kernel(input_ids, attention_mask, emb_table, W1, b1, W2, b2):
    ids = input_ids.astype(jnp.int32).reshape(B * L)
    t1 = _proj(emb_table, W1)
    pooled1 = _pool()(ids, t1)
    features, attention_weights = _mlp(pooled1, b1, W2, b2)
    return features, attention_weights

# --- scband reference (transcript-rebuilt; emitter-appended) ---
"""Pipeline reference for scband-clinical-text-encoder-27616639713428 (READ-ONLY COPY).

The authoritative reference and input builder live on the scoring server;
editing this copy changes nothing except your own understanding.
"""

import jax, jax.numpy as jnp
import numpy as np


def setup_inputs(seed: int = 0) -> dict:
    key = jax.random.key(seed)
    k1, k2, k3, k4 = jax.random.split(key, 4)
    input_ids = jax.random.randint(k1, (4096, 200), 0, 10000, dtype=jnp.int64)
    attention_mask = jnp.ones((4096, 200), dtype=jnp.int32)
    emb_table = jax.random.normal(k2, (10000, 512), dtype=jnp.float32) * 0.02
    W1 = jax.random.normal(k3, (512, 256), dtype=jnp.float32) * (1.0 / np.sqrt(512))
    b1 = jnp.zeros((256,), dtype=jnp.float32)
    W2 = jax.random.normal(k4, (256, 256), dtype=jnp.float32) * (1.0 / np.sqrt(256))
    b2 = jnp.zeros((256,), dtype=jnp.float32)
    return {"input_ids": input_ids, "attention_mask": attention_mask, "emb_table": emb_table, "W1": W1, "b1": b1, "W2": W2, "b2": b2}


def reference(input_ids, attention_mask, emb_table, W1, b1, W2, b2):
    # nn.Embedding lookup
    embeddings = jnp.take(emb_table, input_ids, axis=0)  # [B, L, 512]
    # mean pooling over sequence dim (attention_mask is unused in the original forward)
    pooled = embeddings.mean(axis=1)  # [B, 512]
    # encoder: Linear(512,256) -> ReLU -> Linear(256, fusion_dim=256)
    h = jax.nn.relu(pooled @ W1 + b1)
    features = h @ W2 + b2  # [B, 256]
    attention_weights = jax.nn.softmax(features, axis=1)
    return features, attention_weights

if __name__ == "__main__":
    import jax
    _d = setup_inputs()
    print(jax.jit(kernel)(*tuple(_d.values())))

</pallas_src>

<mosaic_0001>
#map = affine_map<(d0, d1) -> (0)>
#map1 = affine_map<(d0, d1) -> (0, 0)>
module attributes {stable_mosaic.version = 14 : i64} {
  func.func @_pool_body(%arg0: i32, %arg1: i32, %arg2: memref<819200xi32, #tpu.memory_space<hbm>>, %arg3: memref<10000x256xf32, #tpu.memory_space<hbm>>, %arg4: memref<4096x256xf32, #tpu.memory_space<hbm>>, %arg5: memref<25600xi32, #tpu.memory_space<vmem>>, %arg6: memref<5x40x256xf32, #tpu.memory_space<vmem>>, %arg7: memref<2x256xf32, #tpu.memory_space<vmem>>, %arg8: memref<5x!tpu.dma_semaphore, #tpu.memory_space<semaphore_mem>>, %arg9: memref<2x!tpu.dma_semaphore, #tpu.memory_space<semaphore_mem>>) attributes {dimension_semantics = [#tpu.dimension_semantics<core_parallel>, #tpu.dimension_semantics<subcore_parallel>], iteration_bounds = array<i64: 2, 16>, scalar_prefetch = 0 : i64, scratch_operands = 5 : i64, tpu.core_type = #tpu.core_type<sc_vector_subcore>, window_params = [{transform_indices = #map}, {transform_indices = #map1}, {transform_indices = #map1}]} {
    %mul3A = arith.constant 2 : i32
    %mul3A_0 = arith.muli %arg1, %mul3A : i32
    %add3A = arith.addi %mul3A_0, %arg0 : i32
    %mul3A_1 = arith.constant 128 : i32
    %mul3A_2 = arith.muli %add3A, %mul3A_1 : i32
    %mul3A_3 = arith.constant 200 : i32
    %mul3A_4 = arith.muli %mul3A_2, %mul3A_3 : i32
    "tpu.region"() ({
      %run_scoped3A = tpu.sem_alloc : memref<!tpu.dma_semaphore, #tpu.memory_space<semaphore_mem>>
      %dma_start3A_100 = tpu.memref_slice %arg2[%mul3A_4] : memref<819200xi32, #tpu.memory_space<hbm>> -> memref<25600xi32, #tpu.memory_space<hbm>>
      %dma_start3A_101 = tpu.memref_slice %arg2[%mul3A_4] : memref<819200xi32, #tpu.memory_space<hbm>> -> memref<25600xi32, #tpu.memory_space<hbm>>
      tpu.enqueue_dma source(%dma_start3A_101 : memref<25600xi32, #tpu.memory_space<hbm>>) target(%arg5 : memref<25600xi32, #tpu.memory_space<vmem>>) target_semaphore(%run_scoped3A : memref<!tpu.dma_semaphore, #tpu.memory_space<semaphore_mem>>)
      %dma_wait3A_102 = tpu.memref_slice %arg2[%mul3A_4] : memref<819200xi32, #tpu.memory_space<hbm>> -> memref<25600xi32, #tpu.memory_space<hbm>>
      %dma_wait3A_103 = tpu.memref_slice %arg2[%mul3A_4] : memref<819200xi32, #tpu.memory_space<hbm>> -> memref<25600xi32, #tpu.memory_space<hbm>>
      tpu.wait_dma2 semaphore(%run_scoped3A : memref<!tpu.dma_semaphore, #tpu.memory_space<semaphore_mem>>) src(%dma_wait3A_103 : memref<25600xi32, #tpu.memory_space<hbm>>) dst(%arg5 : memref<25600xi32, #tpu.memory_space<vmem>>)
      tpu.yield
    }) : () -> ()
    %dma_start3A = arith.constant 0 : i32
    %dma_start3A_5 = arith.constant 0 : i32
    %dma_start3A_6 = arith.constant 0 : i32
    %dma_start3A_7 = arith.constant 0 : i32
    %dma_start3A_8 = tpu.memref_slice %arg6[%dma_start3A, %dma_start3A_6, %dma_start3A_7] : memref<5x40x256xf32, #tpu.memory_space<vmem>> -> memref<1x40x256xf32, #tpu.memory_space<vmem>>
    %dma_start3A_9 = tpu.memref_squeeze %dma_start3A_8 : memref<1x40x256xf32, #tpu.memory_space<vmem>> -> memref<40x256xf32, #tpu.memory_space<vmem>>
    %dma_start3A_10 = arith.constant 0 : i32
    %dma_start3A_11 = tpu.memref_slice %arg5[%dma_start3A_10] : memref<25600xi32, #tpu.memory_space<vmem>> -> memref<40xi32, #tpu.memory_space<vmem>>
    %dma_start3A_12 = arith.constant 0 : i32
    %dma_start3A_13 = arith.constant 0 : i32
    %dma_start3A_14 = tpu.memref_slice %arg3[%dma_start3A_12, %dma_start3A_13] : memref<10000x256xf32, #tpu.memory_space<hbm>> -> memref<10000x256xf32, #tpu.memory_space<hbm>>
    %dma_start3A_15 = tpu.memref_slice %arg8[%dma_start3A_5] : memref<5x!tpu.dma_semaphore, #tpu.memory_space<semaphore_mem>> -> memref<1x!tpu.dma_semaphore, #tpu.memory_space<semaphore_mem>>
    %dma_start3A_16 = tpu.memref_squeeze %dma_start3A_15 : memref<1x!tpu.dma_semaphore, #tpu.memory_space<semaphore_mem>> -> memref<!tpu.dma_semaphore, #tpu.memory_space<semaphore_mem>>
    tpu.enqueue_indirect_dma source(%dma_start3A_14 : memref<10000x256xf32, #tpu.memory_space<hbm>>) target(%dma_start3A_9 : memref<40x256xf32, #tpu.memory_space<vmem>>) offsets(%dma_start3A_11 : memref<40xi32, #tpu.memory_space<vmem>>) semaphore(%dma_start3A_16 : memref<!tpu.dma_semaphore, #tpu.memory_space<semaphore_mem>>)
    %dma_start3A_17 = arith.constant 1 : i32
    %dma_start3A_18 = arith.constant 1 : i32
    %dma_start3A_19 = arith.constant 0 : i32
    %dma_start3A_20 = arith.constant 0 : i32
    %dma_start3A_21 = tpu.memref_slice %arg6[%dma_start3A_17, %dma_start3A_19, %dma_start3A_20] : memref<5x40x256xf32, #tpu.memory_space<vmem>> -> memref<1x40x256xf32, #tpu.memory_space<vmem>>
    %dma_start3A_22 = tpu.memref_squeeze %dma_start3A_21 : memref<1x40x256xf32, #tpu.memory_space<vmem>> -> memref<40x256xf32, #tpu.memory_space<vmem>>
    %dma_start3A_23 = arith.constant 40 : i32
    %dma_start3A_24 = tpu.memref_slice %arg5[%dma_start3A_23] : memref<25600xi32, #tpu.memory_space<vmem>> -> memref<40xi32, #tpu.memory_space<vmem>>
    %dma_start3A_25 = arith.constant 0 : i32
    %dma_start3A_26 = arith.constant 0 : i32
    %dma_start3A_27 = tpu.memref_slice %arg3[%dma_start3A_25, %dma_start3A_26] : memref<10000x256xf32, #tpu.memory_space<hbm>> -> memref<10000x256xf32, #tpu.memory_space<hbm>>
    %dma_start3A_28 = tpu.memref_slice %arg8[%dma_start3A_18] : memref<5x!tpu.dma_semaphore, #tpu.memory_space<semaphore_mem>> -> memref<1x!tpu.dma_semaphore, #tpu.memory_space<semaphore_mem>>
    %dma_start3A_29 = tpu.memref_squeeze %dma_start3A_28 : memref<1x!tpu.dma_semaphore, #tpu.memory_space<semaphore_mem>> -> memref<!tpu.dma_semaphore, #tpu.memory_space<semaphore_mem>>
    tpu.enqueue_indirect_dma source(%dma_start3A_27 : memref<10000x256xf32, #tpu.memory_space<hbm>>) target(%dma_start3A_22 : memref<40x256xf32, #tpu.memory_space<vmem>>) offsets(%dma_start3A_24 : memref<40xi32, #tpu.memory_space<vmem>>) semaphore(%dma_start3A_29 : memref<!tpu.dma_semaphore, #tpu.memory_space<semaphore_mem>>)
    %dma_start3A_30 = arith.constant 2 : i32
    %dma_start3A_31 = arith.constant 2 : i32
    %dma_start3A_32 = arith.constant 0 : i32
    %dma_start3A_33 = arith.constant 0 : i32
    %dma_start3A_34 = tpu.memref_slice %arg6[%dma_start3A_30, %dma_start3A_32, %dma_start3A_33] : memref<5x40x256xf32, #tpu.memory_space<vmem>> -> memref<1x40x256xf32, #tpu.memory_space<vmem>>
    %dma_start3A_35 = tpu.memref_squeeze %dma_start3A_34 : memref<1x40x256xf32, #tpu.memory_space<vmem>> -> memref<40x256xf32, #tpu.memory_space<vmem>>
    %dma_start3A_36 = arith.constant 80 : i32
    %dma_start3A_37 = tpu.memref_slice %arg5[%dma_start3A_36] : memref<25600xi32, #tpu.memory_space<vmem>> -> memref<40xi32, #tpu.memory_space<vmem>>
    %dma_start3A_38 = arith.constant 0 : i32
    %dma_start3A_39 = arith.constant 0 : i32
    %dma_start3A_40 = tpu.memref_slice %arg3[%dma_start3A_38, %dma_start3A_39] : memref<10000x256xf32, #tpu.memory_space<hbm>> -> memref<10000x256xf32, #tpu.memory_space<hbm>>
    %dma_start3A_41 = tpu.memref_slice %arg8[%dma_start3A_31] : memref<5x!tpu.dma_semaphore, #tpu.memory_space<semaphore_mem>> -> memref<1x!tpu.dma_semaphore, #tpu.memory_space<semaphore_mem>>
    %dma_start3A_42 = tpu.memref_squeeze %dma_start3A_41 : memref<1x!tpu.dma_semaphore, #tpu.memory_space<semaphore_mem>> -> memref<!tpu.dma_semaphore, #tpu.memory_space<semaphore_mem>>
    tpu.enqueue_indirect_dma source(%dma_start3A_40 : memref<10000x256xf32, #tpu.memory_space<hbm>>) target(%dma_start3A_35 : memref<40x256xf32, #tpu.memory_space<vmem>>) offsets(%dma_start3A_37 : memref<40xi32, #tpu.memory_space<vmem>>) semaphore(%dma_start3A_42 : memref<!tpu.dma_semaphore, #tpu.memory_space<semaphore_mem>>)
    %dma_start3A_43 = arith.constant 3 : i32
    %dma_start3A_44 = arith.constant 3 : i32
    %dma_start3A_45 = arith.constant 0 : i32
    %dma_start3A_46 = arith.constant 0 : i32
    %dma_start3A_47 = tpu.memref_slice %arg6[%dma_start3A_43, %dma_start3A_45, %dma_start3A_46] : memref<5x40x256xf32, #tpu.memory_space<vmem>> -> memref<1x40x256xf32, #tpu.memory_space<vmem>>
    %dma_start3A_48 = tpu.memref_squeeze %dma_start3A_47 : memref<1x40x256xf32, #tpu.memory_space<vmem>> -> memref<40x256xf32, #tpu.memory_space<vmem>>
    %dma_start3A_49 = arith.constant 120 : i32
    %dma_start3A_50 = tpu.memref_slice %arg5[%dma_start3A_49] : memref<25600xi32, #tpu.memory_space<vmem>> -> memref<40xi32, #tpu.memory_space<vmem>>
    %dma_start3A_51 = arith.constant 0 : i32
    %dma_start3A_52 = arith.constant 0 : i32
    %dma_start3A_53 = tpu.memref_slice %arg3[%dma_start3A_51, %dma_start3A_52] : memref<10000x256xf32, #tpu.memory_space<hbm>> -> memref<10000x256xf32, #tpu.memory_space<hbm>>
    %dma_start3A_54 = tpu.memref_slice %arg8[%dma_start3A_44] : memref<5x!tpu.dma_semaphore, #tpu.memory_space<semaphore_mem>> -> memref<1x!tpu.dma_semaphore, #tpu.memory_space<semaphore_mem>>
    %dma_start3A_55 = tpu.memref_squeeze %dma_start3A_54 : memref<1x!tpu.dma_semaphore, #tpu.memory_space<semaphore_mem>> -> memref<!tpu.dma_semaphore, #tpu.memory_space<semaphore_mem>>
    tpu.enqueue_indirect_dma source(%dma_start3A_53 : memref<10000x256xf32, #tpu.memory_space<hbm>>) target(%dma_start3A_48 : memref<40x256xf32, #tpu.memory_space<vmem>>) offsets(%dma_start3A_50 : memref<40xi32, #tpu.memory_space<vmem>>) semaphore(%dma_start3A_55 : memref<!tpu.dma_semaphore, #tpu.memory_space<semaphore_mem>>)
    %scan3A = arith.constant 0 : i32
    %scan3A_56 = arith.constant 5.000000e-03 : f32
    %scan3A_57 = arith.constant 0 : i32
    %scan3A_58 = arith.constant 128 : i32
    %scan3A_59 = arith.addi %scan3A_57, %scan3A_58 : i32
    %scan3A_60 = arith.constant 1 : i32
    scf.for %scan3A_100 = %scan3A_57 to %scan3A_59 step %scan3A_60  : i32 {
      %jit3A = arith.constant 2 : i32
      %eq3A = arith.constant 0 : i32
      %eq3A_101 = arith.cmpi eq, %jit3A, %eq3A : i32
      %jit3A_102 = arith.constant 1 : i32
      %select_n3A = arith.select %eq3A_101, %jit3A_102, %jit3A : i32
      %rem3A = arith.remsi %scan3A_100, %select_n3A : i32
      %ne3A = arith.constant 0 : i32
      %ne3A_103 = arith.cmpi ne, %rem3A, %ne3A : i32
      %lt3A = arith.constant 0 : i32
      %lt3A_104 = arith.cmpi slt, %rem3A, %lt3A : i32
      %lt3A_105 = arith.constant 0 : i32
      %lt3A_106 = arith.cmpi slt, %select_n3A, %lt3A_105 : i32
      %ne3A_107 = arith.xori %lt3A_104, %lt3A_106 : i1
      %and3A = arith.andi %ne3A_107, %ne3A_103 : i1
      %add3A_108 = arith.addi %rem3A, %select_n3A : i32
      %select_n3A_109 = arith.select %and3A, %add3A_108, %rem3A : i32
      %ge3A = arith.constant 2 : i32
      %ge3A_110 = arith.cmpi sge, %scan3A_100, %ge3A : i32
      %convert_element_type3A = arith.extui %ge3A_110 : i1 to i32
      %cond3A = arith.constant 0 : i32
      %cond3A_111 = arith.cmpi ne, %convert_element_type3A, %cond3A : i32
      scf.if %cond3A_111 {
        %add3A_426 = arith.addi %mul3A_2, %scan3A_100 : i32
        %sub3A_427 = arith.constant 2 : i32
        %sub3A_428 = arith.subi %add3A_426, %sub3A_427 : i32
        %dma_wait3A_429 = arith.constant 0 : i32
        %dma_wait3A_430 = tpu.memref_slice %arg7[%select_n3A_109, %dma_wait3A_429] : memref<2x256xf32, #tpu.memory_space<vmem>> -> memref<1x256xf32, #tpu.memory_space<vmem>>
        %dma_wait3A_431 = tpu.memref_squeeze %dma_wait3A_430 : memref<1x256xf32, #tpu.memory_space<vmem>> -> memref<256xf32, #tpu.memory_space<vmem>>
        %dma_wait3A_432 = arith.constant 0 : i32
        %dma_wait3A_433 = tpu.memref_slice %arg4[%sub3A_428, %dma_wait3A_432] : memref<4096x256xf32, #tpu.memory_space<hbm>> -> memref<1x256xf32, #tpu.memory_space<hbm>>
        %dma_wait3A_434 = tpu.memref_squeeze %dma_wait3A_433 : memref<1x256xf32, #tpu.memory_space<hbm>> -> memref<256xf32, #tpu.memory_space<hbm>>
        %dma_wait3A_435 = tpu.memref_slice %arg9[%select_n3A_109] : memref<2x!tpu.dma_semaphore, #tpu.memory_space<semaphore_mem>> -> memref<1x!tpu.dma_semaphore, #tpu.memory_space<semaphore_mem>>
        %dma_wait3A_436 = tpu.memref_squeeze %dma_wait3A_435 : memref<1x!tpu.dma_semaphore, #tpu.memory_space<semaphore_mem>> -> memref<!tpu.dma_semaphore, #tpu.memory_space<semaphore_mem>>
        %dma_wait3A_437 = arith.constant 0 : i32
        %dma_wait3A_438 = tpu.memref_slice %arg4[%sub3A_428, %dma_wait3A_437] : memref<4096x256xf32, #tpu.memory_space<hbm>> -> memref<1x256xf32, #tpu.memory_space<hbm>>
        %dma_wait3A_439 = tpu.memref_squeeze %dma_wait3A_438 : memref<1x256xf32, #tpu.memory_space<hbm>> -> memref<256xf32, #tpu.memory_space<hbm>>
        %dma_wait3A_440 = arith.constant 0 : i32
        %dma_wait3A_441 = tpu.memref_slice %arg7[%select_n3A_109, %dma_wait3A_440] : memref<2x256xf32, #tpu.memory_space<vmem>> -> memref<1x256xf32, #tpu.memory_space<vmem>>
        %dma_wait3A_442 = tpu.memref_squeeze %dma_wait3A_441 : memref<1x256xf32, #tpu.memory_space<vmem>> -> memref<256xf32, #tpu.memory_space<vmem>>
        tpu.wait_dma2 semaphore(%dma_wait3A_436 : memref<!tpu.dma_semaphore, #tpu.memory_space<semaphore_mem>>) src(%dma_wait3A_442 : memref<256xf32, #tpu.memory_space<vmem>>) dst(%dma_wait3A_439 : memref<256xf32, #tpu.memory_space<hbm>>)
      } else {
      }
      %mul3A_112 = arith.constant 5 : i32
      %mul3A_113 = arith.muli %scan3A_100, %mul3A_112 : i32
      %broadcast_in_dim3A = arith.constant 0.000000e+00 : f32
      %broadcast_in_dim3A_114 = vector.broadcast %broadcast_in_dim3A : f32 to vector<16xf32>
      %broadcast_in_dim3A_115 = arith.constant 0.000000e+00 : f32
      %broadcast_in_dim3A_116 = vector.broadcast %broadcast_in_dim3A_115 : f32 to vector<16xf32>
      %broadcast_in_dim3A_117 = arith.constant 0.000000e+00 : f32
      %broadcast_in_dim3A_118 = vector.broadcast %broadcast_in_dim3A_117 : f32 to vector<16xf32>
      %broadcast_in_dim3A_119 = arith.constant 0.000000e+00 : f32
      %broadcast_in_dim3A_120 = vector.broadcast %broadcast_in_dim3A_119 : f32 to vector<16xf32>
      %broadcast_in_dim3A_121 = arith.constant 0.000000e+00 : f32
      %broadcast_in_dim3A_122 = vector.broadcast %broadcast_in_dim3A_121 : f32 to vector<16xf32>
      %broadcast_in_dim3A_123 = arith.constant 0.000000e+00 : f32
      %broadcast_in_dim3A_124 = vector.broadcast %broadcast_in_dim3A_123 : f32 to vector<16xf32>
      %broadcast_in_dim3A_125 = arith.constant 0.000000e+00 : f32
      %broadcast_in_dim3A_126 = vector.broadcast %broadcast_in_dim3A_125 : f32 to vector<16xf32>
      %broadcast_in_dim3A_127 = arith.constant 0.000000e+00 : f32
      %broadcast_in_dim3A_128 = vector.broadcast %broadcast_in_dim3A_127 : f32 to vector<16xf32>
      %broadcast_in_dim3A_129 = arith.constant 0.000000e+00 : f32
      %broadcast_in_dim3A_130 = vector.broadcast %broadcast_in_dim3A_129 : f32 to vector<16xf32>
      %broadcast_in_dim3A_131 = arith.constant 0.000000e+00 : f32
      %broadcast_in_dim3A_132 = vector.broadcast %broadcast_in_dim3A_131 : f32 to vector<16xf32>
      %broadcast_in_dim3A_133 = arith.constant 0.000000e+00 : f32
      %broadcast_in_dim3A_134 = vector.broadcast %broadcast_in_dim3A_133 : f32 to vector<16xf32>
      %broadcast_in_dim3A_135 = arith.constant 0.000000e+00 : f32
      %broadcast_in_dim3A_136 = vector.broadcast %broadcast_in_dim3A_135 : f32 to vector<16xf32>
      %broadcast_in_dim3A_137 = arith.constant 0.000000e+00 : f32
      %broadcast_in_dim3A_138 = vector.broadcast %broadcast_in_dim3A_137 : f32 to vector<16xf32>
      %broadcast_in_dim3A_139 = arith.constant 0.000000e+00 : f32
      %broadcast_in_dim3A_140 = vector.broadcast %broadcast_in_dim3A_139 : f32 to vector<16xf32>
      %broadcast_in_dim3A_141 = arith.constant 0.000000e+00 : f32
      %broadcast_in_dim3A_142 = vector.broadcast %broadcast_in_dim3A_141 : f32 to vector<16xf32>
      %broadcast_in_dim3A_143 = arith.constant 0.000000e+00 : f32
      %broadcast_in_dim3A_144 = vector.broadcast %broadcast_in_dim3A_143 : f32 to vector<16xf32>
      %add3A_145 = arith.constant 0 : i32
      %add3A_146 = arith.addi %mul3A_113, %add3A_145 : i32
      %add3A_147 = arith.constant 4 : i32
      %add3A_148 = arith.addi %add3A_146, %add3A_147 : i32
      %lt3A_149 = arith.constant 640 : i32
      %lt3A_150 = arith.cmpi slt, %add3A_148, %lt3A_149 : i32
      %convert_element_type3A_151 = arith.extui %lt3A_150 : i1 to i32
      %cond3A_152 = arith.constant 0 : i32
      %cond3A_153 = arith.cmpi ne, %convert_element_type3A_151, %cond3A_152 : i32
      scf.if %cond3A_153 {
        %add3A_426 = arith.constant 0 : i32
        %add3A_427 = arith.addi %mul3A_113, %add3A_426 : i32
        %add3A_428 = arith.constant 4 : i32
        %add3A_429 = arith.addi %add3A_427, %add3A_428 : i32
        %mul3A_430 = arith.constant 40 : i32
        %mul3A_431 = arith.muli %add3A_429, %mul3A_430 : i32
        %dma_start3A_432 = arith.constant 4 : i32
        %dma_start3A_433 = arith.constant 4 : i32
        %dma_start3A_434 = arith.constant 0 : i32
        %dma_start3A_435 = arith.constant 0 : i32
        %dma_start3A_436 = tpu.memref_slice %arg6[%dma_start3A_432, %dma_start3A_434, %dma_start3A_435] : memref<5x40x256xf32, #tpu.memory_space<vmem>> -> memref<1x40x256xf32, #tpu.memory_space<vmem>>
        %dma_start3A_437 = tpu.memref_squeeze %dma_start3A_436 : memref<1x40x256xf32, #tpu.memory_space<vmem>> -> memref<40x256xf32, #tpu.memory_space<vmem>>
        %dma_start3A_438 = tpu.memref_slice %arg5[%mul3A_431] : memref<25600xi32, #tpu.memory_space<vmem>> -> memref<40xi32, #tpu.memory_space<vmem>>
        %dma_start3A_439 = arith.constant 0 : i32
        %dma_start3A_440 = arith.constant 0 : i32
        %dma_start3A_441 = tpu.memref_slice %arg3[%dma_start3A_439, %dma_start3A_440] : memref<10000x256xf32, #tpu.memory_space<hbm>> -> memref<10000x256xf32, #tpu.memory_space<hbm>>
        %dma_start3A_442 = tpu.memref_slice %arg8[%dma_start3A_433] : memref<5x!tpu.dma_semaphore, #tpu.memory_space<semaphore_mem>> -> memref<1x!tpu.dma_semaphore, #tpu.memory_space<semaphore_mem>>
        %dma_start3A_443 = tpu.memref_squeeze %dma_start3A_442 : memref<1x!tpu.dma_semaphore, #tpu.memory_space<semaphore_mem>> -> memref<!tpu.dma_semaphore, #tpu.memory_space<semaphore_mem>>
        tpu.enqueue_indirect_dma source(%dma_start3A_441 : memref<10000x256xf32, #tpu.memory_space<hbm>>) target(%dma_start3A_437 : memref<40x256xf32, #tpu.memory_space<vmem>>) offsets(%dma_start3A_438 : memref<40xi32, #tpu.memory_space<vmem>>) semaphore(%dma_start3A_443 : memref<!tpu.dma_semaphore, #tpu.memory_space<semaphore_mem>>)
      } else {
      }
      %add3A_154 = arith.constant 0 : i32
      %add3A_155 = arith.addi %mul3A_113, %add3A_154 : i32
      %mul3A_156 = arith.constant 40 : i32
      %mul3A_157 = arith.muli %add3A_155, %mul3A_156 : i32
      %dma_wait3A_158 = arith.constant 0 : i32
      %dma_wait3A_159 = arith.constant 0 : i32
      %dma_wait3A_160 = arith.constant 0 : i32
      %dma_wait3A_161 = arith.constant 0 : i32
      %dma_wait3A_162 = tpu.memref_slice %arg6[%dma_wait3A_158, %dma_wait3A_160, %dma_wait3A_161] : memref<5x40x256xf32, #tpu.memory_space<vmem>> -> memref<1x40x256xf32, #tpu.memory_space<vmem>>
      %dma_wait3A_163 = tpu.memref_squeeze %dma_wait3A_162 : memref<1x40x256xf32, #tpu.memory_space<vmem>> -> memref<40x256xf32, #tpu.memory_space<vmem>>
      %dma_wait3A_164 = tpu.memref_slice %arg5[%mul3A_157] : memref<25600xi32, #tpu.memory_space<vmem>> -> memref<40xi32, #tpu.memory_space<vmem>>
      %dma_wait3A_165 = arith.constant 0 : i32
      %dma_wait3A_166 = arith.constant 0 : i32
      %dma_wait3A_167 = tpu.memref_slice %arg3[%dma_wait3A_165, %dma_wait3A_166] : memref<10000x256xf32, #tpu.memory_space<hbm>> -> memref<10000x256xf32, #tpu.memory_space<hbm>>
      %dma_wait3A_168 = tpu.memref_slice %arg8[%dma_wait3A_159] : memref<5x!tpu.dma_semaphore, #tpu.memory_space<semaphore_mem>> -> memref<1x!tpu.dma_semaphore, #tpu.memory_space<semaphore_mem>>
      %dma_wait3A_169 = tpu.memref_squeeze %dma_wait3A_168 : memref<1x!tpu.dma_semaphore, #tpu.memory_space<semaphore_mem>> -> memref<!tpu.dma_semaphore, #tpu.memory_space<semaphore_mem>>
      tpu.wait_indirect_dma semaphore(%dma_wait3A_169 : memref<!tpu.dma_semaphore, #tpu.memory_space<semaphore_mem>>) src(%dma_wait3A_167 : memref<10000x256xf32, #tpu.memory_space<hbm>>) dst(%dma_wait3A_163 : memref<40x256xf32, #tpu.memory_space<vmem>>)
      %scan3A_170 = arith.constant 0 : i32
      %scan3A_171 = arith.constant 10 : i32
      %scan3A_172 = arith.addi %scan3A_170, %scan3A_171 : i32
      %scan3A_173 = arith.constant 1 : i32
      %scan3A_174:16 = scf.for %scan3A_426 = %scan3A_170 to %scan3A_172 step %scan3A_173 iter_args(%scan3A_427 = %broadcast_in_dim3A_114, %scan3A_428 = %broadcast_in_dim3A_116, %scan3A_429 = %broadcast_in_dim3A_118, %scan3A_430 = %broadcast_in_dim3A_120, %scan3A_431 = %broadcast_in_dim3A_122, %scan3A_432 = %broadcast_in_dim3A_124, %scan3A_433 = %broadcast_in_dim3A_126, %scan3A_434 = %broadcast_in_dim3A_128, %scan3A_435 = %broadcast_in_dim3A_130, %scan3A_436 = %broadcast_in_dim3A_132, %scan3A_437 = %broadcast_in_dim3A_134, %scan3A_438 = %broadcast_in_dim3A_136, %scan3A_439 = %broadcast_in_dim3A_138, %scan3A_440 = %broadcast_in_dim3A_140, %scan3A_441 = %broadcast_in_dim3A_142, %scan3A_442 = %broadcast_in_dim3A_144) -> (vector<16xf32>, vector<16xf32>, vector<16xf32>, vector<16xf32>, vector<16xf32>, vector<16xf32>, vector<16xf32>, vector<16xf32>, vector<16xf32>, vector<16xf32>, vector<16xf32>, vector<16xf32>, vector<16xf32>, vector<16xf32>, vector<16xf32>, vector<16xf32>)  : i32 {
        %mul3A_443 = arith.constant 4 : i32
        %mul3A_444 = arith.muli %scan3A_426, %mul3A_443 : i32
        %add3A_445 = arith.constant 0 : i32
        %add3A_446 = arith.addi %mul3A_444, %add3A_445 : i32
        %get3A = arith.constant 0 : i32
        %get3A_447 = arith.index_cast %get3A : i32 to index
        %get3A_448 = arith.index_cast %add3A_446 : i32 to index
        %get3A_449 = arith.constant 0 : index
        %get3A_450 = tpu.vector_load %arg6[%get3A_447, %get3A_448, %get3A_449] {strides = array<i32>} : memref<5x40x256xf32, #tpu.memory_space<vmem>>, vector<1x1x16xf32>,
        %get3A_451 = vector.shape_cast %get3A_450 : vector<1x1x16xf32> to vector<16xf32>
        %add3A_452 = arith.addf %scan3A_427, %get3A_451 : vector<16xf32>
        %get3A_453 = arith.constant 0 : i32
        %get3A_454 = arith.index_cast %get3A_453 : i32 to index
        %get3A_455 = arith.index_cast %add3A_446 : i32 to index
        %get3A_456 = arith.constant 16 : index
        %get3A_457 = tpu.vector_load %arg6[%get3A_454, %get3A_455, %get3A_456] {strides = array<i32>} : memref<5x40x256xf32, #tpu.memory_space<vmem>>, vector<1x1x16xf32>,
        %get3A_458 = vector.shape_cast %get3A_457 : vector<1x1x16xf32> to vector<16xf32>
        %add3A_459 = arith.addf %scan3A_428, %get3A_458 : vector<16xf32>
        %get3A_460 = arith.constant 0 : i32
        %get3A_461 = arith.index_cast %get3A_460 : i32 to index
        %get3A_462 = arith.index_cast %add3A_446 : i32 to index
        %get3A_463 = arith.constant 32 : index
        %get3A_464 = tpu.vector_load %arg6[%get3A_461, %get3A_462, %get3A_463] {strides = array<i32>} : memref<5x40x256xf32, #tpu.memory_space<vmem>>, vector<1x1x16xf32>,
        %get3A_465 = vector.shape_cast %get3A_464 : vector<1x1x16xf32> to vector<16xf32>
        %add3A_466 = arith.addf %scan3A_429, %get3A_465 : vector<16xf32>
        %get3A_467 = arith.constant 0 : i32
        %get3A_468 = arith.index_cast %get3A_467 : i32 to index
        %get3A_469 = arith.index_cast %add3A_446 : i32 to index
        %get3A_470 = arith.constant 48 : index
        %get3A_471 = tpu.vector_load %arg6[%get3A_468, %get3A_469, %get3A_470] {strides = array<i32>} : memref<5x40x256xf32, #tpu.memory_space<vmem>>, vector<1x1x16xf32>,
        %get3A_472 = vector.shape_cast %get3A_471 : vector<1x1x16xf32> to vector<16xf32>
        %add3A_473 = arith.addf %scan3A_430, %get3A_472 : vector<16xf32>
        %get3A_474 = arith.constant 0 : i32
        %get3A_475 = arith.index_cast %get3A_474 : i32 to index
        %get3A_476 = arith.index_cast %add3A_446 : i32 to index
        %get3A_477 = arith.constant 64 : index
        %get3A_478 = tpu.vector_load %arg6[%get3A_475, %get3A_476, %get3A_477] {strides = array<i32>} : memref<5x40x256xf32, #tpu.memory_space<vmem>>, vector<1x1x16xf32>,
        %get3A_479 = vector.shape_cast %get3A_478 : vector<1x1x16xf32> to vector<16xf32>
        %add3A_480 = arith.addf %scan3A_431, %get3A_479 : vector<16xf32>
        %get3A_481 = arith.constant 0 : i32
        %get3A_482 = arith.index_cast %get3A_481 : i32 to index
        %get3A_483 = arith.index_cast %add3A_446 : i32 to index
        %get3A_484 = arith.constant 80 : index
        %get3A_485 = tpu.vector_load %arg6[%get3A_482, %get3A_483, %get3A_484] {strides = array<i32>} : memref<5x40x256xf32, #tpu.memory_space<vmem>>, vector<1x1x16xf32>,
        %get3A_486 = vector.shape_cast %get3A_485 : vector<1x1x16xf32> to vector<16xf32>
        %add3A_487 = arith.addf %scan3A_432, %get3A_486 : vector<16xf32>
        %get3A_488 = arith.constant 0 : i32
        %get3A_489 = arith.index_cast %get3A_488 : i32 to index
        %get3A_490 = arith.index_cast %add3A_446 : i32 to index
        %get3A_491 = arith.constant 96 : index
        %get3A_492 = tpu.vector_load %arg6[%get3A_489, %get3A_490, %get3A_491] {strides = array<i32>} : memref<5x40x256xf32, #tpu.memory_space<vmem>>, vector<1x1x16xf32>,
        %get3A_493 = vector.shape_cast %get3A_492 : vector<1x1x16xf32> to vector<16xf32>
        %add3A_494 = arith.addf %scan3A_433, %get3A_493 : vector<16xf32>
        %get3A_495 = arith.constant 0 : i32
        %get3A_496 = arith.index_cast %get3A_495 : i32 to index
        %get3A_497 = arith.index_cast %add3A_446 : i32 to index
        %get3A_498 = arith.constant 112 : index
        %get3A_499 = tpu.vector_load %arg6[%get3A_496, %get3A_497, %get3A_498] {strides = array<i32>} : memref<5x40x256xf32, #tpu.memory_space<vmem>>, vector<1x1x16xf32>,
        %get3A_500 = vector.shape_cast %get3A_499 : vector<1x1x16xf32> to vector<16xf32>
        %add3A_501 = arith.addf %scan3A_434, %get3A_500 : vector<16xf32>
        %get3A_502 = arith.constant 0 : i32
        %get3A_503 = arith.index_cast %get3A_502 : i32 to index
        %get3A_504 = arith.index_cast %add3A_446 : i32 to index
        %get3A_505 = arith.constant 128 : index
        %get3A_506 = tpu.vector_load %arg6[%get3A_503, %get3A_504, %get3A_505] {strides = array<i32>} : memref<5x40x256xf32, #tpu.memory_space<vmem>>, vector<1x1x16xf32>,
        %get3A_507 = vector.shape_cast %get3A_506 : vector<1x1x16xf32> to vector<16xf32>
        %add3A_508 = arith.addf %scan3A_435, %get3A_507 : vector<16xf32>
        %get3A_509 = arith.constant 0 : i32
        %get3A_510 = arith.index_cast %get3A_509 : i32 to index
        %get3A_511 = arith.index_cast %add3A_446 : i32 to index
        %get3A_512 = arith.constant 144 : index
        %get3A_513 = tpu.vector_load %arg6[%get3A_510, %get3A_511, %get3A_512] {strides = array<i32>} : memref<5x40x256xf32, #tpu.memory_space<vmem>>, vector<1x1x16xf32>,
        %get3A_514 = vector.shape_cast %get3A_513 : vector<1x1x16xf32> to vector<16xf32>
        %add3A_515 = arith.addf %scan3A_436, %get3A_514 : vector<16xf32>
        %get3A_516 = arith.constant 0 : i32
        %get3A_517 = arith.index_cast %get3A_516 : i32 to index
        %get3A_518 = arith.index_cast %add3A_446 : i32 to index
        %get3A_519 = arith.constant 160 : index
        %get3A_520 = tpu.vector_load %arg6[%get3A_517, %get3A_518, %get3A_519] {strides = array<i32>} : memref<5x40x256xf32, #tpu.memory_space<vmem>>, vector<1x1x16xf32>,
        %get3A_521 = vector.shape_cast %get3A_520 : vector<1x1x16xf32> to vector<16xf32>
        %add3A_522 = arith.addf %scan3A_437, %get3A_521 : vector<16xf32>
        %get3A_523 = arith.constant 0 : i32
        %get3A_524 = arith.index_cast %get3A_523 : i32 to index
        %get3A_525 = arith.index_cast %add3A_446 : i32 to index
        %get3A_526 = arith.constant 176 : index
        %get3A_527 = tpu.vector_load %arg6[%get3A_524, %get3A_525, %get3A_526] {strides = array<i32>} : memref<5x40x256xf32, #tpu.memory_space<vmem>>, vector<1x1x16xf32>,
        %get3A_528 = vector.shape_cast %get3A_527 : vector<1x1x16xf32> to vector<16xf32>
        %add3A_529 = arith.addf %scan3A_438, %get3A_528 : vector<16xf32>
        %get3A_530 = arith.constant 0 : i32
        %get3A_531 = arith.index_cast %get3A_530 : i32 to index
        %get3A_532 = arith.index_cast %add3A_446 : i32 to index
        %get3A_533 = arith.constant 192 : index
        %get3A_534 = tpu.vector_load %arg6[%get3A_531, %get3A_532, %get3A_533] {strides = array<i32>} : memref<5x40x256xf32, #tpu.memory_space<vmem>>, vector<1x1x16xf32>,
        %get3A_535 = vector.shape_cast %get3A_534 : vector<1x1x16xf32> to vector<16xf32>
        %add3A_536 = arith.addf %scan3A_439, %get3A_535 : vector<16xf32>
        %get3A_537 = arith.constant 0 : i32
        %get3A_538 = arith.index_cast %get3A_537 : i32 to index
        %get3A_539 = arith.index_cast %add3A_446 : i32 to index
        %get3A_540 = arith.constant 208 : index
        %get3A_541 = tpu.vector_load %arg6[%get3A_538, %get3A_539, %get3A_540] {strides = array<i32>} : memref<5x40x256xf32, #tpu.memory_space<vmem>>, vector<1x1x16xf32>,
        %get3A_542 = vector.shape_cast %get3A_541 : vector<1x1x16xf32> to vector<16xf32>
        %add3A_543 = arith.addf %scan3A_440, %get3A_542 : vector<16xf32>
        %get3A_544 = arith.constant 0 : i32
        %get3A_545 = arith.index_cast %get3A_544 : i32 to index
        %get3A_546 = arith.index_cast %add3A_446 : i32 to index
        %get3A_547 = arith.constant 224 : index
        %get3A_548 = tpu.vector_load %arg6[%get3A_545, %get3A_546, %get3A_547] {strides = array<i32>} : memref<5x40x256xf32, #tpu.memory_space<vmem>>, vector<1x1x16xf32>,
        %get3A_549 = vector.shape_cast %get3A_548 : vector<1x1x16xf32> to vector<16xf32>
        %add3A_550 = arith.addf %scan3A_441, %get3A_549 : vector<16xf32>
        %get3A_551 = arith.constant 0 : i32
        %get3A_552 = arith.index_cast %get3A_551 : i32 to index
        %get3A_553 = arith.index_cast %add3A_446 : i32 to index
        %get3A_554 = arith.constant 240 : index
        %get3A_555 = tpu.vector_load %arg6[%get3A_552, %get3A_553, %get3A_554] {strides = array<i32>} : memref<5x40x256xf32, #tpu.memory_space<vmem>>, vector<1x1x16xf32>,
        %get3A_556 = vector.shape_cast %get3A_555 : vector<1x1x16xf32> to vector<16xf32>
        %add3A_557 = arith.addf %scan3A_442, %get3A_556 : vector<16xf32>
        %mul3A_558 = arith.constant 4 : i32
        %mul3A_559 = arith.muli %scan3A_426, %mul3A_558 : i32
        %add3A_560 = arith.constant 1 : i32
        %add3A_561 = arith.addi %mul3A_559, %add3A_560 : i32
        %get3A_562 = arith.constant 0 : i32
        %get3A_563 = arith.index_cast %get3A_562 : i32 to index
        %get3A_564 = arith.index_cast %add3A_561 : i32 to index
        %get3A_565 = arith.constant 0 : index
        %get3A_566 = tpu.vector_load %arg6[%get3A_563, %get3A_564, %get3A_565] {strides = array<i32>} : memref<5x40x256xf32, #tpu.memory_space<vmem>>, vector<1x1x16xf32>,
        %get3A_567 = vector.shape_cast %get3A_566 : vector<1x1x16xf32> to vector<16xf32>
        %add3A_568 = arith.addf %add3A_452, %get3A_567 : vector<16xf32>
        %get3A_569 = arith.constant 0 : i32
        %get3A_570 = arith.index_cast %get3A_569 : i32 to index
        %get3A_571 = arith.index_cast %add3A_561 : i32 to index
        %get3A_572 = arith.constant 16 : index
        %get3A_573 = tpu.vector_load %arg6[%get3A_570, %get3A_571, %get3A_572] {strides = array<i32>} : memref<5x40x256xf32, #tpu.memory_space<vmem>>, vector<1x1x16xf32>,
        %get3A_574 = vector.shape_cast %get3A_573 : vector<1x1x16xf32> to vector<16xf32>
        %add3A_575 = arith.addf %add3A_459, %get3A_574 : vector<16xf32>
        %get3A_576 = arith.constant 0 : i32
        %get3A_577 = arith.index_cast %get3A_576 : i32 to index
        %get3A_578 = arith.index_cast %add3A_561 : i32 to index
        %get3A_579 = arith.constant 32 : index
        %get3A_580 = tpu.vector_load %arg6[%get3A_577, %get3A_578, %get3A_579] {strides = array<i32>} : memref<5x40x256xf32, #tpu.memory_space<vmem>>, vector<1x1x16xf32>,
        %get3A_581 = vector.shape_cast %get3A_580 : vector<1x1x16xf32> to vector<16xf32>
        %add3A_582 = arith.addf %add3A_466, %get3A_581 : vector<16xf32>
        %get3A_583 = arith.constant 0 : i32
        %get3A_584 = arith.index_cast %get3A_583 : i32 to index
        %get3A_585 = arith.index_cast %add3A_561 : i32 to index
        %get3A_586 = arith.constant 48 : index
        %get3A_587 = tpu.vector_load %arg6[%get3A_584, %get3A_585, %get3A_586] {strides = array<i32>} : memref<5x40x256xf32, #tpu.memory_space<vmem>>, vector<1x1x16xf32>,
        %get3A_588 = vector.shape_cast %get3A_587 : vector<1x1x16xf32> to vector<16xf32>
        %add3A_589 = arith.addf %add3A_473, %get3A_588 : vector<16xf32>
        %get3A_590 = arith.constant 0 : i32
        %get3A_591 = arith.index_cast %get3A_590 : i32 to index
        %get3A_592 = arith.index_cast %add3A_561 : i32 to index
        %get3A_593 = arith.constant 64 : index
        %get3A_594 = tpu.vector_load %arg6[%get3A_591, %get3A_592, %get3A_593] {strides = array<i32>} : memref<5x40x256xf32, #tpu.memory_space<vmem>>, vector<1x1x16xf32>,
        %get3A_595 = vector.shape_cast %get3A_594 : vector<1x1x16xf32> to vector<16xf32>
        %add3A_596 = arith.addf %add3A_480, %get3A_595 : vector<16xf32>
        %get3A_597 = arith.constant 0 : i32
        %get3A_598 = arith.index_cast %get3A_597 : i32 to index
        %get3A_599 = arith.index_cast %add3A_561 : i32 to index
        %get3A_600 = arith.constant 80 : index
        %get3A_601 = tpu.vector_load %arg6[%get3A_598, %get3A_599, %get3A_600] {strides = array<i32>} : memref<5x40x256xf32, #tpu.memory_space<vmem>>, vector<1x1x16xf32>,
        %get3A_602 = vector.shape_cast %get3A_601 : vector<1x1x16xf32> to vector<16xf32>
        %add3A_603 = arith.addf %add3A_487, %get3A_602 : vector<16xf32>
        %get3A_604 = arith.constant 0 : i32
        %get3A_605 = arith.index_cast %get3A_604 : i32 to index
        %get3A_606 = arith.index_cast %add3A_561 : i32 to index
        %get3A_607 = arith.constant 96 : index
        %get3A_608 = tpu.vector_load %arg6[%get3A_605, %get3A_606, %get3A_607] {strides = array<i32>} : memref<5x40x256xf32, #tpu.memory_space<vmem>>, vector<1x1x16xf32>,
        %get3A_609 = vector.shape_cast %get3A_608 : vector<1x1x16xf32> to vector<16xf32>
        %add3A_610 = arith.addf %add3A_494, %get3A_609 : vector<16xf32>
        %get3A_611 = arith.constant 0 : i32
        %get3A_612 = arith.index_cast %get3A_611 : i32 to index
        %get3A_613 = arith.index_cast %add3A_561 : i32 to index
        %get3A_614 = arith.constant 112 : index
        %get3A_615 = tpu.vector_load %arg6[%get3A_612, %get3A_613, %get3A_614] {strides = array<i32>} : memref<5x40x256xf32, #tpu.memory_space<vmem>>, vector<1x1x16xf32>,
        %get3A_616 = vector.shape_cast %get3A_615 : vector<1x1x16xf32> to vector<16xf32>
        %add3A_617 = arith.addf %add3A_501, %get3A_616 : vector<16xf32>
        %get3A_618 = arith.constant 0 : i32
        %get3A_619 = arith.index_cast %get3A_618 : i32 to index
        %get3A_620 = arith.index_cast %add3A_561 : i32 to index
        %get3A_621 = arith.constant 128 : index
        %get3A_622 = tpu.vector_load %arg6[%get3A_619, %get3A_620, %get3A_621] {strides = array<i32>} : memref<5x40x256xf32, #tpu.memory_space<vmem>>, vector<1x1x16xf32>,
        %get3A_623 = vector.shape_cast %get3A_622 : vector<1x1x16xf32> to vector<16xf32>
        %add3A_624 = arith.addf %add3A_508, %get3A_623 : vector<16xf32>
        %get3A_625 = arith.constant 0 : i32
        %get3A_626 = arith.index_cast %get3A_625 : i32 to index
        %get3A_627 = arith.index_cast %add3A_561 : i32 to index
        %get3A_628 = arith.constant 144 : index
        %get3A_629 = tpu.vector_load %arg6[%get3A_626, %get3A_627, %get3A_628] {strides = array<i32>} : memref<5x40x256xf32, #tpu.memory_space<vmem>>, vector<1x1x16xf32>,
        %get3A_630 = vector.shape_cast %get3A_629 : vector<1x1x16xf32> to vector<16xf32>
        %add3A_631 = arith.addf %add3A_515, %get3A_630 : vector<16xf32>
        %get3A_632 = arith.constant 0 : i32
        %get3A_633 = arith.index_cast %get3A_632 : i32 to index
        %get3A_634 = arith.index_cast %add3A_561 : i32 to index
        %get3A_635 = arith.constant 160 : index
        %get3A_636 = tpu.vector_load %arg6[%get3A_633, %get3A_634, %get3A_635] {strides = array<i32>} : memref<5x40x256xf32, #tpu.memory_space<vmem>>, vector<1x1x16xf32>,
        %get3A_637 = vector.shape_cast %get3A_636 : vector<1x1x16xf32> to vector<16xf32>
        %add3A_638 = arith.addf %add3A_522, %get3A_637 : vector<16xf32>
        %get3A_639 = arith.constant 0 : i32
        %get3A_640 = arith.index_cast %get3A_639 : i32 to index
        %get3A_641 = arith.index_cast %add3A_561 : i32 to index
        %get3A_642 = arith.constant 176 : index
        %get3A_643 = tpu.vector_load %arg6[%get3A_640, %get3A_641, %get3A_642] {strides = array<i32>} : memref<5x40x256xf32, #tpu.memory_space<vmem>>, vector<1x1x16xf32>,
        %get3A_644 = vector.shape_cast %get3A_643 : vector<1x1x16xf32> to vector<16xf32>
        %add3A_645 = arith.addf %add3A_529, %get3A_644 : vector<16xf32>
        %get3A_646 = arith.constant 0 : i32
        %get3A_647 = arith.index_cast %get3A_646 : i32 to index
        %get3A_648 = arith.index_cast %add3A_561 : i32 to index
        %get3A_649 = arith.constant 192 : index
        %get3A_650 = tpu.vector_load %arg6[%get3A_647, %get3A_648, %get3A_649] {strides = array<i32>} : memref<5x40x256xf32, #tpu.memory_space<vmem>>, vector<1x1x16xf32>,
        %get3A_651 = vector.shape_cast %get3A_650 : vector<1x1x16xf32> to vector<16xf32>
        %add3A_652 = arith.addf %add3A_536, %get3A_651 : vector<16xf32>
        %get3A_653 = arith.constant 0 : i32
        %get3A_654 = arith.index_cast %get3A_653 : i32 to index
        %get3A_655 = arith.index_cast %add3A_561 : i32 to index
        %get3A_656 = arith.constant 208 : index
        %get3A_657 = tpu.vector_load %arg6[%get3A_654, %get3A_655, %get3A_656] {strides = array<i32>} : memref<5x40x256xf32, #tpu.memory_space<vmem>>, vector<1x1x16xf32>,
        %get3A_658 = vector.shape_cast %get3A_657 : vector<1x1x16xf32> to vector<16xf32>
        %add3A_659 = arith.addf %add3A_543, %get3A_658 : vector<16xf32>
        %get3A_660 = arith.constant 0 : i32
        %get3A_661 = arith.index_cast %get3A_660 : i32 to index
        %get3A_662 = arith.index_cast %add3A_561 : i32 to index
        %get3A_663 = arith.constant 224 : index
        %get3A_664 = tpu.vector_load %arg6[%get3A_661, %get3A_662, %get3A_663] {strides = array<i32>} : memref<5x40x256xf32, #tpu.memory_space<vmem>>, vector<1x1x16xf32>,
        %get3A_665 = vector.shape_cast %get3A_664 : vector<1x1x16xf32> to vector<16xf32>
        %add3A_666 = arith.addf %add3A_550, %get3A_665 : vector<16xf32>
        %get3A_667 = arith.constant 0 : i32
        %get3A_668 = arith.index_cast %get3A_667 : i32 to index
        %get3A_669 = arith.index_cast %add3A_561 : i32 to index
        %get3A_670 = arith.constant 240 : index
        %get3A_671 = tpu.vector_load %arg6[%get3A_668, %get3A_669, %get3A_670] {strides = array<i32>} : memref<5x40x256xf32, #tpu.memory_space<vmem>>, vector<1x1x16xf32>,
        %get3A_672 = vector.shape_cast %get3A_671 : vector<1x1x16xf32> to vector<16xf32>
        %add3A_673 = arith.addf %add3A_557, %get3A_672 : vector<16xf32>
        %mul3A_674 = arith.constant 4 : i32
        %mul3A_675 = arith.muli %scan3A_426, %mul3A_674 : i32
        %add3A_676 = arith.constant 2 : i32
        %add3A_677 = arith.addi %mul3A_675, %add3A_676 : i32
        %get3A_678 = arith.constant 0 : i32
        %get3A_679 = arith.index_cast %get3A_678 : i32 to index
        %get3A_680 = arith.index_cast %add3A_677 : i32 to index
        %get3A_681 = arith.constant 0 : index
        %get3A_682 = tpu.vector_load %arg6[%get3A_679, %get3A_680, %get3A_681] {strides = array<i32>} : memref<5x40x256xf32, #tpu.memory_space<vmem>>, vector<1x1x16xf32>,
        %get3A_683 = vector.shape_cast %get3A_682 : vector<1x1x16xf32> to vector<16xf32>
        %add3A_684 = arith.addf %add3A_568, %get3A_683 : vector<16xf32>
        %get3A_685 = arith.constant 0 : i32
        %get3A_686 = arith.index_cast %get3A_685 : i32 to index
        %get3A_687 = arith.index_cast %add3A_677 : i32 to index
        %get3A_688 = arith.constant 16 : index
        %get3A_689 = tpu.vector_load %arg6[%get3A_686, %get3A_687, %get3A_688] {strides = array<i32>} : memref<5x40x256xf32, #tpu.memory_space<vmem>>, vector<1x1x16xf32>,
        %get3A_690 = vector.shape_cast %get3A_689 : vector<1x1x16xf32> to vector<16xf32>
        %add3A_691 = arith.addf %add3A_575, %get3A_690 : vector<16xf32>
        %get3A_692 = arith.constant 0 : i32
        %get3A_693 = arith.index_cast %get3A_692 : i32 to index
        %get3A_694 = arith.index_cast %add3A_677 : i32 to index
        %get3A_695 = arith.constant 32 : index
        %get3A_696 = tpu.vector_load %arg6[%get3A_693, %get3A_694, %get3A_695] {strides = array<i32>} : memref<5x40x256xf32, #tpu.memory_space<vmem>>, vector<1x1x16xf32>,
        %get3A_697 = vector.shape_cast %get3A_696 : vector<1x1x16xf32> to vector<16xf32>
        %add3A_698 = arith.addf %add3A_582, %get3A_697 : vector<16xf32>
        %get3A_699 = arith.constant 0 : i32
        %get3A_700 = arith.index_cast %get3A_699 : i32 to index
        %get3A_701 = arith.index_cast %add3A_677 : i32 to index
        %get3A_702 = arith.constant 48 : index
        %get3A_703 = tpu.vector_load %arg6[%get3A_700, %get3A_701, %get3A_702] {strides = array<i32>} : memref<5x40x256xf32, #tpu.memory_space<vmem>>, vector<1x1x16xf32>,
        %get3A_704 = vector.shape_cast %get3A_703 : vector<1x1x16xf32> to vector<16xf32>
        %add3A_705 = arith.addf %add3A_589, %get3A_704 : vector<16xf32>
        %get3A_706 = arith.constant 0 : i32
        %get3A_707 = arith.index_cast %get3A_706 : i32 to index
        %get3A_708 = arith.index_cast %add3A_677 : i32 to index
        %get3A_709 = arith.constant 64 : index
        %get3A_710 = tpu.vector_load %arg6[%get3A_707, %get3A_708, %get3A_709] {strides = array<i32>} : memref<5x40x256xf32, #tpu.memory_space<vmem>>, vector<1x1x16xf32>,
        %get3A_711 = vector.shape_cast %get3A_710 : vector<1x1x16xf32> to vector<16xf32>
        %add3A_712 = arith.addf %add3A_596, %get3A_711 : vector<16xf32>
        %get3A_713 = arith.constant 0 : i32
        %get3A_714 = arith.index_cast %get3A_713 : i32 to index
        %get3A_715 = arith.index_cast %add3A_677 : i32 to index
        %get3A_716 = arith.constant 80 : index
        %get3A_717 = tpu.vector_load %arg6[%get3A_714, %get3A_715, %get3A_716] {strides = array<i32>} : memref<5x40x256xf32, #tpu.memory_space<vmem>>, vector<1x1x16xf32>,
        %get3A_718 = vector.shape_cast %get3A_717 : vector<1x1x16xf32> to vector<16xf32>
        %add3A_719 = arith.addf %add3A_603, %get3A_718 : vector<16xf32>
        %get3A_720 = arith.constant 0 : i32
        %get3A_721 = arith.index_cast %get3A_720 : i32 to index
        %get3A_722 = arith.index_cast %add3A_677 : i32 to index
        %get3A_723 = arith.constant 96 : index
        %get3A_724 = tpu.vector_load %arg6[%get3A_721, %get3A_722, %get3A_723] {strides = array<i32>} : memref<5x40x256xf32, #tpu.memory_space<vmem>>, vector<1x1x16xf32>,
        %get3A_725 = vector.shape_cast %get3A_724 : vector<1x1x16xf32> to vector<16xf32>
        %add3A_726 = arith.addf %add3A_610, %get3A_725 : vector<16xf32>
        %get3A_727 = arith.constant 0 : i32
        %get3A_728 = arith.index_cast %get3A_727 : i32 to index
        %get3A_729 = arith.index_cast %add3A_677 : i32 to index
        %get3A_730 = arith.constant 112 : index
        %get3A_731 = tpu.vector_load %arg6[%get3A_728, %get3A_729, %get3A_730] {strides = array<i32>} : memref<5x40x256xf32, #tpu.memory_space<vmem>>, vector<1x1x16xf32>,
        %get3A_732 = vector.shape_cast %get3A_731 : vector<1x1x16xf32> to vector<16xf32>
        %add3A_733 = arith.addf %add3A_617, %get3A_732 : vector<16xf32>
        %get3A_734 = arith.constant 0 : i32
        %get3A_735 = arith.index_cast %get3A_734 : i32 to index
        %get3A_736 = arith.index_cast %add3A_677 : i32 to index
        %get3A_737 = arith.constant 128 : index
        %get3A_738 = tpu.vector_load %arg6[%get3A_735, %get3A_736, %get3A_737] {strides = array<i32>} : memref<5x40x256xf32, #tpu.memory_space<vmem>>, vector<1x1x16xf32>,
        %get3A_739 = vector.shape_cast %get3A_738 : vector<1x1x16xf32> to vector<16xf32>
        %add3A_740 = arith.addf %add3A_624, %get3A_739 : vector<16xf32>
        %get3A_741 = arith.constant 0 : i32
        %get3A_742 = arith.index_cast %get3A_741 : i32 to index
        %get3A_743 = arith.index_cast %add3A_677 : i32 to index
        %get3A_744 = arith.constant 144 : index
        %get3A_745 = tpu.vector_load %arg6[%get3A_742, %get3A_743, %get3A_744] {strides = array<i32>} : memref<5x40x256xf32, #tpu.memory_space<vmem>>, vector<1x1x16xf32>,
        %get3A_746 = vector.shape_cast %get3A_745 : vector<1x1x16xf32> to vector<16xf32>
        %add3A_747 = arith.addf %add3A_631, %get3A_746 : vector<16xf32>
        %get3A_748 = arith.constant 0 : i32
        %get3A_749 = arith.index_cast %get3A_748 : i32 to index
        %get3A_750 = arith.index_cast %add3A_677 : i32 to index
        %get3A_751 = arith.constant 160 : index
        %get3A_752 = tpu.vector_load %arg6[%get3A_749, %get3A_750, %get3A_751] {strides = array<i32>} : memref<5x40x256xf32, #tpu.memory_space<vmem>>, vector<1x1x16xf32>,
        %get3A_753 = vector.shape_cast %get3A_752 : vector<1x1x16xf32> to vector<16xf32>
        %add3A_754 = arith.addf %add3A_638, %get3A_753 : vector<16xf32>
        %get3A_755 = arith.constant 0 : i32
        %get3A_756 = arith.index_cast %get3A_755 : i32 to index
        %get3A_757 = arith.index_cast %add3A_677 : i32 to index
        %get3A_758 = arith.constant 176 : index
        %get3A_759 = tpu.vector_load %arg6[%get3A_756, %get3A_757, %get3A_758] {strides = array<i32>} : memref<5x40x256xf32, #tpu.memory_space<vmem>>, vector<1x1x16xf32>,
        %get3A_760 = vector.shape_cast %get3A_759 : vector<1x1x16xf32> to vector<16xf32>
        %add3A_761 = arith.addf %add3A_645, %get3A_760 : vector<16xf32>
        %get3A_762 = arith.constant 0 : i32
        %get3A_763 = arith.index_cast %get3A_762 : i32 to index
        %get3A_764 = arith.index_cast %add3A_677 : i32 to index
        %get3A_765 = arith.constant 192 : index
        %get3A_766 = tpu.vector_load %arg6[%get3A_763, %get3A_764, %get3A_765] {strides = array<i32>} : memref<5x40x256xf32, #tpu.memory_space<vmem>>, vector<1x1x16xf32>,
        %get3A_767 = vector.shape_cast %get3A_766 : vector<1x1x16xf32> to vector<16xf32>
        %add3A_768 = arith.addf %add3A_652, %get3A_767 : vector<16xf32>
        %get3A_769 = arith.constant 0 : i32
        %get3A_770 = arith.index_cast %get3A_769 : i32 to index
        %get3A_771 = arith.index_cast %add3A_677 : i32 to index
        %get3A_772 = arith.constant 208 : index
        %get3A_773 = tpu.vector_load %arg6[%get3A_770, %get3A_771, %get3A_772] {strides = array<i32>} : memref<5x40x256xf32, #tpu.memory_space<vmem>>, vector<1x1x16xf32>,
        %get3A_774 = vector.shape_cast %get3A_773 : vector<1x1x16xf32> to vector<16xf32>
        %add3A_775 = arith.addf %add3A_659, %get3A_774 : vector<16xf32>
        %get3A_776 = arith.constant 0 : i32
        %get3A_777 = arith.index_cast %get3A_776 : i32 to index
        %get3A_778 = arith.index_cast %add3A_677 : i32 to index
        %get3A_779 = arith.constant 224 : index
        %get3A_780 = tpu.vector_load %arg6[%get3A_777, %get3A_778, %get3A_779] {strides = array<i32>} : memref<5x40x256xf32, #tpu.memory_space<vmem>>, vector<1x1x16xf32>,
        %get3A_781 = vector.shape_cast %get3A_780 : vector<1x1x16xf32> to vector<16xf32>
        %add3A_782 = arith.addf %add3A_666, %get3A_781 : vector<16xf32>
        %get3A_783 = arith.constant 0 : i32
        %get3A_784 = arith.index_cast %get3A_783 : i32 to index
        %get3A_785 = arith.index_cast %add3A_677 : i32 to index
        %get3A_786 = arith.constant 240 : index
        %get3A_787 = tpu.vector_load %arg6[%get3A_784, %get3A_785, %get3A_786] {strides = array<i32>} : memref<5x40x256xf32, #tpu.memory_space<vmem>>, vector<1x1x16xf32>,
        %get3A_788 = vector.shape_cast %get3A_787 : vector<1x1x16xf32> to vector<16xf32>
        %add3A_789 = arith.addf %add3A_673, %get3A_788 : vector<16xf32>
        %mul3A_790 = arith.constant 4 : i32
        %mul3A_791 = arith.muli %scan3A_426, %mul3A_790 : i32
        %add3A_792 = arith.constant 3 : i32
        %add3A_793 = arith.addi %mul3A_791, %add3A_792 : i32
        %get3A_794 = arith.constant 0 : i32
        %get3A_795 = arith.index_cast %get3A_794 : i32 to index
        %get3A_796 = arith.index_cast %add3A_793 : i32 to index
        %get3A_797 = arith.constant 0 : index
        %get3A_798 = tpu.vector_load %arg6[%get3A_795, %get3A_796, %get3A_797] {strides = array<i32>} : memref<5x40x256xf32, #tpu.memory_space<vmem>>, vector<1x1x16xf32>,
        %get3A_799 = vector.shape_cast %get3A_798 : vector<1x1x16xf32> to vector<16xf32>
        %add3A_800 = arith.addf %add3A_684, %get3A_799 : vector<16xf32>
        %get3A_801 = arith.constant 0 : i32
        %get3A_802 = arith.index_cast %get3A_801 : i32 to index
        %get3A_803 = arith.index_cast %add3A_793 : i32 to index
        %get3A_804 = arith.constant 16 : index
        %get3A_805 = tpu.vector_load %arg6[%get3A_802, %get3A_803, %get3A_804] {strides = array<i32>} : memref<5x40x256xf32, #tpu.memory_space<vmem>>, vector<1x1x16xf32>,
        %get3A_806 = vector.shape_cast %get3A_805 : vector<1x1x16xf32> to vector<16xf32>
        %add3A_807 = arith.addf %add3A_691, %get3A_806 : vector<16xf32>
        %get3A_808 = arith.constant 0 : i32
        %get3A_809 = arith.index_cast %get3A_808 : i32 to index
        %get3A_810 = arith.index_cast %add3A_793 : i32 to index
        %get3A_811 = arith.constant 32 : index
        %get3A_812 = tpu.vector_load %arg6[%get3A_809, %get3A_810, %get3A_811] {strides = array<i32>} : memref<5x40x256xf32, #tpu.memory_space<vmem>>, vector<1x1x16xf32>,
        %get3A_813 = vector.shape_cast %get3A_812 : vector<1x1x16xf32> to vector<16xf32>
        %add3A_814 = arith.addf %add3A_698, %get3A_813 : vector<16xf32>
        %get3A_815 = arith.constant 0 : i32
        %get3A_816 = arith.index_cast %get3A_815 : i32 to index
        %get3A_817 = arith.index_cast %add3A_793 : i32 to index
        %get3A_818 = arith.constant 48 : index
        %get3A_819 = tpu.vector_load %arg6[%get3A_816, %get3A_817, %get3A_818] {strides = array<i32>} : memref<5x40x256xf32, #tpu.memory_space<vmem>>, vector<1x1x16xf32>,
        %get3A_820 = vector.shape_cast %get3A_819 : vector<1x1x16xf32> to vector<16xf32>
        %add3A_821 = arith.addf %add3A_705, %get3A_820 : vector<16xf32>
        %get3A_822 = arith.constant 0 : i32
        %get3A_823 = arith.index_cast %get3A_822 : i32 to index
        %get3A_824 = arith.index_cast %add3A_793 : i32 to index
        %get3A_825 = arith.constant 64 : index
        %get3A_826 = tpu.vector_load %arg6[%get3A_823, %get3A_824, %get3A_825] {strides = array<i32>} : memref<5x40x256xf32, #tpu.memory_space<vmem>>, vector<1x1x16xf32>,
        %get3A_827 = vector.shape_cast %get3A_826 : vector<1x1x16xf32> to vector<16xf32>
        %add3A_828 = arith.addf %add3A_712, %get3A_827 : vector<16xf32>
        %get3A_829 = arith.constant 0 : i32
        %get3A_830 = arith.index_cast %get3A_829 : i32 to index
        %get3A_831 = arith.index_cast %add3A_793 : i32 to index
        %get3A_832 = arith.constant 80 : index
        %get3A_833 = tpu.vector_load %arg6[%get3A_830, %get3A_831, %get3A_832] {strides = array<i32>} : memref<5x40x256xf32, #tpu.memory_space<vmem>>, vector<1x1x16xf32>,
        %get3A_834 = vector.shape_cast %get3A_833 : vector<1x1x16xf32> to vector<16xf32>
        %add3A_835 = arith.addf %add3A_719, %get3A_834 : vector<16xf32>
        %get3A_836 = arith.constant 0 : i32
        %get3A_837 = arith.index_cast %get3A_836 : i32 to index
        %get3A_838 = arith.index_cast %add3A_793 : i32 to index
        %get3A_839 = arith.constant 96 : index
        %get3A_840 = tpu.vector_load %arg6[%get3A_837, %get3A_838, %get3A_839] {strides = array<i32>} : memref<5x40x256xf32, #tpu.memory_space<vmem>>, vector<1x1x16xf32>,
        %get3A_841 = vector.shape_cast %get3A_840 : vector<1x1x16xf32> to vector<16xf32>
        %add3A_842 = arith.addf %add3A_726, %get3A_841 : vector<16xf32>
        %get3A_843 = arith.constant 0 : i32
        %get3A_844 = arith.index_cast %get3A_843 : i32 to index
        %get3A_845 = arith.index_cast %add3A_793 : i32 to index
        %get3A_846 = arith.constant 112 : index
        %get3A_847 = tpu.vector_load %arg6[%get3A_844, %get3A_845, %get3A_846] {strides = array<i32>} : memref<5x40x256xf32, #tpu.memory_space<vmem>>, vector<1x1x16xf32>,
        %get3A_848 = vector.shape_cast %get3A_847 : vector<1x1x16xf32> to vector<16xf32>
        %add3A_849 = arith.addf %add3A_733, %get3A_848 : vector<16xf32>
        %get3A_850 = arith.constant 0 : i32
        %get3A_851 = arith.index_cast %get3A_850 : i32 to index
        %get3A_852 = arith.index_cast %add3A_793 : i32 to index
        %get3A_853 = arith.constant 128 : index
        %get3A_854 = tpu.vector_load %arg6[%get3A_851, %get3A_852, %get3A_853] {strides = array<i32>} : memref<5x40x256xf32, #tpu.memory_space<vmem>>, vector<1x1x16xf32>,
        %get3A_855 = vector.shape_cast %get3A_854 : vector<1x1x16xf32> to vector<16xf32>
        %add3A_856 = arith.addf %add3A_740, %get3A_855 : vector<16xf32>
        %get3A_857 = arith.constant 0 : i32
        %get3A_858 = arith.index_cast %get3A_857 : i32 to index
        %get3A_859 = arith.index_cast %add3A_793 : i32 to index
        %get3A_860 = arith.constant 144 : index
        %get3A_861 = tpu.vector_load %arg6[%get3A_858, %get3A_859, %get3A_860] {strides = array<i32>} : memref<5x40x256xf32, #tpu.memory_space<vmem>>, vector<1x1x16xf32>,
        %get3A_862 = vector.shape_cast %get3A_861 : vector<1x1x16xf32> to vector<16xf32>
        %add3A_863 = arith.addf %add3A_747, %get3A_862 : vector<16xf32>
        %get3A_864 = arith.constant 0 : i32
        %get3A_865 = arith.index_cast %get3A_864 : i32 to index
        %get3A_866 = arith.index_cast %add3A_793 : i32 to index
        %get3A_867 = arith.constant 160 : index
        %get3A_868 = tpu.vector_load %arg6[%get3A_865, %get3A_866, %get3A_867] {strides = array<i32>} : memref<5x40x256xf32, #tpu.memory_space<vmem>>, vector<1x1x16xf32>,
        %get3A_869 = vector.shape_cast %get3A_868 : vector<1x1x16xf32> to vector<16xf32>
        %add3A_870 = arith.addf %add3A_754, %get3A_869 : vector<16xf32>
        %get3A_871 = arith.constant 0 : i32
        %get3A_872 = arith.index_cast %get3A_871 : i32 to index
        %get3A_873 = arith.index_cast %add3A_793 : i32 to index
        %get3A_874 = arith.constant 176 : index
        %get3A_875 = tpu.vector_load %arg6[%get3A_872, %get3A_873, %get3A_874] {strides = array<i32>} : memref<5x40x256xf32, #tpu.memory_space<vmem>>, vector<1x1x16xf32>,
        %get3A_876 = vector.shape_cast %get3A_875 : vector<1x1x16xf32> to vector<16xf32>
        %add3A_877 = arith.addf %add3A_761, %get3A_876 : vector<16xf32>
        %get3A_878 = arith.constant 0 : i32
        %get3A_879 = arith.index_cast %get3A_878 : i32 to index
        %get3A_880 = arith.index_cast %add3A_793 : i32 to index
        %get3A_881 = arith.constant 192 : index
        %get3A_882 = tpu.vector_load %arg6[%get3A_879, %get3A_880, %get3A_881] {strides = array<i32>} : memref<5x40x256xf32, #tpu.memory_space<vmem>>, vector<1x1x16xf32>,
        %get3A_883 = vector.shape_cast %get3A_882 : vector<1x1x16xf32> to vector<16xf32>
        %add3A_884 = arith.addf %add3A_768, %get3A_883 : vector<16xf32>
        %get3A_885 = arith.constant 0 : i32
        %get3A_886 = arith.index_cast %get3A_885 : i32 to index
        %get3A_887 = arith.index_cast %add3A_793 : i32 to index
        %get3A_888 = arith.constant 208 : index
        %get3A_889 = tpu.vector_load %arg6[%get3A_886, %get3A_887, %get3A_888] {strides = array<i32>} : memref<5x40x256xf32, #tpu.memory_space<vmem>>, vector<1x1x16xf32>,
        %get3A_890 = vector.shape_cast %get3A_889 : vector<1x1x16xf32> to vector<16xf32>
        %add3A_891 = arith.addf %add3A_775, %get3A_890 : vector<16xf32>
        %get3A_892 = arith.constant 0 : i32
        %get3A_893 = arith.index_cast %get3A_892 : i32 to index
        %get3A_894 = arith.index_cast %add3A_793 : i32 to index
        %get3A_895 = arith.constant 224 : index
        %get3A_896 = tpu.vector_load %arg6[%get3A_893, %get3A_894, %get3A_895] {strides = array<i32>} : memref<5x40x256xf32, #tpu.memory_space<vmem>>, vector<1x1x16xf32>,
        %get3A_897 = vector.shape_cast %get3A_896 : vector<1x1x16xf32> to vector<16xf32>
        %add3A_898 = arith.addf %add3A_782, %get3A_897 : vector<16xf32>
        %get3A_899 = arith.constant 0 : i32
        %get3A_900 = arith.index_cast %get3A_899 : i32 to index
        %get3A_901 = arith.index_cast %add3A_793 : i32 to index
        %get3A_902 = arith.constant 240 : index
        %get3A_903 = tpu.vector_load %arg6[%get3A_900, %get3A_901, %get3A_902] {strides = array<i32>} : memref<5x40x256xf32, #tpu.memory_space<vmem>>, vector<1x1x16xf32>,
        %get3A_904 = vector.shape_cast %get3A_903 : vector<1x1x16xf32> to vector<16xf32>
        %add3A_905 = arith.addf %add3A_789, %get3A_904 : vector<16xf32>
        scf.yield %add3A_800, %add3A_807, %add3A_814, %add3A_821, %add3A_828, %add3A_835, %add3A_842, %add3A_849, %add3A_856, %add3A_863, %add3A_870, %add3A_877, %add3A_884, %add3A_891, %add3A_898, %add3A_905 : vector<16xf32>, vector<16xf32>, vector<16xf32>, vector<16xf32>, vector<16xf32>, vector<16xf32>, vector<16xf32>, vector<16xf32>, vector<16xf32>, vector<16xf32>, vector<16xf32>, vector<16xf32>, vector<16xf32>, vector<16xf32>, vector<16xf32>, vector<16xf32>
      }
      %scan3A_175 = arith.constant 10 : i32
      %add3A_176 = arith.constant 1 : i32
      %add3A_177 = arith.addi %mul3A_113, %add3A_176 : i32
      %add3A_178 = arith.constant 4 : i32
      %add3A_179 = arith.addi %add3A_177, %add3A_178 : i32
      %lt3A_180 = arith.constant 640 : i32
      %lt3A_181 = arith.cmpi slt, %add3A_179, %lt3A_180 : i32
      %convert_element_type3A_182 = arith.extui %lt3A_181 : i1 to i32
      %cond3A_183 = arith.constant 0 : i32
      %cond3A_184 = arith.cmpi ne, %convert_element_type3A_182, %cond3A_183 : i32
      scf.if %cond3A_184 {
        %add3A_426 = arith.constant 1 : i32
        %add3A_427 = arith.addi %mul3A_113, %add3A_426 : i32
        %add3A_428 = arith.constant 4 : i32
        %add3A_429 = arith.addi %add3A_427, %add3A_428 : i32
        %mul3A_430 = arith.constant 40 : i32
        %mul3A_431 = arith.muli %add3A_429, %mul3A_430 : i32
        %dma_start3A_432 = arith.constant 0 : i32
        %dma_start3A_433 = arith.constant 0 : i32
        %dma_start3A_434 = arith.constant 0 : i32
        %dma_start3A_435 = arith.constant 0 : i32
        %dma_start3A_436 = tpu.memref_slice %arg6[%dma_start3A_432, %dma_start3A_434, %dma_start3A_435] : memref<5x40x256xf32, #tpu.memory_space<vmem>> -> memref<1x40x256xf32, #tpu.memory_space<vmem>>
        %dma_start3A_437 = tpu.memref_squeeze %dma_start3A_436 : memref<1x40x256xf32, #tpu.memory_space<vmem>> -> memref<40x256xf32, #tpu.memory_space<vmem>>
        %dma_start3A_438 = tpu.memref_slice %arg5[%mul3A_431] : memref<25600xi32, #tpu.memory_space<vmem>> -> memref<40xi32, #tpu.memory_space<vmem>>
        %dma_start3A_439 = arith.constant 0 : i32
        %dma_start3A_440 = arith.constant 0 : i32
        %dma_start3A_441 = tpu.memref_slice %arg3[%dma_start3A_439, %dma_start3A_440] : memref<10000x256xf32, #tpu.memory_space<hbm>> -> memref<10000x256xf32, #tpu.memory_space<hbm>>
        %dma_start3A_442 = tpu.memref_slice %arg8[%dma_start3A_433] : memref<5x!tpu.dma_semaphore, #tpu.memory_space<semaphore_mem>> -> memref<1x!tpu.dma_semaphore, #tpu.memory_space<semaphore_mem>>
        %dma_start3A_443 = tpu.memref_squeeze %dma_start3A_442 : memref<1x!tpu.dma_semaphore, #tpu.memory_space<semaphore_mem>> -> memref<!tpu.dma_semaphore, #tpu.memory_space<semaphore_mem>>
        tpu.enqueue_indirect_dma source(%dma_start3A_441 : memref<10000x256xf32, #tpu.memory_space<hbm>>) target(%dma_start3A_437 : memref<40x256xf32, #tpu.memory_space<vmem>>) offsets(%dma_start3A_438 : memref<40xi32, #tpu.memory_space<vmem>>) semaphore(%dma_start3A_443 : memref<!tpu.dma_semaphore, #tpu.memory_space<semaphore_mem>>)
      } else {
      }
      %add3A_185 = arith.constant 1 : i32
      %add3A_186 = arith.addi %mul3A_113, %add3A_185 : i32
      %mul3A_187 = arith.constant 40 : i32
      %mul3A_188 = arith.muli %add3A_186, %mul3A_187 : i32
      %dma_wait3A_189 = arith.constant 1 : i32
      %dma_wait3A_190 = arith.constant 1 : i32
      %dma_wait3A_191 = arith.constant 0 : i32
      %dma_wait3A_192 = arith.constant 0 : i32
      %dma_wait3A_193 = tpu.memref_slice %arg6[%dma_wait3A_189, %dma_wait3A_191, %dma_wait3A_192] : memref<5x40x256xf32, #tpu.memory_space<vmem>> -> memref<1x40x256xf32, #tpu.memory_space<vmem>>
      %dma_wait3A_194 = tpu.memref_squeeze %dma_wait3A_193 : memref<1x40x256xf32, #tpu.memory_space<vmem>> -> memref<40x256xf32, #tpu.memory_space<vmem>>
      %dma_wait3A_195 = tpu.memref_slice %arg5[%mul3A_188] : memref<25600xi32, #tpu.memory_space<vmem>> -> memref<40xi32, #tpu.memory_space<vmem>>
      %dma_wait3A_196 = arith.constant 0 : i32
      %dma_wait3A_197 = arith.constant 0 : i32
      %dma_wait3A_198 = tpu.memref_slice %arg3[%dma_wait3A_196, %dma_wait3A_197] : memref<10000x256xf32, #tpu.memory_space<hbm>> -> memref<10000x256xf32, #tpu.memory_space<hbm>>
      %dma_wait3A_199 = tpu.memref_slice %arg8[%dma_wait3A_190] : memref<5x!tpu.dma_semaphore, #tpu.memory_space<semaphore_mem>> -> memref<1x!tpu.dma_semaphore, #tpu.memory_space<semaphore_mem>>
      %dma_wait3A_200 = tpu.memref_squeeze %dma_wait3A_199 : memref<1x!tpu.dma_semaphore, #tpu.memory_space<semaphore_mem>> -> memref<!tpu.dma_semaphore, #tpu.memory_space<semaphore_mem>>
      tpu.wait_indirect_dma semaphore(%dma_wait3A_200 : memref<!tpu.dma_semaphore, #tpu.memory_space<semaphore_mem>>) src(%dma_wait3A_198 : memref<10000x256xf32, #tpu.memory_space<hbm>>) dst(%dma_wait3A_194 : memref<40x256xf32, #tpu.memory_space<vmem>>)
      %scan3A_201 = arith.constant 0 : i32
      %scan3A_202 = arith.constant 10 : i32
      %scan3A_203 = arith.addi %scan3A_201, %scan3A_202 : i32
      %scan3A_204 = arith.constant 1 : i32
      %scan3A_205:16 = scf.for %scan3A_426 = %scan3A_201 to %scan3A_203 step %scan3A_204 iter_args(%scan3A_427 = %scan3A_174#0, %scan3A_428 = %scan3A_174#1, %scan3A_429 = %scan3A_174#2, %scan3A_430 = %scan3A_174#3, %scan3A_431 = %scan3A_174#4, %scan3A_432 = %scan3A_174#5, %scan3A_433 = %scan3A_174#6, %scan3A_434 = %scan3A_174#7, %scan3A_435 = %scan3A_174#8, %scan3A_436 = %scan3A_174#9, %scan3A_437 = %scan3A_174#10, %scan3A_438 = %scan3A_174#11, %scan3A_439 = %scan3A_174#12, %scan3A_440 = %scan3A_174#13, %scan3A_441 = %scan3A_174#14, %scan3A_442 = %scan3A_174#15) -> (vector<16xf32>, vector<16xf32>, vector<16xf32>, vector<16xf32>, vector<16xf32>, vector<16xf32>, vector<16xf32>, vector<16xf32>, vector<16xf32>, vector<16xf32>, vector<16xf32>, vector<16xf32>, vector<16xf32>, vector<16xf32>, vector<16xf32>, vector<16xf32>)  : i32 {
        %mul3A_443 = arith.constant 4 : i32
        %mul3A_444 = arith.muli %scan3A_426, %mul3A_443 : i32
        %add3A_445 = arith.constant 0 : i32
        %add3A_446 = arith.addi %mul3A_444, %add3A_445 : i32
        %get3A = arith.constant 1 : i32
        %get3A_447 = arith.index_cast %get3A : i32 to index
        %get3A_448 = arith.index_cast %add3A_446 : i32 to index
        %get3A_449 = arith.constant 0 : index
        %get3A_450 = tpu.vector_load %arg6[%get3A_447, %get3A_448, %get3A_449] {strides = array<i32>} : memref<5x40x256xf32, #tpu.memory_space<vmem>>, vector<1x1x16xf32>,
        %get3A_451 = vector.shape_cast %get3A_450 : vector<1x1x16xf32> to vector<16xf32>
        %add3A_452 = arith.addf %scan3A_427, %get3A_451 : vector<16xf32>
        %get3A_453 = arith.constant 1 : i32
        %get3A_454 = arith.index_cast %get3A_453 : i32 to index
        %get3A_455 = arith.index_cast %add3A_446 : i32 to index
        %get3A_456 = arith.constant 16 : index
        %get3A_457 = tpu.vector_load %arg6[%get3A_454, %get3A_455, %get3A_456] {strides = array<i32>} : memref<5x40x256xf32, #tpu.memory_space<vmem>>, vector<1x1x16xf32>,
        %get3A_458 = vector.shape_cast %get3A_457 : vector<1x1x16xf32> to vector<16xf32>
        %add3A_459 = arith.addf %scan3A_428, %get3A_458 : vector<16xf32>
        %get3A_460 = arith.constant 1 : i32
        %get3A_461 = arith.index_cast %get3A_460 : i32 to index
        %get3A_462 = arith.index_cast %add3A_446 : i32 to index
        %get3A_463 = arith.constant 32 : index
        %get3A_464 = tpu.vector_load %arg6[%get3A_461, %get3A_462, %get3A_463] {strides = array<i32>} : memref<5x40x256xf32, #tpu.memory_space<vmem>>, vector<1x1x16xf32>,
        %get3A_465 = vector.shape_cast %get3A_464 : vector<1x1x16xf32> to vector<16xf32>
        %add3A_466 = arith.addf %scan3A_429, %get3A_465 : vector<16xf32>
        %get3A_467 = arith.constant 1 : i32
        %get3A_468 = arith.index_cast %get3A_467 : i32 to index
        %get3A_469 = arith.index_cast %add3A_446 : i32 to index
        %get3A_470 = arith.constant 48 : index
        %get3A_471 = tpu.vector_load %arg6[%get3A_468, %get3A_469, %get3A_470] {strides = array<i32>} : memref<5x40x256xf32, #tpu.memory_space<vmem>>, vector<1x1x16xf32>,
        %get3A_472 = vector.shape_cast %get3A_471 : vector<1x1x16xf32> to vector<16xf32>
        %add3A_473 = arith.addf %scan3A_430, %get3A_472 : vector<16xf32>
        %get3A_474 = arith.constant 1 : i32
        %get3A_475 = arith.index_cast %get3A_474 : i32 to index
        %get3A_476 = arith.index_cast %add3A_446 : i32 to index
        %get3A_477 = arith.constant 64 : index
        %get3A_478 = tpu.vector_load %arg6[%get3A_475, %get3A_476, %get3A_477] {strides = array<i32>} : memref<5x40x256xf32, #tpu.memory_space<vmem>>, vector<1x1x16xf32>,
        %get3A_479 = vector.shape_cast %get3A_478 : vector<1x1x16xf32> to vector<16xf32>
        %add3A_480 = arith.addf %scan3A_431, %get3A_479 : vector<16xf32>
        %get3A_481 = arith.constant 1 : i32
        %get3A_482 = arith.index_cast %get3A_481 : i32 to index
        %get3A_483 = arith.index_cast %add3A_446 : i32 to index
        %get3A_484 = arith.constant 80 : index
        %get3A_485 = tpu.vector_load %arg6[%get3A_482, %get3A_483, %get3A_484] {strides = array<i32>} : memref<5x40x256xf32, #tpu.memory_space<vmem>>, vector<1x1x16xf32>,
        %get3A_486 = vector.shape_cast %get3A_485 : vector<1x1x16xf32> to vector<16xf32>
        %add3A_487 = arith.addf %scan3A_432, %get3A_486 : vector<16xf32>
        %get3A_488 = arith.constant 1 : i32
        %get3A_489 = arith.index_cast %get3A_488 : i32 to index
        %get3A_490 = arith.index_cast %add3A_446 : i32 to index
        %get3A_491 = arith.constant 96 : index
        %get3A_492 = tpu.vector_load %arg6[%get3A_489, %get3A_490, %get3A_491] {strides = array<i32>} : memref<5x40x256xf32, #tpu.memory_space<vmem>>, vector<1x1x16xf32>,
        %get3A_493 = vector.shape_cast %get3A_492 : vector<1x1x16xf32> to vector<16xf32>
        %add3A_494 = arith.addf %scan3A_433, %get3A_493 : vector<16xf32>
        %get3A_495 = arith.constant 1 : i32
        %get3A_496 = arith.index_cast %get3A_495 : i32 to index
        %get3A_497 = arith.index_cast %add3A_446 : i32 to index
        %get3A_498 = arith.constant 112 : index
        %get3A_499 = tpu.vector_load %arg6[%get3A_496, %get3A_497, %get3A_498] {strides = array<i32>} : memref<5x40x256xf32, #tpu.memory_space<vmem>>, vector<1x1x16xf32>,
        %get3A_500 = vector.shape_cast %get3A_499 : vector<1x1x16xf32> to vector<16xf32>
        %add3A_501 = arith.addf %scan3A_434, %get3A_500 : vector<16xf32>
        %get3A_502 = arith.constant 1 : i32
        %get3A_503 = arith.index_cast %get3A_502 : i32 to index
        %get3A_504 = arith.index_cast %add3A_446 : i32 to index
        %get3A_505 = arith.constant 128 : index
        %get3A_506 = tpu.vector_load %arg6[%get3A_503, %get3A_504, %get3A_505] {strides = array<i32>} : memref<5x40x256xf32, #tpu.memory_space<vmem>>, vector<1x1x16xf32>,
        %get3A_507 = vector.shape_cast %get3A_506 : vector<1x1x16xf32> to vector<16xf32>
        %add3A_508 = arith.addf %scan3A_435, %get3A_507 : vector<16xf32>
        %get3A_509 = arith.constant 1 : i32
        %get3A_510 = arith.index_cast %get3A_509 : i32 to index
        %get3A_511 = arith.index_cast %add3A_446 : i32 to index
        %get3A_512 = arith.constant 144 : index
        %get3A_513 = tpu.vector_load %arg6[%get3A_510, %get3A_511, %get3A_512] {strides = array<i32>} : memref<5x40x256xf32, #tpu.memory_space<vmem>>, vector<1x1x16xf32>,
        %get3A_514 = vector.shape_cast %get3A_513 : vector<1x1x16xf32> to vector<16xf32>
        %add3A_515 = arith.addf %scan3A_436, %get3A_514 : vector<16xf32>
        %get3A_516 = arith.constant 1 : i32
        %get3A_517 = arith.index_cast %get3A_516 : i32 to index
        %get3A_518 = arith.index_cast %add3A_446 : i32 to index
        %get3A_519 = arith.constant 160 : index
        %get3A_520 = tpu.vector_load %arg6[%get3A_517, %get3A_518, %get3A_519] {strides = array<i32>} : memref<5x40x256xf32, #tpu.memory_space<vmem>>, vector<1x1x16xf32>,
        %get3A_521 = vector.shape_cast %get3A_520 : vector<1x1x16xf32> to vector<16xf32>
        %add3A_522 = arith.addf %scan3A_437, %get3A_521 : vector<16xf32>
        %get3A_523 = arith.constant 1 : i32
        %get3A_524 = arith.index_cast %get3A_523 : i32 to index
        %get3A_525 = arith.index_cast %add3A_446 : i32 to index
        %get3A_526 = arith.constant 176 : index
        %get3A_527 = tpu.vector_load %arg6[%get3A_524, %get3A_525, %get3A_526] {strides = array<i32>} : memref<5x40x256xf32, #tpu.memory_space<vmem>>, vector<1x1x16xf32>,
        %get3A_528 = vector.shape_cast %get3A_527 : vector<1x1x16xf32> to vector<16xf32>
        %add3A_529 = arith.addf %scan3A_438, %get3A_528 : vector<16xf32>
        %get3A_530 = arith.constant 1 : i32
        %get3A_531 = arith.index_cast %get3A_530 : i32 to index
        %get3A_532 = arith.index_cast %add3A_446 : i32 to index
        %get3A_533 = arith.constant 192 : index
        %get3A_534 = tpu.vector_load %arg6[%get3A_531, %get3A_532, %get3A_533] {strides = array<i32>} : memref<5x40x256xf32, #tpu.memory_space<vmem>>, vector<1x1x16xf32>,
        %get3A_535 = vector.shape_cast %get3A_534 : vector<1x1x16xf32> to vector<16xf32>
        %add3A_536 = arith.addf %scan3A_439, %get3A_535 : vector<16xf32>
        %get3A_537 = arith.constant 1 : i32
        %get3A_538 = arith.index_cast %get3A_537 : i32 to index
        %get3A_539 = arith.index_cast %add3A_446 : i32 to index
        %get3A_540 = arith.constant 208 : index
        %get3A_541 = tpu.vector_load %arg6[%get3A_538, %get3A_539, %get3A_540] {strides = array<i32>} : memref<5x40x256xf32, #tpu.memory_space<vmem>>, vector<1x1x16xf32>,
        %get3A_542 = vector.shape_cast %get3A_541 : vector<1x1x16xf32> to vector<16xf32>
        %add3A_543 = arith.addf %scan3A_440, %get3A_542 : vector<16xf32>
        %get3A_544 = arith.constant 1 : i32
        %get3A_545 = arith.index_cast %get3A_544 : i32 to index
        %get3A_546 = arith.index_cast %add3A_446 : i32 to index
        %get3A_547 = arith.constant 224 : index
        %get3A_548 = tpu.vector_load %arg6[%get3A_545, %get3A_546, %get3A_547] {strides = array<i32>} : memref<5x40x256xf32, #tpu.memory_space<vmem>>, vector<1x1x16xf32>,
        %get3A_549 = vector.shape_cast %get3A_548 : vector<1x1x16xf32> to vector<16xf32>
        %add3A_550 = arith.addf %scan3A_441, %get3A_549 : vector<16xf32>
        %get3A_551 = arith.constant 1 : i32
        %get3A_552 = arith.index_cast %get3A_551 : i32 to index
        %get3A_553 = arith.index_cast %add3A_446 : i32 to index
        %get3A_554 = arith.constant 240 : index
        %get3A_555 = tpu.vector_load %arg6[%get3A_552, %get3A_553, %get3A_554] {strides = array<i32>} : memref<5x40x256xf32, #tpu.memory_space<vmem>>, vector<1x1x16xf32>,
        %get3A_556 = vector.shape_cast %get3A_555 : vector<1x1x16xf32> to vector<16xf32>
        %add3A_557 = arith.addf %scan3A_442, %get3A_556 : vector<16xf32>
        %mul3A_558 = arith.constant 4 : i32
        %mul3A_559 = arith.muli %scan3A_426, %mul3A_558 : i32
        %add3A_560 = arith.constant 1 : i32
        %add3A_561 = arith.addi %mul3A_559, %add3A_560 : i32
        %get3A_562 = arith.constant 1 : i32
        %get3A_563 = arith.index_cast %get3A_562 : i32 to index
        %get3A_564 = arith.index_cast %add3A_561 : i32 to index
        %get3A_565 = arith.constant 0 : index
        %get3A_566 = tpu.vector_load %arg6[%get3A_563, %get3A_564, %get3A_565] {strides = array<i32>} : memref<5x40x256xf32, #tpu.memory_space<vmem>>, vector<1x1x16xf32>,
        %get3A_567 = vector.shape_cast %get3A_566 : vector<1x1x16xf32> to vector<16xf32>
        %add3A_568 = arith.addf %add3A_452, %get3A_567 : vector<16xf32>
        %get3A_569 = arith.constant 1 : i32
        %get3A_570 = arith.index_cast %get3A_569 : i32 to index
        %get3A_571 = arith.index_cast %add3A_561 : i32 to index
        %get3A_572 = arith.constant 16 : index
        %get3A_573 = tpu.vector_load %arg6[%get3A_570, %get3A_571, %get3A_572] {strides = array<i32>} : memref<5x40x256xf32, #tpu.memory_space<vmem>>, vector<1x1x16xf32>,
        %get3A_574 = vector.shape_cast %get3A_573 : vector<1x1x16xf32> to vector<16xf32>
        %add3A_575 = arith.addf %add3A_459, %get3A_574 : vector<16xf32>
        %get3A_576 = arith.constant 1 : i32
        %get3A_577 = arith.index_cast %get3A_576 : i32 to index
        %get3A_578 = arith.index_cast %add3A_561 : i32 to index
        %get3A_579 = arith.constant 32 : index
        %get3A_580 = tpu.vector_load %arg6[%get3A_577, %get3A_578, %get3A_579] {strides = array<i32>} : memref<5x40x256xf32, #tpu.memory_space<vmem>>, vector<1x1x16xf32>,
        %get3A_581 = vector.shape_cast %get3A_580 : vector<1x1x16xf32> to vector<16xf32>
        %add3A_582 = arith.addf %add3A_466, %get3A_581 : vector<16xf32>
        %get3A_583 = arith.constant 1 : i32
        %get3A_584 = arith.index_cast %get3A_583 : i32 to index
        %get3A_585 = arith.index_cast %add3A_561 : i32 to index
        %get3A_586 = arith.constant 48 : index
        %get3A_587 = tpu.vector_load %arg6[%get3A_584, %get3A_585, %get3A_586] {strides = array<i32>} : memref<5x40x256xf32, #tpu.memory_space<vmem>>, vector<1x1x16xf32>,
        %get3A_588 = vector.shape_cast %get3A_587 : vector<1x1x16xf32> to vector<16xf32>
        %add3A_589 = arith.addf %add3A_473, %get3A_588 : vector<16xf32>
        %get3A_590 = arith.constant 1 : i32
        %get3A_591 = arith.index_cast %get3A_590 : i32 to index
        %get3A_592 = arith.index_cast %add3A_561 : i32 to index
        %get3A_593 = arith.constant 64 : index
        %get3A_594 = tpu.vector_load %arg6[%get3A_591, %get3A_592, %get3A_593] {strides = array<i32>} : memref<5x40x256xf32, #tpu.memory_space<vmem>>, vector<1x1x16xf32>,
        %get3A_595 = vector.shape_cast %get3A_594 : vector<1x1x16xf32> to vector<16xf32>
        %add3A_596 = arith.addf %add3A_480, %get3A_595 : vector<16xf32>
        %get3A_597 = arith.constant 1 : i32
        %get3A_598 = arith.index_cast %get3A_597 : i32 to index
        %get3A_599 = arith.index_cast %add3A_561 : i32 to index
        %get3A_600 = arith.constant 80 : index
        %get3A_601 = tpu.vector_load %arg6[%get3A_598, %get3A_599, %get3A_600] {strides = array<i32>} : memref<5x40x256xf32, #tpu.memory_space<vmem>>, vector<1x1x16xf32>,
        %get3A_602 = vector.shape_cast %get3A_601 : vector<1x1x16xf32> to vector<16xf32>
        %add3A_603 = arith.addf %add3A_487, %get3A_602 : vector<16xf32>
        %get3A_604 = arith.constant 1 : i32
        %get3A_605 = arith.index_cast %get3A_604 : i32 to index
        %get3A_606 = arith.index_cast %add3A_561 : i32 to index
        %get3A_607 = arith.constant 96 : index
        %get3A_608 = tpu.vector_load %arg6[%get3A_605, %get3A_606, %get3A_607] {strides = array<i32>} : memref<5x40x256xf32, #tpu.memory_space<vmem>>, vector<1x1x16xf32>,
        %get3A_609 = vector.shape_cast %get3A_608 : vector<1x1x16xf32> to vector<16xf32>
        %add3A_610 = arith.addf %add3A_494, %get3A_609 : vector<16xf32>
        %get3A_611 = arith.constant 1 : i32
        %get3A_612 = arith.index_cast %get3A_611 : i32 to index
        %get3A_613 = arith.index_cast %add3A_561 : i32 to index
        %get3A_614 = arith.constant 112 : index
        %get3A_615 = tpu.vector_load %arg6[%get3A_612, %get3A_613, %get3A_614] {strides = array<i32>} : memref<5x40x256xf32, #tpu.memory_space<vmem>>, vector<1x1x16xf32>,
        %get3A_616 = vector.shape_cast %get3A_615 : vector<1x1x16xf32> to vector<16xf32>
        %add3A_617 = arith.addf %add3A_501, %get3A_616 : vector<16xf32>
        %get3A_618 = arith.constant 1 : i32
        %get3A_619 = arith.index_cast %get3A_618 : i32 to index
        %get3A_620 = arith.index_cast %add3A_561 : i32 to index
        %get3A_621 = arith.constant 128 : index
        %get3A_622 = tpu.vector_load %arg6[%get3A_619, %get3A_620, %get3A_621] {strides = array<i32>} : memref<5x40x256xf32, #tpu.memory_space<vmem>>, vector<1x1x16xf32>,
        %get3A_623 = vector.shape_cast %get3A_622 : vector<1x1x16xf32> to vector<16xf32>
        %add3A_624 = arith.addf %add3A_508, %get3A_623 : vector<16xf32>
        %get3A_625 = arith.constant 1 : i32
        %get3A_626 = arith.index_cast %get3A_625 : i32 to index
        %get3A_627 = arith.index_cast %add3A_561 : i32 to index
        %get3A_628 = arith.constant 144 : index
        %get3A_629 = tpu.vector_load %arg6[%get3A_626, %get3A_627, %get3A_628] {strides = array<i32>} : memref<5x40x256xf32, #tpu.memory_space<vmem>>, vector<1x1x16xf32>,
        %get3A_630 = vector.shape_cast %get3A_629 : vector<1x1x16xf32> to vector<16xf32>
        %add3A_631 = arith.addf %add3A_515, %get3A_630 : vector<16xf32>
        %get3A_632 = arith.constant 1 : i32
        %get3A_633 = arith.index_cast %get3A_632 : i32 to index
        %get3A_634 = arith.index_cast %add3A_561 : i32 to index
        %get3A_635 = arith.constant 160 : index
        %get3A_636 = tpu.vector_load %arg6[%get3A_633, %get3A_634, %get3A_635] {strides = array<i32>} : memref<5x40x256xf32, #tpu.memory_space<vmem>>, vector<1x1x16xf32>,
        %get3A_637 = vector.shape_cast %get3A_636 : vector<1x1x16xf32> to vector<16xf32>
        %add3A_638 = arith.addf %add3A_522, %get3A_637 : vector<16xf32>
        %get3A_639 = arith.constant 1 : i32
        %get3A_640 = arith.index_cast %get3A_639 : i32 to index
        %get3A_641 = arith.index_cast %add3A_561 : i32 to index
        %get3A_642 = arith.constant 176 : index
        %get3A_643 = tpu.vector_load %arg6[%get3A_640, %get3A_641, %get3A_642] {strides = array<i32>} : memref<5x40x256xf32, #tpu.memory_space<vmem>>, vector<1x1x16xf32>,
        %get3A_644 = vector.shape_cast %get3A_643 : vector<1x1x16xf32> to vector<16xf32>
        %add3A_645 = arith.addf %add3A_529, %get3A_644 : vector<16xf32>
        %get3A_646 = arith.constant 1 : i32
        %get3A_647 = arith.index_cast %get3A_646 : i32 to index
        %get3A_648 = arith.index_cast %add3A_561 : i32 to index
        %get3A_649 = arith.constant 192 : index
        %get3A_650 = tpu.vector_load %arg6[%get3A_647, %get3A_648, %get3A_649] {strides = array<i32>} : memref<5x40x256xf32, #tpu.memory_space<vmem>>, vector<1x1x16xf32>,
        %get3A_651 = vector.shape_cast %get3A_650 : vector<1x1x16xf32> to vector<16xf32>
        %add3A_652 = arith.addf %add3A_536, %get3A_651 : vector<16xf32>
        %get3A_653 = arith.constant 1 : i32
        %get3A_654 = arith.index_cast %get3A_653 : i32 to index
        %get3A_655 = arith.index_cast %add3A_561 : i32 to index
        %get3A_656 = arith.constant 208 : index
        %get3A_657 = tpu.vector_load %arg6[%get3A_654, %get3A_655, %get3A_656] {strides = array<i32>} : memref<5x40x256xf32, #tpu.memory_space<vmem>>, vector<1x1x16xf32>,
        %get3A_658 = vector.shape_cast %get3A_657 : vector<1x1x16xf32> to vector<16xf32>
        %add3A_659 = arith.addf %add3A_543, %get3A_658 : vector<16xf32>
        %get3A_660 = arith.constant 1 : i32
        %get3A_661 = arith.index_cast %get3A_660 : i32 to index
        %get3A_662 = arith.index_cast %add3A_561 : i32 to index
        %get3A_663 = arith.constant 224 : index
        %get3A_664 = tpu.vector_load %arg6[%get3A_661, %get3A_662, %get3A_663] {strides = array<i32>} : memref<5x40x256xf32, #tpu.memory_space<vmem>>, vector<1x1x16xf32>,
        %get3A_665 = vector.shape_cast %get3A_664 : vector<1x1x16xf32> to vector<16xf32>
        %add3A_666 = arith.addf %add3A_550, %get3A_665 : vector<16xf32>
        %get3A_667 = arith.constant 1 : i32
        %get3A_668 = arith.index_cast %get3A_667 : i32 to index
        %get3A_669 = arith.index_cast %add3A_561 : i32 to index
        %get3A_670 = arith.constant 240 : index
        %get3A_671 = tpu.vector_load %arg6[%get3A_668, %get3A_669, %get3A_670] {strides = array<i32>} : memref<5x40x256xf32, #tpu.memory_space<vmem>>, vector<1x1x16xf32>,
        %get3A_672 = vector.shape_cast %get3A_671 : vector<1x1x16xf32> to vector<16xf32>
        %add3A_673 = arith.addf %add3A_557, %get3A_672 : vector<16xf32>
        %mul3A_674 = arith.constant 4 : i32
        %mul3A_675 = arith.muli %scan3A_426, %mul3A_674 : i32
        %add3A_676 = arith.constant 2 : i32
        %add3A_677 = arith.addi %mul3A_675, %add3A_676 : i32
        %get3A_678 = arith.constant 1 : i32
        %get3A_679 = arith.index_cast %get3A_678 : i32 to index
        %get3A_680 = arith.index_cast %add3A_677 : i32 to index
        %get3A_681 = arith.constant 0 : index
        %get3A_682 = tpu.vector_load %arg6[%get3A_679, %get3A_680, %get3A_681] {strides = array<i32>} : memref<5x40x256xf32, #tpu.memory_space<vmem>>, vector<1x1x16xf32>,
        %get3A_683 = vector.shape_cast %get3A_682 : vector<1x1x16xf32> to vector<16xf32>
        %add3A_684 = arith.addf %add3A_568, %get3A_683 : vector<16xf32>
        %get3A_685 = arith.constant 1 : i32
        %get3A_686 = arith.index_cast %get3A_685 : i32 to index
        %get3A_687 = arith.index_cast %add3A_677 : i32 to index
        %get3A_688 = arith.constant 16 : index
        %get3A_689 = tpu.vector_load %arg6[%get3A_686, %get3A_687, %get3A_688] {strides = array<i32>} : memref<5x40x256xf32, #tpu.memory_space<vmem>>, vector<1x1x16xf32>,
        %get3A_690 = vector.shape_cast %get3A_689 : vector<1x1x16xf32> to vector<16xf32>
        %add3A_691 = arith.addf %add3A_575, %get3A_690 : vector<16xf32>
        %get3A_692 = arith.constant 1 : i32
        %get3A_693 = arith.index_cast %get3A_692 : i32 to index
        %get3A_694 = arith.index_cast %add3A_677 : i32 to index
        %get3A_695 = arith.constant 32 : index
        %get3A_696 = tpu.vector_load %arg6[%get3A_693, %get3A_694, %get3A_695] {strides = array<i32>} : memref<5x40x256xf32, #tpu.memory_space<vmem>>, vector<1x1x16xf32>,
        %get3A_697 = vector.shape_cast %get3A_696 : vector<1x1x16xf32> to vector<16xf32>
        %add3A_698 = arith.addf %add3A_582, %get3A_697 : vector<16xf32>
        %get3A_699 = arith.constant 1 : i32
        %get3A_700 = arith.index_cast %get3A_699 : i32 to index
        %get3A_701 = arith.index_cast %add3A_677 : i32 to index
        %get3A_702 = arith.constant 48 : index
        %get3A_703 = tpu.vector_load %arg6[%get3A_700, %get3A_701, %get3A_702] {strides = array<i32>} : memref<5x40x256xf32, #tpu.memory_space<vmem>>, vector<1x1x16xf32>,
        %get3A_704 = vector.shape_cast %get3A_703 : vector<1x1x16xf32> to vector<16xf32>
        %add3A_705 = arith.addf %add3A_589, %get3A_704 : vector<16xf32>
        %get3A_706 = arith.constant 1 : i32
        %get3A_707 = arith.index_cast %get3A_706 : i32 to index
        %get3A_708 = arith.index_cast %add3A_677 : i32 to index
        %get3A_709 = arith.constant 64 : index
        %get3A_710 = tpu.vector_load %arg6[%get3A_707, %get3A_708, %get3A_709] {strides = array<i32>} : memref<5x40x256xf32, #tpu.memory_space<vmem>>, vector<1x1x16xf32>,
        %get3A_711 = vector.shape_cast %get3A_710 : vector<1x1x16xf32> to vector<16xf32>
        %add3A_712 = arith.addf %add3A_596, %get3A_711 : vector<16xf32>
        %get3A_713 = arith.constant 1 : i32
        %get3A_714 = arith.index_cast %get3A_713 : i32 to index
        %get3A_715 = arith.index_cast %add3A_677 : i32 to index
        %get3A_716 = arith.constant 80 : index
        %get3A_717 = tpu.vector_load %arg6[%get3A_714, %get3A_715, %get3A_716] {strides = array<i32>} : memref<5x40x256xf32, #tpu.memory_space<vmem>>, vector<1x1x16xf32>,
        %get3A_718 = vector.shape_cast %get3A_717 : vector<1x1x16xf32> to vector<16xf32>
        %add3A_719 = arith.addf %add3A_603, %get3A_718 : vector<16xf32>
        %get3A_720 = arith.constant 1 : i32
        %get3A_721 = arith.index_cast %get3A_720 : i32 to index
        %get3A_722 = arith.index_cast %add3A_677 : i32 to index
        %get3A_723 = arith.constant 96 : index
        %get3A_724 = tpu.vector_load %arg6[%get3A_721, %get3A_722, %get3A_723] {strides = array<i32>} : memref<5x40x256xf32, #tpu.memory_space<vmem>>, vector<1x1x16xf32>,
        %get3A_725 = vector.shape_cast %get3A_724 : vector<1x1x16xf32> to vector<16xf32>
        %add3A_726 = arith.addf %add3A_610, %get3A_725 : vector<16xf32>
        %get3A_727 = arith.constant 1 : i32
        %get3A_728 = arith.index_cast %get3A_727 : i32 to index
        %get3A_729 = arith.index_cast %add3A_677 : i32 to index
        %get3A_730 = arith.constant 112 : index
        %get3A_731 = tpu.vector_load %arg6[%get3A_728, %get3A_729, %get3A_730] {strides = array<i32>} : memref<5x40x256xf32, #tpu.memory_space<vmem>>, vector<1x1x16xf32>,
        %get3A_732 = vector.shape_cast %get3A_731 : vector<1x1x16xf32> to vector<16xf32>
        %add3A_733 = arith.addf %add3A_617, %get3A_732 : vector<16xf32>
        %get3A_734 = arith.constant 1 : i32
        %get3A_735 = arith.index_cast %get3A_734 : i32 to index
        %get3A_736 = arith.index_cast %add3A_677 : i32 to index
        %get3A_737 = arith.constant 128 : index
        %get3A_738 = tpu.vector_load %arg6[%get3A_735, %get3A_736, %get3A_737] {strides = array<i32>} : memref<5x40x256xf32, #tpu.memory_space<vmem>>, vector<1x1x16xf32>,
        %get3A_739 = vector.shape_cast %get3A_738 : vector<1x1x16xf32> to vector<16xf32>
        %add3A_740 = arith.addf %add3A_624, %get3A_739 : vector<16xf32>
        %get3A_741 = arith.constant 1 : i32
        %get3A_742 = arith.index_cast %get3A_741 : i32 to index
        %get3A_743 = arith.index_cast %add3A_677 : i32 to index
        %get3A_744 = arith.constant 144 : index
        %get3A_745 = tpu.vector_load %arg6[%get3A_742, %get3A_743, %get3A_744] {strides = array<i32>} : memref<5x40x256xf32, #tpu.memory_space<vmem>>, vector<1x1x16xf32>,
        %get3A_746 = vector.shape_cast %get3A_745 : vector<1x1x16xf32> to vector<16xf32>
        %add3A_747 = arith.addf %add3A_631, %get3A_746 : vector<16xf32>
        %get3A_748 = arith.constant 1 : i32
        %get3A_749 = arith.index_cast %get3A_748 : i32 to index
        %get3A_750 = arith.index_cast %add3A_677 : i32 to index
        %get3A_751 = arith.constant 160 : index
        %get3A_752 = tpu.vector_load %arg6[%get3A_749, %get3A_750, %get3A_751] {strides = array<i32>} : memref<5x40x256xf32, #tpu.memory_space<vmem>>, vector<1x1x16xf32>,
        %get3A_753 = vector.shape_cast %get3A_752 : vector<1x1x16xf32> to vector<16xf32>
        %add3A_754 = arith.addf %add3A_638, %get3A_753 : vector<16xf32>
        %get3A_755 = arith.constant 1 : i32
        %get3A_756 = arith.index_cast %get3A_755 : i32 to index
        %get3A_757 = arith.index_cast %add3A_677 : i32 to index
        %get3A_758 = arith.constant 176 : index
        %get3A_759 = tpu.vector_load %arg6[%get3A_756, %get3A_757, %get3A_758] {strides = array<i32>} : memref<5x40x256xf32, #tpu.memory_space<vmem>>, vector<1x1x16xf32>,
        %get3A_760 = vector.shape_cast %get3A_759 : vector<1x1x16xf32> to vector<16xf32>
        %add3A_761 = arith.addf %add3A_645, %get3A_760 : vector<16xf32>
        %get3A_762 = arith.constant 1 : i32
        %get3A_763 = arith.index_cast %get3A_762 : i32 to index
        %get3A_764 = arith.index_cast %add3A_677 : i32 to index
        %get3A_765 = arith.constant 192 : index
        %get3A_766 = tpu.vector_load %arg6[%get3A_763, %get3A_764, %get3A_765] {strides = array<i32>} : memref<5x40x256xf32, #tpu.memory_space<vmem>>, vector<1x1x16xf32>,
        %get3A_767 = vector.shape_cast %get3A_766 : vector<1x1x16xf32> to vector<16xf32>
        %add3A_768 = arith.addf %add3A_652, %get3A_767 : vector<16xf32>
        %get3A_769 = arith.constant 1 : i32
        %get3A_770 = arith.index_cast %get3A_769 : i32 to index
        %get3A_771 = arith.index_cast %add3A_677 : i32 to index
        %get3A_772 = arith.constant 208 : index
        %get3A_773 = tpu.vector_load %arg6[%get3A_770, %get3A_771, %get3A_772] {strides = array<i32>} : memref<5x40x256xf32, #tpu.memory_space<vmem>>, vector<1x1x16xf32>,
        %get3A_774 = vector.shape_cast %get3A_773 : vector<1x1x16xf32> to vector<16xf32>
        %add3A_775 = arith.addf %add3A_659, %get3A_774 : vector<16xf32>
        %get3A_776 = arith.constant 1 : i32
        %get3A_777 = arith.index_cast %get3A_776 : i32 to index
        %get3A_778 = arith.index_cast %add3A_677 : i32 to index
        %get3A_779 = arith.constant 224 : index
        %get3A_780 = tpu.vector_load %arg6[%get3A_777, %get3A_778, %get3A_779] {strides = array<i32>} : memref<5x40x256xf32, #tpu.memory_space<vmem>>, vector<1x1x16xf32>,
        %get3A_781 = vector.shape_cast %get3A_780 : vector<1x1x16xf32> to vector<16xf32>
        %add3A_782 = arith.addf %add3A_666, %get3A_781 : vector<16xf32>
        %get3A_783 = arith.constant 1 : i32
        %get3A_784 = arith.index_cast %get3A_783 : i32 to index
        %get3A_785 = arith.index_cast %add3A_677 : i32 to index
        %get3A_786 = arith.constant 240 : index
        %get3A_787 = tpu.vector_load %arg6[%get3A_784, %get3A_785, %get3A_786] {strides = array<i32>} : memref<5x40x256xf32, #tpu.memory_space<vmem>>, vector<1x1x16xf32>,
        %get3A_788 = vector.shape_cast %get3A_787 : vector<1x1x16xf32> to vector<16xf32>
        %add3A_789 = arith.addf %add3A_673, %get3A_788 : vector<16xf32>
        %mul3A_790 = arith.constant 4 : i32
        %mul3A_791 = arith.muli %scan3A_426, %mul3A_790 : i32
        %add3A_792 = arith.constant 3 : i32
        %add3A_793 = arith.addi %mul3A_791, %add3A_792 : i32
        %get3A_794 = arith.constant 1 : i32
        %get3A_795 = arith.index_cast %get3A_794 : i32 to index
        %get3A_796 = arith.index_cast %add3A_793 : i32 to index
        %get3A_797 = arith.constant 0 : index
        %get3A_798 = tpu.vector_load %arg6[%get3A_795, %get3A_796, %get3A_797] {strides = array<i32>} : memref<5x40x256xf32, #tpu.memory_space<vmem>>, vector<1x1x16xf32>,
        %get3A_799 = vector.shape_cast %get3A_798 : vector<1x1x16xf32> to vector<16xf32>
        %add3A_800 = arith.addf %add3A_684, %get3A_799 : vector<16xf32>
        %get3A_801 = arith.constant 1 : i32
        %get3A_802 = arith.index_cast %get3A_801 : i32 to index
        %get3A_803 = arith.index_cast %add3A_793 : i32 to index
        %get3A_804 = arith.constant 16 : index
        %get3A_805 = tpu.vector_load %arg6[%get3A_802, %get3A_803, %get3A_804] {strides = array<i32>} : memref<5x40x256xf32, #tpu.memory_space<vmem>>, vector<1x1x16xf32>,
        %get3A_806 = vector.shape_cast %get3A_805 : vector<1x1x16xf32> to vector<16xf32>
        %add3A_807 = arith.addf %add3A_691, %get3A_806 : vector<16xf32>
        %get3A_808 = arith.constant 1 : i32
        %get3A_809 = arith.index_cast %get3A_808 : i32 to index
        %get3A_810 = arith.index_cast %add3A_793 : i32 to index
        %get3A_811 = arith.constant 32 : index
        %get3A_812 = tpu.vector_load %arg6[%get3A_809, %get3A_810, %get3A_811] {strides = array<i32>} : memref<5x40x256xf32, #tpu.memory_space<vmem>>, vector<1x1x16xf32>,
        %get3A_813 = vector.shape_cast %get3A_812 : vector<1x1x16xf32> to vector<16xf32>
        %add3A_814 = arith.addf %add3A_698, %get3A_813 : vector<16xf32>
        %get3A_815 = arith.constant 1 : i32
        %get3A_816 = arith.index_cast %get3A_815 : i32 to index
        %get3A_817 = arith.index_cast %add3A_793 : i32 to index
        %get3A_818 = arith.constant 48 : index
        %get3A_819 = tpu.vector_load %arg6[%get3A_816, %get3A_817, %get3A_818] {strides = array<i32>} : memref<5x40x256xf32, #tpu.memory_space<vmem>>, vector<1x1x16xf32>,
        %get3A_820 = vector.shape_cast %get3A_819 : vector<1x1x16xf32> to vector<16xf32>
        %add3A_821 = arith.addf %add3A_705, %get3A_820 : vector<16xf32>
        %get3A_822 = arith.constant 1 : i32
        %get3A_823 = arith.index_cast %get3A_822 : i32 to index
        %get3A_824 = arith.index_cast %add3A_793 : i32 to index
        %get3A_825 = arith.constant 64 : index
        %get3A_826 = tpu.vector_load %arg6[%get3A_823, %get3A_824, %get3A_825] {strides = array<i32>} : memref<5x40x256xf32, #tpu.memory_space<vmem>>, vector<1x1x16xf32>,
        %get3A_827 = vector.shape_cast %get3A_826 : vector<1x1x16xf32> to vector<16xf32>
        %add3A_828 = arith.addf %add3A_712, %get3A_827 : vector<16xf32>
        %get3A_829 = arith.constant 1 : i32
        %get3A_830 = arith.index_cast %get3A_829 : i32 to index
        %get3A_831 = arith.index_cast %add3A_793 : i32 to index
        %get3A_832 = arith.constant 80 : index
        %get3A_833 = tpu.vector_load %arg6[%get3A_830, %get3A_831, %get3A_832] {strides = array<i32>} : memref<5x40x256xf32, #tpu.memory_space<vmem>>, vector<1x1x16xf32>,
        %get3A_834 = vector.shape_cast %get3A_833 : vector<1x1x16xf32> to vector<16xf32>
        %add3A_835 = arith.addf %add3A_719, %get3A_834 : vector<16xf32>
        %get3A_836 = arith.constant 1 : i32
        %get3A_837 = arith.index_cast %get3A_836 : i32 to index
        %get3A_838 = arith.index_cast %add3A_793 : i32 to index
        %get3A_839 = arith.constant 96 : index
        %get3A_840 = tpu.vector_load %arg6[%get3A_837, %get3A_838, %get3A_839] {strides = array<i32>} : memref<5x40x256xf32, #tpu.memory_space<vmem>>, vector<1x1x16xf32>,
        %get3A_841 = vector.shape_cast %get3A_840 : vector<1x1x16xf32> to vector<16xf32>
        %add3A_842 = arith.addf %add3A_726, %get3A_841 : vector<16xf32>
        %get3A_843 = arith.constant 1 : i32
        %get3A_844 = arith.index_cast %get3A_843 : i32 to index
        %get3A_845 = arith.index_cast %add3A_793 : i32 to index
        %get3A_846 = arith.constant 112 : index
        %get3A_847 = tpu.vector_load %arg6[%get3A_844, %get3A_845, %get3A_846] {strides = array<i32>} : memref<5x40x256xf32, #tpu.memory_space<vmem>>, vector<1x1x16xf32>,
        %get3A_848 = vector.shape_cast %get3A_847 : vector<1x1x16xf32> to vector<16xf32>
        %add3A_849 = arith.addf %add3A_733, %get3A_848 : vector<16xf32>
        %get3A_850 = arith.constant 1 : i32
        %get3A_851 = arith.index_cast %get3A_850 : i32 to index
        %get3A_852 = arith.index_cast %add3A_793 : i32 to index
        %get3A_853 = arith.constant 128 : index
        %get3A_854 = tpu.vector_load %arg6[%get3A_851, %get3A_852, %get3A_853] {strides = array<i32>} : memref<5x40x256xf32, #tpu.memory_space<vmem>>, vector<1x1x16xf32>,
        %get3A_855 = vector.shape_cast %get3A_854 : vector<1x1x16xf32> to vector<16xf32>
        %add3A_856 = arith.addf %add3A_740, %get3A_855 : vector<16xf32>
        %get3A_857 = arith.constant 1 : i32
        %get3A_858 = arith.index_cast %get3A_857 : i32 to index
        %get3A_859 = arith.index_cast %add3A_793 : i32 to index
        %get3A_860 = arith.constant 144 : index
        %get3A_861 = tpu.vector_load %arg6[%get3A_858, %get3A_859, %get3A_860] {strides = array<i32>} : memref<5x40x256xf32, #tpu.memory_space<vmem>>, vector<1x1x16xf32>,
        %get3A_862 = vector.shape_cast %get3A_861 : vector<1x1x16xf32> to vector<16xf32>
        %add3A_863 = arith.addf %add3A_747, %get3A_862 : vector<16xf32>
        %get3A_864 = arith.constant 1 : i32
        %get3A_865 = arith.index_cast %get3A_864 : i32 to index
        %get3A_866 = arith.index_cast %add3A_793 : i32 to index
        %get3A_867 = arith.constant 160 : index
        %get3A_868 = tpu.vector_load %arg6[%get3A_865, %get3A_866, %get3A_867] {strides = array<i32>} : memref<5x40x256xf32, #tpu.memory_space<vmem>>, vector<1x1x16xf32>,
        %get3A_869 = vector.shape_cast %get3A_868 : vector<1x1x16xf32> to vector<16xf32>
        %add3A_870 = arith.addf %add3A_754, %get3A_869 : vector<16xf32>
        %get3A_871 = arith.constant 1 : i32
        %get3A_872 = arith.index_cast %get3A_871 : i32 to index
        %get3A_873 = arith.index_cast %add3A_793 : i32 to index
        %get3A_874 = arith.constant 176 : index
        %get3A_875 = tpu.vector_load %arg6[%get3A_872, %get3A_873, %get3A_874] {strides = array<i32>} : memref<5x40x256xf32, #tpu.memory_space<vmem>>, vector<1x1x16xf32>,
        %get3A_876 = vector.shape_cast %get3A_875 : vector<1x1x16xf32> to vector<16xf32>
        %add3A_877 = arith.addf %add3A_761, %get3A_876 : vector<16xf32>
        %get3A_878 = arith.constant 1 : i32
        %get3A_879 = arith.index_cast %get3A_878 : i32 to index
        %get3A_880 = arith.index_cast %add3A_793 : i32 to index
        %get3A_881 = arith.constant 192 : index
        %get3A_882 = tpu.vector_load %arg6[%get3A_879, %get3A_880, %get3A_881] {strides = array<i32>} : memref<5x40x256xf32, #tpu.memory_space<vmem>>, vector<1x1x16xf32>,
        %get3A_883 = vector.shape_cast %get3A_882 : vector<1x1x16xf32> to vector<16xf32>
        %add3A_884 = arith.addf %add3A_768, %get3A_883 : vector<16xf32>
        %get3A_885 = arith.constant 1 : i32
        %get3A_886 = arith.index_cast %get3A_885 : i32 to index
        %get3A_887 = arith.index_cast %add3A_793 : i32 to index
        %get3A_888 = arith.constant 208 : index
        %get3A_889 = tpu.vector_load %arg6[%get3A_886, %get3A_887, %get3A_888] {strides = array<i32>} : memref<5x40x256xf32, #tpu.memory_space<vmem>>, vector<1x1x16xf32>,
        %get3A_890 = vector.shape_cast %get3A_889 : vector<1x1x16xf32> to vector<16xf32>
        %add3A_891 = arith.addf %add3A_775, %get3A_890 : vector<16xf32>
        %get3A_892 = arith.constant 1 : i32
        %get3A_893 = arith.index_cast %get3A_892 : i32 to index
        %get3A_894 = arith.index_cast %add3A_793 : i32 to index
        %get3A_895 = arith.constant 224 : index
        %get3A_896 = tpu.vector_load %arg6[%get3A_893, %get3A_894, %get3A_895] {strides = array<i32>} : memref<5x40x256xf32, #tpu.memory_space<vmem>>, vector<1x1x16xf32>,
        %get3A_897 = vector.shape_cast %get3A_896 : vector<1x1x16xf32> to vector<16xf32>
        %add3A_898 = arith.addf %add3A_782, %get3A_897 : vector<16xf32>
        %get3A_899 = arith.constant 1 : i32
        %get3A_900 = arith.index_cast %get3A_899 : i32 to index
        %get3A_901 = arith.index_cast %add3A_793 : i32 to index
        %get3A_902 = arith.constant 240 : index
        %get3A_903 = tpu.vector_load %arg6[%get3A_900, %get3A_901, %get3A_902] {strides = array<i32>} : memref<5x40x256xf32, #tpu.memory_space<vmem>>, vector<1x1x16xf32>,
        %get3A_904 = vector.shape_cast %get3A_903 : vector<1x1x16xf32> to vector<16xf32>
        %add3A_905 = arith.addf %add3A_789, %get3A_904 : vector<16xf32>
        scf.yield %add3A_800, %add3A_807, %add3A_814, %add3A_821, %add3A_828, %add3A_835, %add3A_842, %add3A_849, %add3A_856, %add3A_863, %add3A_870, %add3A_877, %add3A_884, %add3A_891, %add3A_898, %add3A_905 : vector<16xf32>, vector<16xf32>, vector<16xf32>, vector<16xf32>, vector<16xf32>, vector<16xf32>, vector<16xf32>, vector<16xf32>, vector<16xf32>, vector<16xf32>, vector<16xf32>, vector<16xf32>, vector<16xf32>, vector<16xf32>, vector<16xf32>, vector<16xf32>
      }
      %scan3A_206 = arith.constant 10 : i32
      %add3A_207 = arith.constant 2 : i32
      %add3A_208 = arith.addi %mul3A_113, %add3A_207 : i32
      %add3A_209 = arith.constant 4 : i32
      %add3A_210 = arith.addi %add3A_208, %add3A_209 : i32
      %lt3A_211 = arith.constant 640 : i32
      %lt3A_212 = arith.cmpi slt, %add3A_210, %lt3A_211 : i32
      %convert_element_type3A_213 = arith.extui %lt3A_212 : i1 to i32
      %cond3A_214 = arith.constant 0 : i32
      %cond3A_215 = arith.cmpi ne, %convert_element_type3A_213, %cond3A_214 : i32
      scf.if %cond3A_215 {
        %add3A_426 = arith.constant 2 : i32
        %add3A_427 = arith.addi %mul3A_113, %add3A_426 : i32
        %add3A_428 = arith.constant 4 : i32
        %add3A_429 = arith.addi %add3A_427, %add3A_428 : i32
        %mul3A_430 = arith.constant 40 : i32
        %mul3A_431 = arith.muli %add3A_429, %mul3A_430 : i32
        %dma_start3A_432 = arith.constant 1 : i32
        %dma_start3A_433 = arith.constant 1 : i32
        %dma_start3A_434 = arith.constant 0 : i32
        %dma_start3A_435 = arith.constant 0 : i32
        %dma_start3A_436 = tpu.memref_slice %arg6[%dma_start3A_432, %dma_start3A_434, %dma_start3A_435] : memref<5x40x256xf32, #tpu.memory_space<vmem>> -> memref<1x40x256xf32, #tpu.memory_space<vmem>>
        %dma_start3A_437 = tpu.memref_squeeze %dma_start3A_436 : memref<1x40x256xf32, #tpu.memory_space<vmem>> -> memref<40x256xf32, #tpu.memory_space<vmem>>
        %dma_start3A_438 = tpu.memref_slice %arg5[%mul3A_431] : memref<25600xi32, #tpu.memory_space<vmem>> -> memref<40xi32, #tpu.memory_space<vmem>>
        %dma_start3A_439 = arith.constant 0 : i32
        %dma_start3A_440 = arith.constant 0 : i32
        %dma_start3A_441 = tpu.memref_slice %arg3[%dma_start3A_439, %dma_start3A_440] : memref<10000x256xf32, #tpu.memory_space<hbm>> -> memref<10000x256xf32, #tpu.memory_space<hbm>>
        %dma_start3A_442 = tpu.memref_slice %arg8[%dma_start3A_433] : memref<5x!tpu.dma_semaphore, #tpu.memory_space<semaphore_mem>> -> memref<1x!tpu.dma_semaphore, #tpu.memory_space<semaphore_mem>>
        %dma_start3A_443 = tpu.memref_squeeze %dma_start3A_442 : memref<1x!tpu.dma_semaphore, #tpu.memory_space<semaphore_mem>> -> memref<!tpu.dma_semaphore, #tpu.memory_space<semaphore_mem>>
        tpu.enqueue_indirect_dma source(%dma_start3A_441 : memref<10000x256xf32, #tpu.memory_space<hbm>>) target(%dma_start3A_437 : memref<40x256xf32, #tpu.memory_space<vmem>>) offsets(%dma_start3A_438 : memref<40xi32, #tpu.memory_space<vmem>>) semaphore(%dma_start3A_443 : memref<!tpu.dma_semaphore, #tpu.memory_space<semaphore_mem>>)
      } else {
      }
      %add3A_216 = arith.constant 2 : i32
      %add3A_217 = arith.addi %mul3A_113, %add3A_216 : i32
      %mul3A_218 = arith.constant 40 : i32
      %mul3A_219 = arith.muli %add3A_217, %mul3A_218 : i32
      %dma_wait3A_220 = arith.constant 2 : i32
      %dma_wait3A_221 = arith.constant 2 : i32
      %dma_wait3A_222 = arith.constant 0 : i32
      %dma_wait3A_223 = arith.constant 0 : i32
      %dma_wait3A_224 = tpu.memref_slice %arg6[%dma_wait3A_220, %dma_wait3A_222, %dma_wait3A_223] : memref<5x40x256xf32, #tpu.memory_space<vmem>> -> memref<1x40x256xf32, #tpu.memory_space<vmem>>
      %dma_wait3A_225 = tpu.memref_squeeze %dma_wait3A_224 : memref<1x40x256xf32, #tpu.memory_space<vmem>> -> memref<40x256xf32, #tpu.memory_space<vmem>>
      %dma_wait3A_226 = tpu.memref_slice %arg5[%mul3A_219] : memref<25600xi32, #tpu.memory_space<vmem>> -> memref<40xi32, #tpu.memory_space<vmem>>
      %dma_wait3A_227 = arith.constant 0 : i32
      %dma_wait3A_228 = arith.constant 0 : i32
      %dma_wait3A_229 = tpu.memref_slice %arg3[%dma_wait3A_227, %dma_wait3A_228] : memref<10000x256xf32, #tpu.memory_space<hbm>> -> memref<10000x256xf32, #tpu.memory_space<hbm>>
      %dma_wait3A_230 = tpu.memref_slice %arg8[%dma_wait3A_221] : memref<5x!tpu.dma_semaphore, #tpu.memory_space<semaphore_mem>> -> memref<1x!tpu.dma_semaphore, #tpu.memory_space<semaphore_mem>>
      %dma_wait3A_231 = tpu.memref_squeeze %dma_wait3A_230 : memref<1x!tpu.dma_semaphore, #tpu.memory_space<semaphore_mem>> -> memref<!tpu.dma_semaphore, #tpu.memory_space<semaphore_mem>>
      tpu.wait_indirect_dma semaphore(%dma_wait3A_231 : memref<!tpu.dma_semaphore, #tpu.memory_space<semaphore_mem>>) src(%dma_wait3A_229 : memref<10000x256xf32, #tpu.memory_space<hbm>>) dst(%dma_wait3A_225 : memref<40x256xf32, #tpu.memory_space<vmem>>)
      %scan3A_232 = arith.constant 0 : i32
      %scan3A_233 = arith.constant 10 : i32
      %scan3A_234 = arith.addi %scan3A_232, %scan3A_233 : i32
      %scan3A_235 = arith.constant 1 : i32
      %scan3A_236:16 = scf.for %scan3A_426 = %scan3A_232 to %scan3A_234 step %scan3A_235 iter_args(%scan3A_427 = %scan3A_205#0, %scan3A_428 = %scan3A_205#1, %scan3A_429 = %scan3A_205#2, %scan3A_430 = %scan3A_205#3, %scan3A_431 = %scan3A_205#4, %scan3A_432 = %scan3A_205#5, %scan3A_433 = %scan3A_205#6, %scan3A_434 = %scan3A_205#7, %scan3A_435 = %scan3A_205#8, %scan3A_436 = %scan3A_205#9, %scan3A_437 = %scan3A_205#10, %scan3A_438 = %scan3A_205#11, %scan3A_439 = %scan3A_205#12, %scan3A_440 = %scan3A_205#13, %scan3A_441 = %scan3A_205#14, %scan3A_442 = %scan3A_205#15) -> (vector<16xf32>, vector<16xf32>, vector<16xf32>, vector<16xf32>, vector<16xf32>, vector<16xf32>, vector<16xf32>, vector<16xf32>, vector<16xf32>, vector<16xf32>, vector<16xf32>, vector<16xf32>, vector<16xf32>, vector<16xf32>, vector<16xf32>, vector<16xf32>)  : i32 {
        %mul3A_443 = arith.constant 4 : i32
        %mul3A_444 = arith.muli %scan3A_426, %mul3A_443 : i32
        %add3A_445 = arith.constant 0 : i32
        %add3A_446 = arith.addi %mul3A_444, %add3A_445 : i32
        %get3A = arith.constant 2 : i32
        %get3A_447 = arith.index_cast %get3A : i32 to index
        %get3A_448 = arith.index_cast %add3A_446 : i32 to index
        %get3A_449 = arith.constant 0 : index
        %get3A_450 = tpu.vector_load %arg6[%get3A_447, %get3A_448, %get3A_449] {strides = array<i32>} : memref<5x40x256xf32, #tpu.memory_space<vmem>>, vector<1x1x16xf32>,
        %get3A_451 = vector.shape_cast %get3A_450 : vector<1x1x16xf32> to vector<16xf32>
        %add3A_452 = arith.addf %scan3A_427, %get3A_451 : vector<16xf32>
        %get3A_453 = arith.constant 2 : i32
        %get3A_454 = arith.index_cast %get3A_453 : i32 to index
        %get3A_455 = arith.index_cast %add3A_446 : i32 to index
        %get3A_456 = arith.constant 16 : index
        %get3A_457 = tpu.vector_load %arg6[%get3A_454, %get3A_455, %get3A_456] {strides = array<i32>} : memref<5x40x256xf32, #tpu.memory_space<vmem>>, vector<1x1x16xf32>,
        %get3A_458 = vector.shape_cast %get3A_457 : vector<1x1x16xf32> to vector<16xf32>
        %add3A_459 = arith.addf %scan3A_428, %get3A_458 : vector<16xf32>
        %get3A_460 = arith.constant 2 : i32
        %get3A_461 = arith.index_cast %get3A_460 : i32 to index
        %get3A_462 = arith.index_cast %add3A_446 : i32 to index
        %get3A_463 = arith.constant 32 : index
        %get3A_464 = tpu.vector_load %arg6[%get3A_461, %get3A_462, %get3A_463] {strides = array<i32>} : memref<5x40x256xf32, #tpu.memory_space<vmem>>, vector<1x1x16xf32>,
        %get3A_465 = vector.shape_cast %get3A_464 : vector<1x1x16xf32> to vector<16xf32>
        %add3A_466 = arith.addf %scan3A_429, %get3A_465 : vector<16xf32>
        %get3A_467 = arith.constant 2 : i32
        %get3A_468 = arith.index_cast %get3A_467 : i32 to index
        %get3A_469 = arith.index_cast %add3A_446 : i32 to index
        %get3A_470 = arith.constant 48 : index
        %get3A_471 = tpu.vector_load %arg6[%get3A_468, %get3A_469, %get3A_470] {strides = array<i32>} : memref<5x40x256xf32, #tpu.memory_space<vmem>>, vector<1x1x16xf32>,
        %get3A_472 = vector.shape_cast %get3A_471 : vector<1x1x16xf32> to vector<16xf32>
        %add3A_473 = arith.addf %scan3A_430, %get3A_472 : vector<16xf32>
        %get3A_474 = arith.constant 2 : i32
        %get3A_475 = arith.index_cast %get3A_474 : i32 to index
        %get3A_476 = arith.index_cast %add3A_446 : i32 to index
        %get3A_477 = arith.constant 64 : index
        %get3A_478 = tpu.vector_load %arg6[%get3A_475, %get3A_476, %get3A_477] {strides = array<i32>} : memref<5x40x256xf32, #tpu.memory_space<vmem>>, vector<1x1x16xf32>,
        %get3A_479 = vector.shape_cast %get3A_478 : vector<1x1x16xf32> to vector<16xf32>
        %add3A_480 = arith.addf %scan3A_431, %get3A_479 : vector<16xf32>
        %get3A_481 = arith.constant 2 : i32
        %get3A_482 = arith.index_cast %get3A_481 : i32 to index
        %get3A_483 = arith.index_cast %add3A_446 : i32 to index
        %get3A_484 = arith.constant 80 : index
        %get3A_485 = tpu.vector_load %arg6[%get3A_482, %get3A_483, %get3A_484] {strides = array<i32>} : memref<5x40x256xf32, #tpu.memory_space<vmem>>, vector<1x1x16xf32>,
        %get3A_486 = vector.shape_cast %get3A_485 : vector<1x1x16xf32> to vector<16xf32>
        %add3A_487 = arith.addf %scan3A_432, %get3A_486 : vector<16xf32>
        %get3A_488 = arith.constant 2 : i32
        %get3A_489 = arith.index_cast %get3A_488 : i32 to index
        %get3A_490 = arith.index_cast %add3A_446 : i32 to index
        %get3A_491 = arith.constant 96 : index
        %get3A_492 = tpu.vector_load %arg6[%get3A_489, %get3A_490, %get3A_491] {strides = array<i32>} : memref<5x40x256xf32, #tpu.memory_space<vmem>>, vector<1x1x16xf32>,
        %get3A_493 = vector.shape_cast %get3A_492 : vector<1x1x16xf32> to vector<16xf32>
        %add3A_494 = arith.addf %scan3A_433, %get3A_493 : vector<16xf32>
        %get3A_495 = arith.constant 2 : i32
        %get3A_496 = arith.index_cast %get3A_495 : i32 to index
        %get3A_497 = arith.index_cast %add3A_446 : i32 to index
        %get3A_498 = arith.constant 112 : index
        %get3A_499 = tpu.vector_load %arg6[%get3A_496, %get3A_497, %get3A_498] {strides = array<i32>} : memref<5x40x256xf32, #tpu.memory_space<vmem>>, vector<1x1x16xf32>,
        %get3A_500 = vector.shape_cast %get3A_499 : vector<1x1x16xf32> to vector<16xf32>
        %add3A_501 = arith.addf %scan3A_434, %get3A_500 : vector<16xf32>
        %get3A_502 = arith.constant 2 : i32
        %get3A_503 = arith.index_cast %get3A_502 : i32 to index
        %get3A_504 = arith.index_cast %add3A_446 : i32 to index
        %get3A_505 = arith.constant 128 : index
        %get3A_506 = tpu.vector_load %arg6[%get3A_503, %get3A_504, %get3A_505] {strides = array<i32>} : memref<5x40x256xf32, #tpu.memory_space<vmem>>, vector<1x1x16xf32>,
        %get3A_507 = vector.shape_cast %get3A_506 : vector<1x1x16xf32> to vector<16xf32>
        %add3A_508 = arith.addf %scan3A_435, %get3A_507 : vector<16xf32>
        %get3A_509 = arith.constant 2 : i32
        %get3A_510 = arith.index_cast %get3A_509 : i32 to index
        %get3A_511 = arith.index_cast %add3A_446 : i32 to index
        %get3A_512 = arith.constant 144 : index
        %get3A_513 = tpu.vector_load %arg6[%get3A_510, %get3A_511, %get3A_512] {strides = array<i32>} : memref<5x40x256xf32, #tpu.memory_space<vmem>>, vector<1x1x16xf32>,
        %get3A_514 = vector.shape_cast %get3A_513 : vector<1x1x16xf32> to vector<16xf32>
        %add3A_515 = arith.addf %scan3A_436, %get3A_514 : vector<16xf32>
        %get3A_516 = arith.constant 2 : i32
        %get3A_517 = arith.index_cast %get3A_516 : i32 to index
        %get3A_518 = arith.index_cast %add3A_446 : i32 to index
        %get3A_519 = arith.constant 160 : index
        %get3A_520 = tpu.vector_load %arg6[%get3A_517, %get3A_518, %get3A_519] {strides = array<i32>} : memref<5x40x256xf32, #tpu.memory_space<vmem>>, vector<1x1x16xf32>,
        %get3A_521 = vector.shape_cast %get3A_520 : vector<1x1x16xf32> to vector<16xf32>
        %add3A_522 = arith.addf %scan3A_437, %get3A_521 : vector<16xf32>
        %get3A_523 = arith.constant 2 : i32
        %get3A_524 = arith.index_cast %get3A_523 : i32 to index
        %get3A_525 = arith.index_cast %add3A_446 : i32 to index
        %get3A_526 = arith.constant 176 : index
        %get3A_527 = tpu.vector_load %arg6[%get3A_524, %get3A_525, %get3A_526] {strides = array<i32>} : memref<5x40x256xf32, #tpu.memory_space<vmem>>, vector<1x1x16xf32>,
        %get3A_528 = vector.shape_cast %get3A_527 : vector<1x1x16xf32> to vector<16xf32>
        %add3A_529 = arith.addf %scan3A_438, %get3A_528 : vector<16xf32>
        %get3A_530 = arith.constant 2 : i32
        %get3A_531 = arith.index_cast %get3A_530 : i32 to index
        %get3A_532 = arith.index_cast %add3A_446 : i32 to index
        %get3A_533 = arith.constant 192 : index
        %get3A_534 = tpu.vector_load %arg6[%get3A_531, %get3A_532, %get3A_533] {strides = array<i32>} : memref<5x40x256xf32, #tpu.memory_space<vmem>>, vector<1x1x16xf32>,
        %get3A_535 = vector.shape_cast %get3A_534 : vector<1x1x16xf32> to vector<16xf32>
        %add3A_536 = arith.addf %scan3A_439, %get3A_535 : vector<16xf32>
        %get3A_537 = arith.constant 2 : i32
        %get3A_538 = arith.index_cast %get3A_537 : i32 to index
        %get3A_539 = arith.index_cast %add3A_446 : i32 to index
        %get3A_540 = arith.constant 208 : index
        %get3A_541 = tpu.vector_load %arg6[%get3A_538, %get3A_539, %get3A_540] {strides = array<i32>} : memref<5x40x256xf32, #tpu.memory_space<vmem>>, vector<1x1x16xf32>,
        %get3A_542 = vector.shape_cast %get3A_541 : vector<1x1x16xf32> to vector<16xf32>
        %add3A_543 = arith.addf %scan3A_440, %get3A_542 : vector<16xf32>
        %get3A_544 = arith.constant 2 : i32
        %get3A_545 = arith.index_cast %get3A_544 : i32 to index
        %get3A_546 = arith.index_cast %add3A_446 : i32 to index
        %get3A_547 = arith.constant 224 : index
        %get3A_548 = tpu.vector_load %arg6[%get3A_545, %get3A_546, %get3A_547] {strides = array<i32>} : memref<5x40x256xf32, #tpu.memory_space<vmem>>, vector<1x1x16xf32>,
        %get3A_549 = vector.shape_cast %get3A_548 : vector<1x1x16xf32> to vector<16xf32>
        %add3A_550 = arith.addf %scan3A_441, %get3A_549 : vector<16xf32>
        %get3A_551 = arith.constant 2 : i32
        %get3A_552 = arith.index_cast %get3A_551 : i32 to index
        %get3A_553 = arith.index_cast %add3A_446 : i32 to index
        %get3A_554 = arith.constant 240 : index
        %get3A_555 = tpu.vector_load %arg6[%get3A_552, %get3A_553, %get3A_554] {strides = array<i32>} : memref<5x40x256xf32, #tpu.memory_space<vmem>>, vector<1x1x16xf32>,
        %get3A_556 = vector.shape_cast %get3A_555 : vector<1x1x16xf32> to vector<16xf32>
        %add3A_557 = arith.addf %scan3A_442, %get3A_556 : vector<16xf32>
        %mul3A_558 = arith.constant 4 : i32
        %mul3A_559 = arith.muli %scan3A_426, %mul3A_558 : i32
        %add3A_560 = arith.constant 1 : i32
        %add3A_561 = arith.addi %mul3A_559, %add3A_560 : i32
        %get3A_562 = arith.constant 2 : i32
        %get3A_563 = arith.index_cast %get3A_562 : i32 to index
        %get3A_564 = arith.index_cast %add3A_561 : i32 to index
        %get3A_565 = arith.constant 0 : index
        %get3A_566 = tpu.vector_load %arg6[%get3A_563, %get3A_564, %get3A_565] {strides = array<i32>} : memref<5x40x256xf32, #tpu.memory_space<vmem>>, vector<1x1x16xf32>,
        %get3A_567 = vector.shape_cast %get3A_566 : vector<1x1x16xf32> to vector<16xf32>
        %add3A_568 = arith.addf %add3A_452, %get3A_567 : vector<16xf32>
        %get3A_569 = arith.constant 2 : i32
        %get3A_570 = arith.index_cast %get3A_569 : i32 to index
        %get3A_571 = arith.index_cast %add3A_561 : i32 to index
        %get3A_572 = arith.constant 16 : index
        %get3A_573 = tpu.vector_load %arg6[%get3A_570, %get3A_571, %get3A_572] {strides = array<i32>} : memref<5x40x256xf32, #tpu.memory_space<vmem>>, vector<1x1x16xf32>,
        %get3A_574 = vector.shape_cast %get3A_573 : vector<1x1x16xf32> to vector<16xf32>
        %add3A_575 = arith.addf %add3A_459, %get3A_574 : vector<16xf32>
        %get3A_576 = arith.constant 2 : i32
        %get3A_577 = arith.index_cast %get3A_576 : i32 to index
        %get3A_578 = arith.index_cast %add3A_561 : i32 to index
        %get3A_579 = arith.constant 32 : index
        %get3A_580 = tpu.vector_load %arg6[%get3A_577, %get3A_578, %get3A_579] {strides = array<i32>} : memref<5x40x256xf32, #tpu.memory_space<vmem>>, vector<1x1x16xf32>,
        %get3A_581 = vector.shape_cast %get3A_580 : vector<1x1x16xf32> to vector<16xf32>
        %add3A_582 = arith.addf %add3A_466, %get3A_581 : vector<16xf32>
        %get3A_583 = arith.constant 2 : i32
        %get3A_584 = arith.index_cast %get3A_583 : i32 to index
        %get3A_585 = arith.index_cast %add3A_561 : i32 to index
        %get3A_586 = arith.constant 48 : index
        %get3A_587 = tpu.vector_load %arg6[%get3A_584, %get3A_585, %get3A_586] {strides = array<i32>} : memref<5x40x256xf32, #tpu.memory_space<vmem>>, vector<1x1x16xf32>,
        %get3A_588 = vector.shape_cast %get3A_587 : vector<1x1x16xf32> to vector<16xf32>
        %add3A_589 = arith.addf %add3A_473, %get3A_588 : vector<16xf32>
        %get3A_590 = arith.constant 2 : i32
        %get3A_591 = arith.index_cast %get3A_590 : i32 to index
        %get3A_592 = arith.index_cast %add3A_561 : i32 to index
        %get3A_593 = arith.constant 64 : index
        %get3A_594 = tpu.vector_load %arg6[%get3A_591, %get3A_592, %get3A_593] {strides = array<i32>} : memref<5x40x256xf32, #tpu.memory_space<vmem>>, vector<1x1x16xf32>,
        %get3A_595 = vector.shape_cast %get3A_594 : vector<1x1x16xf32> to vector<16xf32>
        %add3A_596 = arith.addf %add3A_480, %get3A_595 : vector<16xf32>
        %get3A_597 = arith.constant 2 : i32
        %get3A_598 = arith.index_cast %get3A_597 : i32 to index
        %get3A_599 = arith.index_cast %add3A_561 : i32 to index
        %get3A_600 = arith.constant 80 : index
        %get3A_601 = tpu.vector_load %arg6[%get3A_598, %get3A_599, %get3A_600] {strides = array<i32>} : memref<5x40x256xf32, #tpu.memory_space<vmem>>, vector<1x1x16xf32>,
        %get3A_602 = vector.shape_cast %get3A_601 : vector<1x1x16xf32> to vector<16xf32>
        %add3A_603 = arith.addf %add3A_487, %get3A_602 : vector<16xf32>
        %get3A_604 = arith.constant 2 : i32
        %get3A_605 = arith.index_cast %get3A_604 : i32 to index
        %get3A_606 = arith.index_cast %add3A_561 : i32 to index
        %get3A_607 = arith.constant 96 : index
        %get3A_608 = tpu.vector_load %arg6[%get3A_605, %get3A_606, %get3A_607] {strides = array<i32>} : memref<5x40x256xf32, #tpu.memory_space<vmem>>, vector<1x1x16xf32>,
        %get3A_609 = vector.shape_cast %get3A_608 : vector<1x1x16xf32> to vector<16xf32>
        %add3A_610 = arith.addf %add3A_494, %get3A_609 : vector<16xf32>
        %get3A_611 = arith.constant 2 : i32
        %get3A_612 = arith.index_cast %get3A_611 : i32 to index
        %get3A_613 = arith.index_cast %add3A_561 : i32 to index
        %get3A_614 = arith.constant 112 : index
        %get3A_615 = tpu.vector_load %arg6[%get3A_612, %get3A_613, %get3A_614] {strides = array<i32>} : memref<5x40x256xf32, #tpu.memory_space<vmem>>, vector<1x1x16xf32>,
        %get3A_616 = vector.shape_cast %get3A_615 : vector<1x1x16xf32> to vector<16xf32>
        %add3A_617 = arith.addf %add3A_501, %get3A_616 : vector<16xf32>
        %get3A_618 = arith.constant 2 : i32
        %get3A_619 = arith.index_cast %get3A_618 : i32 to index
        %get3A_620 = arith.index_cast %add3A_561 : i32 to index
        %get3A_621 = arith.constant 128 : index
        %get3A_622 = tpu.vector_load %arg6[%get3A_619, %get3A_620, %get3A_621] {strides = array<i32>} : memref<5x40x256xf32, #tpu.memory_space<vmem>>, vector<1x1x16xf32>,
        %get3A_623 = vector.shape_cast %get3A_622 : vector<1x1x16xf32> to vector<16xf32>
        %add3A_624 = arith.addf %add3A_508, %get3A_623 : vector<16xf32>
        %get3A_625 = arith.constant 2 : i32
        %get3A_626 = arith.index_cast %get3A_625 : i32 to index
        %get3A_627 = arith.index_cast %add3A_561 : i32 to index
        %get3A_628 = arith.constant 144 : index
        %get3A_629 = tpu.vector_load %arg6[%get3A_626, %get3A_627, %get3A_628] {strides = array<i32>} : memref<5x40x256xf32, #tpu.memory_space<vmem>>, vector<1x1x16xf32>,
        %get3A_630 = vector.shape_cast %get3A_629 : vector<1x1x16xf32> to vector<16xf32>
        %add3A_631 = arith.addf %add3A_515, %get3A_630 : vector<16xf32>
        %get3A_632 = arith.constant 2 : i32
        %get3A_633 = arith.index_cast %get3A_632 : i32 to index
        %get3A_634 = arith.index_cast %add3A_561 : i32 to index
        %get3A_635 = arith.constant 160 : index
        %get3A_636 = tpu.vector_load %arg6[%get3A_633, %get3A_634, %get3A_635] {strides = array<i32>} : memref<5x40x256xf32, #tpu.memory_space<vmem>>, vector<1x1x16xf32>,
        %get3A_637 = vector.shape_cast %get3A_636 : vector<1x1x16xf32> to vector<16xf32>
        %add3A_638 = arith.addf %add3A_522, %get3A_637 : vector<16xf32>
        %get3A_639 = arith.constant 2 : i32
        %get3A_640 = arith.index_cast %get3A_639 : i32 to index
        %get3A_641 = arith.index_cast %add3A_561 : i32 to index
        %get3A_642 = arith.constant 176 : index
        %get3A_643 = tpu.vector_load %arg6[%get3A_640, %get3A_641, %get3A_642] {strides = array<i32>} : memref<5x40x256xf32, #tpu.memory_space<vmem>>, vector<1x1x16xf32>,
        %get3A_644 = vector.shape_cast %get3A_643 : vector<1x1x16xf32> to vector<16xf32>
        %add3A_645 = arith.addf %add3A_529, %get3A_644 : vector<16xf32>
        %get3A_646 = arith.constant 2 : i32
        %get3A_647 = arith.index_cast %get3A_646 : i32 to index
        %get3A_648 = arith.index_cast %add3A_561 : i32 to index
        %get3A_649 = arith.constant 192 : index
        %get3A_650 = tpu.vector_load %arg6[%get3A_647, %get3A_648, %get3A_649] {strides = array<i32>} : memref<5x40x256xf32, #tpu.memory_space<vmem>>, vector<1x1x16xf32>,
        %get3A_651 = vector.shape_cast %get3A_650 : vector<1x1x16xf32> to vector<16xf32>
        %add3A_652 = arith.addf %add3A_536, %get3A_651 : vector<16xf32>
        %get3A_653 = arith.constant 2 : i32
        %get3A_654 = arith.index_cast %get3A_653 : i32 to index
        %get3A_655 = arith.index_cast %add3A_561 : i32 to index
        %get3A_656 = arith.constant 208 : index
        %get3A_657 = tpu.vector_load %arg6[%get3A_654, %get3A_655, %get3A_656] {strides = array<i32>} : memref<5x40x256xf32, #tpu.memory_space<vmem>>, vector<1x1x16xf32>,
        %get3A_658 = vector.shape_cast %get3A_657 : vector<1x1x16xf32> to vector<16xf32>
        %add3A_659 = arith.addf %add3A_543, %get3A_658 : vector<16xf32>
        %get3A_660 = arith.constant 2 : i32
        %get3A_661 = arith.index_cast %get3A_660 : i32 to index
        %get3A_662 = arith.index_cast %add3A_561 : i32 to index
        %get3A_663 = arith.constant 224 : index
        %get3A_664 = tpu.vector_load %arg6[%get3A_661, %get3A_662, %get3A_663] {strides = array<i32>} : memref<5x40x256xf32, #tpu.memory_space<vmem>>, vector<1x1x16xf32>,
        %get3A_665 = vector.shape_cast %get3A_664 : vector<1x1x16xf32> to vector<16xf32>
        %add3A_666 = arith.addf %add3A_550, %get3A_665 : vector<16xf32>
        %get3A_667 = arith.constant 2 : i32
        %get3A_668 = arith.index_cast %get3A_667 : i32 to index
        %get3A_669 = arith.index_cast %add3A_561 : i32 to index
        %get3A_670 = arith.constant 240 : index
        %get3A_671 = tpu.vector_load %arg6[%get3A_668, %get3A_669, %get3A_670] {strides = array<i32>} : memref<5x40x256xf32, #tpu.memory_space<vmem>>, vector<1x1x16xf32>,
        %get3A_672 = vector.shape_cast %get3A_671 : vector<1x1x16xf32> to vector<16xf32>
        %add3A_673 = arith.addf %add3A_557, %get3A_672 : vector<16xf32>
        %mul3A_674 = arith.constant 4 : i32
        %mul3A_675 = arith.muli %scan3A_426, %mul3A_674 : i32
        %add3A_676 = arith.constant 2 : i32
        %add3A_677 = arith.addi %mul3A_675, %add3A_676 : i32
        %get3A_678 = arith.constant 2 : i32
        %get3A_679 = arith.index_cast %get3A_678 : i32 to index
        %get3A_680 = arith.index_cast %add3A_677 : i32 to index
        %get3A_681 = arith.constant 0 : index
        %get3A_682 = tpu.vector_load %arg6[%get3A_679, %get3A_680, %get3A_681] {strides = array<i32>} : memref<5x40x256xf32, #tpu.memory_space<vmem>>, vector<1x1x16xf32>,
        %get3A_683 = vector.shape_cast %get3A_682 : vector<1x1x16xf32> to vector<16xf32>
        %add3A_684 = arith.addf %add3A_568, %get3A_683 : vector<16xf32>
        %get3A_685 = arith.constant 2 : i32
        %get3A_686 = arith.index_cast %get3A_685 : i32 to index
        %get3A_687 = arith.index_cast %add3A_677 : i32 to index
        %get3A_688 = arith.constant 16 : index
        %get3A_689 = tpu.vector_load %arg6[%get3A_686, %get3A_687, %get3A_688] {strides = array<i32>} : memref<5x40x256xf32, #tpu.memory_space<vmem>>, vector<1x1x16xf32>,
        %get3A_690 = vector.shape_cast %get3A_689 : vector<1x1x16xf32> to vector<16xf32>
        %add3A_691 = arith.addf %add3A_575, %get3A_690 : vector<16xf32>
        %get3A_692 = arith.constant 2 : i32
        %get3A_693 = arith.index_cast %get3A_692 : i32 to index
        %get3A_694 = arith.index_cast %add3A_677 : i32 to index
        %get3A_695 = arith.constant 32 : index
        %get3A_696 = tpu.vector_load %arg6[%get3A_693, %get3A_694, %get3A_695] {strides = array<i32>} : memref<5x40x256xf32, #tpu.memory_space<vmem>>, vector<1x1x16xf32>,
        %get3A_697 = vector.shape_cast %get3A_696 : vector<1x1x16xf32> to vector<16xf32>
        %add3A_698 = arith.addf %add3A_582, %get3A_697 : vector<16xf32>
        %get3A_699 = arith.constant 2 : i32
        %get3A_700 = arith.index_cast %get3A_699 : i32 to index
        %get3A_701 = arith.index_cast %add3A_677 : i32 to index
        %get3A_702 = arith.constant 48 : index
        %get3A_703 = tpu.vector_load %arg6[%get3A_700, %get3A_701, %get3A_702] {strides = array<i32>} : memref<5x40x256xf32, #tpu.memory_space<vmem>>, vector<1x1x16xf32>,
        %get3A_704 = vector.shape_cast %get3A_703 : vector<1x1x16xf32> to vector<16xf32>
        %add3A_705 = arith.addf %add3A_589, %get3A_704 : vector<16xf32>
        %get3A_706 = arith.constant 2 : i32
        %get3A_707 = arith.index_cast %get3A_706 : i32 to index
        %get3A_708 = arith.index_cast %add3A_677 : i32 to index
        %get3A_709 = arith.constant 64 : index
        %get3A_710 = tpu.vector_load %arg6[%get3A_707, %get3A_708, %get3A_709] {strides = array<i32>} : memref<5x40x256xf32, #tpu.memory_space<vmem>>, vector<1x1x16xf32>,
        %get3A_711 = vector.shape_cast %get3A_710 : vector<1x1x16xf32> to vector<16xf32>
        %add3A_712 = arith.addf %add3A_596, %get3A_711 : vector<16xf32>
        %get3A_713 = arith.constant 2 : i32
        %get3A_714 = arith.index_cast %get3A_713 : i32 to index
        %get3A_715 = arith.index_cast %add3A_677 : i32 to index
        %get3A_716 = arith.constant 80 : index
        %get3A_717 = tpu.vector_load %arg6[%get3A_714, %get3A_715, %get3A_716] {strides = array<i32>} : memref<5x40x256xf32, #tpu.memory_space<vmem>>, vector<1x1x16xf32>,
        %get3A_718 = vector.shape_cast %get3A_717 : vector<1x1x16xf32> to vector<16xf32>
        %add3A_719 = arith.addf %add3A_603, %get3A_718 : vector<16xf32>
        %get3A_720 = arith.constant 2 : i32
        %get3A_721 = arith.index_cast %get3A_720 : i32 to index
        %get3A_722 = arith.index_cast %add3A_677 : i32 to index
        %get3A_723 = arith.constant 96 : index
        %get3A_724 = tpu.vector_load %arg6[%get3A_721, %get3A_722, %get3A_723] {strides = array<i32>} : memref<5x40x256xf32, #tpu.memory_space<vmem>>, vector<1x1x16xf32>,
        %get3A_725 = vector.shape_cast %get3A_724 : vector<1x1x16xf32> to vector<16xf32>
        %add3A_726 = arith.addf %add3A_610, %get3A_725 : vector<16xf32>
        %get3A_727 = arith.constant 2 : i32
        %get3A_728 = arith.index_cast %get3A_727 : i32 to index
        %get3A_729 = arith.index_cast %add3A_677 : i32 to index
        %get3A_730 = arith.constant 112 : index
        %get3A_731 = tpu.vector_load %arg6[%get3A_728, %get3A_729, %get3A_730] {strides = array<i32>} : memref<5x40x256xf32, #tpu.memory_space<vmem>>, vector<1x1x16xf32>,
        %get3A_732 = vector.shape_cast %get3A_731 : vector<1x1x16xf32> to vector<16xf32>
        %add3A_733 = arith.addf %add3A_617, %get3A_732 : vector<16xf32>
        %get3A_734 = arith.constant 2 : i32
        %get3A_735 = arith.index_cast %get3A_734 : i32 to index
        %get3A_736 = arith.index_cast %add3A_677 : i32 to index
        %get3A_737 = arith.constant 128 : index
        %get3A_738 = tpu.vector_load %arg6[%get3A_735, %get3A_736, %get3A_737] {strides = array<i32>} : memref<5x40x256xf32, #tpu.memory_space<vmem>>, vector<1x1x16xf32>,
        %get3A_739 = vector.shape_cast %get3A_738 : vector<1x1x16xf32> to vector<16xf32>
        %add3A_740 = arith.addf %add3A_624, %get3A_739 : vector<16xf32>
        %get3A_741 = arith.constant 2 : i32
        %get3A_742 = arith.index_cast %get3A_741 : i32 to index
        %get3A_743 = arith.index_cast %add3A_677 : i32 to index
        %get3A_744 = arith.constant 144 : index
        %get3A_745 = tpu.vector_load %arg6[%get3A_742, %get3A_743, %get3A_744] {strides = array<i32>} : memref<5x40x256xf32, #tpu.memory_space<vmem>>, vector<1x1x16xf32>,
        %get3A_746 = vector.shape_cast %get3A_745 : vector<1x1x16xf32> to vector<16xf32>
        %add3A_747 = arith.addf %add3A_631, %get3A_746 : vector<16xf32>
        %get3A_748 = arith.constant 2 : i32
        %get3A_749 = arith.index_cast %get3A_748 : i32 to index
        %get3A_750 = arith.index_cast %add3A_677 : i32 to index
        %get3A_751 = arith.constant 160 : index
        %get3A_752 = tpu.vector_load %arg6[%get3A_749, %get3A_750, %get3A_751] {strides = array<i32>} : memref<5x40x256xf32, #tpu.memory_space<vmem>>, vector<1x1x16xf32>,
        %get3A_753 = vector.shape_cast %get3A_752 : vector<1x1x16xf32> to vector<16xf32>
        %add3A_754 = arith.addf %add3A_638, %get3A_753 : vector<16xf32>
        %get3A_755 = arith.constant 2 : i32
        %get3A_756 = arith.index_cast %get3A_755 : i32 to index
        %get3A_757 = arith.index_cast %add3A_677 : i32 to index
        %get3A_758 = arith.constant 176 : index
        %get3A_759 = tpu.vector_load %arg6[%get3A_756, %get3A_757, %get3A_758] {strides = array<i32>} : memref<5x40x256xf32, #tpu.memory_space<vmem>>, vector<1x1x16xf32>,
        %get3A_760 = vector.shape_cast %get3A_759 : vector<1x1x16xf32> to vector<16xf32>
        %add3A_761 = arith.addf %add3A_645, %get3A_760 : vector<16xf32>
        %get3A_762 = arith.constant 2 : i32
        %get3A_763 = arith.index_cast %get3A_762 : i32 to index
        %get3A_764 = arith.index_cast %add3A_677 : i32 to index
        %get3A_765 = arith.constant 192 : index
        %get3A_766 = tpu.vector_load %arg6[%get3A_763, %get3A_764, %get3A_765] {strides = array<i32>} : memref<5x40x256xf32, #tpu.memory_space<vmem>>, vector<1x1x16xf32>,
        %get3A_767 = vector.shape_cast %get3A_766 : vector<1x1x16xf32> to vector<16xf32>
        %add3A_768 = arith.addf %add3A_652, %get3A_767 : vector<16xf32>
        %get3A_769 = arith.constant 2 : i32
        %get3A_770 = arith.index_cast %get3A_769 : i32 to index
        %get3A_771 = arith.index_cast %add3A_677 : i32 to index
        %get3A_772 = arith.constant 208 : index
        %get3A_773 = tpu.vector_load %arg6[%get3A_770, %get3A_771, %get3A_772] {strides = array<i32>} : memref<5x40x256xf32, #tpu.memory_space<vmem>>, vector<1x1x16xf32>,
        %get3A_774 = vector.shape_cast %get3A_773 : vector<1x1x16xf32> to vector<16xf32>
        %add3A_775 = arith.addf %add3A_659, %get3A_774 : vector<16xf32>
        %get3A_776 = arith.constant 2 : i32
        %get3A_777 = arith.index_cast %get3A_776 : i32 to index
        %get3A_778 = arith.index_cast %add3A_677 : i32 to index
        %get3A_779 = arith.constant 224 : index
        %get3A_780 = tpu.vector_load %arg6[%get3A_777, %get3A_778, %get3A_779] {strides = array<i32>} : memref<5x40x256xf32, #tpu.memory_space<vmem>>, vector<1x1x16xf32>,
        %get3A_781 = vector.shape_cast %get3A_780 : vector<1x1x16xf32> to vector<16xf32>
        %add3A_782 = arith.addf %add3A_666, %get3A_781 : vector<16xf32>
        %get3A_783 = arith.constant 2 : i32
        %get3A_784 = arith.index_cast %get3A_783 : i32 to index
        %get3A_785 = arith.index_cast %add3A_677 : i32 to index
        %get3A_786 = arith.constant 240 : index
        %get3A_787 = tpu.vector_load %arg6[%get3A_784, %get3A_785, %get3A_786] {strides = array<i32>} : memref<5x40x256xf32, #tpu.memory_space<vmem>>, vector<1x1x16xf32>,
        %get3A_788 = vector.shape_cast %get3A_787 : vector<1x1x16xf32> to vector<16xf32>
        %add3A_789 = arith.addf %add3A_673, %get3A_788 : vector<16xf32>
        %mul3A_790 = arith.constant 4 : i32
        %mul3A_791 = arith.muli %scan3A_426, %mul3A_790 : i32
        %add3A_792 = arith.constant 3 : i32
        %add3A_793 = arith.addi %mul3A_791, %add3A_792 : i32
        %get3A_794 = arith.constant 2 : i32
        %get3A_795 = arith.index_cast %get3A_794 : i32 to index
        %get3A_796 = arith.index_cast %add3A_793 : i32 to index
        %get3A_797 = arith.constant 0 : index
        %get3A_798 = tpu.vector_load %arg6[%get3A_795, %get3A_796, %get3A_797] {strides = array<i32>} : memref<5x40x256xf32, #tpu.memory_space<vmem>>, vector<1x1x16xf32>,
        %get3A_799 = vector.shape_cast %get3A_798 : vector<1x1x16xf32> to vector<16xf32>
        %add3A_800 = arith.addf %add3A_684, %get3A_799 : vector<16xf32>
        %get3A_801 = arith.constant 2 : i32
        %get3A_802 = arith.index_cast %get3A_801 : i32 to index
        %get3A_803 = arith.index_cast %add3A_793 : i32 to index
        %get3A_804 = arith.constant 16 : index
        %get3A_805 = tpu.vector_load %arg6[%get3A_802, %get3A_803, %get3A_804] {strides = array<i32>} : memref<5x40x256xf32, #tpu.memory_space<vmem>>, vector<1x1x16xf32>,
        %get3A_806 = vector.shape_cast %get3A_805 : vector<1x1x16xf32> to vector<16xf32>
        %add3A_807 = arith.addf %add3A_691, %get3A_806 : vector<16xf32>
        %get3A_808 = arith.constant 2 : i32
        %get3A_809 = arith.index_cast %get3A_808 : i32 to index
        %get3A_810 = arith.index_cast %add3A_793 : i32 to index
        %get3A_811 = arith.constant 32 : index
        %get3A_812 = tpu.vector_load %arg6[%get3A_809, %get3A_810, %get3A_811] {strides = array<i32>} : memref<5x40x256xf32, #tpu.memory_space<vmem>>, vector<1x1x16xf32>,
        %get3A_813 = vector.shape_cast %get3A_812 : vector<1x1x16xf32> to vector<16xf32>
        %add3A_814 = arith.addf %add3A_698, %get3A_813 : vector<16xf32>
        %get3A_815 = arith.constant 2 : i32
        %get3A_816 = arith.index_cast %get3A_815 : i32 to index
        %get3A_817 = arith.index_cast %add3A_793 : i32 to index
        %get3A_818 = arith.constant 48 : index
        %get3A_819 = tpu.vector_load %arg6[%get3A_816, %get3A_817, %get3A_818] {strides = array<i32>} : memref<5x40x256xf32, #tpu.memory_space<vmem>>, vector<1x1x16xf32>,
        %get3A_820 = vector.shape_cast %get3A_819 : vector<1x1x16xf32> to vector<16xf32>
        %add3A_821 = arith.addf %add3A_705, %get3A_820 : vector<16xf32>
        %get3A_822 = arith.constant 2 : i32
        %get3A_823 = arith.index_cast %get3A_822 : i32 to index
        %get3A_824 = arith.index_cast %add3A_793 : i32 to index
        %get3A_825 = arith.constant 64 : index
        %get3A_826 = tpu.vector_load %arg6[%get3A_823, %get3A_824, %get3A_825] {strides = array<i32>} : memref<5x40x256xf32, #tpu.memory_space<vmem>>, vector<1x1x16xf32>,
        %get3A_827 = vector.shape_cast %get3A_826 : vector<1x1x16xf32> to vector<16xf32>
        %add3A_828 = arith.addf %add3A_712, %get3A_827 : vector<16xf32>
        %get3A_829 = arith.constant 2 : i32
        %get3A_830 = arith.index_cast %get3A_829 : i32 to index
        %get3A_831 = arith.index_cast %add3A_793 : i32 to index
        %get3A_832 = arith.constant 80 : index
        %get3A_833 = tpu.vector_load %arg6[%get3A_830, %get3A_831, %get3A_832] {strides = array<i32>} : memref<5x40x256xf32, #tpu.memory_space<vmem>>, vector<1x1x16xf32>,
        %get3A_834 = vector.shape_cast %get3A_833 : vector<1x1x16xf32> to vector<16xf32>
        %add3A_835 = arith.addf %add3A_719, %get3A_834 : vector<16xf32>
        %get3A_836 = arith.constant 2 : i32
        %get3A_837 = arith.index_cast %get3A_836 : i32 to index
        %get3A_838 = arith.index_cast %add3A_793 : i32 to index
        %get3A_839 = arith.constant 96 : index
        %get3A_840 = tpu.vector_load %arg6[%get3A_837, %get3A_838, %get3A_839] {strides = array<i32>} : memref<5x40x256xf32, #tpu.memory_space<vmem>>, vector<1x1x16xf32>,
        %get3A_841 = vector.shape_cast %get3A_840 : vector<1x1x16xf32> to vector<16xf32>
        %add3A_842 = arith.addf %add3A_726, %get3A_841 : vector<16xf32>
        %get3A_843 = arith.constant 2 : i32
        %get3A_844 = arith.index_cast %get3A_843 : i32 to index
        %get3A_845 = arith.index_cast %add3A_793 : i32 to index
        %get3A_846 = arith.constant 112 : index
        %get3A_847 = tpu.vector_load %arg6[%get3A_844, %get3A_845, %get3A_846] {strides = array<i32>} : memref<5x40x256xf32, #tpu.memory_space<vmem>>, vector<1x1x16xf32>,
        %get3A_848 = vector.shape_cast %get3A_847 : vector<1x1x16xf32> to vector<16xf32>
        %add3A_849 = arith.addf %add3A_733, %get3A_848 : vector<16xf32>
        %get3A_850 = arith.constant 2 : i32
        %get3A_851 = arith.index_cast %get3A_850 : i32 to index
        %get3A_852 = arith.index_cast %add3A_793 : i32 to index
        %get3A_853 = arith.constant 128 : index
        %get3A_854 = tpu.vector_load %arg6[%get3A_851, %get3A_852, %get3A_853] {strides = array<i32>} : memref<5x40x256xf32, #tpu.memory_space<vmem>>, vector<1x1x16xf32>,
        %get3A_855 = vector.shape_cast %get3A_854 : vector<1x1x16xf32> to vector<16xf32>
        %add3A_856 = arith.addf %add3A_740, %get3A_855 : vector<16xf32>
        %get3A_857 = arith.constant 2 : i32
        %get3A_858 = arith.index_cast %get3A_857 : i32 to index
        %get3A_859 = arith.index_cast %add3A_793 : i32 to index
        %get3A_860 = arith.constant 144 : index
        %get3A_861 = tpu.vector_load %arg6[%get3A_858, %get3A_859, %get3A_860] {strides = array<i32>} : memref<5x40x256xf32, #tpu.memory_space<vmem>>, vector<1x1x16xf32>,
        %get3A_862 = vector.shape_cast %get3A_861 : vector<1x1x16xf32> to vector<16xf32>
        %add3A_863 = arith.addf %add3A_747, %get3A_862 : vector<16xf32>
        %get3A_864 = arith.constant 2 : i32
        %get3A_865 = arith.index_cast %get3A_864 : i32 to index
        %get3A_866 = arith.index_cast %add3A_793 : i32 to index
        %get3A_867 = arith.constant 160 : index
        %get3A_868 = tpu.vector_load %arg6[%get3A_865, %get3A_866, %get3A_867] {strides = array<i32>} : memref<5x40x256xf32, #tpu.memory_space<vmem>>, vector<1x1x16xf32>,
        %get3A_869 = vector.shape_cast %get3A_868 : vector<1x1x16xf32> to vector<16xf32>
        %add3A_870 = arith.addf %add3A_754, %get3A_869 : vector<16xf32>
        %get3A_871 = arith.constant 2 : i32
        %get3A_872 = arith.index_cast %get3A_871 : i32 to index
        %get3A_873 = arith.index_cast %add3A_793 : i32 to index
        %get3A_874 = arith.constant 176 : index
        %get3A_875 = tpu.vector_load %arg6[%get3A_872, %get3A_873, %get3A_874] {strides = array<i32>} : memref<5x40x256xf32, #tpu.memory_space<vmem>>, vector<1x1x16xf32>,
        %get3A_876 = vector.shape_cast %get3A_875 : vector<1x1x16xf32> to vector<16xf32>
        %add3A_877 = arith.addf %add3A_761, %get3A_876 : vector<16xf32>
        %get3A_878 = arith.constant 2 : i32
        %get3A_879 = arith.index_cast %get3A_878 : i32 to index
        %get3A_880 = arith.index_cast %add3A_793 : i32 to index
        %get3A_881 = arith.constant 192 : index
        %get3A_882 = tpu.vector_load %arg6[%get3A_879, %get3A_880, %get3A_881] {strides = array<i32>} : memref<5x40x256xf32, #tpu.memory_space<vmem>>, vector<1x1x16xf32>,
        %get3A_883 = vector.shape_cast %get3A_882 : vector<1x1x16xf32> to vector<16xf32>
        %add3A_884 = arith.addf %add3A_768, %get3A_883 : vector<16xf32>
        %get3A_885 = arith.constant 2 : i32
        %get3A_886 = arith.index_cast %get3A_885 : i32 to index
        %get3A_887 = arith.index_cast %add3A_793 : i32 to index
        %get3A_888 = arith.constant 208 : index
        %get3A_889 = tpu.vector_load %arg6[%get3A_886, %get3A_887, %get3A_888] {strides = array<i32>} : memref<5x40x256xf32, #tpu.memory_space<vmem>>, vector<1x1x16xf32>,
        %get3A_890 = vector.shape_cast %get3A_889 : vector<1x1x16xf32> to vector<16xf32>
        %add3A_891 = arith.addf %add3A_775, %get3A_890 : vector<16xf32>
        %get3A_892 = arith.constant 2 : i32
        %get3A_893 = arith.index_cast %get3A_892 : i32 to index
        %get3A_894 = arith.index_cast %add3A_793 : i32 to index
        %get3A_895 = arith.constant 224 : index
        %get3A_896 = tpu.vector_load %arg6[%get3A_893, %get3A_894, %get3A_895] {strides = array<i32>} : memref<5x40x256xf32, #tpu.memory_space<vmem>>, vector<1x1x16xf32>,
        %get3A_897 = vector.shape_cast %get3A_896 : vector<1x1x16xf32> to vector<16xf32>
        %add3A_898 = arith.addf %add3A_782, %get3A_897 : vector<16xf32>
        %get3A_899 = arith.constant 2 : i32
        %get3A_900 = arith.index_cast %get3A_899 : i32 to index
        %get3A_901 = arith.index_cast %add3A_793 : i32 to index
        %get3A_902 = arith.constant 240 : index
        %get3A_903 = tpu.vector_load %arg6[%get3A_900, %get3A_901, %get3A_902] {strides = array<i32>} : memref<5x40x256xf32, #tpu.memory_space<vmem>>, vector<1x1x16xf32>,
        %get3A_904 = vector.shape_cast %get3A_903 : vector<1x1x16xf32> to vector<16xf32>
        %add3A_905 = arith.addf %add3A_789, %get3A_904 : vector<16xf32>
        scf.yield %add3A_800, %add3A_807, %add3A_814, %add3A_821, %add3A_828, %add3A_835, %add3A_842, %add3A_849, %add3A_856, %add3A_863, %add3A_870, %add3A_877, %add3A_884, %add3A_891, %add3A_898, %add3A_905 : vector<16xf32>, vector<16xf32>, vector<16xf32>, vector<16xf32>, vector<16xf32>, vector<16xf32>, vector<16xf32>, vector<16xf32>, vector<16xf32>, vector<16xf32>, vector<16xf32>, vector<16xf32>, vector<16xf32>, vector<16xf32>, vector<16xf32>, vector<16xf32>
      }
      %scan3A_237 = arith.constant 10 : i32
      %add3A_238 = arith.constant 3 : i32
      %add3A_239 = arith.addi %mul3A_113, %add3A_238 : i32
      %add3A_240 = arith.constant 4 : i32
      %add3A_241 = arith.addi %add3A_239, %add3A_240 : i32
      %lt3A_242 = arith.constant 640 : i32
      %lt3A_243 = arith.cmpi slt, %add3A_241, %lt3A_242 : i32
      %convert_element_type3A_244 = arith.extui %lt3A_243 : i1 to i32
      %cond3A_245 = arith.constant 0 : i32
      %cond3A_246 = arith.cmpi ne, %convert_element_type3A_244, %cond3A_245 : i32
      scf.if %cond3A_246 {
        %add3A_426 = arith.constant 3 : i32
        %add3A_427 = arith.addi %mul3A_113, %add3A_426 : i32
        %add3A_428 = arith.constant 4 : i32
        %add3A_429 = arith.addi %add3A_427, %add3A_428 : i32
        %mul3A_430 = arith.constant 40 : i32
        %mul3A_431 = arith.muli %add3A_429, %mul3A_430 : i32
        %dma_start3A_432 = arith.constant 2 : i32
        %dma_start3A_433 = arith.constant 2 : i32
        %dma_start3A_434 = arith.constant 0 : i32
        %dma_start3A_435 = arith.constant 0 : i32
        %dma_start3A_436 = tpu.memref_slice %arg6[%dma_start3A_432, %dma_start3A_434, %dma_start3A_435] : memref<5x40x256xf32, #tpu.memory_space<vmem>> -> memref<1x40x256xf32, #tpu.memory_space<vmem>>
        %dma_start3A_437 = tpu.memref_squeeze %dma_start3A_436 : memref<1x40x256xf32, #tpu.memory_space<vmem>> -> memref<40x256xf32, #tpu.memory_space<vmem>>
        %dma_start3A_438 = tpu.memref_slice %arg5[%mul3A_431] : memref<25600xi32, #tpu.memory_space<vmem>> -> memref<40xi32, #tpu.memory_space<vmem>>
        %dma_start3A_439 = arith.constant 0 : i32
        %dma_start3A_440 = arith.constant 0 : i32
        %dma_start3A_441 = tpu.memref_slice %arg3[%dma_start3A_439, %dma_start3A_440] : memref<10000x256xf32, #tpu.memory_space<hbm>> -> memref<10000x256xf32, #tpu.memory_space<hbm>>
        %dma_start3A_442 = tpu.memref_slice %arg8[%dma_start3A_433] : memref<5x!tpu.dma_semaphore, #tpu.memory_space<semaphore_mem>> -> memref<1x!tpu.dma_semaphore, #tpu.memory_space<semaphore_mem>>
        %dma_start3A_443 = tpu.memref_squeeze %dma_start3A_442 : memref<1x!tpu.dma_semaphore, #tpu.memory_space<semaphore_mem>> -> memref<!tpu.dma_semaphore, #tpu.memory_space<semaphore_mem>>
        tpu.enqueue_indirect_dma source(%dma_start3A_441 : memref<10000x256xf32, #tpu.memory_space<hbm>>) target(%dma_start3A_437 : memref<40x256xf32, #tpu.memory_space<vmem>>) offsets(%dma_start3A_438 : memref<40xi32, #tpu.memory_space<vmem>>) semaphore(%dma_start3A_443 : memref<!tpu.dma_semaphore, #tpu.memory_space<semaphore_mem>>)
      } else {
      }
      %add3A_247 = arith.constant 3 : i32
      %add3A_248 = arith.addi %mul3A_113, %add3A_247 : i32
      %mul3A_249 = arith.constant 40 : i32
      %mul3A_250 = arith.muli %add3A_248, %mul3A_249 : i32
      %dma_wait3A_251 = arith.constant 3 : i32
      %dma_wait3A_252 = arith.constant 3 : i32
      %dma_wait3A_253 = arith.constant 0 : i32
      %dma_wait3A_254 = arith.constant 0 : i32
      %dma_wait3A_255 = tpu.memref_slice %arg6[%dma_wait3A_251, %dma_wait3A_253, %dma_wait3A_254] : memref<5x40x256xf32, #tpu.memory_space<vmem>> -> memref<1x40x256xf32, #tpu.memory_space<vmem>>
      %dma_wait3A_256 = tpu.memref_squeeze %dma_wait3A_255 : memref<1x40x256xf32, #tpu.memory_space<vmem>> -> memref<40x256xf32, #tpu.memory_space<vmem>>
      %dma_wait3A_257 = tpu.memref_slice %arg5[%mul3A_250] : memref<25600xi32, #tpu.memory_space<vmem>> -> memref<40xi32, #tpu.memory_space<vmem>>
      %dma_wait3A_258 = arith.constant 0 : i32
      %dma_wait3A_259 = arith.constant 0 : i32
      %dma_wait3A_260 = tpu.memref_slice %arg3[%dma_wait3A_258, %dma_wait3A_259] : memref<10000x256xf32, #tpu.memory_space<hbm>> -> memref<10000x256xf32, #tpu.memory_space<hbm>>
      %dma_wait3A_261 = tpu.memref_slice %arg8[%dma_wait3A_252] : memref<5x!tpu.dma_semaphore, #tpu.memory_space<semaphore_mem>> -> memref<1x!tpu.dma_semaphore, #tpu.memory_space<semaphore_mem>>
      %dma_wait3A_262 = tpu.memref_squeeze %dma_wait3A_261 : memref<1x!tpu.dma_semaphore, #tpu.memory_space<semaphore_mem>> -> memref<!tpu.dma_semaphore, #tpu.memory_space<semaphore_mem>>
      tpu.wait_indirect_dma semaphore(%dma_wait3A_262 : memref<!tpu.dma_semaphore, #tpu.memory_space<semaphore_mem>>) src(%dma_wait3A_260 : memref<10000x256xf32, #tpu.memory_space<hbm>>) dst(%dma_wait3A_256 : memref<40x256xf32, #tpu.memory_space<vmem>>)
      %scan3A_263 = arith.constant 0 : i32
      %scan3A_264 = arith.constant 10 : i32
      %scan3A_265 = arith.addi %scan3A_263, %scan3A_264 : i32
      %scan3A_266 = arith.constant 1 : i32
      %scan3A_267:16 = scf.for %scan3A_426 = %scan3A_263 to %scan3A_265 step %scan3A_266 iter_args(%scan3A_427 = %scan3A_236#0, %scan3A_428 = %scan3A_236#1, %scan3A_429 = %scan3A_236#2, %scan3A_430 = %scan3A_236#3, %scan3A_431 = %scan3A_236#4, %scan3A_432 = %scan3A_236#5, %scan3A_433 = %scan3A_236#6, %scan3A_434 = %scan3A_236#7, %scan3A_435 = %scan3A_236#8, %scan3A_436 = %scan3A_236#9, %scan3A_437 = %scan3A_236#10, %scan3A_438 = %scan3A_236#11, %scan3A_439 = %scan3A_236#12, %scan3A_440 = %scan3A_236#13, %scan3A_441 = %scan3A_236#14, %scan3A_442 = %scan3A_236#15) -> (vector<16xf32>, vector<16xf32>, vector<16xf32>, vector<16xf32>, vector<16xf32>, vector<16xf32>, vector<16xf32>, vector<16xf32>, vector<16xf32>, vector<16xf32>, vector<16xf32>, vector<16xf32>, vector<16xf32>, vector<16xf32>, vector<16xf32>, vector<16xf32>)  : i32 {
        %mul3A_443 = arith.constant 4 : i32
        %mul3A_444 = arith.muli %scan3A_426, %mul3A_443 : i32
        %add3A_445 = arith.constant 0 : i32
        %add3A_446 = arith.addi %mul3A_444, %add3A_445 : i32
        %get3A = arith.constant 3 : i32
        %get3A_447 = arith.index_cast %get3A : i32 to index
        %get3A_448 = arith.index_cast %add3A_446 : i32 to index
        %get3A_449 = arith.constant 0 : index
        %get3A_450 = tpu.vector_load %arg6[%get3A_447, %get3A_448, %get3A_449] {strides = array<i32>} : memref<5x40x256xf32, #tpu.memory_space<vmem>>, vector<1x1x16xf32>,
        %get3A_451 = vector.shape_cast %get3A_450 : vector<1x1x16xf32> to vector<16xf32>
        %add3A_452 = arith.addf %scan3A_427, %get3A_451 : vector<16xf32>
        %get3A_453 = arith.constant 3 : i32
        %get3A_454 = arith.index_cast %get3A_453 : i32 to index
        %get3A_455 = arith.index_cast %add3A_446 : i32 to index
        %get3A_456 = arith.constant 16 : index
        %get3A_457 = tpu.vector_load %arg6[%get3A_454, %get3A_455, %get3A_456] {strides = array<i32>} : memref<5x40x256xf32, #tpu.memory_space<vmem>>, vector<1x1x16xf32>,
        %get3A_458 = vector.shape_cast %get3A_457 : vector<1x1x16xf32> to vector<16xf32>
        %add3A_459 = arith.addf %scan3A_428, %get3A_458 : vector<16xf32>
        %get3A_460 = arith.constant 3 : i32
        %get3A_461 = arith.index_cast %get3A_460 : i32 to index
        %get3A_462 = arith.index_cast %add3A_446 : i32 to index
        %get3A_463 = arith.constant 32 : index
        %get3A_464 = tpu.vector_load %arg6[%get3A_461, %get3A_462, %get3A_463] {strides = array<i32>} : memref<5x40x256xf32, #tpu.memory_space<vmem>>, vector<1x1x16xf32>,
        %get3A_465 = vector.shape_cast %get3A_464 : vector<1x1x16xf32> to vector<16xf32>
        %add3A_466 = arith.addf %scan3A_429, %get3A_465 : vector<16xf32>
        %get3A_467 = arith.constant 3 : i32
        %get3A_468 = arith.index_cast %get3A_467 : i32 to index
        %get3A_469 = arith.index_cast %add3A_446 : i32 to index
        %get3A_470 = arith.constant 48 : index
        %get3A_471 = tpu.vector_load %arg6[%get3A_468, %get3A_469, %get3A_470] {strides = array<i32>} : memref<5x40x256xf32, #tpu.memory_space<vmem>>, vector<1x1x16xf32>,
        %get3A_472 = vector.shape_cast %get3A_471 : vector<1x1x16xf32> to vector<16xf32>
        %add3A_473 = arith.addf %scan3A_430, %get3A_472 : vector<16xf32>
        %get3A_474 = arith.constant 3 : i32
        %get3A_475 = arith.index_cast %get3A_474 : i32 to index
        %get3A_476 = arith.index_cast %add3A_446 : i32 to index
        %get3A_477 = arith.constant 64 : index
        %get3A_478 = tpu.vector_load %arg6[%get3A_475, %get3A_476, %get3A_477] {strides = array<i32>} : memref<5x40x256xf32, #tpu.memory_space<vmem>>, vector<1x1x16xf32>,
        %get3A_479 = vector.shape_cast %get3A_478 : vector<1x1x16xf32> to vector<16xf32>
        %add3A_480 = arith.addf %scan3A_431, %get3A_479 : vector<16xf32>
        %get3A_481 = arith.constant 3 : i32
        %get3A_482 = arith.index_cast %get3A_481 : i32 to index
        %get3A_483 = arith.index_cast %add3A_446 : i32 to index
        %get3A_484 = arith.constant 80 : index
        %get3A_485 = tpu.vector_load %arg6[%get3A_482, %get3A_483, %get3A_484] {strides = array<i32>} : memref<5x40x256xf32, #tpu.memory_space<vmem>>, vector<1x1x16xf32>,
        %get3A_486 = vector.shape_cast %get3A_485 : vector<1x1x16xf32> to vector<16xf32>
        %add3A_487 = arith.addf %scan3A_432, %get3A_486 : vector<16xf32>
        %get3A_488 = arith.constant 3 : i32
        %get3A_489 = arith.index_cast %get3A_488 : i32 to index
        %get3A_490 = arith.index_cast %add3A_446 : i32 to index
        %get3A_491 = arith.constant 96 : index
        %get3A_492 = tpu.vector_load %arg6[%get3A_489, %get3A_490, %get3A_491] {strides = array<i32>} : memref<5x40x256xf32, #tpu.memory_space<vmem>>, vector<1x1x16xf32>,
        %get3A_493 = vector.shape_cast %get3A_492 : vector<1x1x16xf32> to vector<16xf32>
        %add3A_494 = arith.addf %scan3A_433, %get3A_493 : vector<16xf32>
        %get3A_495 = arith.constant 3 : i32
        %get3A_496 = arith.index_cast %get3A_495 : i32 to index
        %get3A_497 = arith.index_cast %add3A_446 : i32 to index
        %get3A_498 = arith.constant 112 : index
        %get3A_499 = tpu.vector_load %arg6[%get3A_496, %get3A_497, %get3A_498] {strides = array<i32>} : memref<5x40x256xf32, #tpu.memory_space<vmem>>, vector<1x1x16xf32>,
        %get3A_500 = vector.shape_cast %get3A_499 : vector<1x1x16xf32> to vector<16xf32>
        %add3A_501 = arith.addf %scan3A_434, %get3A_500 : vector<16xf32>
        %get3A_502 = arith.constant 3 : i32
        %get3A_503 = arith.index_cast %get3A_502 : i32 to index
        %get3A_504 = arith.index_cast %add3A_446 : i32 to index
        %get3A_505 = arith.constant 128 : index
        %get3A_506 = tpu.vector_load %arg6[%get3A_503, %get3A_504, %get3A_505] {strides = array<i32>} : memref<5x40x256xf32, #tpu.memory_space<vmem>>, vector<1x1x16xf32>,
        %get3A_507 = vector.shape_cast %get3A_506 : vector<1x1x16xf32> to vector<16xf32>
        %add3A_508 = arith.addf %scan3A_435, %get3A_507 : vector<16xf32>
        %get3A_509 = arith.constant 3 : i32
        %get3A_510 = arith.index_cast %get3A_509 : i32 to index
        %get3A_511 = arith.index_cast %add3A_446 : i32 to index
        %get3A_512 = arith.constant 144 : index
        %get3A_513 = tpu.vector_load %arg6[%get3A_510, %get3A_511, %get3A_512] {strides = array<i32>} : memref<5x40x256xf32, #tpu.memory_space<vmem>>, vector<1x1x16xf32>,
        %get3A_514 = vector.shape_cast %get3A_513 : vector<1x1x16xf32> to vector<16xf32>
        %add3A_515 = arith.addf %scan3A_436, %get3A_514 : vector<16xf32>
        %get3A_516 = arith.constant 3 : i32
        %get3A_517 = arith.index_cast %get3A_516 : i32 to index
        %get3A_518 = arith.index_cast %add3A_446 : i32 to index
        %get3A_519 = arith.constant 160 : index
        %get3A_520 = tpu.vector_load %arg6[%get3A_517, %get3A_518, %get3A_519] {strides = array<i32>} : memref<5x40x256xf32, #tpu.memory_space<vmem>>, vector<1x1x16xf32>,
        %get3A_521 = vector.shape_cast %get3A_520 : vector<1x1x16xf32> to vector<16xf32>
        %add3A_522 = arith.addf %scan3A_437, %get3A_521 : vector<16xf32>
        %get3A_523 = arith.constant 3 : i32
        %get3A_524 = arith.index_cast %get3A_523 : i32 to index
        %get3A_525 = arith.index_cast %add3A_446 : i32 to index
        %get3A_526 = arith.constant 176 : index
        %get3A_527 = tpu.vector_load %arg6[%get3A_524, %get3A_525, %get3A_526] {strides = array<i32>} : memref<5x40x256xf32, #tpu.memory_space<vmem>>, vector<1x1x16xf32>,
        %get3A_528 = vector.shape_cast %get3A_527 : vector<1x1x16xf32> to vector<16xf32>
        %add3A_529 = arith.addf %scan3A_438, %get3A_528 : vector<16xf32>
        %get3A_530 = arith.constant 3 : i32
        %get3A_531 = arith.index_cast %get3A_530 : i32 to index
        %get3A_532 = arith.index_cast %add3A_446 : i32 to index
        %get3A_533 = arith.constant 192 : index
        %get3A_534 = tpu.vector_load %arg6[%get3A_531, %get3A_532, %get3A_533] {strides = array<i32>} : memref<5x40x256xf32, #tpu.memory_space<vmem>>, vector<1x1x16xf32>,
        %get3A_535 = vector.shape_cast %get3A_534 : vector<1x1x16xf32> to vector<16xf32>
        %add3A_536 = arith.addf %scan3A_439, %get3A_535 : vector<16xf32>
        %get3A_537 = arith.constant 3 : i32
        %get3A_538 = arith.index_cast %get3A_537 : i32 to index
        %get3A_539 = arith.index_cast %add3A_446 : i32 to index
        %get3A_540 = arith.constant 208 : index
        %get3A_541 = tpu.vector_load %arg6[%get3A_538, %get3A_539, %get3A_540] {strides = array<i32>} : memref<5x40x256xf32, #tpu.memory_space<vmem>>, vector<1x1x16xf32>,
        %get3A_542 = vector.shape_cast %get3A_541 : vector<1x1x16xf32> to vector<16xf32>
        %add3A_543 = arith.addf %scan3A_440, %get3A_542 : vector<16xf32>
        %get3A_544 = arith.constant 3 : i32
        %get3A_545 = arith.index_cast %get3A_544 : i32 to index
        %get3A_546 = arith.index_cast %add3A_446 : i32 to index
        %get3A_547 = arith.constant 224 : index
        %get3A_548 = tpu.vector_load %arg6[%get3A_545, %get3A_546, %get3A_547] {strides = array<i32>} : memref<5x40x256xf32, #tpu.memory_space<vmem>>, vector<1x1x16xf32>,
        %get3A_549 = vector.shape_cast %get3A_548 : vector<1x1x16xf32> to vector<16xf32>
        %add3A_550 = arith.addf %scan3A_441, %get3A_549 : vector<16xf32>
        %get3A_551 = arith.constant 3 : i32
        %get3A_552 = arith.index_cast %get3A_551 : i32 to index
        %get3A_553 = arith.index_cast %add3A_446 : i32 to index
        %get3A_554 = arith.constant 240 : index
        %get3A_555 = tpu.vector_load %arg6[%get3A_552, %get3A_553, %get3A_554] {strides = array<i32>} : memref<5x40x256xf32, #tpu.memory_space<vmem>>, vector<1x1x16xf32>,
        %get3A_556 = vector.shape_cast %get3A_555 : vector<1x1x16xf32> to vector<16xf32>
        %add3A_557 = arith.addf %scan3A_442, %get3A_556 : vector<16xf32>
        %mul3A_558 = arith.constant 4 : i32
        %mul3A_559 = arith.muli %scan3A_426, %mul3A_558 : i32
        %add3A_560 = arith.constant 1 : i32
        %add3A_561 = arith.addi %mul3A_559, %add3A_560 : i32
        %get3A_562 = arith.constant 3 : i32
        %get3A_563 = arith.index_cast %get3A_562 : i32 to index
        %get3A_564 = arith.index_cast %add3A_561 : i32 to index
        %get3A_565 = arith.constant 0 : index
        %get3A_566 = tpu.vector_load %arg6[%get3A_563, %get3A_564, %get3A_565] {strides = array<i32>} : memref<5x40x256xf32, #tpu.memory_space<vmem>>, vector<1x1x16xf32>,
        %get3A_567 = vector.shape_cast %get3A_566 : vector<1x1x16xf32> to vector<16xf32>
        %add3A_568 = arith.addf %add3A_452, %get3A_567 : vector<16xf32>
        %get3A_569 = arith.constant 3 : i32
        %get3A_570 = arith.index_cast %get3A_569 : i32 to index
        %get3A_571 = arith.index_cast %add3A_561 : i32 to index
        %get3A_572 = arith.constant 16 : index
        %get3A_573 = tpu.vector_load %arg6[%get3A_570, %get3A_571, %get3A_572] {strides = array<i32>} : memref<5x40x256xf32, #tpu.memory_space<vmem>>, vector<1x1x16xf32>,
        %get3A_574 = vector.shape_cast %get3A_573 : vector<1x1x16xf32> to vector<16xf32>
        %add3A_575 = arith.addf %add3A_459, %get3A_574 : vector<16xf32>
        %get3A_576 = arith.constant 3 : i32
        %get3A_577 = arith.index_cast %get3A_576 : i32 to index
        %get3A_578 = arith.index_cast %add3A_561 : i32 to index
        %get3A_579 = arith.constant 32 : index
        %get3A_580 = tpu.vector_load %arg6[%get3A_577, %get3A_578, %get3A_579] {strides = array<i32>} : memref<5x40x256xf32, #tpu.memory_space<vmem>>, vector<1x1x16xf32>,
        %get3A_581 = vector.shape_cast %get3A_580 : vector<1x1x16xf32> to vector<16xf32>
        %add3A_582 = arith.addf %add3A_466, %get3A_581 : vector<16xf32>
        %get3A_583 = arith.constant 3 : i32
        %get3A_584 = arith.index_cast %get3A_583 : i32 to index
        %get3A_585 = arith.index_cast %add3A_561 : i32 to index
        %get3A_586 = arith.constant 48 : index
        %get3A_587 = tpu.vector_load %arg6[%get3A_584, %get3A_585, %get3A_586] {strides = array<i32>} : memref<5x40x256xf32, #tpu.memory_space<vmem>>, vector<1x1x16xf32>,
        %get3A_588 = vector.shape_cast %get3A_587 : vector<1x1x16xf32> to vector<16xf32>
        %add3A_589 = arith.addf %add3A_473, %get3A_588 : vector<16xf32>
        %get3A_590 = arith.constant 3 : i32
        %get3A_591 = arith.index_cast %get3A_590 : i32 to index
        %get3A_592 = arith.index_cast %add3A_561 : i32 to index
        %get3A_593 = arith.constant 64 : index
        %get3A_594 = tpu.vector_load %arg6[%get3A_591, %get3A_592, %get3A_593] {strides = array<i32>} : memref<5x40x256xf32, #tpu.memory_space<vmem>>, vector<1x1x16xf32>,
        %get3A_595 = vector.shape_cast %get3A_594 : vector<1x1x16xf32> to vector<16xf32>
        %add3A_596 = arith.addf %add3A_480, %get3A_595 : vector<16xf32>
        %get3A_597 = arith.constant 3 : i32
        %get3A_598 = arith.index_cast %get3A_597 : i32 to index
        %get3A_599 = arith.index_cast %add3A_561 : i32 to index
        %get3A_600 = arith.constant 80 : index
        %get3A_601 = tpu.vector_load %arg6[%get3A_598, %get3A_599, %get3A_600] {strides = array<i32>} : memref<5x40x256xf32, #tpu.memory_space<vmem>>, vector<1x1x16xf32>,
        %get3A_602 = vector.shape_cast %get3A_601 : vector<1x1x16xf32> to vector<16xf32>
        %add3A_603 = arith.addf %add3A_487, %get3A_602 : vector<16xf32>
        %get3A_604 = arith.constant 3 : i32
        %get3A_605 = arith.index_cast %get3A_604 : i32 to index
        %get3A_606 = arith.index_cast %add3A_561 : i32 to index
        %get3A_607 = arith.constant 96 : index
        %get3A_608 = tpu.vector_load %arg6[%get3A_605, %get3A_606, %get3A_607] {strides = array<i32>} : memref<5x40x256xf32, #tpu.memory_space<vmem>>, vector<1x1x16xf32>,
        %get3A_609 = vector.shape_cast %get3A_608 : vector<1x1x16xf32> to vector<16xf32>
        %add3A_610 = arith.addf %add3A_494, %get3A_609 : vector<16xf32>
        %get3A_611 = arith.constant 3 : i32
        %get3A_612 = arith.index_cast %get3A_611 : i32 to index
        %get3A_613 = arith.index_cast %add3A_561 : i32 to index
        %get3A_614 = arith.constant 112 : index
        %get3A_615 = tpu.vector_load %arg6[%get3A_612, %get3A_613, %get3A_614] {strides = array<i32>} : memref<5x40x256xf32, #tpu.memory_space<vmem>>, vector<1x1x16xf32>,
        %get3A_616 = vector.shape_cast %get3A_615 : vector<1x1x16xf32> to vector<16xf32>
        %add3A_617 = arith.addf %add3A_501, %get3A_616 : vector<16xf32>
        %get3A_618 = arith.constant 3 : i32
        %get3A_619 = arith.index_cast %get3A_618 : i32 to index
        %get3A_620 = arith.index_cast %add3A_561 : i32 to index
        %get3A_621 = arith.constant 128 : index
        %get3A_622 = tpu.vector_load %arg6[%get3A_619, %get3A_620, %get3A_621] {strides = array<i32>} : memref<5x40x256xf32, #tpu.memory_space<vmem>>, vector<1x1x16xf32>,
        %get3A_623 = vector.shape_cast %get3A_622 : vector<1x1x16xf32> to vector<16xf32>
        %add3A_624 = arith.addf %add3A_508, %get3A_623 : vector<16xf32>
        %get3A_625 = arith.constant 3 : i32
        %get3A_626 = arith.index_cast %get3A_625 : i32 to index
        %get3A_627 = arith.index_cast %add3A_561 : i32 to index
        %get3A_628 = arith.constant 144 : index
        %get3A_629 = tpu.vector_load %arg6[%get3A_626, %get3A_627, %get3A_628] {strides = array<i32>} : memref<5x40x256xf32, #tpu.memory_space<vmem>>, vector<1x1x16xf32>,
        %get3A_630 = vector.shape_cast %get3A_629 : vector<1x1x16xf32> to vector<16xf32>
        %add3A_631 = arith.addf %add3A_515, %get3A_630 : vector<16xf32>
        %get3A_632 = arith.constant 3 : i32
        %get3A_633 = arith.index_cast %get3A_632 : i32 to index
        %get3A_634 = arith.index_cast %add3A_561 : i32 to index
        %get3A_635 = arith.constant 160 : index
        %get3A_636 = tpu.vector_load %arg6[%get3A_633, %get3A_634, %get3A_635] {strides = array<i32>} : memref<5x40x256xf32, #tpu.memory_space<vmem>>, vector<1x1x16xf32>,
        %get3A_637 = vector.shape_cast %get3A_636 : vector<1x1x16xf32> to vector<16xf32>
        %add3A_638 = arith.addf %add3A_522, %get3A_637 : vector<16xf32>
        %get3A_639 = arith.constant 3 : i32
        %get3A_640 = arith.index_cast %get3A_639 : i32 to index
        %get3A_641 = arith.index_cast %add3A_561 : i32 to index
        %get3A_642 = arith.constant 176 : index
        %get3A_643 = tpu.vector_load %arg6[%get3A_640, %get3A_641, %get3A_642] {strides = array<i32>} : memref<5x40x256xf32, #tpu.memory_space<vmem>>, vector<1x1x16xf32>,
        %get3A_644 = vector.shape_cast %get3A_643 : vector<1x1x16xf32> to vector<16xf32>
        %add3A_645 = arith.addf %add3A_529, %get3A_644 : vector<16xf32>
        %get3A_646 = arith.constant 3 : i32
        %get3A_647 = arith.index_cast %get3A_646 : i32 to index
        %get3A_648 = arith.index_cast %add3A_561 : i32 to index
        %get3A_649 = arith.constant 192 : index
        %get3A_650 = tpu.vector_load %arg6[%get3A_647, %get3A_648, %get3A_649] {strides = array<i32>} : memref<5x40x256xf32, #tpu.memory_space<vmem>>, vector<1x1x16xf32>,
        %get3A_651 = vector.shape_cast %get3A_650 : vector<1x1x16xf32> to vector<16xf32>
        %add3A_652 = arith.addf %add3A_536, %get3A_651 : vector<16xf32>
        %get3A_653 = arith.constant 3 : i32
        %get3A_654 = arith.index_cast %get3A_653 : i32 to index
        %get3A_655 = arith.index_cast %add3A_561 : i32 to index
        %get3A_656 = arith.constant 208 : index
        %get3A_657 = tpu.vector_load %arg6[%get3A_654, %get3A_655, %get3A_656] {strides = array<i32>} : memref<5x40x256xf32, #tpu.memory_space<vmem>>, vector<1x1x16xf32>,
        %get3A_658 = vector.shape_cast %get3A_657 : vector<1x1x16xf32> to vector<16xf32>
        %add3A_659 = arith.addf %add3A_543, %get3A_658 : vector<16xf32>
        %get3A_660 = arith.constant 3 : i32
        %get3A_661 = arith.index_cast %get3A_660 : i32 to index
        %get3A_662 = arith.index_cast %add3A_561 : i32 to index
        %get3A_663 = arith.constant 224 : index
        %get3A_664 = tpu.vector_load %arg6[%get3A_661, %get3A_662, %get3A_663] {strides = array<i32>} : memref<5x40x256xf32, #tpu.memory_space<vmem>>, vector<1x1x16xf32>,
        %get3A_665 = vector.shape_cast %get3A_664 : vector<1x1x16xf32> to vector<16xf32>
        %add3A_666 = arith.addf %add3A_550, %get3A_665 : vector<16xf32>
        %get3A_667 = arith.constant 3 : i32
        %get3A_668 = arith.index_cast %get3A_667 : i32 to index
        %get3A_669 = arith.index_cast %add3A_561 : i32 to index
        %get3A_670 = arith.constant 240 : index
        %get3A_671 = tpu.vector_load %arg6[%get3A_668, %get3A_669, %get3A_670] {strides = array<i32>} : memref<5x40x256xf32, #tpu.memory_space<vmem>>, vector<1x1x16xf32>,
        %get3A_672 = vector.shape_cast %get3A_671 : vector<1x1x16xf32> to vector<16xf32>
        %add3A_673 = arith.addf %add3A_557, %get3A_672 : vector<16xf32>
        %mul3A_674 = arith.constant 4 : i32
        %mul3A_675 = arith.muli %scan3A_426, %mul3A_674 : i32
        %add3A_676 = arith.constant 2 : i32
        %add3A_677 = arith.addi %mul3A_675, %add3A_676 : i32
        %get3A_678 = arith.constant 3 : i32
        %get3A_679 = arith.index_cast %get3A_678 : i32 to index
        %get3A_680 = arith.index_cast %add3A_677 : i32 to index
        %get3A_681 = arith.constant 0 : index
        %get3A_682 = tpu.vector_load %arg6[%get3A_679, %get3A_680, %get3A_681] {strides = array<i32>} : memref<5x40x256xf32, #tpu.memory_space<vmem>>, vector<1x1x16xf32>,
        %get3A_683 = vector.shape_cast %get3A_682 : vector<1x1x16xf32> to vector<16xf32>
        %add3A_684 = arith.addf %add3A_568, %get3A_683 : vector<16xf32>
        %get3A_685 = arith.constant 3 : i32
        %get3A_686 = arith.index_cast %get3A_685 : i32 to index
        %get3A_687 = arith.index_cast %add3A_677 : i32 to index
        %get3A_688 = arith.constant 16 : index
        %get3A_689 = tpu.vector_load %arg6[%get3A_686, %get3A_687, %get3A_688] {strides = array<i32>} : memref<5x40x256xf32, #tpu.memory_space<vmem>>, vector<1x1x16xf32>,
        %get3A_690 = vector.shape_cast %get3A_689 : vector<1x1x16xf32> to vector<16xf32>
        %add3A_691 = arith.addf %add3A_575, %get3A_690 : vector<16xf32>
        %get3A_692 = arith.constant 3 : i32
        %get3A_693 = arith.index_cast %get3A_692 : i32 to index
        %get3A_694 = arith.index_cast %add3A_677 : i32 to index
        %get3A_695 = arith.constant 32 : index
        %get3A_696 = tpu.vector_load %arg6[%get3A_693, %get3A_694, %get3A_695] {strides = array<i32>} : memref<5x40x256xf32, #tpu.memory_space<vmem>>, vector<1x1x16xf32>,
        %get3A_697 = vector.shape_cast %get3A_696 : vector<1x1x16xf32> to vector<16xf32>
        %add3A_698 = arith.addf %add3A_582, %get3A_697 : vector<16xf32>
        %get3A_699 = arith.constant 3 : i32
        %get3A_700 = arith.index_cast %get3A_699 : i32 to index
        %get3A_701 = arith.index_cast %add3A_677 : i32 to index
        %get3A_702 = arith.constant 48 : index
        %get3A_703 = tpu.vector_load %arg6[%get3A_700, %get3A_701, %get3A_702] {strides = array<i32>} : memref<5x40x256xf32, #tpu.memory_space<vmem>>, vector<1x1x16xf32>,
        %get3A_704 = vector.shape_cast %get3A_703 : vector<1x1x16xf32> to vector<16xf32>
        %add3A_705 = arith.addf %add3A_589, %get3A_704 : vector<16xf32>
        %get3A_706 = arith.constant 3 : i32
        %get3A_707 = arith.index_cast %get3A_706 : i32 to index
        %get3A_708 = arith.index_cast %add3A_677 : i32 to index
        %get3A_709 = arith.constant 64 : index
        %get3A_710 = tpu.vector_load %arg6[%get3A_707, %get3A_708, %get3A_709] {strides = array<i32>} : memref<5x40x256xf32, #tpu.memory_space<vmem>>, vector<1x1x16xf32>,
        %get3A_711 = vector.shape_cast %get3A_710 : vector<1x1x16xf32> to vector<16xf32>
        %add3A_712 = arith.addf %add3A_596, %get3A_711 : vector<16xf32>
        %get3A_713 = arith.constant 3 : i32
        %get3A_714 = arith.index_cast %get3A_713 : i32 to index
        %get3A_715 = arith.index_cast %add3A_677 : i32 to index
        %get3A_716 = arith.constant 80 : index
        %get3A_717 = tpu.vector_load %arg6[%get3A_714, %get3A_715, %get3A_716] {strides = array<i32>} : memref<5x40x256xf32, #tpu.memory_space<vmem>>, vector<1x1x16xf32>,
        %get3A_718 = vector.shape_cast %get3A_717 : vector<1x1x16xf32> to vector<16xf32>
        %add3A_719 = arith.addf %add3A_603, %get3A_718 : vector<16xf32>
        %get3A_720 = arith.constant 3 : i32
        %get3A_721 = arith.index_cast %get3A_720 : i32 to index
        %get3A_722 = arith.index_cast %add3A_677 : i32 to index
        %get3A_723 = arith.constant 96 : index
        %get3A_724 = tpu.vector_load %arg6[%get3A_721, %get3A_722, %get3A_723] {strides = array<i32>} : memref<5x40x256xf32, #tpu.memory_space<vmem>>, vector<1x1x16xf32>,
        %get3A_725 = vector.shape_cast %get3A_724 : vector<1x1x16xf32> to vector<16xf32>
        %add3A_726 = arith.addf %add3A_610, %get3A_725 : vector<16xf32>
        %get3A_727 = arith.constant 3 : i32
        %get3A_728 = arith.index_cast %get3A_727 : i32 to index
        %get3A_729 = arith.index_cast %add3A_677 : i32 to index
        %get3A_730 = arith.constant 112 : index
        %get3A_731 = tpu.vector_load %arg6[%get3A_728, %get3A_729, %get3A_730] {strides = array<i32>} : memref<5x40x256xf32, #tpu.memory_space<vmem>>, vector<1x1x16xf32>,
        %get3A_732 = vector.shape_cast %get3A_731 : vector<1x1x16xf32> to vector<16xf32>
        %add3A_733 = arith.addf %add3A_617, %get3A_732 : vector<16xf32>
        %get3A_734 = arith.constant 3 : i32
        %get3A_735 = arith.index_cast %get3A_734 : i32 to index
        %get3A_736 = arith.index_cast %add3A_677 : i32 to index
        %get3A_737 = arith.constant 128 : index
        %get3A_738 = tpu.vector_load %arg6[%get3A_735, %get3A_736, %get3A_737] {strides = array<i32>} : memref<5x40x256xf32, #tpu.memory_space<vmem>>, vector<1x1x16xf32>,
        %get3A_739 = vector.shape_cast %get3A_738 : vector<1x1x16xf32> to vector<16xf32>
        %add3A_740 = arith.addf %add3A_624, %get3A_739 : vector<16xf32>
        %get3A_741 = arith.constant 3 : i32
        %get3A_742 = arith.index_cast %get3A_741 : i32 to index
        %get3A_743 = arith.index_cast %add3A_677 : i32 to index
        %get3A_744 = arith.constant 144 : index
        %get3A_745 = tpu.vector_load %arg6[%get3A_742, %get3A_743, %get3A_744] {strides = array<i32>} : memref<5x40x256xf32, #tpu.memory_space<vmem>>, vector<1x1x16xf32>,
        %get3A_746 = vector.shape_cast %get3A_745 : vector<1x1x16xf32> to vector<16xf32>
        %add3A_747 = arith.addf %add3A_631, %get3A_746 : vector<16xf32>
        %get3A_748 = arith.constant 3 : i32
        %get3A_749 = arith.index_cast %get3A_748 : i32 to index
        %get3A_750 = arith.index_cast %add3A_677 : i32 to index
        %get3A_751 = arith.constant 160 : index
        %get3A_752 = tpu.vector_load %arg6[%get3A_749, %get3A_750, %get3A_751] {strides = array<i32>} : memref<5x40x256xf32, #tpu.memory_space<vmem>>, vector<1x1x16xf32>,
        %get3A_753 = vector.shape_cast %get3A_752 : vector<1x1x16xf32> to vector<16xf32>
        %add3A_754 = arith.addf %add3A_638, %get3A_753 : vector<16xf32>
        %get3A_755 = arith.constant 3 : i32
        %get3A_756 = arith.index_cast %get3A_755 : i32 to index
        %get3A_757 = arith.index_cast %add3A_677 : i32 to index
        %get3A_758 = arith.constant 176 : index
        %get3A_759 = tpu.vector_load %arg6[%get3A_756, %get3A_757, %get3A_758] {strides = array<i32>} : memref<5x40x256xf32, #tpu.memory_space<vmem>>, vector<1x1x16xf32>,
        %get3A_760 = vector.shape_cast %get3A_759 : vector<1x1x16xf32> to vector<16xf32>
        %add3A_761 = arith.addf %add3A_645, %get3A_760 : vector<16xf32>
        %get3A_762 = arith.constant 3 : i32
        %get3A_763 = arith.index_cast %get3A_762 : i32 to index
        %get3A_764 = arith.index_cast %add3A_677 : i32 to index
        %get3A_765 = arith.constant 192 : index
        %get3A_766 = tpu.vector_load %arg6[%get3A_763, %get3A_764, %get3A_765] {strides = array<i32>} : memref<5x40x256xf32, #tpu.memory_space<vmem>>, vector<1x1x16xf32>,
        %get3A_767 = vector.shape_cast %get3A_766 : vector<1x1x16xf32> to vector<16xf32>
        %add3A_768 = arith.addf %add3A_652, %get3A_767 : vector<16xf32>
        %get3A_769 = arith.constant 3 : i32
        %get3A_770 = arith.index_cast %get3A_769 : i32 to index
        %get3A_771 = arith.index_cast %add3A_677 : i32 to index
        %get3A_772 = arith.constant 208 : index
        %get3A_773 = tpu.vector_load %arg6[%get3A_770, %get3A_771, %get3A_772] {strides = array<i32>} : memref<5x40x256xf32, #tpu.memory_space<vmem>>, vector<1x1x16xf32>,
        %get3A_774 = vector.shape_cast %get3A_773 : vector<1x1x16xf32> to vector<16xf32>
        %add3A_775 = arith.addf %add3A_659, %get3A_774 : vector<16xf32>
        %get3A_776 = arith.constant 3 : i32
        %get3A_777 = arith.index_cast %get3A_776 : i32 to index
        %get3A_778 = arith.index_cast %add3A_677 : i32 to index
        %get3A_779 = arith.constant 224 : index
        %get3A_780 = tpu.vector_load %arg6[%get3A_777, %get3A_778, %get3A_779] {strides = array<i32>} : memref<5x40x256xf32, #tpu.memory_space<vmem>>, vector<1x1x16xf32>,
        %get3A_781 = vector.shape_cast %get3A_780 : vector<1x1x16xf32> to vector<16xf32>
        %add3A_782 = arith.addf %add3A_666, %get3A_781 : vector<16xf32>
        %get3A_783 = arith.constant 3 : i32
        %get3A_784 = arith.index_cast %get3A_783 : i32 to index
        %get3A_785 = arith.index_cast %add3A_677 : i32 to index
        %get3A_786 = arith.constant 240 : index
        %get3A_787 = tpu.vector_load %arg6[%get3A_784, %get3A_785, %get3A_786] {strides = array<i32>} : memref<5x40x256xf32, #tpu.memory_space<vmem>>, vector<1x1x16xf32>,
        %get3A_788 = vector.shape_cast %get3A_787 : vector<1x1x16xf32> to vector<16xf32>
        %add3A_789 = arith.addf %add3A_673, %get3A_788 : vector<16xf32>
        %mul3A_790 = arith.constant 4 : i32
        %mul3A_791 = arith.muli %scan3A_426, %mul3A_790 : i32
        %add3A_792 = arith.constant 3 : i32
        %add3A_793 = arith.addi %mul3A_791, %add3A_792 : i32
        %get3A_794 = arith.constant 3 : i32
        %get3A_795 = arith.index_cast %get3A_794 : i32 to index
        %get3A_796 = arith.index_cast %add3A_793 : i32 to index
        %get3A_797 = arith.constant 0 : index
        %get3A_798 = tpu.vector_load %arg6[%get3A_795, %get3A_796, %get3A_797] {strides = array<i32>} : memref<5x40x256xf32, #tpu.memory_space<vmem>>, vector<1x1x16xf32>,
        %get3A_799 = vector.shape_cast %get3A_798 : vector<1x1x16xf32> to vector<16xf32>
        %add3A_800 = arith.addf %add3A_684, %get3A_799 : vector<16xf32>
        %get3A_801 = arith.constant 3 : i32
        %get3A_802 = arith.index_cast %get3A_801 : i32 to index
        %get3A_803 = arith.index_cast %add3A_793 : i32 to index
        %get3A_804 = arith.constant 16 : index
        %get3A_805 = tpu.vector_load %arg6[%get3A_802, %get3A_803, %get3A_804] {strides = array<i32>} : memref<5x40x256xf32, #tpu.memory_space<vmem>>, vector<1x1x16xf32>,
        %get3A_806 = vector.shape_cast %get3A_805 : vector<1x1x16xf32> to vector<16xf32>
        %add3A_807 = arith.addf %add3A_691, %get3A_806 : vector<16xf32>
        %get3A_808 = arith.constant 3 : i32
        %get3A_809 = arith.index_cast %get3A_808 : i32 to index
        %get3A_810 = arith.index_cast %add3A_793 : i32 to index
        %get3A_811 = arith.constant 32 : index
        %get3A_812 = tpu.vector_load %arg6[%get3A_809, %get3A_810, %get3A_811] {strides = array<i32>} : memref<5x40x256xf32, #tpu.memory_space<vmem>>, vector<1x1x16xf32>,
        %get3A_813 = vector.shape_cast %get3A_812 : vector<1x1x16xf32> to vector<16xf32>
        %add3A_814 = arith.addf %add3A_698, %get3A_813 : vector<16xf32>
        %get3A_815 = arith.constant 3 : i32
        %get3A_816 = arith.index_cast %get3A_815 : i32 to index
        %get3A_817 = arith.index_cast %add3A_793 : i32 to index
        %get3A_818 = arith.constant 48 : index
        %get3A_819 = tpu.vector_load %arg6[%get3A_816, %get3A_817, %get3A_818] {strides = array<i32>} : memref<5x40x256xf32, #tpu.memory_space<vmem>>, vector<1x1x16xf32>,
        %get3A_820 = vector.shape_cast %get3A_819 : vector<1x1x16xf32> to vector<16xf32>
        %add3A_821 = arith.addf %add3A_705, %get3A_820 : vector<16xf32>
        %get3A_822 = arith.constant 3 : i32
        %get3A_823 = arith.index_cast %get3A_822 : i32 to index
        %get3A_824 = arith.index_cast %add3A_793 : i32 to index
        %get3A_825 = arith.constant 64 : index
        %get3A_826 = tpu.vector_load %arg6[%get3A_823, %get3A_824, %get3A_825] {strides = array<i32>} : memref<5x40x256xf32, #tpu.memory_space<vmem>>, vector<1x1x16xf32>,
        %get3A_827 = vector.shape_cast %get3A_826 : vector<1x1x16xf32> to vector<16xf32>
        %add3A_828 = arith.addf %add3A_712, %get3A_827 : vector<16xf32>
        %get3A_829 = arith.constant 3 : i32
        %get3A_830 = arith.index_cast %get3A_829 : i32 to index
        %get3A_831 = arith.index_cast %add3A_793 : i32 to index
        %get3A_832 = arith.constant 80 : index
        %get3A_833 = tpu.vector_load %arg6[%get3A_830, %get3A_831, %get3A_832] {strides = array<i32>} : memref<5x40x256xf32, #tpu.memory_space<vmem>>, vector<1x1x16xf32>,
        %get3A_834 = vector.shape_cast %get3A_833 : vector<1x1x16xf32> to vector<16xf32>
        %add3A_835 = arith.addf %add3A_719, %get3A_834 : vector<16xf32>
        %get3A_836 = arith.constant 3 : i32
        %get3A_837 = arith.index_cast %get3A_836 : i32 to index
        %get3A_838 = arith.index_cast %add3A_793 : i32 to index
        %get3A_839 = arith.constant 96 : index
        %get3A_840 = tpu.vector_load %arg6[%get3A_837, %get3A_838, %get3A_839] {strides = array<i32>} : memref<5x40x256xf32, #tpu.memory_space<vmem>>, vector<1x1x16xf32>,
        %get3A_841 = vector.shape_cast %get3A_840 : vector<1x1x16xf32> to vector<16xf32>
        %add3A_842 = arith.addf %add3A_726, %get3A_841 : vector<16xf32>
        %get3A_843 = arith.constant 3 : i32
        %get3A_844 = arith.index_cast %get3A_843 : i32 to index
        %get3A_845 = arith.index_cast %add3A_793 : i32 to index
        %get3A_846 = arith.constant 112 : index
        %get3A_847 = tpu.vector_load %arg6[%get3A_844, %get3A_845, %get3A_846] {strides = array<i32>} : memref<5x40x256xf32, #tpu.memory_space<vmem>>, vector<1x1x16xf32>,
        %get3A_848 = vector.shape_cast %get3A_847 : vector<1x1x16xf32> to vector<16xf32>
        %add3A_849 = arith.addf %add3A_733, %get3A_848 : vector<16xf32>
        %get3A_850 = arith.constant 3 : i32
        %get3A_851 = arith.index_cast %get3A_850 : i32 to index
        %get3A_852 = arith.index_cast %add3A_793 : i32 to index
        %get3A_853 = arith.constant 128 : index
        %get3A_854 = tpu.vector_load %arg6[%get3A_851, %get3A_852, %get3A_853] {strides = array<i32>} : memref<5x40x256xf32, #tpu.memory_space<vmem>>, vector<1x1x16xf32>,
        %get3A_855 = vector.shape_cast %get3A_854 : vector<1x1x16xf32> to vector<16xf32>
        %add3A_856 = arith.addf %add3A_740, %get3A_855 : vector<16xf32>
        %get3A_857 = arith.constant 3 : i32
        %get3A_858 = arith.index_cast %get3A_857 : i32 to index
        %get3A_859 = arith.index_cast %add3A_793 : i32 to index
        %get3A_860 = arith.constant 144 : index
        %get3A_861 = tpu.vector_load %arg6[%get3A_858, %get3A_859, %get3A_860] {strides = array<i32>} : memref<5x40x256xf32, #tpu.memory_space<vmem>>, vector<1x1x16xf32>,
        %get3A_862 = vector.shape_cast %get3A_861 : vector<1x1x16xf32> to vector<16xf32>
        %add3A_863 = arith.addf %add3A_747, %get3A_862 : vector<16xf32>
        %get3A_864 = arith.constant 3 : i32
        %get3A_865 = arith.index_cast %get3A_864 : i32 to index
        %get3A_866 = arith.index_cast %add3A_793 : i32 to index
        %get3A_867 = arith.constant 160 : index
        %get3A_868 = tpu.vector_load %arg6[%get3A_865, %get3A_866, %get3A_867] {strides = array<i32>} : memref<5x40x256xf32, #tpu.memory_space<vmem>>, vector<1x1x16xf32>,
        %get3A_869 = vector.shape_cast %get3A_868 : vector<1x1x16xf32> to vector<16xf32>
        %add3A_870 = arith.addf %add3A_754, %get3A_869 : vector<16xf32>
        %get3A_871 = arith.constant 3 : i32
        %get3A_872 = arith.index_cast %get3A_871 : i32 to index
        %get3A_873 = arith.index_cast %add3A_793 : i32 to index
        %get3A_874 = arith.constant 176 : index
        %get3A_875 = tpu.vector_load %arg6[%get3A_872, %get3A_873, %get3A_874] {strides = array<i32>} : memref<5x40x256xf32, #tpu.memory_space<vmem>>, vector<1x1x16xf32>,
        %get3A_876 = vector.shape_cast %get3A_875 : vector<1x1x16xf32> to vector<16xf32>
        %add3A_877 = arith.addf %add3A_761, %get3A_876 : vector<16xf32>
        %get3A_878 = arith.constant 3 : i32
        %get3A_879 = arith.index_cast %get3A_878 : i32 to index
        %get3A_880 = arith.index_cast %add3A_793 : i32 to index
        %get3A_881 = arith.constant 192 : index
        %get3A_882 = tpu.vector_load %arg6[%get3A_879, %get3A_880, %get3A_881] {strides = array<i32>} : memref<5x40x256xf32, #tpu.memory_space<vmem>>, vector<1x1x16xf32>,
        %get3A_883 = vector.shape_cast %get3A_882 : vector<1x1x16xf32> to vector<16xf32>
        %add3A_884 = arith.addf %add3A_768, %get3A_883 : vector<16xf32>
        %get3A_885 = arith.constant 3 : i32
        %get3A_886 = arith.index_cast %get3A_885 : i32 to index
        %get3A_887 = arith.index_cast %add3A_793 : i32 to index
        %get3A_888 = arith.constant 208 : index
        %get3A_889 = tpu.vector_load %arg6[%get3A_886, %get3A_887, %get3A_888] {strides = array<i32>} : memref<5x40x256xf32, #tpu.memory_space<vmem>>, vector<1x1x16xf32>,
        %get3A_890 = vector.shape_cast %get3A_889 : vector<1x1x16xf32> to vector<16xf32>
        %add3A_891 = arith.addf %add3A_775, %get3A_890 : vector<16xf32>
        %get3A_892 = arith.constant 3 : i32
        %get3A_893 = arith.index_cast %get3A_892 : i32 to index
        %get3A_894 = arith.index_cast %add3A_793 : i32 to index
        %get3A_895 = arith.constant 224 : index
        %get3A_896 = tpu.vector_load %arg6[%get3A_893, %get3A_894, %get3A_895] {strides = array<i32>} : memref<5x40x256xf32, #tpu.memory_space<vmem>>, vector<1x1x16xf32>,
        %get3A_897 = vector.shape_cast %get3A_896 : vector<1x1x16xf32> to vector<16xf32>
        %add3A_898 = arith.addf %add3A_782, %get3A_897 : vector<16xf32>
        %get3A_899 = arith.constant 3 : i32
        %get3A_900 = arith.index_cast %get3A_899 : i32 to index
        %get3A_901 = arith.index_cast %add3A_793 : i32 to index
        %get3A_902 = arith.constant 240 : index
        %get3A_903 = tpu.vector_load %arg6[%get3A_900, %get3A_901, %get3A_902] {strides = array<i32>} : memref<5x40x256xf32, #tpu.memory_space<vmem>>, vector<1x1x16xf32>,
        %get3A_904 = vector.shape_cast %get3A_903 : vector<1x1x16xf32> to vector<16xf32>
        %add3A_905 = arith.addf %add3A_789, %get3A_904 : vector<16xf32>
        scf.yield %add3A_800, %add3A_807, %add3A_814, %add3A_821, %add3A_828, %add3A_835, %add3A_842, %add3A_849, %add3A_856, %add3A_863, %add3A_870, %add3A_877, %add3A_884, %add3A_891, %add3A_898, %add3A_905 : vector<16xf32>, vector<16xf32>, vector<16xf32>, vector<16xf32>, vector<16xf32>, vector<16xf32>, vector<16xf32>, vector<16xf32>, vector<16xf32>, vector<16xf32>, vector<16xf32>, vector<16xf32>, vector<16xf32>, vector<16xf32>, vector<16xf32>, vector<16xf32>
      }
      %scan3A_268 = arith.constant 10 : i32
      %add3A_269 = arith.constant 4 : i32
      %add3A_270 = arith.addi %mul3A_113, %add3A_269 : i32
      %add3A_271 = arith.constant 4 : i32
      %add3A_272 = arith.addi %add3A_270, %add3A_271 : i32
      %lt3A_273 = arith.constant 640 : i32
      %lt3A_274 = arith.cmpi slt, %add3A_272, %lt3A_273 : i32
      %convert_element_type3A_275 = arith.extui %lt3A_274 : i1 to i32
      %cond3A_276 = arith.constant 0 : i32
      %cond3A_277 = arith.cmpi ne, %convert_element_type3A_275, %cond3A_276 : i32
      scf.if %cond3A_277 {
        %add3A_426 = arith.constant 4 : i32
        %add3A_427 = arith.addi %mul3A_113, %add3A_426 : i32
        %add3A_428 = arith.constant 4 : i32
        %add3A_429 = arith.addi %add3A_427, %add3A_428 : i32
        %mul3A_430 = arith.constant 40 : i32
        %mul3A_431 = arith.muli %add3A_429, %mul3A_430 : i32
        %dma_start3A_432 = arith.constant 3 : i32
        %dma_start3A_433 = arith.constant 3 : i32
        %dma_start3A_434 = arith.constant 0 : i32
        %dma_start3A_435 = arith.constant 0 : i32
        %dma_start3A_436 = tpu.memref_slice %arg6[%dma_start3A_432, %dma_start3A_434, %dma_start3A_435] : memref<5x40x256xf32, #tpu.memory_space<vmem>> -> memref<1x40x256xf32, #tpu.memory_space<vmem>>
        %dma_start3A_437 = tpu.memref_squeeze %dma_start3A_436 : memref<1x40x256xf32, #tpu.memory_space<vmem>> -> memref<40x256xf32, #tpu.memory_space<vmem>>
        %dma_start3A_438 = tpu.memref_slice %arg5[%mul3A_431] : memref<25600xi32, #tpu.memory_space<vmem>> -> memref<40xi32, #tpu.memory_space<vmem>>
        %dma_start3A_439 = arith.constant 0 : i32
        %dma_start3A_440 = arith.constant 0 : i32
        %dma_start3A_441 = tpu.memref_slice %arg3[%dma_start3A_439, %dma_start3A_440] : memref<10000x256xf32, #tpu.memory_space<hbm>> -> memref<10000x256xf32, #tpu.memory_space<hbm>>
        %dma_start3A_442 = tpu.memref_slice %arg8[%dma_start3A_433] : memref<5x!tpu.dma_semaphore, #tpu.memory_space<semaphore_mem>> -> memref<1x!tpu.dma_semaphore, #tpu.memory_space<semaphore_mem>>
        %dma_start3A_443 = tpu.memref_squeeze %dma_start3A_442 : memref<1x!tpu.dma_semaphore, #tpu.memory_space<semaphore_mem>> -> memref<!tpu.dma_semaphore, #tpu.memory_space<semaphore_mem>>
        tpu.enqueue_indirect_dma source(%dma_start3A_441 : memref<10000x256xf32, #tpu.memory_space<hbm>>) target(%dma_start3A_437 : memref<40x256xf32, #tpu.memory_space<vmem>>) offsets(%dma_start3A_438 : memref<40xi32, #tpu.memory_space<vmem>>) semaphore(%dma_start3A_443 : memref<!tpu.dma_semaphore, #tpu.memory_space<semaphore_mem>>)
      } else {
      }
      %add3A_278 = arith.constant 4 : i32
      %add3A_279 = arith.addi %mul3A_113, %add3A_278 : i32
      %mul3A_280 = arith.constant 40 : i32
      %mul3A_281 = arith.muli %add3A_279, %mul3A_280 : i32
      %dma_wait3A_282 = arith.constant 4 : i32
      %dma_wait3A_283 = arith.constant 4 : i32
      %dma_wait3A_284 = arith.constant 0 : i32
      %dma_wait3A_285 = arith.constant 0 : i32
      %dma_wait3A_286 = tpu.memref_slice %arg6[%dma_wait3A_282, %dma_wait3A_284, %dma_wait3A_285] : memref<5x40x256xf32, #tpu.memory_space<vmem>> -> memref<1x40x256xf32, #tpu.memory_space<vmem>>
      %dma_wait3A_287 = tpu.memref_squeeze %dma_wait3A_286 : memref<1x40x256xf32, #tpu.memory_space<vmem>> -> memref<40x256xf32, #tpu.memory_space<vmem>>
      %dma_wait3A_288 = tpu.memref_slice %arg5[%mul3A_281] : memref<25600xi32, #tpu.memory_space<vmem>> -> memref<40xi32, #tpu.memory_space<vmem>>
      %dma_wait3A_289 = arith.constant 0 : i32
      %dma_wait3A_290 = arith.constant 0 : i32
      %dma_wait3A_291 = tpu.memref_slice %arg3[%dma_wait3A_289, %dma_wait3A_290] : memref<10000x256xf32, #tpu.memory_space<hbm>> -> memref<10000x256xf32, #tpu.memory_space<hbm>>
      %dma_wait3A_292 = tpu.memref_slice %arg8[%dma_wait3A_283] : memref<5x!tpu.dma_semaphore, #tpu.memory_space<semaphore_mem>> -> memref<1x!tpu.dma_semaphore, #tpu.memory_space<semaphore_mem>>
      %dma_wait3A_293 = tpu.memref_squeeze %dma_wait3A_292 : memref<1x!tpu.dma_semaphore, #tpu.memory_space<semaphore_mem>> -> memref<!tpu.dma_semaphore, #tpu.memory_space<semaphore_mem>>
      tpu.wait_indirect_dma semaphore(%dma_wait3A_293 : memref<!tpu.dma_semaphore, #tpu.memory_space<semaphore_mem>>) src(%dma_wait3A_291 : memref<10000x256xf32, #tpu.memory_space<hbm>>) dst(%dma_wait3A_287 : memref<40x256xf32, #tpu.memory_space<vmem>>)
      %scan3A_294 = arith.constant 0 : i32
      %scan3A_295 = arith.constant 10 : i32
      %scan3A_296 = arith.addi %scan3A_294, %scan3A_295 : i32
      %scan3A_297 = arith.constant 1 : i32
      %scan3A_298:16 = scf.for %scan3A_426 = %scan3A_294 to %scan3A_296 step %scan3A_297 iter_args(%scan3A_427 = %scan3A_267#0, %scan3A_428 = %scan3A_267#1, %scan3A_429 = %scan3A_267#2, %scan3A_430 = %scan3A_267#3, %scan3A_431 = %scan3A_267#4, %scan3A_432 = %scan3A_267#5, %scan3A_433 = %scan3A_267#6, %scan3A_434 = %scan3A_267#7, %scan3A_435 = %scan3A_267#8, %scan3A_436 = %scan3A_267#9, %scan3A_437 = %scan3A_267#10, %scan3A_438 = %scan3A_267#11, %scan3A_439 = %scan3A_267#12, %scan3A_440 = %scan3A_267#13, %scan3A_441 = %scan3A_267#14, %scan3A_442 = %scan3A_267#15) -> (vector<16xf32>, vector<16xf32>, vector<16xf32>, vector<16xf32>, vector<16xf32>, vector<16xf32>, vector<16xf32>, vector<16xf32>, vector<16xf32>, vector<16xf32>, vector<16xf32>, vector<16xf32>, vector<16xf32>, vector<16xf32>, vector<16xf32>, vector<16xf32>)  : i32 {
        %mul3A_443 = arith.constant 4 : i32
        %mul3A_444 = arith.muli %scan3A_426, %mul3A_443 : i32
        %add3A_445 = arith.constant 0 : i32
        %add3A_446 = arith.addi %mul3A_444, %add3A_445 : i32
        %get3A = arith.constant 4 : i32
        %get3A_447 = arith.index_cast %get3A : i32 to index
        %get3A_448 = arith.index_cast %add3A_446 : i32 to index
        %get3A_449 = arith.constant 0 : index
        %get3A_450 = tpu.vector_load %arg6[%get3A_447, %get3A_448, %get3A_449] {strides = array<i32>} : memref<5x40x256xf32, #tpu.memory_space<vmem>>, vector<1x1x16xf32>,
        %get3A_451 = vector.shape_cast %get3A_450 : vector<1x1x16xf32> to vector<16xf32>
        %add3A_452 = arith.addf %scan3A_427, %get3A_451 : vector<16xf32>
        %get3A_453 = arith.constant 4 : i32
        %get3A_454 = arith.index_cast %get3A_453 : i32 to index
        %get3A_455 = arith.index_cast %add3A_446 : i32 to index
        %get3A_456 = arith.constant 16 : index
        %get3A_457 = tpu.vector_load %arg6[%get3A_454, %get3A_455, %get3A_456] {strides = array<i32>} : memref<5x40x256xf32, #tpu.memory_space<vmem>>, vector<1x1x16xf32>,
        %get3A_458 = vector.shape_cast %get3A_457 : vector<1x1x16xf32> to vector<16xf32>
        %add3A_459 = arith.addf %scan3A_428, %get3A_458 : vector<16xf32>
        %get3A_460 = arith.constant 4 : i32
        %get3A_461 = arith.index_cast %get3A_460 : i32 to index
        %get3A_462 = arith.index_cast %add3A_446 : i32 to index
        %get3A_463 = arith.constant 32 : index
        %get3A_464 = tpu.vector_load %arg6[%get3A_461, %get3A_462, %get3A_463] {strides = array<i32>} : memref<5x40x256xf32, #tpu.memory_space<vmem>>, vector<1x1x16xf32>,
        %get3A_465 = vector.shape_cast %get3A_464 : vector<1x1x16xf32> to vector<16xf32>
        %add3A_466 = arith.addf %scan3A_429, %get3A_465 : vector<16xf32>
        %get3A_467 = arith.constant 4 : i32
        %get3A_468 = arith.index_cast %get3A_467 : i32 to index
        %get3A_469 = arith.index_cast %add3A_446 : i32 to index
        %get3A_470 = arith.constant 48 : index
        %get3A_471 = tpu.vector_load %arg6[%get3A_468, %get3A_469, %get3A_470] {strides = array<i32>} : memref<5x40x256xf32, #tpu.memory_space<vmem>>, vector<1x1x16xf32>,
        %get3A_472 = vector.shape_cast %get3A_471 : vector<1x1x16xf32> to vector<16xf32>
        %add3A_473 = arith.addf %scan3A_430, %get3A_472 : vector<16xf32>
        %get3A_474 = arith.constant 4 : i32
        %get3A_475 = arith.index_cast %get3A_474 : i32 to index
        %get3A_476 = arith.index_cast %add3A_446 : i32 to index
        %get3A_477 = arith.constant 64 : index
        %get3A_478 = tpu.vector_load %arg6[%get3A_475, %get3A_476, %get3A_477] {strides = array<i32>} : memref<5x40x256xf32, #tpu.memory_space<vmem>>, vector<1x1x16xf32>,
        %get3A_479 = vector.shape_cast %get3A_478 : vector<1x1x16xf32> to vector<16xf32>
        %add3A_480 = arith.addf %scan3A_431, %get3A_479 : vector<16xf32>
        %get3A_481 = arith.constant 4 : i32
        %get3A_482 = arith.index_cast %get3A_481 : i32 to index
        %get3A_483 = arith.index_cast %add3A_446 : i32 to index
        %get3A_484 = arith.constant 80 : index
        %get3A_485 = tpu.vector_load %arg6[%get3A_482, %get3A_483, %get3A_484] {strides = array<i32>} : memref<5x40x256xf32, #tpu.memory_space<vmem>>, vector<1x1x16xf32>,
        %get3A_486 = vector.shape_cast %get3A_485 : vector<1x1x16xf32> to vector<16xf32>
        %add3A_487 = arith.addf %scan3A_432, %get3A_486 : vector<16xf32>
        %get3A_488 = arith.constant 4 : i32
        %get3A_489 = arith.index_cast %get3A_488 : i32 to index
        %get3A_490 = arith.index_cast %add3A_446 : i32 to index
        %get3A_491 = arith.constant 96 : index
        %get3A_492 = tpu.vector_load %arg6[%get3A_489, %get3A_490, %get3A_491] {strides = array<i32>} : memref<5x40x256xf32, #tpu.memory_space<vmem>>, vector<1x1x16xf32>,
        %get3A_493 = vector.shape_cast %get3A_492 : vector<1x1x16xf32> to vector<16xf32>
        %add3A_494 = arith.addf %scan3A_433, %get3A_493 : vector<16xf32>
        %get3A_495 = arith.constant 4 : i32
        %get3A_496 = arith.index_cast %get3A_495 : i32 to index
        %get3A_497 = arith.index_cast %add3A_446 : i32 to index
        %get3A_498 = arith.constant 112 : index
        %get3A_499 = tpu.vector_load %arg6[%get3A_496, %get3A_497, %get3A_498] {strides = array<i32>} : memref<5x40x256xf32, #tpu.memory_space<vmem>>, vector<1x1x16xf32>,
        %get3A_500 = vector.shape_cast %get3A_499 : vector<1x1x16xf32> to vector<16xf32>
        %add3A_501 = arith.addf %scan3A_434, %get3A_500 : vector<16xf32>
        %get3A_502 = arith.constant 4 : i32
        %get3A_503 = arith.index_cast %get3A_502 : i32 to index
        %get3A_504 = arith.index_cast %add3A_446 : i32 to index
        %get3A_505 = arith.constant 128 : index
        %get3A_506 = tpu.vector_load %arg6[%get3A_503, %get3A_504, %get3A_505] {strides = array<i32>} : memref<5x40x256xf32, #tpu.memory_space<vmem>>, vector<1x1x16xf32>,
        %get3A_507 = vector.shape_cast %get3A_506 : vector<1x1x16xf32> to vector<16xf32>
        %add3A_508 = arith.addf %scan3A_435, %get3A_507 : vector<16xf32>
        %get3A_509 = arith.constant 4 : i32
        %get3A_510 = arith.index_cast %get3A_509 : i32 to index
        %get3A_511 = arith.index_cast %add3A_446 : i32 to index
        %get3A_512 = arith.constant 144 : index
        %get3A_513 = tpu.vector_load %arg6[%get3A_510, %get3A_511, %get3A_512] {strides = array<i32>} : memref<5x40x256xf32, #tpu.memory_space<vmem>>, vector<1x1x16xf32>,
        %get3A_514 = vector.shape_cast %get3A_513 : vector<1x1x16xf32> to vector<16xf32>
        %add3A_515 = arith.addf %scan3A_436, %get3A_514 : vector<16xf32>
        %get3A_516 = arith.constant 4 : i32
        %get3A_517 = arith.index_cast %get3A_516 : i32 to index
        %get3A_518 = arith.index_cast %add3A_446 : i32 to index
        %get3A_519 = arith.constant 160 : index
        %get3A_520 = tpu.vector_load %arg6[%get3A_517, %get3A_518, %get3A_519] {strides = array<i32>} : memref<5x40x256xf32, #tpu.memory_space<vmem>>, vector<1x1x16xf32>,
        %get3A_521 = vector.shape_cast %get3A_520 : vector<1x1x16xf32> to vector<16xf32>
        %add3A_522 = arith.addf %scan3A_437, %get3A_521 : vector<16xf32>
        %get3A_523 = arith.constant 4 : i32
        %get3A_524 = arith.index_cast %get3A_523 : i32 to index
        %get3A_525 = arith.index_cast %add3A_446 : i32 to index
        %get3A_526 = arith.constant 176 : index
        %get3A_527 = tpu.vector_load %arg6[%get3A_524, %get3A_525, %get3A_526] {strides = array<i32>} : memref<5x40x256xf32, #tpu.memory_space<vmem>>, vector<1x1x16xf32>,
        %get3A_528 = vector.shape_cast %get3A_527 : vector<1x1x16xf32> to vector<16xf32>
        %add3A_529 = arith.addf %scan3A_438, %get3A_528 : vector<16xf32>
        %get3A_530 = arith.constant 4 : i32
        %get3A_531 = arith.index_cast %get3A_530 : i32 to index
        %get3A_532 = arith.index_cast %add3A_446 : i32 to index
        %get3A_533 = arith.constant 192 : index
        %get3A_534 = tpu.vector_load %arg6[%get3A_531, %get3A_532, %get3A_533] {strides = array<i32>} : memref<5x40x256xf32, #tpu.memory_space<vmem>>, vector<1x1x16xf32>,
        %get3A_535 = vector.shape_cast %get3A_534 : vector<1x1x16xf32> to vector<16xf32>
        %add3A_536 = arith.addf %scan3A_439, %get3A_535 : vector<16xf32>
        %get3A_537 = arith.constant 4 : i32
        %get3A_538 = arith.index_cast %get3A_537 : i32 to index
        %get3A_539 = arith.index_cast %add3A_446 : i32 to index
        %get3A_540 = arith.constant 208 : index
        %get3A_541 = tpu.vector_load %arg6[%get3A_538, %get3A_539, %get3A_540] {strides = array<i32>} : memref<5x40x256xf32, #tpu.memory_space<vmem>>, vector<1x1x16xf32>,
        %get3A_542 = vector.shape_cast %get3A_541 : vector<1x1x16xf32> to vector<16xf32>
        %add3A_543 = arith.addf %scan3A_440, %get3A_542 : vector<16xf32>
        %get3A_544 = arith.constant 4 : i32
        %get3A_545 = arith.index_cast %get3A_544 : i32 to index
        %get3A_546 = arith.index_cast %add3A_446 : i32 to index
        %get3A_547 = arith.constant 224 : index
        %get3A_548 = tpu.vector_load %arg6[%get3A_545, %get3A_546, %get3A_547] {strides = array<i32>} : memref<5x40x256xf32, #tpu.memory_space<vmem>>, vector<1x1x16xf32>,
        %get3A_549 = vector.shape_cast %get3A_548 : vector<1x1x16xf32> to vector<16xf32>
        %add3A_550 = arith.addf %scan3A_441, %get3A_549 : vector<16xf32>
        %get3A_551 = arith.constant 4 : i32
        %get3A_552 = arith.index_cast %get3A_551 : i32 to index
        %get3A_553 = arith.index_cast %add3A_446 : i32 to index
        %get3A_554 = arith.constant 240 : index
        %get3A_555 = tpu.vector_load %arg6[%get3A_552, %get3A_553, %get3A_554] {strides = array<i32>} : memref<5x40x256xf32, #tpu.memory_space<vmem>>, vector<1x1x16xf32>,
        %get3A_556 = vector.shape_cast %get3A_555 : vector<1x1x16xf32> to vector<16xf32>
        %add3A_557 = arith.addf %scan3A_442, %get3A_556 : vector<16xf32>
        %mul3A_558 = arith.constant 4 : i32
        %mul3A_559 = arith.muli %scan3A_426, %mul3A_558 : i32
        %add3A_560 = arith.constant 1 : i32
        %add3A_561 = arith.addi %mul3A_559, %add3A_560 : i32
        %get3A_562 = arith.constant 4 : i32
        %get3A_563 = arith.index_cast %get3A_562 : i32 to index
        %get3A_564 = arith.index_cast %add3A_561 : i32 to index
        %get3A_565 = arith.constant 0 : index
        %get3A_566 = tpu.vector_load %arg6[%get3A_563, %get3A_564, %get3A_565] {strides = array<i32>} : memref<5x40x256xf32, #tpu.memory_space<vmem>>, vector<1x1x16xf32>,
        %get3A_567 = vector.shape_cast %get3A_566 : vector<1x1x16xf32> to vector<16xf32>
        %add3A_568 = arith.addf %add3A_452, %get3A_567 : vector<16xf32>
        %get3A_569 = arith.constant 4 : i32
        %get3A_570 = arith.index_cast %get3A_569 : i32 to index
        %get3A_571 = arith.index_cast %add3A_561 : i32 to index
        %get3A_572 = arith.constant 16 : index
        %get3A_573 = tpu.vector_load %arg6[%get3A_570, %get3A_571, %get3A_572] {strides = array<i32>} : memref<5x40x256xf32, #tpu.memory_space<vmem>>, vector<1x1x16xf32>,
        %get3A_574 = vector.shape_cast %get3A_573 : vector<1x1x16xf32> to vector<16xf32>
        %add3A_575 = arith.addf %add3A_459, %get3A_574 : vector<16xf32>
        %get3A_576 = arith.constant 4 : i32
        %get3A_577 = arith.index_cast %get3A_576 : i32 to index
        %get3A_578 = arith.index_cast %add3A_561 : i32 to index
        %get3A_579 = arith.constant 32 : index
        %get3A_580 = tpu.vector_load %arg6[%get3A_577, %get3A_578, %get3A_579] {strides = array<i32>} : memref<5x40x256xf32, #tpu.memory_space<vmem>>, vector<1x1x16xf32>,
        %get3A_581 = vector.shape_cast %get3A_580 : vector<1x1x16xf32> to vector<16xf32>
        %add3A_582 = arith.addf %add3A_466, %get3A_581 : vector<16xf32>
        %get3A_583 = arith.constant 4 : i32
        %get3A_584 = arith.index_cast %get3A_583 : i32 to index
        %get3A_585 = arith.index_cast %add3A_561 : i32 to index
        %get3A_586 = arith.constant 48 : index
        %get3A_587 = tpu.vector_load %arg6[%get3A_584, %get3A_585, %get3A_586] {strides = array<i32>} : memref<5x40x256xf32, #tpu.memory_space<vmem>>, vector<1x1x16xf32>,
        %get3A_588 = vector.shape_cast %get3A_587 : vector<1x1x16xf32> to vector<16xf32>
        %add3A_589 = arith.addf %add3A_473, %get3A_588 : vector<16xf32>
        %get3A_590 = arith.constant 4 : i32
        %get3A_591 = arith.index_cast %get3A_590 : i32 to index
        %get3A_592 = arith.index_cast %add3A_561 : i32 to index
        %get3A_593 = arith.constant 64 : index
        %get3A_594 = tpu.vector_load %arg6[%get3A_591, %get3A_592, %get3A_593] {strides = array<i32>} : memref<5x40x256xf32, #tpu.memory_space<vmem>>, vector<1x1x16xf32>,
        %get3A_595 = vector.shape_cast %get3A_594 : vector<1x1x16xf32> to vector<16xf32>
        %add3A_596 = arith.addf %add3A_480, %get3A_595 : vector<16xf32>
        %get3A_597 = arith.constant 4 : i32
        %get3A_598 = arith.index_cast %get3A_597 : i32 to index
        %get3A_599 = arith.index_cast %add3A_561 : i32 to index
        %get3A_600 = arith.constant 80 : index
        %get3A_601 = tpu.vector_load %arg6[%get3A_598, %get3A_599, %get3A_600] {strides = array<i32>} : memref<5x40x256xf32, #tpu.memory_space<vmem>>, vector<1x1x16xf32>,
        %get3A_602 = vector.shape_cast %get3A_601 : vector<1x1x16xf32> to vector<16xf32>
        %add3A_603 = arith.addf %add3A_487, %get3A_602 : vector<16xf32>
        %get3A_604 = arith.constant 4 : i32
        %get3A_605 = arith.index_cast %get3A_604 : i32 to index
        %get3A_606 = arith.index_cast %add3A_561 : i32 to index
        %get3A_607 = arith.constant 96 : index
        %get3A_608 = tpu.vector_load %arg6[%get3A_605, %get3A_606, %get3A_607] {strides = array<i32>} : memref<5x40x256xf32, #tpu.memory_space<vmem>>, vector<1x1x16xf32>,
        %get3A_609 = vector.shape_cast %get3A_608 : vector<1x1x16xf32> to vector<16xf32>
        %add3A_610 = arith.addf %add3A_494, %get3A_609 : vector<16xf32>
        %get3A_611 = arith.constant 4 : i32
        %get3A_612 = arith.index_cast %get3A_611 : i32 to index
        %get3A_613 = arith.index_cast %add3A_561 : i32 to index
        %get3A_614 = arith.constant 112 : index
        %get3A_615 = tpu.vector_load %arg6[%get3A_612, %get3A_613, %get3A_614] {strides = array<i32>} : memref<5x40x256xf32, #tpu.memory_space<vmem>>, vector<1x1x16xf32>,
        %get3A_616 = vector.shape_cast %get3A_615 : vector<1x1x16xf32> to vector<16xf32>
        %add3A_617 = arith.addf %add3A_501, %get3A_616 : vector<16xf32>
        %get3A_618 = arith.constant 4 : i32
        %get3A_619 = arith.index_cast %get3A_618 : i32 to index
        %get3A_620 = arith.index_cast %add3A_561 : i32 to index
        %get3A_621 = arith.constant 128 : index
        %get3A_622 = tpu.vector_load %arg6[%get3A_619, %get3A_620, %get3A_621] {strides = array<i32>} : memref<5x40x256xf32, #tpu.memory_space<vmem>>, vector<1x1x16xf32>,
        %get3A_623 = vector.shape_cast %get3A_622 : vector<1x1x16xf32> to vector<16xf32>
        %add3A_624 = arith.addf %add3A_508, %get3A_623 : vector<16xf32>
        %get3A_625 = arith.constant 4 : i32
        %get3A_626 = arith.index_cast %get3A_625 : i32 to index
        %get3A_627 = arith.index_cast %add3A_561 : i32 to index
        %get3A_628 = arith.constant 144 : index
        %get3A_629 = tpu.vector_load %arg6[%get3A_626, %get3A_627, %get3A_628] {strides = array<i32>} : memref<5x40x256xf32, #tpu.memory_space<vmem>>, vector<1x1x16xf32>,
        %get3A_630 = vector.shape_cast %get3A_629 : vector<1x1x16xf32> to vector<16xf32>
        %add3A_631 = arith.addf %add3A_515, %get3A_630 : vector<16xf32>
        %get3A_632 = arith.constant 4 : i32
        %get3A_633 = arith.index_cast %get3A_632 : i32 to index
        %get3A_634 = arith.index_cast %add3A_561 : i32 to index
        %get3A_635 = arith.constant 160 : index
        %get3A_636 = tpu.vector_load %arg6[%get3A_633, %get3A_634, %get3A_635] {strides = array<i32>} : memref<5x40x256xf32, #tpu.memory_space<vmem>>, vector<1x1x16xf32>,
        %get3A_637 = vector.shape_cast %get3A_636 : vector<1x1x16xf32> to vector<16xf32>
        %add3A_638 = arith.addf %add3A_522, %get3A_637 : vector<16xf32>
        %get3A_639 = arith.constant 4 : i32
        %get3A_640 = arith.index_cast %get3A_639 : i32 to index
        %get3A_641 = arith.index_cast %add3A_561 : i32 to index
        %get3A_642 = arith.constant 176 : index
        %get3A_643 = tpu.vector_load %arg6[%get3A_640, %get3A_641, %get3A_642] {strides = array<i32>} : memref<5x40x256xf32, #tpu.memory_space<vmem>>, vector<1x1x16xf32>,
        %get3A_644 = vector.shape_cast %get3A_643 : vector<1x1x16xf32> to vector<16xf32>
        %add3A_645 = arith.addf %add3A_529, %get3A_644 : vector<16xf32>
        %get3A_646 = arith.constant 4 : i32
        %get3A_647 = arith.index_cast %get3A_646 : i32 to index
        %get3A_648 = arith.index_cast %add3A_561 : i32 to index
        %get3A_649 = arith.constant 192 : index
        %get3A_650 = tpu.vector_load %arg6[%get3A_647, %get3A_648, %get3A_649] {strides = array<i32>} : memref<5x40x256xf32, #tpu.memory_space<vmem>>, vector<1x1x16xf32>,
        %get3A_651 = vector.shape_cast %get3A_650 : vector<1x1x16xf32> to vector<16xf32>
        %add3A_652 = arith.addf %add3A_536, %get3A_651 : vector<16xf32>
        %get3A_653 = arith.constant 4 : i32
        %get3A_654 = arith.index_cast %get3A_653 : i32 to index
        %get3A_655 = arith.index_cast %add3A_561 : i32 to index
        %get3A_656 = arith.constant 208 : index
        %get3A_657 = tpu.vector_load %arg6[%get3A_654, %get3A_655, %get3A_656] {strides = array<i32>} : memref<5x40x256xf32, #tpu.memory_space<vmem>>, vector<1x1x16xf32>,
        %get3A_658 = vector.shape_cast %get3A_657 : vector<1x1x16xf32> to vector<16xf32>
        %add3A_659 = arith.addf %add3A_543, %get3A_658 : vector<16xf32>
        %get3A_660 = arith.constant 4 : i32
        %get3A_661 = arith.index_cast %get3A_660 : i32 to index
        %get3A_662 = arith.index_cast %add3A_561 : i32 to index
        %get3A_663 = arith.constant 224 : index
        %get3A_664 = tpu.vector_load %arg6[%get3A_661, %get3A_662, %get3A_663] {strides = array<i32>} : memref<5x40x256xf32, #tpu.memory_space<vmem>>, vector<1x1x16xf32>,
        %get3A_665 = vector.shape_cast %get3A_664 : vector<1x1x16xf32> to vector<16xf32>
        %add3A_666 = arith.addf %add3A_550, %get3A_665 : vector<16xf32>
        %get3A_667 = arith.constant 4 : i32
        %get3A_668 = arith.index_cast %get3A_667 : i32 to index
        %get3A_669 = arith.index_cast %add3A_561 : i32 to index
        %get3A_670 = arith.constant 240 : index
        %get3A_671 = tpu.vector_load %arg6[%get3A_668, %get3A_669, %get3A_670] {strides = array<i32>} : memref<5x40x256xf32, #tpu.memory_space<vmem>>, vector<1x1x16xf32>,
        %get3A_672 = vector.shape_cast %get3A_671 : vector<1x1x16xf32> to vector<16xf32>
        %add3A_673 = arith.addf %add3A_557, %get3A_672 : vector<16xf32>
        %mul3A_674 = arith.constant 4 : i32
        %mul3A_675 = arith.muli %scan3A_426, %mul3A_674 : i32
        %add3A_676 = arith.constant 2 : i32
        %add3A_677 = arith.addi %mul3A_675, %add3A_676 : i32
        %get3A_678 = arith.constant 4 : i32
        %get3A_679 = arith.index_cast %get3A_678 : i32 to index
        %get3A_680 = arith.index_cast %add3A_677 : i32 to index
        %get3A_681 = arith.constant 0 : index
        %get3A_682 = tpu.vector_load %arg6[%get3A_679, %get3A_680, %get3A_681] {strides = array<i32>} : memref<5x40x256xf32, #tpu.memory_space<vmem>>, vector<1x1x16xf32>,
        %get3A_683 = vector.shape_cast %get3A_682 : vector<1x1x16xf32> to vector<16xf32>
        %add3A_684 = arith.addf %add3A_568, %get3A_683 : vector<16xf32>
        %get3A_685 = arith.constant 4 : i32
        %get3A_686 = arith.index_cast %get3A_685 : i32 to index
        %get3A_687 = arith.index_cast %add3A_677 : i32 to index
        %get3A_688 = arith.constant 16 : index
        %get3A_689 = tpu.vector_load %arg6[%get3A_686, %get3A_687, %get3A_688] {strides = array<i32>} : memref<5x40x256xf32, #tpu.memory_space<vmem>>, vector<1x1x16xf32>,
        %get3A_690 = vector.shape_cast %get3A_689 : vector<1x1x16xf32> to vector<16xf32>
        %add3A_691 = arith.addf %add3A_575, %get3A_690 : vector<16xf32>
        %get3A_692 = arith.constant 4 : i32
        %get3A_693 = arith.index_cast %get3A_692 : i32 to index
        %get3A_694 = arith.index_cast %add3A_677 : i32 to index
        %get3A_695 = arith.constant 32 : index
        %get3A_696 = tpu.vector_load %arg6[%get3A_693, %get3A_694, %get3A_695] {strides = array<i32>} : memref<5x40x256xf32, #tpu.memory_space<vmem>>, vector<1x1x16xf32>,
        %get3A_697 = vector.shape_cast %get3A_696 : vector<1x1x16xf32> to vector<16xf32>
        %add3A_698 = arith.addf %add3A_582, %get3A_697 : vector<16xf32>
        %get3A_699 = arith.constant 4 : i32
        %get3A_700 = arith.index_cast %get3A_699 : i32 to index
        %get3A_701 = arith.index_cast %add3A_677 : i32 to index
        %get3A_702 = arith.constant 48 : index
        %get3A_703 = tpu.vector_load %arg6[%get3A_700, %get3A_701, %get3A_702] {strides = array<i32>} : memref<5x40x256xf32, #tpu.memory_space<vmem>>, vector<1x1x16xf32>,
        %get3A_704 = vector.shape_cast %get3A_703 : vector<1x1x16xf32> to vector<16xf32>
        %add3A_705 = arith.addf %add3A_589, %get3A_704 : vector<16xf32>
        %get3A_706 = arith.constant 4 : i32
        %get3A_707 = arith.index_cast %get3A_706 : i32 to index
        %get3A_708 = arith.index_cast %add3A_677 : i32 to index
        %get3A_709 = arith.constant 64 : index
        %get3A_710 = tpu.vector_load %arg6[%get3A_707, %get3A_708, %get3A_709] {strides = array<i32>} : memref<5x40x256xf32, #tpu.memory_space<vmem>>, vector<1x1x16xf32>,
        %get3A_711 = vector.shape_cast %get3A_710 : vector<1x1x16xf32> to vector<16xf32>
        %add3A_712 = arith.addf %add3A_596, %get3A_711 : vector<16xf32>
        %get3A_713 = arith.constant 4 : i32
        %get3A_714 = arith.index_cast %get3A_713 : i32 to index
        %get3A_715 = arith.index_cast %add3A_677 : i32 to index
        %get3A_716 = arith.constant 80 : index
        %get3A_717 = tpu.vector_load %arg6[%get3A_714, %get3A_715, %get3A_716] {strides = array<i32>} : memref<5x40x256xf32, #tpu.memory_space<vmem>>, vector<1x1x16xf32>,
        %get3A_718 = vector.shape_cast %get3A_717 : vector<1x1x16xf32> to vector<16xf32>
        %add3A_719 = arith.addf %add3A_603, %get3A_718 : vector<16xf32>
        %get3A_720 = arith.constant 4 : i32
        %get3A_721 = arith.index_cast %get3A_720 : i32 to index
        %get3A_722 = arith.index_cast %add3A_677 : i32 to index
        %get3A_723 = arith.constant 96 : index
        %get3A_724 = tpu.vector_load %arg6[%get3A_721, %get3A_722, %get3A_723] {strides = array<i32>} : memref<5x40x256xf32, #tpu.memory_space<vmem>>, vector<1x1x16xf32>,
        %get3A_725 = vector.shape_cast %get3A_724 : vector<1x1x16xf32> to vector<16xf32>
        %add3A_726 = arith.addf %add3A_610, %get3A_725 : vector<16xf32>
        %get3A_727 = arith.constant 4 : i32
        %get3A_728 = arith.index_cast %get3A_727 : i32 to index
        %get3A_729 = arith.index_cast %add3A_677 : i32 to index
        %get3A_730 = arith.constant 112 : index
        %get3A_731 = tpu.vector_load %arg6[%get3A_728, %get3A_729, %get3A_730] {strides = array<i32>} : memref<5x40x256xf32, #tpu.memory_space<vmem>>, vector<1x1x16xf32>,
        %get3A_732 = vector.shape_cast %get3A_731 : vector<1x1x16xf32> to vector<16xf32>
        %add3A_733 = arith.addf %add3A_617, %get3A_732 : vector<16xf32>
        %get3A_734 = arith.constant 4 : i32
        %get3A_735 = arith.index_cast %get3A_734 : i32 to index
        %get3A_736 = arith.index_cast %add3A_677 : i32 to index
        %get3A_737 = arith.constant 128 : index
        %get3A_738 = tpu.vector_load %arg6[%get3A_735, %get3A_736, %get3A_737] {strides = array<i32>} : memref<5x40x256xf32, #tpu.memory_space<vmem>>, vector<1x1x16xf32>,
        %get3A_739 = vector.shape_cast %get3A_738 : vector<1x1x16xf32> to vector<16xf32>
        %add3A_740 = arith.addf %add3A_624, %get3A_739 : vector<16xf32>
        %get3A_741 = arith.constant 4 : i32
        %get3A_742 = arith.index_cast %get3A_741 : i32 to index
        %get3A_743 = arith.index_cast %add3A_677 : i32 to index
        %get3A_744 = arith.constant 144 : index
        %get3A_745 = tpu.vector_load %arg6[%get3A_742, %get3A_743, %get3A_744] {strides = array<i32>} : memref<5x40x256xf32, #tpu.memory_space<vmem>>, vector<1x1x16xf32>,
        %get3A_746 = vector.shape_cast %get3A_745 : vector<1x1x16xf32> to vector<16xf32>
        %add3A_747 = arith.addf %add3A_631, %get3A_746 : vector<16xf32>
        %get3A_748 = arith.constant 4 : i32
        %get3A_749 = arith.index_cast %get3A_748 : i32 to index
        %get3A_750 = arith.index_cast %add3A_677 : i32 to index
        %get3A_751 = arith.constant 160 : index
        %get3A_752 = tpu.vector_load %arg6[%get3A_749, %get3A_750, %get3A_751] {strides = array<i32>} : memref<5x40x256xf32, #tpu.memory_space<vmem>>, vector<1x1x16xf32>,
        %get3A_753 = vector.shape_cast %get3A_752 : vector<1x1x16xf32> to vector<16xf32>
        %add3A_754 = arith.addf %add3A_638, %get3A_753 : vector<16xf32>
        %get3A_755 = arith.constant 4 : i32
        %get3A_756 = arith.index_cast %get3A_755 : i32 to index
        %get3A_757 = arith.index_cast %add3A_677 : i32 to index
        %get3A_758 = arith.constant 176 : index
        %get3A_759 = tpu.vector_load %arg6[%get3A_756, %get3A_757, %get3A_758] {strides = array<i32>} : memref<5x40x256xf32, #tpu.memory_space<vmem>>, vector<1x1x16xf32>,
        %get3A_760 = vector.shape_cast %get3A_759 : vector<1x1x16xf32> to vector<16xf32>
        %add3A_761 = arith.addf %add3A_645, %get3A_760 : vector<16xf32>
        %get3A_762 = arith.constant 4 : i32
        %get3A_763 = arith.index_cast %get3A_762 : i32 to index
        %get3A_764 = arith.index_cast %add3A_677 : i32 to index
        %get3A_765 = arith.constant 192 : index
        %get3A_766 = tpu.vector_load %arg6[%get3A_763, %get3A_764, %get3A_765] {strides = array<i32>} : memref<5x40x256xf32, #tpu.memory_space<vmem>>, vector<1x1x16xf32>,
        %get3A_767 = vector.shape_cast %get3A_766 : vector<1x1x16xf32> to vector<16xf32>
        %add3A_768 = arith.addf %add3A_652, %get3A_767 : vector<16xf32>
        %get3A_769 = arith.constant 4 : i32
        %get3A_770 = arith.index_cast %get3A_769 : i32 to index
        %get3A_771 = arith.index_cast %add3A_677 : i32 to index
        %get3A_772 = arith.constant 208 : index
        %get3A_773 = tpu.vector_load %arg6[%get3A_770, %get3A_771, %get3A_772] {strides = array<i32>} : memref<5x40x256xf32, #tpu.memory_space<vmem>>, vector<1x1x16xf32>,
        %get3A_774 = vector.shape_cast %get3A_773 : vector<1x1x16xf32> to vector<16xf32>
        %add3A_775 = arith.addf %add3A_659, %get3A_774 : vector<16xf32>
        %get3A_776 = arith.constant 4 : i32
        %get3A_777 = arith.index_cast %get3A_776 : i32 to index
        %get3A_778 = arith.index_cast %add3A_677 : i32 to index
        %get3A_779 = arith.constant 224 : index
        %get3A_780 = tpu.vector_load %arg6[%get3A_777, %get3A_778, %get3A_779] {strides = array<i32>} : memref<5x40x256xf32, #tpu.memory_space<vmem>>, vector<1x1x16xf32>,
        %get3A_781 = vector.shape_cast %get3A_780 : vector<1x1x16xf32> to vector<16xf32>
        %add3A_782 = arith.addf %add3A_666, %get3A_781 : vector<16xf32>
        %get3A_783 = arith.constant 4 : i32
        %get3A_784 = arith.index_cast %get3A_783 : i32 to index
        %get3A_785 = arith.index_cast %add3A_677 : i32 to index
        %get3A_786 = arith.constant 240 : index
        %get3A_787 = tpu.vector_load %arg6[%get3A_784, %get3A_785, %get3A_786] {strides = array<i32>} : memref<5x40x256xf32, #tpu.memory_space<vmem>>, vector<1x1x16xf32>,
        %get3A_788 = vector.shape_cast %get3A_787 : vector<1x1x16xf32> to vector<16xf32>
        %add3A_789 = arith.addf %add3A_673, %get3A_788 : vector<16xf32>
        %mul3A_790 = arith.constant 4 : i32
        %mul3A_791 = arith.muli %scan3A_426, %mul3A_790 : i32
        %add3A_792 = arith.constant 3 : i32
        %add3A_793 = arith.addi %mul3A_791, %add3A_792 : i32
        %get3A_794 = arith.constant 4 : i32
        %get3A_795 = arith.index_cast %get3A_794 : i32 to index
        %get3A_796 = arith.index_cast %add3A_793 : i32 to index
        %get3A_797 = arith.constant 0 : index
        %get3A_798 = tpu.vector_load %arg6[%get3A_795, %get3A_796, %get3A_797] {strides = array<i32>} : memref<5x40x256xf32, #tpu.memory_space<vmem>>, vector<1x1x16xf32>,
        %get3A_799 = vector.shape_cast %get3A_798 : vector<1x1x16xf32> to vector<16xf32>
        %add3A_800 = arith.addf %add3A_684, %get3A_799 : vector<16xf32>
        %get3A_801 = arith.constant 4 : i32
        %get3A_802 = arith.index_cast %get3A_801 : i32 to index
        %get3A_803 = arith.index_cast %add3A_793 : i32 to index
        %get3A_804 = arith.constant 16 : index
        %get3A_805 = tpu.vector_load %arg6[%get3A_802, %get3A_803, %get3A_804] {strides = array<i32>} : memref<5x40x256xf32, #tpu.memory_space<vmem>>, vector<1x1x16xf32>,
        %get3A_806 = vector.shape_cast %get3A_805 : vector<1x1x16xf32> to vector<16xf32>
        %add3A_807 = arith.addf %add3A_691, %get3A_806 : vector<16xf32>
        %get3A_808 = arith.constant 4 : i32
        %get3A_809 = arith.index_cast %get3A_808 : i32 to index
        %get3A_810 = arith.index_cast %add3A_793 : i32 to index
        %get3A_811 = arith.constant 32 : index
        %get3A_812 = tpu.vector_load %arg6[%get3A_809, %get3A_810, %get3A_811] {strides = array<i32>} : memref<5x40x256xf32, #tpu.memory_space<vmem>>, vector<1x1x16xf32>,
        %get3A_813 = vector.shape_cast %get3A_812 : vector<1x1x16xf32> to vector<16xf32>
        %add3A_814 = arith.addf %add3A_698, %get3A_813 : vector<16xf32>
        %get3A_815 = arith.constant 4 : i32
        %get3A_816 = arith.index_cast %get3A_815 : i32 to index
        %get3A_817 = arith.index_cast %add3A_793 : i32 to index
        %get3A_818 = arith.constant 48 : index
        %get3A_819 = tpu.vector_load %arg6[%get3A_816, %get3A_817, %get3A_818] {strides = array<i32>} : memref<5x40x256xf32, #tpu.memory_space<vmem>>, vector<1x1x16xf32>,
        %get3A_820 = vector.shape_cast %get3A_819 : vector<1x1x16xf32> to vector<16xf32>
        %add3A_821 = arith.addf %add3A_705, %get3A_820 : vector<16xf32>
        %get3A_822 = arith.constant 4 : i32
        %get3A_823 = arith.index_cast %get3A_822 : i32 to index
        %get3A_824 = arith.index_cast %add3A_793 : i32 to index
        %get3A_825 = arith.constant 64 : index
        %get3A_826 = tpu.vector_load %arg6[%get3A_823, %get3A_824, %get3A_825] {strides = array<i32>} : memref<5x40x256xf32, #tpu.memory_space<vmem>>, vector<1x1x16xf32>,
        %get3A_827 = vector.shape_cast %get3A_826 : vector<1x1x16xf32> to vector<16xf32>
        %add3A_828 = arith.addf %add3A_712, %get3A_827 : vector<16xf32>
        %get3A_829 = arith.constant 4 : i32
        %get3A_830 = arith.index_cast %get3A_829 : i32 to index
        %get3A_831 = arith.index_cast %add3A_793 : i32 to index
        %get3A_832 = arith.constant 80 : index
        %get3A_833 = tpu.vector_load %arg6[%get3A_830, %get3A_831, %get3A_832] {strides = array<i32>} : memref<5x40x256xf32, #tpu.memory_space<vmem>>, vector<1x1x16xf32>,
        %get3A_834 = vector.shape_cast %get3A_833 : vector<1x1x16xf32> to vector<16xf32>
        %add3A_835 = arith.addf %add3A_719, %get3A_834 : vector<16xf32>
        %get3A_836 = arith.constant 4 : i32
        %get3A_837 = arith.index_cast %get3A_836 : i32 to index
        %get3A_838 = arith.index_cast %add3A_793 : i32 to index
        %get3A_839 = arith.constant 96 : index
        %get3A_840 = tpu.vector_load %arg6[%get3A_837, %get3A_838, %get3A_839] {strides = array<i32>} : memref<5x40x256xf32, #tpu.memory_space<vmem>>, vector<1x1x16xf32>,
        %get3A_841 = vector.shape_cast %get3A_840 : vector<1x1x16xf32> to vector<16xf32>
        %add3A_842 = arith.addf %add3A_726, %get3A_841 : vector<16xf32>
        %get3A_843 = arith.constant 4 : i32
        %get3A_844 = arith.index_cast %get3A_843 : i32 to index
        %get3A_845 = arith.index_cast %add3A_793 : i32 to index
        %get3A_846 = arith.constant 112 : index
        %get3A_847 = tpu.vector_load %arg6[%get3A_844, %get3A_845, %get3A_846] {strides = array<i32>} : memref<5x40x256xf32, #tpu.memory_space<vmem>>, vector<1x1x16xf32>,
        %get3A_848 = vector.shape_cast %get3A_847 : vector<1x1x16xf32> to vector<16xf32>
        %add3A_849 = arith.addf %add3A_733, %get3A_848 : vector<16xf32>
        %get3A_850 = arith.constant 4 : i32
        %get3A_851 = arith.index_cast %get3A_850 : i32 to index
        %get3A_852 = arith.index_cast %add3A_793 : i32 to index
        %get3A_853 = arith.constant 128 : index
        %get3A_854 = tpu.vector_load %arg6[%get3A_851, %get3A_852, %get3A_853] {strides = array<i32>} : memref<5x40x256xf32, #tpu.memory_space<vmem>>, vector<1x1x16xf32>,
        %get3A_855 = vector.shape_cast %get3A_854 : vector<1x1x16xf32> to vector<16xf32>
        %add3A_856 = arith.addf %add3A_740, %get3A_855 : vector<16xf32>
        %get3A_857 = arith.constant 4 : i32
        %get3A_858 = arith.index_cast %get3A_857 : i32 to index
        %get3A_859 = arith.index_cast %add3A_793 : i32 to index
        %get3A_860 = arith.constant 144 : index
        %get3A_861 = tpu.vector_load %arg6[%get3A_858, %get3A_859, %get3A_860] {strides = array<i32>} : memref<5x40x256xf32, #tpu.memory_space<vmem>>, vector<1x1x16xf32>,
        %get3A_862 = vector.shape_cast %get3A_861 : vector<1x1x16xf32> to vector<16xf32>
        %add3A_863 = arith.addf %add3A_747, %get3A_862 : vector<16xf32>
        %get3A_864 = arith.constant 4 : i32
        %get3A_865 = arith.index_cast %get3A_864 : i32 to index
        %get3A_866 = arith.index_cast %add3A_793 : i32 to index
        %get3A_867 = arith.constant 160 : index
        %get3A_868 = tpu.vector_load %arg6[%get3A_865, %get3A_866, %get3A_867] {strides = array<i32>} : memref<5x40x256xf32, #tpu.memory_space<vmem>>, vector<1x1x16xf32>,
        %get3A_869 = vector.shape_cast %get3A_868 : vector<1x1x16xf32> to vector<16xf32>
        %add3A_870 = arith.addf %add3A_754, %get3A_869 : vector<16xf32>
        %get3A_871 = arith.constant 4 : i32
        %get3A_872 = arith.index_cast %get3A_871 : i32 to index
        %get3A_873 = arith.index_cast %add3A_793 : i32 to index
        %get3A_874 = arith.constant 176 : index
        %get3A_875 = tpu.vector_load %arg6[%get3A_872, %get3A_873, %get3A_874] {strides = array<i32>} : memref<5x40x256xf32, #tpu.memory_space<vmem>>, vector<1x1x16xf32>,
        %get3A_876 = vector.shape_cast %get3A_875 : vector<1x1x16xf32> to vector<16xf32>
        %add3A_877 = arith.addf %add3A_761, %get3A_876 : vector<16xf32>
        %get3A_878 = arith.constant 4 : i32
        %get3A_879 = arith.index_cast %get3A_878 : i32 to index
        %get3A_880 = arith.index_cast %add3A_793 : i32 to index
        %get3A_881 = arith.constant 192 : index
        %get3A_882 = tpu.vector_load %arg6[%get3A_879, %get3A_880, %get3A_881] {strides = array<i32>} : memref<5x40x256xf32, #tpu.memory_space<vmem>>, vector<1x1x16xf32>,
        %get3A_883 = vector.shape_cast %get3A_882 : vector<1x1x16xf32> to vector<16xf32>
        %add3A_884 = arith.addf %add3A_768, %get3A_883 : vector<16xf32>
        %get3A_885 = arith.constant 4 : i32
        %get3A_886 = arith.index_cast %get3A_885 : i32 to index
        %get3A_887 = arith.index_cast %add3A_793 : i32 to index
        %get3A_888 = arith.constant 208 : index
        %get3A_889 = tpu.vector_load %arg6[%get3A_886, %get3A_887, %get3A_888] {strides = array<i32>} : memref<5x40x256xf32, #tpu.memory_space<vmem>>, vector<1x1x16xf32>,
        %get3A_890 = vector.shape_cast %get3A_889 : vector<1x1x16xf32> to vector<16xf32>
        %add3A_891 = arith.addf %add3A_775, %get3A_890 : vector<16xf32>
        %get3A_892 = arith.constant 4 : i32
        %get3A_893 = arith.index_cast %get3A_892 : i32 to index
        %get3A_894 = arith.index_cast %add3A_793 : i32 to index
        %get3A_895 = arith.constant 224 : index
        %get3A_896 = tpu.vector_load %arg6[%get3A_893, %get3A_894, %get3A_895] {strides = array<i32>} : memref<5x40x256xf32, #tpu.memory_space<vmem>>, vector<1x1x16xf32>,
        %get3A_897 = vector.shape_cast %get3A_896 : vector<1x1x16xf32> to vector<16xf32>
        %add3A_898 = arith.addf %add3A_782, %get3A_897 : vector<16xf32>
        %get3A_899 = arith.constant 4 : i32
        %get3A_900 = arith.index_cast %get3A_899 : i32 to index
        %get3A_901 = arith.index_cast %add3A_793 : i32 to index
        %get3A_902 = arith.constant 240 : index
        %get3A_903 = tpu.vector_load %arg6[%get3A_900, %get3A_901, %get3A_902] {strides = array<i32>} : memref<5x40x256xf32, #tpu.memory_space<vmem>>, vector<1x1x16xf32>,
        %get3A_904 = vector.shape_cast %get3A_903 : vector<1x1x16xf32> to vector<16xf32>
        %add3A_905 = arith.addf %add3A_789, %get3A_904 : vector<16xf32>
        scf.yield %add3A_800, %add3A_807, %add3A_814, %add3A_821, %add3A_828, %add3A_835, %add3A_842, %add3A_849, %add3A_856, %add3A_863, %add3A_870, %add3A_877, %add3A_884, %add3A_891, %add3A_898, %add3A_905 : vector<16xf32>, vector<16xf32>, vector<16xf32>, vector<16xf32>, vector<16xf32>, vector<16xf32>, vector<16xf32>, vector<16xf32>, vector<16xf32>, vector<16xf32>, vector<16xf32>, vector<16xf32>, vector<16xf32>, vector<16xf32>, vector<16xf32>, vector<16xf32>
      }
      %scan3A_299 = arith.constant 10 : i32
      %mul3A_300 = vector.broadcast %scan3A_56 : f32 to vector<16xf32>
      %mul3A_301 = arith.mulf %scan3A_298#0, %mul3A_300 : vector<16xf32>
      %swap3A = arith.index_cast %select_n3A_109 : i32 to index
      %swap3A_302 = arith.constant 0 : index
      %swap3A_303 = tpu.vector_load %arg7[%swap3A, %swap3A_302] {strides = array<i32>} : memref<2x256xf32, #tpu.memory_space<vmem>>, vector<1x16xf32>,
      %swap3A_304 = vector.shape_cast %swap3A_303 : vector<1x16xf32> to vector<16xf32>
      %swap3A_305 = vector.shape_cast %mul3A_301 : vector<16xf32> to vector<1x16xf32>
      tpu.vector_store %arg7[%swap3A, %swap3A_302], %swap3A_305 {strides = array<i32>} : memref<2x256xf32, #tpu.memory_space<vmem>>, vector<1x16xf32>,
      %mul3A_306 = vector.broadcast %scan3A_56 : f32 to vector<16xf32>
      %mul3A_307 = arith.mulf %scan3A_298#1, %mul3A_306 : vector<16xf32>
      %swap3A_308 = arith.index_cast %select_n3A_109 : i32 to index
      %swap3A_309 = arith.constant 16 : index
      %swap3A_310 = tpu.vector_load %arg7[%swap3A_308, %swap3A_309] {strides = array<i32>} : memref<2x256xf32, #tpu.memory_space<vmem>>, vector<1x16xf32>,
      %swap3A_311 = vector.shape_cast %swap3A_310 : vector<1x16xf32> to vector<16xf32>
      %swap3A_312 = vector.shape_cast %mul3A_307 : vector<16xf32> to vector<1x16xf32>
      tpu.vector_store %arg7[%swap3A_308, %swap3A_309], %swap3A_312 {strides = array<i32>} : memref<2x256xf32, #tpu.memory_space<vmem>>, vector<1x16xf32>,
      %mul3A_313 = vector.broadcast %scan3A_56 : f32 to vector<16xf32>
      %mul3A_314 = arith.mulf %scan3A_298#2, %mul3A_313 : vector<16xf32>
      %swap3A_315 = arith.index_cast %select_n3A_109 : i32 to index
      %swap3A_316 = arith.constant 32 : index
      %swap3A_317 = tpu.vector_load %arg7[%swap3A_315, %swap3A_316] {strides = array<i32>} : memref<2x256xf32, #tpu.memory_space<vmem>>, vector<1x16xf32>,
      %swap3A_318 = vector.shape_cast %swap3A_317 : vector<1x16xf32> to vector<16xf32>
      %swap3A_319 = vector.shape_cast %mul3A_314 : vector<16xf32> to vector<1x16xf32>
      tpu.vector_store %arg7[%swap3A_315, %swap3A_316], %swap3A_319 {strides = array<i32>} : memref<2x256xf32, #tpu.memory_space<vmem>>, vector<1x16xf32>,
      %mul3A_320 = vector.broadcast %scan3A_56 : f32 to vector<16xf32>
      %mul3A_321 = arith.mulf %scan3A_298#3, %mul3A_320 : vector<16xf32>
      %swap3A_322 = arith.index_cast %select_n3A_109 : i32 to index
      %swap3A_323 = arith.constant 48 : index
      %swap3A_324 = tpu.vector_load %arg7[%swap3A_322, %swap3A_323] {strides = array<i32>} : memref<2x256xf32, #tpu.memory_space<vmem>>, vector<1x16xf32>,
      %swap3A_325 = vector.shape_cast %swap3A_324 : vector<1x16xf32> to vector<16xf32>
      %swap3A_326 = vector.shape_cast %mul3A_321 : vector<16xf32> to vector<1x16xf32>
      tpu.vector_store %arg7[%swap3A_322, %swap3A_323], %swap3A_326 {strides = array<i32>} : memref<2x256xf32, #tpu.memory_space<vmem>>, vector<1x16xf32>,
      %mul3A_327 = vector.broadcast %scan3A_56 : f32 to vector<16xf32>
      %mul3A_328 = arith.mulf %scan3A_298#4, %mul3A_327 : vector<16xf32>
      %swap3A_329 = arith.index_cast %select_n3A_109 : i32 to index
      %swap3A_330 = arith.constant 64 : index
      %swap3A_331 = tpu.vector_load %arg7[%swap3A_329, %swap3A_330] {strides = array<i32>} : memref<2x256xf32, #tpu.memory_space<vmem>>, vector<1x16xf32>,
      %swap3A_332 = vector.shape_cast %swap3A_331 : vector<1x16xf32> to vector<16xf32>
      %swap3A_333 = vector.shape_cast %mul3A_328 : vector<16xf32> to vector<1x16xf32>
      tpu.vector_store %arg7[%swap3A_329, %swap3A_330], %swap3A_333 {strides = array<i32>} : memref<2x256xf32, #tpu.memory_space<vmem>>, vector<1x16xf32>,
      %mul3A_334 = vector.broadcast %scan3A_56 : f32 to vector<16xf32>
      %mul3A_335 = arith.mulf %scan3A_298#5, %mul3A_334 : vector<16xf32>
      %swap3A_336 = arith.index_cast %select_n3A_109 : i32 to index
      %swap3A_337 = arith.constant 80 : index
      %swap3A_338 = tpu.vector_load %arg7[%swap3A_336, %swap3A_337] {strides = array<i32>} : memref<2x256xf32, #tpu.memory_space<vmem>>, vector<1x16xf32>,
      %swap3A_339 = vector.shape_cast %swap3A_338 : vector<1x16xf32> to vector<16xf32>
      %swap3A_340 = vector.shape_cast %mul3A_335 : vector<16xf32> to vector<1x16xf32>
      tpu.vector_store %arg7[%swap3A_336, %swap3A_337], %swap3A_340 {strides = array<i32>} : memref<2x256xf32, #tpu.memory_space<vmem>>, vector<1x16xf32>,
      %mul3A_341 = vector.broadcast %scan3A_56 : f32 to vector<16xf32>
      %mul3A_342 = arith.mulf %scan3A_298#6, %mul3A_341 : vector<16xf32>
      %swap3A_343 = arith.index_cast %select_n3A_109 : i32 to index
      %swap3A_344 = arith.constant 96 : index
      %swap3A_345 = tpu.vector_load %arg7[%swap3A_343, %swap3A_344] {strides = array<i32>} : memref<2x256xf32, #tpu.memory_space<vmem>>, vector<1x16xf32>,
      %swap3A_346 = vector.shape_cast %swap3A_345 : vector<1x16xf32> to vector<16xf32>
      %swap3A_347 = vector.shape_cast %mul3A_342 : vector<16xf32> to vector<1x16xf32>
      tpu.vector_store %arg7[%swap3A_343, %swap3A_344], %swap3A_347 {strides = array<i32>} : memref<2x256xf32, #tpu.memory_space<vmem>>, vector<1x16xf32>,
      %mul3A_348 = vector.broadcast %scan3A_56 : f32 to vector<16xf32>
      %mul3A_349 = arith.mulf %scan3A_298#7, %mul3A_348 : vector<16xf32>
      %swap3A_350 = arith.index_cast %select_n3A_109 : i32 to index
      %swap3A_351 = arith.constant 112 : index
      %swap3A_352 = tpu.vector_load %arg7[%swap3A_350, %swap3A_351] {strides = array<i32>} : memref<2x256xf32, #tpu.memory_space<vmem>>, vector<1x16xf32>,
      %swap3A_353 = vector.shape_cast %swap3A_352 : vector<1x16xf32> to vector<16xf32>
      %swap3A_354 = vector.shape_cast %mul3A_349 : vector<16xf32> to vector<1x16xf32>
      tpu.vector_store %arg7[%swap3A_350, %swap3A_351], %swap3A_354 {strides = array<i32>} : memref<2x256xf32, #tpu.memory_space<vmem>>, vector<1x16xf32>,
      %mul3A_355 = vector.broadcast %scan3A_56 : f32 to vector<16xf32>
      %mul3A_356 = arith.mulf %scan3A_298#8, %mul3A_355 : vector<16xf32>
      %swap3A_357 = arith.index_cast %select_n3A_109 : i32 to index
      %swap3A_358 = arith.constant 128 : index
      %swap3A_359 = tpu.vector_load %arg7[%swap3A_357, %swap3A_358] {strides = array<i32>} : memref<2x256xf32, #tpu.memory_space<vmem>>, vector<1x16xf32>,
      %swap3A_360 = vector.shape_cast %swap3A_359 : vector<1x16xf32> to vector<16xf32>
      %swap3A_361 = vector.shape_cast %mul3A_356 : vector<16xf32> to vector<1x16xf32>
      tpu.vector_store %arg7[%swap3A_357, %swap3A_358], %swap3A_361 {strides = array<i32>} : memref<2x256xf32, #tpu.memory_space<vmem>>, vector<1x16xf32>,
      %mul3A_362 = vector.broadcast %scan3A_56 : f32 to vector<16xf32>
      %mul3A_363 = arith.mulf %scan3A_298#9, %mul3A_362 : vector<16xf32>
      %swap3A_364 = arith.index_cast %select_n3A_109 : i32 to index
      %swap3A_365 = arith.constant 144 : index
      %swap3A_366 = tpu.vector_load %arg7[%swap3A_364, %swap3A_365] {strides = array<i32>} : memref<2x256xf32, #tpu.memory_space<vmem>>, vector<1x16xf32>,
      %swap3A_367 = vector.shape_cast %swap3A_366 : vector<1x16xf32> to vector<16xf32>
      %swap3A_368 = vector.shape_cast %mul3A_363 : vector<16xf32> to vector<1x16xf32>
      tpu.vector_store %arg7[%swap3A_364, %swap3A_365], %swap3A_368 {strides = array<i32>} : memref<2x256xf32, #tpu.memory_space<vmem>>, vector<1x16xf32>,
      %mul3A_369 = vector.broadcast %scan3A_56 : f32 to vector<16xf32>
      %mul3A_370 = arith.mulf %scan3A_298#10, %mul3A_369 : vector<16xf32>
      %swap3A_371 = arith.index_cast %select_n3A_109 : i32 to index
      %swap3A_372 = arith.constant 160 : index
      %swap3A_373 = tpu.vector_load %arg7[%swap3A_371, %swap3A_372] {strides = array<i32>} : memref<2x256xf32, #tpu.memory_space<vmem>>, vector<1x16xf32>,
      %swap3A_374 = vector.shape_cast %swap3A_373 : vector<1x16xf32> to vector<16xf32>
      %swap3A_375 = vector.shape_cast %mul3A_370 : vector<16xf32> to vector<1x16xf32>
      tpu.vector_store %arg7[%swap3A_371, %swap3A_372], %swap3A_375 {strides = array<i32>} : memref<2x256xf32, #tpu.memory_space<vmem>>, vector<1x16xf32>,
      %mul3A_376 = vector.broadcast %scan3A_56 : f32 to vector<16xf32>
      %mul3A_377 = arith.mulf %scan3A_298#11, %mul3A_376 : vector<16xf32>
      %swap3A_378 = arith.index_cast %select_n3A_109 : i32 to index
      %swap3A_379 = arith.constant 176 : index
      %swap3A_380 = tpu.vector_load %arg7[%swap3A_378, %swap3A_379] {strides = array<i32>} : memref<2x256xf32, #tpu.memory_space<vmem>>, vector<1x16xf32>,
      %swap3A_381 = vector.shape_cast %swap3A_380 : vector<1x16xf32> to vector<16xf32>
      %swap3A_382 = vector.shape_cast %mul3A_377 : vector<16xf32> to vector<1x16xf32>
      tpu.vector_store %arg7[%swap3A_378, %swap3A_379], %swap3A_382 {strides = array<i32>} : memref<2x256xf32, #tpu.memory_space<vmem>>, vector<1x16xf32>,
      %mul3A_383 = vector.broadcast %scan3A_56 : f32 to vector<16xf32>
      %mul3A_384 = arith.mulf %scan3A_298#12, %mul3A_383 : vector<16xf32>
      %swap3A_385 = arith.index_cast %select_n3A_109 : i32 to index
      %swap3A_386 = arith.constant 192 : index
      %swap3A_387 = tpu.vector_load %arg7[%swap3A_385, %swap3A_386] {strides = array<i32>} : memref<2x256xf32, #tpu.memory_space<vmem>>, vector<1x16xf32>,
      %swap3A_388 = vector.shape_cast %swap3A_387 : vector<1x16xf32> to vector<16xf32>
      %swap3A_389 = vector.shape_cast %mul3A_384 : vector<16xf32> to vector<1x16xf32>
      tpu.vector_store %arg7[%swap3A_385, %swap3A_386], %swap3A_389 {strides = array<i32>} : memref<2x256xf32, #tpu.memory_space<vmem>>, vector<1x16xf32>,
      %mul3A_390 = vector.broadcast %scan3A_56 : f32 to vector<16xf32>
      %mul3A_391 = arith.mulf %scan3A_298#13, %mul3A_390 : vector<16xf32>
      %swap3A_392 = arith.index_cast %select_n3A_109 : i32 to index
      %swap3A_393 = arith.constant 208 : index
      %swap3A_394 = tpu.vector_load %arg7[%swap3A_392, %swap3A_393] {strides = array<i32>} : memref<2x256xf32, #tpu.memory_space<vmem>>, vector<1x16xf32>,
      %swap3A_395 = vector.shape_cast %swap3A_394 : vector<1x16xf32> to vector<16xf32>
      %swap3A_396 = vector.shape_cast %mul3A_391 : vector<16xf32> to vector<1x16xf32>
      tpu.vector_store %arg7[%swap3A_392, %swap3A_393], %swap3A_396 {strides = array<i32>} : memref<2x256xf32, #tpu.memory_space<vmem>>, vector<1x16xf32>,
      %mul3A_397 = vector.broadcast %scan3A_56 : f32 to vector<16xf32>
      %mul3A_398 = arith.mulf %scan3A_298#14, %mul3A_397 : vector<16xf32>
      %swap3A_399 = arith.index_cast %select_n3A_109 : i32 to index
      %swap3A_400 = arith.constant 224 : index
      %swap3A_401 = tpu.vector_load %arg7[%swap3A_399, %swap3A_400] {strides = array<i32>} : memref<2x256xf32, #tpu.memory_space<vmem>>, vector<1x16xf32>,
      %swap3A_402 = vector.shape_cast %swap3A_401 : vector<1x16xf32> to vector<16xf32>
      %swap3A_403 = vector.shape_cast %mul3A_398 : vector<16xf32> to vector<1x16xf32>
      tpu.vector_store %arg7[%swap3A_399, %swap3A_400], %swap3A_403 {strides = array<i32>} : memref<2x256xf32, #tpu.memory_space<vmem>>, vector<1x16xf32>,
      %mul3A_404 = vector.broadcast %scan3A_56 : f32 to vector<16xf32>
      %mul3A_405 = arith.mulf %scan3A_298#15, %mul3A_404 : vector<16xf32>
      %swap3A_406 = arith.index_cast %select_n3A_109 : i32 to index
      %swap3A_407 = arith.constant 240 : index
      %swap3A_408 = tpu.vector_load %arg7[%swap3A_406, %swap3A_407] {strides = array<i32>} : memref<2x256xf32, #tpu.memory_space<vmem>>, vector<1x16xf32>,
      %swap3A_409 = vector.shape_cast %swap3A_408 : vector<1x16xf32> to vector<16xf32>
      %swap3A_410 = vector.shape_cast %mul3A_405 : vector<16xf32> to vector<1x16xf32>
      tpu.vector_store %arg7[%swap3A_406, %swap3A_407], %swap3A_410 {strides = array<i32>} : memref<2x256xf32, #tpu.memory_space<vmem>>, vector<1x16xf32>,
      %add3A_411 = arith.addi %mul3A_2, %scan3A_100 : i32
      %dma_start3A_412 = arith.constant 0 : i32
      %dma_start3A_413 = tpu.memref_slice %arg7[%select_n3A_109, %dma_start3A_412] : memref<2x256xf32, #tpu.memory_space<vmem>> -> memref<1x256xf32, #tpu.memory_space<vmem>>
      %dma_start3A_414 = tpu.memref_squeeze %dma_start3A_413 : memref<1x256xf32, #tpu.memory_space<vmem>> -> memref<256xf32, #tpu.memory_space<vmem>>
      %dma_start3A_415 = arith.constant 0 : i32
      %dma_start3A_416 = tpu.memref_slice %arg4[%add3A_411, %dma_start3A_415] : memref<4096x256xf32, #tpu.memory_space<hbm>> -> memref<1x256xf32, #tpu.memory_space<hbm>>
      %dma_start3A_417 = tpu.memref_squeeze %dma_start3A_416 : memref<1x256xf32, #tpu.memory_space<hbm>> -> memref<256xf32, #tpu.memory_space<hbm>>
      %dma_start3A_418 = tpu.memref_slice %arg9[%select_n3A_109] : memref<2x!tpu.dma_semaphore, #tpu.memory_space<semaphore_mem>> -> memref<1x!tpu.dma_semaphore, #tpu.memory_space<semaphore_mem>>
      %dma_start3A_419 = tpu.memref_squeeze %dma_start3A_418 : memref<1x!tpu.dma_semaphore, #tpu.memory_space<semaphore_mem>> -> memref<!tpu.dma_semaphore, #tpu.memory_space<semaphore_mem>>
      %dma_start3A_420 = arith.constant 0 : i32
      %dma_start3A_421 = tpu.memref_slice %arg4[%add3A_411, %dma_start3A_420] : memref<4096x256xf32, #tpu.memory_space<hbm>> -> memref<1x256xf32, #tpu.memory_space<hbm>>
      %dma_start3A_422 = tpu.memref_squeeze %dma_start3A_421 : memref<1x256xf32, #tpu.memory_space<hbm>> -> memref<256xf32, #tpu.memory_space<hbm>>
      %dma_start3A_423 = arith.constant 0 : i32
      %dma_start3A_424 = tpu.memref_slice %arg7[%select_n3A_109, %dma_start3A_423] : memref<2x256xf32, #tpu.memory_space<vmem>> -> memref<1x256xf32, #tpu.memory_space<vmem>>
      %dma_start3A_425 = tpu.memref_squeeze %dma_start3A_424 : memref<1x256xf32, #tpu.memory_space<vmem>> -> memref<256xf32, #tpu.memory_space<vmem>>
      tpu.enqueue_dma source(%dma_start3A_425 : memref<256xf32, #tpu.memory_space<vmem>>) target(%dma_start3A_422 : memref<256xf32, #tpu.memory_space<hbm>>) target_semaphore(%dma_start3A_419 : memref<!tpu.dma_semaphore, #tpu.memory_space<semaphore_mem>>)
    }
    %scan3A_61 = arith.constant 128 : i32
    %add3A_62 = arith.constant 128 : i32
    %add3A_63 = arith.addi %mul3A_2, %add3A_62 : i32
    %sub3A = arith.constant 2 : i32
    %sub3A_64 = arith.subi %add3A_63, %sub3A : i32
    %dma_wait3A = arith.constant 0 : i32
    %dma_wait3A_65 = arith.constant 0 : i32
    %dma_wait3A_66 = arith.constant 0 : i32
    %dma_wait3A_67 = tpu.memref_slice %arg7[%dma_wait3A, %dma_wait3A_66] : memref<2x256xf32, #tpu.memory_space<vmem>> -> memref<1x256xf32, #tpu.memory_space<vmem>>
    %dma_wait3A_68 = tpu.memref_squeeze %dma_wait3A_67 : memref<1x256xf32, #tpu.memory_space<vmem>> -> memref<256xf32, #tpu.memory_space<vmem>>
    %dma_wait3A_69 = arith.constant 0 : i32
    %dma_wait3A_70 = tpu.memref_slice %arg4[%sub3A_64, %dma_wait3A_69] : memref<4096x256xf32, #tpu.memory_space<hbm>> -> memref<1x256xf32, #tpu.memory_space<hbm>>
    %dma_wait3A_71 = tpu.memref_squeeze %dma_wait3A_70 : memref<1x256xf32, #tpu.memory_space<hbm>> -> memref<256xf32, #tpu.memory_space<hbm>>
    %dma_wait3A_72 = tpu.memref_slice %arg9[%dma_wait3A_65] : memref<2x!tpu.dma_semaphore, #tpu.memory_space<semaphore_mem>> -> memref<1x!tpu.dma_semaphore, #tpu.memory_space<semaphore_mem>>
    %dma_wait3A_73 = tpu.memref_squeeze %dma_wait3A_72 : memref<1x!tpu.dma_semaphore, #tpu.memory_space<semaphore_mem>> -> memref<!tpu.dma_semaphore, #tpu.memory_space<semaphore_mem>>
    %dma_wait3A_74 = arith.constant 0 : i32
    %dma_wait3A_75 = tpu.memref_slice %arg4[%sub3A_64, %dma_wait3A_74] : memref<4096x256xf32, #tpu.memory_space<hbm>> -> memref<1x256xf32, #tpu.memory_space<hbm>>
    %dma_wait3A_76 = tpu.memref_squeeze %dma_wait3A_75 : memref<1x256xf32, #tpu.memory_space<hbm>> -> memref<256xf32, #tpu.memory_space<hbm>>
    %dma_wait3A_77 = arith.constant 0 : i32
    %dma_wait3A_78 = tpu.memref_slice %arg7[%dma_wait3A, %dma_wait3A_77] : memref<2x256xf32, #tpu.memory_space<vmem>> -> memref<1x256xf32, #tpu.memory_space<vmem>>
    %dma_wait3A_79 = tpu.memref_squeeze %dma_wait3A_78 : memref<1x256xf32, #tpu.memory_space<vmem>> -> memref<256xf32, #tpu.memory_space<vmem>>
    tpu.wait_dma2 semaphore(%dma_wait3A_73 : memref<!tpu.dma_semaphore, #tpu.memory_space<semaphore_mem>>) src(%dma_wait3A_79 : memref<256xf32, #tpu.memory_space<vmem>>) dst(%dma_wait3A_76 : memref<256xf32, #tpu.memory_space<hbm>>)
    %add3A_80 = arith.constant 128 : i32
    %add3A_81 = arith.addi %mul3A_2, %add3A_80 : i32
    %sub3A_82 = arith.constant 1 : i32
    %sub3A_83 = arith.subi %add3A_81, %sub3A_82 : i32
    %dma_wait3A_84 = arith.constant 1 : i32
    %dma_wait3A_85 = arith.constant 1 : i32
    %dma_wait3A_86 = arith.constant 0 : i32
    %dma_wait3A_87 = tpu.memref_slice %arg7[%dma_wait3A_84, %dma_wait3A_86] : memref<2x256xf32, #tpu.memory_space<vmem>> -> memref<1x256xf32, #tpu.memory_space<vmem>>
    %dma_wait3A_88 = tpu.memref_squeeze %dma_wait3A_87 : memref<1x256xf32, #tpu.memory_space<vmem>> -> memref<256xf32, #tpu.memory_space<vmem>>
    %dma_wait3A_89 = arith.constant 0 : i32
    %dma_wait3A_90 = tpu.memref_slice %arg4[%sub3A_83, %dma_wait3A_89] : memref<4096x256xf32, #tpu.memory_space<hbm>> -> memref<1x256xf32, #tpu.memory_space<hbm>>
    %dma_wait3A_91 = tpu.memref_squeeze %dma_wait3A_90 : memref<1x256xf32, #tpu.memory_space<hbm>> -> memref<256xf32, #tpu.memory_space<hbm>>
    %dma_wait3A_92 = tpu.memref_slice %arg9[%dma_wait3A_85] : memref<2x!tpu.dma_semaphore, #tpu.memory_space<semaphore_mem>> -> memref<1x!tpu.dma_semaphore, #tpu.memory_space<semaphore_mem>>
    %dma_wait3A_93 = tpu.memref_squeeze %dma_wait3A_92 : memref<1x!tpu.dma_semaphore, #tpu.memory_space<semaphore_mem>> -> memref<!tpu.dma_semaphore, #tpu.memory_space<semaphore_mem>>
    %dma_wait3A_94 = arith.constant 0 : i32
    %dma_wait3A_95 = tpu.memref_slice %arg4[%sub3A_83, %dma_wait3A_94] : memref<4096x256xf32, #tpu.memory_space<hbm>> -> memref<1x256xf32, #tpu.memory_space<hbm>>
    %dma_wait3A_96 = tpu.memref_squeeze %dma_wait3A_95 : memref<1x256xf32, #tpu.memory_space<hbm>> -> memref<256xf32, #tpu.memory_space<hbm>>
    %dma_wait3A_97 = arith.constant 0 : i32
    %dma_wait3A_98 = tpu.memref_slice %arg7[%dma_wait3A_84, %dma_wait3A_97] : memref<2x256xf32, #tpu.memory_space<vmem>> -> memref<1x256xf32, #tpu.memory_space<vmem>>
    %dma_wait3A_99 = tpu.memref_squeeze %dma_wait3A_98 : memref<1x256xf32, #tpu.memory_space<vmem>> -> memref<256xf32, #tpu.memory_space<vmem>>
    tpu.wait_dma2 semaphore(%dma_wait3A_93 : memref<!tpu.dma_semaphore, #tpu.memory_space<semaphore_mem>>) src(%dma_wait3A_99 : memref<256xf32, #tpu.memory_space<vmem>>) dst(%dma_wait3A_96 : memref<256xf32, #tpu.memory_space<hbm>>)
    return
  }
}

module attributes {stable_mosaic.version = 14 : i64} {
  func.func @_mlp_body(%arg0: i32, %arg1: memref<1024x256xf32, #tpu.memory_space<vmem>>, %arg2: memref<1x256xf32, #tpu.memory_space<vmem>>, %arg3: memref<256x256xf32, #tpu.memory_space<vmem>>, %arg4: memref<1x256xf32, #tpu.memory_space<vmem>>, %arg5: memref<1024x256xf32, #tpu.memory_space<vmem>>, %arg6: memref<1024x256xf32, #tpu.memory_space<vmem>>) attributes {dimension_semantics = [#tpu.dimension_semantics<arbitrary>], iteration_bounds = array<i64: 4>, scalar_prefetch = 0 : i64, scratch_operands = 0 : i64, tpu.core_type = #tpu.core_type<tc>, window_params = [{transform_indices = @transform_0, window_bounds = array<i64: 1024, 256>}, {pipeline_mode = #tpu.pipeline_mode<synchronous>, transform_indices = @transform_1, window_bounds = array<i64: 1, 256>}, {pipeline_mode = #tpu.pipeline_mode<synchronous>, transform_indices = @transform_2, window_bounds = array<i64: 256, 256>}, {pipeline_mode = #tpu.pipeline_mode<synchronous>, transform_indices = @transform_3, window_bounds = array<i64: 1, 256>}, {transform_indices = @transform_4, window_bounds = array<i64: 1024, 256>}, {transform_indices = @transform_5, window_bounds = array<i64: 1024, 256>}]} {
    %get3A = arith.constant 0 : index
    %get3A_0 = arith.constant 0 : index
    %get3A_1 = vector.load %arg1[%get3A, %get3A_0] : memref<1024x256xf32, #tpu.memory_space<vmem>>, vector<1024x256xf32>
    %get3A_2 = arith.constant 0 : index
    %get3A_3 = arith.constant 0 : index
    %get3A_4 = vector.load %arg2[%get3A_2, %get3A_3] : memref<1x256xf32, #tpu.memory_space<vmem>>, vector<1x256xf32>
    %add3A = vector.broadcast %get3A_4 : vector<1x256xf32> to vector<1024x256xf32>
    %add3A_5 = arith.addf %get3A_1, %add3A : vector<1024x256xf32>
    %max3A = arith.constant 0.000000e+00 : f32
    %max3A_6 = vector.broadcast %max3A : f32 to vector<1024x256xf32>
    %max3A_7 = arith.maximumf %add3A_5, %max3A_6 : vector<1024x256xf32>
    %get3A_8 = arith.constant 0 : index
    %get3A_9 = arith.constant 0 : index
    %get3A_10 = vector.load %arg3[%get3A_8, %get3A_9] : memref<256x256xf32, #tpu.memory_space<vmem>>, vector<256x256xf32>
    %dot_general3A = arith.constant dense<0.000000e+00> : vector<1024x256xf32>
    %dot_general3A_11 = tpu.matmul %max3A_7, %get3A_10, %dot_general3A {dimension_numbers = #tpu.dot_dimension_numbers<[1], [0], [0], [1], [0, 0, 1, 1], [], []>, transpose_lhs_hint = false} : vector<1024x256xf32>, vector<256x256xf32>, vector<1024x256xf32> -> vector<1024x256xf32>
    %get3A_12 = arith.constant 0 : index
    %get3A_13 = arith.constant 0 : index
    %get3A_14 = vector.load %arg4[%get3A_12, %get3A_13] : memref<1x256xf32, #tpu.memory_space<vmem>>, vector<1x256xf32>
    %add3A_15 = vector.broadcast %get3A_14 : vector<1x256xf32> to vector<1024x256xf32>
    %add3A_16 = arith.addf %dot_general3A_11, %add3A_15 : vector<1024x256xf32>
    %swap3A = arith.constant 0 : index
    %swap3A_17 = arith.constant 0 : index
    %swap3A_18 = vector.load %arg5[%swap3A, %swap3A_17] : memref<1024x256xf32, #tpu.memory_space<vmem>>, vector<1024x256xf32>
    tpu.vector_store %arg5[%swap3A, %swap3A_17], %add3A_16 {strides = array<i32>} : memref<1024x256xf32, #tpu.memory_space<vmem>>, vector<1024x256xf32>,
    %reduce_max3A = arith.constant dense<0xFF800000> : vector<1024xf32>
    %reduce_max3A_19 = vector.multi_reduction <maximumf>, %add3A_16, %reduce_max3A [1] : vector<1024x256xf32> to vector<1024xf32>
    %broadcast_in_dim3A = vector.shape_cast %reduce_max3A_19 : vector<1024xf32> to vector<1024x1xf32>
    %sub3A = vector.broadcast %broadcast_in_dim3A : vector<1024x1xf32> to vector<1024x256xf32>
    %sub3A_20 = arith.subf %add3A_16, %sub3A : vector<1024x256xf32>
    %exp3A = math.exp %sub3A_20 : vector<1024x256xf32>
    %reduce_sum3A = arith.constant dense<0.000000e+00> : vector<1024xf32>
    %reduce_sum3A_21 = vector.multi_reduction <add>, %exp3A, %reduce_sum3A [1] : vector<1024x256xf32> to vector<1024xf32>
    %broadcast_in_dim3A_22 = vector.shape_cast %reduce_sum3A_21 : vector<1024xf32> to vector<1024x1xf32>
    %div3A = vector.broadcast %broadcast_in_dim3A_22 : vector<1024x1xf32> to vector<1024x256xf32>
    %div3A_23 = arith.divf %exp3A, %div3A : vector<1024x256xf32>
    %swap3A_24 = arith.constant 0 : index
    %swap3A_25 = arith.constant 0 : index
    %swap3A_26 = vector.load %arg6[%swap3A_24, %swap3A_25] : memref<1024x256xf32, #tpu.memory_space<vmem>>, vector<1024x256xf32>
    tpu.vector_store %arg6[%swap3A_24, %swap3A_25], %div3A_23 {strides = array<i32>} : memref<1024x256xf32, #tpu.memory_space<vmem>>, vector<1024x256xf32>,
    return
  }
  func.func @transform_0(%arg0: i32) -> (i32, i32) {
    %c0_i32 = arith.constant 0 : i32
    %c0_i32_0 = arith.constant 0 : i32
    return %arg0, %c0_i32 : i32, i32
  }
  func.func @transform_1(%arg0: i32) -> (i32, i32) {
    %c0_i32 = arith.constant 0 : i32
    %c0_i32_0 = arith.constant 0 : i32
    %c0_i32_1 = arith.constant 0 : i32
    return %c0_i32, %c0_i32_0 : i32, i32
  }
  func.func @transform_2(%arg0: i32) -> (i32, i32) {
    %c0_i32 = arith.constant 0 : i32
    %c0_i32_0 = arith.constant 0 : i32
    %c0_i32_1 = arith.constant 0 : i32
    return %c0_i32, %c0_i32_0 : i32, i32
  }
  func.func @transform_3(%arg0: i32) -> (i32, i32) {
    %c0_i32 = arith.constant 0 : i32
    %c0_i32_0 = arith.constant 0 : i32
    %c0_i32_1 = arith.constant 0 : i32
    return %c0_i32, %c0_i32_0 : i32, i32
  }
  func.func @transform_4(%arg0: i32) -> (i32, i32) {
    %c0_i32 = arith.constant 0 : i32
    %c0_i32_0 = arith.constant 0 : i32
    return %arg0, %c0_i32 : i32, i32
  }
  func.func @transform_5(%arg0: i32) -> (i32, i32) {
    %c0_i32 = arith.constant 0 : i32
    %c0_i32_0 = arith.constant 0 : i32
    return %arg0, %c0_i32 : i32, i32
  }
}

module attributes {stable_mosaic.version = 14 : i64} {
  func.func @_proj_body(%arg0: i32, %arg1: memref<1000x512xf32, #tpu.memory_space<vmem>>, %arg2: memref<512x256xf32, #tpu.memory_space<vmem>>, %arg3: memref<1000x256xf32, #tpu.memory_space<vmem>>) attributes {dimension_semantics = [#tpu.dimension_semantics<arbitrary>], iteration_bounds = array<i64: 10>, scalar_prefetch = 0 : i64, scratch_operands = 0 : i64, tpu.core_type = #tpu.core_type<tc>, window_params = [{transform_indices = @transform_0, window_bounds = array<i64: 1000, 512>}, {pipeline_mode = #tpu.pipeline_mode<synchronous>, transform_indices = @transform_1, window_bounds = array<i64: 512, 256>}, {transform_indices = @transform_2, window_bounds = array<i64: 1000, 256>}]} {
    %get3A = arith.constant 0 : index
    %get3A_0 = arith.constant 0 : index
    %get3A_1 = vector.load %arg1[%get3A, %get3A_0] : memref<1000x512xf32, #tpu.memory_space<vmem>>, vector<1000x512xf32>
    %get3A_2 = arith.constant 0 : index
    %get3A_3 = arith.constant 0 : index
    %get3A_4 = vector.load %arg2[%get3A_2, %get3A_3] : memref<512x256xf32, #tpu.memory_space<vmem>>, vector<512x256xf32>
    %dot_general3A = arith.constant dense<0.000000e+00> : vector<1000x256xf32>
    %dot_general3A_5 = tpu.matmul %get3A_1, %get3A_4, %dot_general3A {dimension_numbers = #tpu.dot_dimension_numbers<[1], [0], [0], [1], [0, 0, 1, 1], [], []>, transpose_lhs_hint = false} : vector<1000x512xf32>, vector<512x256xf32>, vector<1000x256xf32> -> vector<1000x256xf32>
    %swap3A = arith.constant 0 : index
    %swap3A_6 = arith.constant 0 : index
    %swap3A_7 = vector.load %arg3[%swap3A, %swap3A_6] : memref<1000x256xf32, #tpu.memory_space<vmem>>, vector<1000x256xf32>
    tpu.vector_store %arg3[%swap3A, %swap3A_6], %dot_general3A_5 {strides = array<i32>} : memref<1000x256xf32, #tpu.memory_space<vmem>>, vector<1000x256xf32>,
    return
  }
  func.func @transform_0(%arg0: i32) -> (i32, i32) {
    %c0_i32 = arith.constant 0 : i32
    %c0_i32_0 = arith.constant 0 : i32
    return %arg0, %c0_i32 : i32, i32
  }
  func.func @transform_1(%arg0: i32) -> (i32, i32) {
    %c0_i32 = arith.constant 0 : i32
    %c0_i32_0 = arith.constant 0 : i32
    %c0_i32_1 = arith.constant 0 : i32
    return %c0_i32, %c0_i32_0 : i32, i32
  }
  func.func @transform_2(%arg0: i32) -> (i32, i32) {
    %c0_i32 = arith.constant 0 : i32
    %c0_i32_0 = arith.constant 0 : i32
    return %arg0, %c0_i32 : i32, i32
  }
}

</mosaic_0001>

<sc_bundles>
// kernel: kernel.5.cloned.1.call-start
scs
__scs_entry_jumppad:
0x0: {  	(pc) =	sbr.rel $0x88, $3  }
0x1: {  	(tag) =	ssettag $0x0;
	lr =	simm.s32 $0x1  }
0x2: {  	[smem:$0x3F9B] =	sst lr;
	_ =	strace $0xD0000000  }
0x3: {  	_ = 	snop  }
0x4: {  	_ = 	snop  }
0x5: {  	_ = 	snop  }
0x6: {  	_ = 	snop  }
0x7: {  	_ = 	snop  }
__scs_overlays_trampoline_lowered:
0x8: {  	[smem:$0x3FAA] =	sst s0  }
0x9: {  	[smem:$0x3FAB] =	sst s1  }
0xa: {  	[smem:$0x3FAC] =	sst s2  }
0xb: {  	[smem:$0x3FAD] =	sst s3  }
0xc: {  	[smem:$0x3FAE] =	sst s4  }
0xd: {  	[smem:$0x3FAF] =	sst s5  }
0xe: {  	[smem:$0x3FB0] =	sst s6  }
0xf: {  	[smem:$0x3FB1] =	sst s7  }
0x10: {  	[smem:$0x3FB2] =	sst s8  }
0x11: {  	[smem:$0x3FB3] =	sst s9;
	s0 =	simm.s32 @!p0 $0x0  }
0x12: {  	s1 =	sld [smem:$0x3F99];
	s0 =	simm.s32 @p0 $0x1  }
0x13: {  	[smem:$0x3FB4] =	sst s0;
	s0 =	simm.s32 @!p1 $0x0  }
0x14: {  	s2 =	sld [smem:$0x3F98];
	s0 =	simm.s32 @p1 $0x1  }
0x15: {  	[smem:$0x3FB5] =	sst s0;
	s0 =	simm.s32 @!p2 $0x0  }
0x16: {  	s3 =	sld [smem:$0x3FDB];
	s0 =	simm.s32 @p2 $0x1  }
0x17: {  	s4 =	simm.s32 $0x1BF5;
	[smem:$0x3FB7] =	sst s0  }
0x18: {  	s0 =	sld [smem:$0x3F9A];
	_ =	swait.ge [sflag:s4], $0x0  }
0x19: {  	s7 =	sld [smem:$0x3F9B]  }
0x1a: {  	s8 =	sadd.s32 $0xFFFFE003, lr  }
0x1b: {  	s9 =	sadd.s32 $0xFFFFFEF7, lr;
	s5 =	simm.s32 $0xFFFFFFFF;
	p2 =	slt.u32 s8, $0xFFFFF086  }
0x1c: {  	p1 =	slt.u32 s9, $0xF7A;
	s5 =	simm.s32 @!p2 $0x0  }
0x1d: {  	s5 =	simm.s32 @p1 $0x1;
	p0 =	seq.s32 s7, s2  }
0x1e: {  	s7 =	smul.u32 @!p0 $0xF7A, s2;
	p2 =	seq.s32 @!p0 s5, $0x0  }
0x1f: {  	s9 =	smul.u32 $0xF7A, s1;
	s8 =	simm.s32 @!p0 $0x1BF5;
	p2 =	por !p2, p0  }
0x20: {  	[sflag:s8] =	ssyncset.s32 @!p0 $0xFFFFF086;
	s6 =	sadd.s32 @!p0 s3, s7;
	s7 =	simm.s32 @!p0 $0x108  }
0x21: {  	s3 =	sadd.s32 s3, s9;
	s6 =	sadd.s32 @!p0 $0x88, s6;
	s7 =	simm.s32 @p2 $0x1082  }
0x22: {  	[simem:s7], [sflag:s8] =	dma.local @!p0 [hbm:s6], $0xF7A  }
0x23: {  	s9 =	sor.u32 $0xD0000000, s2;
	s6 =	simm.s32 $0x108;
	_ =	swait.ge @!p0 [sflag:s8], $0x0  }
0x24: {  	s3 =	sadd.s32 $0x88, s3;
	s6 =	simm.s32 @!p1 $0x1082;
	[sflag:s4] =	ssyncset.s32 $0xFFFFF086  }
0x25: {  	[simem:s6], [sflag:s4] =	dma.local [hbm:s3], $0xF7A  }
0x26: {  	[smem:$0x3F9B] =	sst s1;
	(tag) =	ssettag s2;
	_ =	strace s9  }
0x27: {  	s1 =	sld [smem:$0x3FAB]  }
0x28: {  	s2 =	sld [smem:$0x3FAC]  }
0x29: {  	s4 =	sld [smem:$0x3FAE]  }
0x2a: {  	p0 =	seq.s32 s5, $0x0;
	s5 =	sld [smem:$0x3FAF]  }
0x2b: {  	s6 =	sld [smem:$0x3FB0]  }
0x2c: {  	s7 =	sld [smem:$0x3FB1]  }
0x2d: {  	s3 =	simm.s32 $0x108;
	s8 =	sld [smem:$0x3FB2]  }
0x2e: {  	s3 =	simm.s32 @!p0 $0x1082;
	s9 =	sld [smem:$0x3FB3]  }
0x2f: {  	lr =	sadd.s32 s0, s3;
	s0 =	sld [smem:$0x3FAA]  }
0x30: {  	s3 =	sld [smem:$0x3FAD]  }
0x31: {  	[smem:$0x3FB6] =	sst s10  }
0x32: {  	s10 =	sld [smem:$0x3FB4];
	_ =	sdelay $0x3  }
0x33: {  	p0 =	seq.s32 s10, $0x1;
	s10 =	sld [smem:$0x3FB6];
	_ =	sdelay $0x3  }
0x34: {  	[smem:$0x3FB6] =	sst s10  }
0x35: {  	s10 =	sld [smem:$0x3FB5];
	_ =	sdelay $0x3  }
0x36: {  	p1 =	seq.s32 s10, $0x1;
	s10 =	sld [smem:$0x3FB6];
	_ =	sdelay $0x3  }
0x37: {  	[smem:$0x3FB6] =	sst s10  }
0x38: {  	s10 =	sld [smem:$0x3FB7]  }
0x39: {  	_ = 	snop;
	(pc) =	sbr.ind lr, $3  }
0x3a: {  	_ = 	snop  }
0x3b: {  	_ = 	snop  }
0x3c: {  	p2 =	seq.s32 s10, $0x1;
	s10 =	sld [smem:$0x3FB6]  }
0x3d: {  	_ =	shalt  }
0x3e: {  	_ =	shalt  }
0x3f: {  	_ =	shalt  }
0x40: {  	_ =	shalt  }
0x41: {  	_ =	shalt  }
0x42: {  	_ =	shalt  }
0x43: {  	_ =	shalt  }
0x44: {  	_ =	shalt  }
0x45: {  	_ =	shalt  }
0x46: {  	_ =	shalt  }
0x47: {  	_ =	shalt  }
0x48: {  	_ =	shalt  }
0x49: {  	_ =	shalt  }
0x4a: {  	_ =	shalt  }
0x4b: {  	_ =	shalt  }
0x4c: {  	_ =	shalt  }
0x4d: {  	_ =	shalt  }
0x4e: {  	_ =	shalt  }
0x4f: {  	_ =	shalt  }
0x50: {  	_ =	shalt  }
0x51: {  	_ =	shalt  }
0x52: {  	_ =	shalt  }
0x53: {  	_ =	shalt  }
0x54: {  	_ =	shalt  }
0x55: {  	_ =	shalt  }
0x56: {  	_ =	shalt  }
0x57: {  	_ =	shalt  }
0x58: {  	_ =	shalt  }
0x59: {  	_ =	shalt  }
0x5a: {  	_ =	shalt  }
0x5b: {  	_ =	shalt  }
0x5c: {  	_ =	shalt  }
0x5d: {  	_ =	shalt  }
0x5e: {  	_ =	shalt  }
0x5f: {  	_ =	shalt  }
0x60: {  	_ =	shalt  }
0x61: {  	_ =	shalt  }
0x62: {  	_ =	shalt  }
0x63: {  	_ =	shalt  }
0x64: {  	_ =	shalt  }
0x65: {  	_ =	shalt  }
0x66: {  	_ =	shalt  }
0x67: {  	_ =	shalt  }
0x68: {  	_ =	shalt  }
0x69: {  	_ =	shalt  }
0x6a: {  	_ =	shalt  }
0x6b: {  	_ =	shalt  }
0x6c: {  	_ =	shalt  }
0x6d: {  	_ =	shalt  }
0x6e: {  	_ =	shalt  }
0x6f: {  	_ =	shalt  }
0x70: {  	_ =	shalt  }
0x71: {  	_ =	shalt  }
0x72: {  	_ =	shalt  }
0x73: {  	_ =	shalt  }
0x74: {  	_ =	shalt  }
0x75: {  	_ =	shalt  }
0x76: {  	_ =	shalt  }
0x77: {  	_ =	shalt  }
0x78: {  	_ =	shalt  }
0x79: {  	_ =	shalt  }
0x7a: {  	_ =	shalt  }
0x7b: {  	_ =	shalt  }
0x7c: {  	_ =	shalt  }
0x7d: {  	_ =	shalt  }
0x7e: {  	_ =	shalt  }
0x7f: {  	_ =	shalt  }
0x80: {  	_ =	shalt  }
0x81: {  	_ =	shalt  }
0x82: {  	_ =	shalt  }
0x83: {  	_ =	shalt  }
0x84: {  	_ =	shalt  }
0x85: {  	_ =	shalt  }
0x86: {  	_ =	shalt  }
0x87: {  	_ =	shalt  }
.Lfunc_end0:
.L_simem_size_0:
called_computation_lowered:
.L_overlay_start_0:
0x88: {  	s2 =	sld [smem:$0x3FD9]  }
0x89: {  	s3 =	sld [smem:$0x3FFE];
	_ =	sdelay $0x1  }
0x8a: {  	s1 =	srdreg.scid  }
0x8b: {  	s0 =	sand.u32 $0x1, s1  }
0x8c: {  	s14 =	sshll.u32 s0, $0xA;
	s2 =	sadd.s32 s3, s2  }
0x8d: {  	s2 =	sadd.s32 s2, s14  }
0x8e: {  	[smem:$0x3FC2] =	sst s2  }
0x8f: {  	_ = 	snop  }
0x90: {  	s2 =	sld [smem:$0x3FD0];
	_ =	sdelay $0x2  }
0x91: {  	s15 =	simm.s32 $0xA;
	s4 =	simm.s32 $0x10  }
0x92: {  	[smem:s4], [sflag:s15] =	dma.local [hbm:s2], $0x1  }
0x93: {  	_ =	swait.eq [sflag:s15], $0x1  }
0x94: {  	[sflag:s15] =	ssyncset.done $0x0  }
0x95: {  	s16 =	sld [smem:$0x10];
	[sflag:s15] =	ssyncadd.s32 $0xFFFFFFFF  }
0x96: {  	s17 =	sld [smem:$0x11];
	(tm) =	ssettm $0x1  }
0x97: {  	s18 =	sld [smem:$0x3FFB];
	_ =	sdelay $0x3  }
0x98: {  	_ =	strace s18  }
0x99: {  	s4 =	sld [smem:$0x3FFC];
	_ =	sdelay $0x3  }
0x9a: {  	_ =	strace s4  }
0x9b: {  	s4 =	sld [smem:$0x3FFD];
	_ =	sdelay $0x3  }
0x9c: {  	_ =	strace s4  }
0x9d: {  	_ =	strace $0x8FFFFFFF  }
0x9e: {  	s19 =	sld [smem:$0x3FDB];
	_ =	sdelay $0x1  }
0x9f: {  	s5 =	simm.s32 $_scs_section_size  }
0xa0: {  	s6 =	simm.s32 $_size__tile_overlayer_lowered;
	s7 =	simm.s32 $_tile_overlayer_lowered  }
0xa1: {  	s22 =	simm.s32 $0x1BFF;
	s21 =	sshll.u32 s7, $0x1;
	s4 =	sadd.s32 s5, s19  }
0xa2: {  	s8 =	simm.s32 $0x0;
	s20 =	sshll.u32 s6, $0x1;
	s6 =	sadd.s32 s21, s4  }
0xa3: {  	[timem:s8], [sflag:s22] =	dma.local [hbm:s6], s20  }
0xa4: {  	_ =	swait.ge [sflag:s22], s20  }
0xa5: {  	s5 =	ssub.s32 $0x0, s20;
	[sflag:s22] =	ssyncset.done $0x0  }
0xa6: {  	[sflag:s22] =	ssyncadd.s32 s5;
	_ =	sdelay $0x1  }
0xa7: {  	s23 =	simm.s32 $0x1B8B  }
0xa8: {  	_ =	swait.ge [sflag:s23], $0x1  }
0xa9: {  	[sflag:s23] =	ssyncset.done $0x0  }
0xaa: {  	s25 =	simm.s32 $0x1B8E;
	s24 =	sld [smem:$0x3FFE];
	[sflag:s23] =	ssyncadd.s32 $0xFFFFFFFF  }
0xab: {  	s26 =	simm.s32 $execute0_lowered;
	[smem:$0x3FD2] =	sst s25  }
0xac: {  	s6 =	sshll.u32 s26, $0x1;
	_ =	strace $0x80000046;
	[dreg:$0x1] =	wrdreg $0xFFFFFFFF  }
0xad: {  	s28 =	simm.s32 $_size_execute0_lowered;
	s4 =	sadd.s32 s4, s6;
	[dreg:$0x0] =	wrdreg $0x0  }
0xae: {  	s6 =	sshll.u32 s28, $0x1;
	[dreg:$0x2] =	wrdreg s4  }
0xaf: {  	[dreg:$0x3] =	wrdreg s6  }
0xb0: {  	[dreg:$0x4] =	wrdreg $0xC0  }
0xb1: {  	_ =	task [dreg:s8], $0x5FFFF  }
0xb2: {  	[dreg:$0x1] =	wrdreg $0xFFFFFFFF  }
0xb3: {  	[dreg:$0x0] =	wrdreg $0x60  }
0xb4: {  	[dreg:$0x2] =	wrdreg s16  }
0xb5: {  	[dreg:$0x3] =	wrdreg s24  }
0xb6: {  	[dreg:$0x4] =	wrdreg s17  }
0xb7: {  	[dreg:$0x5] =	wrdreg $0x9  }
0xb8: {  	_ =	task.clear_ibuf [dreg:s8], $0x6FFFF;
	_ =	strace $0x90000046  }
0xb9: {  	s29 =	simm.s32 $0x9;
	_ =	strace $0x80000048  }
0xba: {  	_ =	swait.ge [sflag:s29], $0x1  }
0xbb: {  	[sflag:s29] =	ssyncadd.s32 $0xFFFFFFFF  }
0xbc: {  	_ =	strace $0x90000048  }
0xbd: {  	_ =	sfence  }
0xbe: {  	s30 =	sld [smem:$0x0];
	_ =	sdelay $0x2  }
0xbf: {  	s31 =	sshll.u32 s1, $0xD;
	s1 =	sshrl.u32 s1, $0x2  }
0xc0: {  	s3 =	sand.u32 $0x4000, s31;
	s1 =	sadd.s32 s1, s30  }
0xc1: {  	s0 =	sor.u32 s3, s0;
	s1 =	sshll.u32 s1, $0x11  }
0xc2: {  	s0 =	sor.u32 s1, s0  }
0xc3: {  	s0 =	sadd.s32 $0x8F2B, s0  }
0xc4: {  	[sflag:s0] =	ssyncadd.remote.s32 $0x1  }
0xc5: {  	_ =	sfence.sel $0xFFFF  }
0xc6: {  	[dreg:$0x0] =	wrdreg $0xFFFFFFFF;
	(pc) =	sbr.abs _section_cstart, $3  }
0xc7: {  	[dreg:$0x1] =	wrdreg $0xFFFFFFFF  }
0xc8: {  	_ =	task.clear_ibuf [dreg:s8], $0x2FFFF;
	_ =	strace $0x9FFFFFFF  }
0xc9: {  	(tm) =	ssettm $0x7FFFFFFF  }
tec
execute0_lowered:
.L_overlay_start_1:
0x0: {  	(tag) =	ssettag $0x1  }
0x1: {  	s0 =	rddreg [dreg:$0x0]  }
0x2: {  	s1 =	rddreg [dreg:$0x1]  }
0x3: {  	s2 =	srdreg.scid;
	s4 =	stileid.u32  }
0x4: {  	s5 =	rddreg [dreg:$0x2];
	s29 =	simm.s32 $0x10400;
	s30 =	simm.s32 $0x10C00  }
0x5: {  	s31 =	simm.s32 $0x11400;
	s8 =	simm.s32 $0x1;
	s9 =	simm.s32 $0x2  }
0x6: {  	s10 =	simm.s32 $0x3;
	s11 =	simm.s32 $0x4;
	s12 =	simm.s32 $0x5  }
0x7: {  	s13 =	simm.s32 $0x6;
	s14 =	simm.s32 $0x7;
	s15 =	simm.s32 $0x0  }
0x8: {  	s3 =	sand.u32 $0x1, s2;
	s4 =	sshll.u32 s4, $0x1;
	s2 =	simm.s32 $0x0  }
0x9: {  	v2 =	vlaneseq.u32;
	s6 =	sor.u32 s3, s4;
	[smem:$0x7FF] =	sst s2;
	s25 =	ssub.s32 $0x2, s3  }
0xa: {  	v0 =	vand.u32 $0x7, v2;
	v1 =	vshrl.u32 v2, $0x3;
	s3 =	sadd.s32 $0x1000, s1;
	s7 =	smul.u32 $0xC80, s6;
	s26 =	sshrl.u32 s25, $0x1  }
0xb: {  	v63 =	vor.u32 $0x8, v2;
	v62 =	vmul.u32 $0x8, v1;
	_ =	strace $0x80000047;
	s28 =	sshll.u32 s6, $0xC;
	[tilespmem:$0x1FFD0] =	vst v0;
	s1 =	ssub.s32 s25, s26  }
0xc: {  	[tilespmem:$0x1FFF0] =	vst v63;
	s5 =	sadd.s32 s5, s28;
	s4 =	sadd.s32 s0, s7;
	s6 =	smax.u32 s1, $0x1  }
0xd: {  	vm0 =	vmmov $0xffff;
	[tilespmem:$0x1FFE0] =	vst v62;
	s7 =	simm.s32 $0x8;
	s1 =	simm.s32 $0x11C00;
	s0 =	simm.s32 $0x12400  }
.LBB2_1:
0xe: {  	[tilespmem:s2], [sflag:$0x8] =	stream.linear.gather [hbm4b:s4+s2], $0x6400, $0x38;
	[tilespmem:$0x12E00] =	vst v63  }
0xf: {  	_ =	swait.ge [sflag:s7], $0x6400  }
0x10: {  	[sflag:s7] =	ssyncset.done $0x0  }
0x11: {  	[sflag:s7] =	ssyncadd.s32 $0xFFFF9C00  }
0x12: {  	v3 =	vld [tilespmem:$0x0];
	_ =	sdelay $0x2  }
0x13: {  	v0 =	vld [tilespmem:$0x1FFD0]  }
0x14: {  	v1 =	vld [tilespmem:$0x1FFE0]  }
0x15: {  	v2 =	vld [tilespmem:$0x1FFF0];
	v4 =	vshll.u32 v3, $0x1  }
0x16: {  	v3 =	vand.u32 $0x7, v3;
	v4 =	vand.u32 $0xFFFFFFF0, v4  }
0x17: {  	v3 =	vor.u32 v3, v4  }
0x18: {  	v4 =	vperm.xlane v3, v0;
	_ =	sdelay $0x1  }
0x19: {  	v3 =	vperm.xlane v3, v2;
	v4 =	vadd.s32 v1, v4;
	_ =	sdelay $0x1  }
0x1a: {  	v3 =	vadd.s32 v1, v3;
	_ =	sdelay $0x1  }
0x1b: {  	s16 =	simm.s32 $0x6400  }
0x1c: {  	[tilespmem:s16], [sflag:$0x1] =	stream.indirect_vreg.gather [hbm4b:s3+s2], $0x80, v4, vm0, $0xb8;
	[tilespmem:$0x12E00] =	vst v63  }
0x1d: {  	s20 =	simm.s32 $0x6C00  }
0x1e: {  	[tilespmem:s20], [sflag:$0x1] =	stream.indirect_vreg.gather [hbm4b:s3+s2], $0x80, v3, vm0, $0xb8;
	[tilespmem:$0x12E00] =	vst v63  }
0x1f: {  	v3 =	vld [tilespmem:$0x10];
	_ =	sdelay $0x4  }
0x20: {  	v53 =	vshll.u32 v3, $0x1  }
0x21: {  	v3 =	vand.u32 $0x7, v3;
	v4 =	vand.u32 $0xFFFFFFF0, v53  }
0x22: {  	v3 =	vor.u32 v3, v4  }
0x23: {  	v4 =	vperm.xlane v3, v0;
	_ =	sdelay $0x1  }
0x24: {  	v3 =	vperm.xlane v3, v2;
	v4 =	vadd.s32 v1, v4;
	_ =	sdelay $0x1  }
0x25: {  	v3 =	vadd.s32 v1, v3;
	_ =	sdelay $0x1  }
0x26: {  	s21 =	simm.s32 $0x7400  }
0x27: {  	[tilespmem:s21], [sflag:$0x1] =	stream.indirect_vreg.gather [hbm4b:s3+s2], $0x80, v4, vm0, $0xb8;
	[tilespmem:$0x12E00] =	vst v63  }
0x28: {  	s22 =	simm.s32 $0x7C00  }
0x29: {  	[tilespmem:s22], [sflag:$0x1] =	stream.indirect_vreg.gather [hbm4b:s3+s2], $0x80, v3, vm0, $0xb8;
	[tilespmem:$0x12E00] =	vst v63  }
0x2a: {  	v3 =	vld.msk [tilespmem:$0x20], $0xff;
	_ =	sdelay $0x4  }
0x2b: {  	v54 =	vshll.u32 v3, $0x1  }
0x2c: {  	v3 =	vand.u32 $0x7, v3;
	v4 =	vand.u32 $0xFFFFFFF0, v54  }
0x2d: {  	v3 =	vor.u32 v3, v4  }
0x2e: {  	v3 =	vperm.xlane v3, v0;
	_ =	sdelay $0x1  }
0x2f: {  	v3 =	vadd.s32 v1, v3;
	_ =	sdelay $0x3  }
0x30: {  	s23 =	simm.s32 $0x8400  }
0x31: {  	[tilespmem:s23], [sflag:$0x1] =	stream.indirect_vreg.gather [hbm4b:s3+s2], $0x80, v3, vm0, $0xb8;
	[tilespmem:$0x12E00] =	vst v63  }
0x32: {  	v3 =	vld [tilespmem:$0x28];
	_ =	sdelay $0x4  }
0x33: {  	v55 =	vshll.u32 v3, $0x1  }
0x34: {  	v3 =	vand.u32 $0x7, v3;
	v4 =	vand.u32 $0xFFFFFFF0, v55  }
0x35: {  	v3 =	vor.u32 v3, v4  }
0x36: {  	v4 =	vperm.xlane v3, v0;
	_ =	sdelay $0x1  }
0x37: {  	v3 =	vperm.xlane v3, v2;
	v4 =	vadd.s32 v1, v4;
	_ =	sdelay $0x1  }
0x38: {  	v3 =	vadd.s32 v1, v3;
	_ =	sdelay $0x1  }
0x39: {  	s24 =	simm.s32 $0x8C00  }
0x3a: {  	[tilespmem:s24], [sflag:$0x2] =	stream.indirect_vreg.gather [hbm4b:s3+s2], $0x80, v4, vm0, $0xb8;
	[tilespmem:$0x12E00] =	vst v63  }
0x3b: {  	s25 =	simm.s32 $0x9400  }
0x3c: {  	[tilespmem:s25], [sflag:$0x2] =	stream.indirect_vreg.gather [hbm4b:s3+s2], $0x80, v3, vm0, $0xb8;
	[tilespmem:$0x12E00] =	vst v63  }
0x3d: {  	v3 =	vld [tilespmem:$0x38];
	_ =	sdelay $0x4  }
0x3e: {  	v56 =	vshll.u32 v3, $0x1  }
0x3f: {  	v3 =	vand.u32 $0x7, v3;
	v4 =	vand.u32 $0xFFFFFFF0, v56  }
0x40: {  	v3 =	vor.u32 v3, v4  }
0x41: {  	v4 =	vperm.xlane v3, v0;
	_ =	sdelay $0x1  }
0x42: {  	v3 =	vperm.xlane v3, v2;
	v4 =	vadd.s32 v1, v4;
	_ =	sdelay $0x1  }
0x43: {  	v3 =	vadd.s32 v1, v3;
	_ =	sdelay $0x1  }
0x44: {  	s26 =	simm.s32 $0x9C00  }
0x45: {  	[tilespmem:s26], [sflag:$0x2] =	stream.indirect_vreg.gather [hbm4b:s3+s2], $0x80, v4, vm0, $0xb8;
	[tilespmem:$0x12E00] =	vst v63  }
0x46: {  	s28 =	simm.s32 $0xA400  }
0x47: {  	[tilespmem:s28], [sflag:$0x2] =	stream.indirect_vreg.gather [hbm4b:s3+s2], $0x80, v3, vm0, $0xb8;
	[tilespmem:$0x12E00] =	vst v63  }
0x48: {  	v3 =	vld.msk [tilespmem:$0x48], $0xff;
	_ =	sdelay $0x4  }
0x49: {  	v57 =	vshll.u32 v3, $0x1  }
0x4a: {  	v3 =	vand.u32 $0x7, v3;
	v4 =	vand.u32 $0xFFFFFFF0, v57  }
0x4b: {  	v3 =	vor.u32 v3, v4  }
0x4c: {  	v3 =	vperm.xlane v3, v0;
	_ =	sdelay $0x1  }
0x4d: {  	v3 =	vadd.s32 v1, v3;
	_ =	sdelay $0x3  }
0x4e: {  	s17 =	simm.s32 $0xAC00  }
0x4f: {  	[tilespmem:s17], [sflag:$0x2] =	stream.indirect_vreg.gather [hbm4b:s3+s2], $0x80, v3, vm0, $0xb8;
	[tilespmem:$0x12E00] =	vst v63  }
0x50: {  	v3 =	vld [tilespmem:$0x50];
	_ =	sdelay $0x4  }
0x51: {  	v58 =	vshll.u32 v3, $0x1  }
0x52: {  	v3 =	vand.u32 $0x7, v3;
	v4 =	vand.u32 $0xFFFFFFF0, v58  }
0x53: {  	v3 =	vor.u32 v3, v4  }
0x54: {  	v4 =	vperm.xlane v3, v0;
	_ =	sdelay $0x1  }
0x55: {  	v3 =	vperm.xlane v3, v2;
	v4 =	vadd.s32 v1, v4;
	_ =	sdelay $0x1  }
0x56: {  	v3 =	vadd.s32 v1, v3;
	_ =	sdelay $0x1  }
0x57: {  	s18 =	simm.s32 $0xB400  }
0x58: {  	[tilespmem:s18], [sflag:$0x3] =	stream.indirect_vreg.gather [hbm4b:s3+s2], $0x80, v4, vm0, $0xb8;
	[tilespmem:$0x12E00] =	vst v63  }
0x59: {  	s19 =	simm.s32 $0xBC00  }
0x5a: {  	[tilespmem:s19], [sflag:$0x3] =	stream.indirect_vreg.gather [hbm4b:s3+s2], $0x80, v3, vm0, $0xb8;
	[tilespmem:$0x12E00] =	vst v63  }
0x5b: {  	v3 =	vld [tilespmem:$0x60];
	_ =	sdelay $0x4  }
0x5c: {  	v59 =	vshll.u32 v3, $0x1  }
0x5d: {  	v3 =	vand.u32 $0x7, v3;
	v4 =	vand.u32 $0xFFFFFFF0, v59  }
0x5e: {  	v3 =	vor.u32 v3, v4  }
0x5f: {  	v4 =	vperm.xlane v3, v0;
	_ =	sdelay $0x1  }
0x60: {  	v3 =	vperm.xlane v3, v2;
	v4 =	vadd.s32 v1, v4;
	_ =	sdelay $0x1  }
0x61: {  	v3 =	vadd.s32 v1, v3;
	_ =	sdelay $0x1  }
0x62: {  	s20 =	simm.s32 $0xC400  }
0x63: {  	[tilespmem:s20], [sflag:$0x3] =	stream.indirect_vreg.gather [hbm4b:s3+s2], $0x80, v4, vm0, $0xb8;
	[tilespmem:$0x12E00] =	vst v63  }
0x64: {  	s21 =	simm.s32 $0xCC00  }
0x65: {  	[tilespmem:s21], [sflag:$0x3] =	stream.indirect_vreg.gather [hbm4b:s3+s2], $0x80, v3, vm0, $0xb8;
	[tilespmem:$0x12E00] =	vst v63  }
0x66: {  	v3 =	vld.msk [tilespmem:$0x70], $0xff;
	_ =	sdelay $0x4  }
0x67: {  	v60 =	vshll.u32 v3, $0x1  }
0x68: {  	v3 =	vand.u32 $0x7, v3;
	v4 =	vand.u32 $0xFFFFFFF0, v60  }
0x69: {  	v3 =	vor.u32 v3, v4  }
0x6a: {  	v3 =	vperm.xlane v3, v0;
	_ =	sdelay $0x1  }
0x6b: {  	v3 =	vadd.s32 v1, v3;
	_ =	sdelay $0x3  }
0x6c: {  	s22 =	simm.s32 $0xD400  }
0x6d: {  	[tilespmem:s22], [sflag:$0x3] =	stream.indirect_vreg.gather [hbm4b:s3+s2], $0x80, v3, vm0, $0xb8;
	[tilespmem:$0x12E00] =	vst v63  }
0x6e: {  	v3 =	vld [tilespmem:$0x78];
	_ =	sdelay $0x4  }
0x6f: {  	v61 =	vshll.u32 v3, $0x1  }
0x70: {  	v3 =	vand.u32 $0x7, v3;
	v4 =	vand.u32 $0xFFFFFFF0, v61  }
0x71: {  	v3 =	vor.u32 v3, v4  }
0x72: {  	v4 =	vperm.xlane v3, v0;
	_ =	sdelay $0x1  }
0x73: {  	v3 =	vperm.xlane v3, v2;
	v4 =	vadd.s32 v1, v4;
	_ =	sdelay $0x1  }
0x74: {  	v3 =	vadd.s32 v1, v3;
	_ =	sdelay $0x1  }
0x75: {  	s23 =	simm.s32 $0xDC00  }
0x76: {  	[tilespmem:s23], [sflag:$0x4] =	stream.indirect_vreg.gather [hbm4b:s3+s2], $0x80, v4, vm0, $0xb8;
	[tilespmem:$0x12E00] =	vst v63  }
0x77: {  	s24 =	simm.s32 $0xE400  }
0x78: {  	[tilespmem:s24], [sflag:$0x4] =	stream.indirect_vreg.gather [hbm4b:s3+s2], $0x80, v3, vm0, $0xb8;
	[tilespmem:$0x12E00] =	vst v63  }
0x79: {  	v3 =	vld [tilespmem:$0x88];
	_ =	sdelay $0x4  }
0x7a: {  	v62 =	vshll.u32 v3, $0x1  }
0x7b: {  	v3 =	vand.u32 $0x7, v3;
	v4 =	vand.u32 $0xFFFFFFF0, v62  }
0x7c: {  	v3 =	vor.u32 v3, v4  }
0x7d: {  	v4 =	vperm.xlane v3, v0;
	_ =	sdelay $0x1  }
0x7e: {  	v3 =	vperm.xlane v3, v2;
	v4 =	vadd.s32 v1, v4;
	_ =	sdelay $0x1  }
0x7f: {  	v3 =	vadd.s32 v1, v3;
	_ =	sdelay $0x1  }
0x80: {  	s25 =	simm.s32 $0xEC00  }
0x81: {  	[tilespmem:s25], [sflag:$0x4] =	stream.indirect_vreg.gather [hbm4b:s3+s2], $0x80, v4, vm0, $0xb8;
	[tilespmem:$0x12E00] =	vst v63  }
0x82: {  	s26 =	simm.s32 $0xF400  }
0x83: {  	[tilespmem:s26], [sflag:$0x4] =	stream.indirect_vreg.gather [hbm4b:s3+s2], $0x80, v3, vm0, $0xb8;
	[tilespmem:$0x12E00] =	vst v63  }
0x84: {  	v3 =	vld.msk [tilespmem:$0x98], $0xff;
	_ =	sdelay $0x4  }
0x85: {  	v63 =	vshll.u32 v3, $0x1  }
0x86: {  	v3 =	vand.u32 $0x7, v3;
	v4 =	vand.u32 $0xFFFFFFF0, v63  }
0x87: {  	v3 =	vor.u32 v3, v4  }
0x88: {  	v3 =	vperm.xlane v3, v0;
	_ =	sdelay $0x1  }
0x89: {  	v3 =	vadd.s32 v1, v3;
	_ =	sdelay $0x3  }
0x8a: {  	s16 =	simm.s32 $0x0;
	s28 =	simm.s32 $0xFC00  }
0x8b: {  	[tilespmem:s28], [sflag:$0x4] =	stream.indirect_vreg.gather [hbm4b:s3+s2], $0x80, v3, vm0, $0xb8;
	[tilespmem:$0x12E00] =	vst v63  }
.LBB2_2:
0x8c: {  	s17 =	sand.u32 $0x1, s16;
	p0 =	slt.u32 s16, $0x2  }
0x8d: {  	s18 =	sor.u32 @!p0 $0x6, s17  }
0x8e: {  	s19 =	smul.u32 $0x320, s16;
	_ =	swait.ge @!p0 [sflag:s18], $0x100  }
0x8f: {  	[sflag:s18] =	ssyncset.done @!p0 $0x0  }
0x90: {  	[sflag:s18] =	ssyncadd.s32 @!p0 $0xFFFFFF00;
	s18 =	sshra.s32 s19, $0x2  }
0x91: {  	v3 =	vld [tilespmem:s18+$0xA0];
	_ =	sdelay $0x2  }
0x92: {  	v0 =	vld [tilespmem:$0x1FFD0]  }
0x93: {  	v1 =	vld [tilespmem:$0x1FFE0]  }
0x94: {  	v2 =	vld [tilespmem:$0x1FFF0];
	v4 =	vshll.u32 v3, $0x1  }
0x95: {  	v3 =	vand.u32 $0x7, v3;
	v4 =	vand.u32 $0xFFFFFFF0, v4  }
0x96: {  	v3 =	vor.u32 v3, v4  }
0x97: {  	v4 =	vperm.xlane v3, v0;
	_ =	sdelay $0x1  }
0x98: {  	v3 =	vperm.xlane v3, v2;
	v4 =	vadd.s32 v1, v4;
	_ =	sdelay $0x1  }
0x99: {  	v3 =	vadd.s32 v1, v3;
	_ =	sdelay $0x1  }
0x9a: {  	s19 =	simm.s32 $0x0  }
0x9b: {  	[tilespmem:s29], [sflag:$0x5] =	stream.indirect_vreg.gather [hbm4b:s3+s19], $0x80, v4, vm0, $0xb8;
	[tilespmem:$0x12E00] =	vst v63  }
0x9c: {  	_ = 	snop  }
0x9d: {  	[tilespmem:s30], [sflag:$0x5] =	stream.indirect_vreg.gather [hbm4b:s3+s19], $0x80, v3, vm0, $0xb8;
	[tilespmem:$0x12E00] =	vst v63  }
0x9e: {  	v3 =	vld [tilespmem:s18+$0xB0];
	_ =	sdelay $0x4  }
0x9f: {  	v4 =	vshll.u32 v3, $0x1  }
0xa0: {  	v3 =	vand.u32 $0x7, v3;
	v4 =	vand.u32 $0xFFFFFFF0, v4  }
0xa1: {  	v3 =	vor.u32 v3, v4  }
0xa2: {  	v4 =	vperm.xlane v3, v0;
	_ =	sdelay $0x1  }
0xa3: {  	v3 =	vperm.xlane v3, v2;
	v4 =	vadd.s32 v1, v4;
	_ =	sdelay $0x1  }
0xa4: {  	v3 =	vadd.s32 v1, v3;
	_ =	sdelay $0x2  }
0xa5: {  	[tilespmem:s31], [sflag:$0x5] =	stream.indirect_vreg.gather [hbm4b:s3+s19], $0x80, v4, vm0, $0xb8;
	[tilespmem:$0x12E00] =	vst v63  }
0xa6: {  	_ = 	snop  }
0xa7: {  	[tilespmem:s1], [sflag:$0x5] =	stream.indirect_vreg.gather [hbm4b:s3+s19], $0x80, v3, vm0, $0xb8;
	[tilespmem:$0x12E00] =	vst v63  }
0xa8: {  	v3 =	vld.msk [tilespmem:s18+$0xC0], $0xff;
	_ =	sdelay $0x4  }
0xa9: {  	v4 =	vshll.u32 v3, $0x1  }
0xaa: {  	v3 =	vand.u32 $0x7, v3;
	v4 =	vand.u32 $0xFFFFFFF0, v4  }
0xab: {  	v3 =	vor.u32 v3, v4  }
0xac: {  	v3 =	vperm.xlane v3, v0;
	_ =	sdelay $0x1  }
0xad: {  	v3 =	vadd.s32 v1, v3;
	_ =	sdelay $0x4  }
0xae: {  	[tilespmem:s0], [sflag:$0x5] =	stream.indirect_vreg.gather [hbm4b:s3+s19], $0x80, v3, vm0, $0xb8;
	[tilespmem:$0x12E00] =	vst v63  }
0xaf: {  	_ =	swait.ge [sflag:s8], $0x2800  }
0xb0: {  	s20 =	sand.u32 $0x3800, s19;
	s21 =	sand.u32 $0x200, s19;
	[sflag:s8] =	ssyncset.done $0x0  }
0xb1: {  	s20 =	sor.u32 s21, s20;
	[sflag:s8] =	ssyncadd.s32 $0xFFFFD800  }
0xb2: {  	v3 =	vld [tilespmem:s20+$0x6580]  }
0xb3: {  	v5 =	vld [tilespmem:s20+$0x6590]  }
0xb4: {  	v7 =	vld [tilespmem:s20+$0x65A0]  }
0xb5: {  	v8 =	vld [tilespmem:s20+$0x65B0]  }
0xb6: {  	v9 =	vld [tilespmem:s20+$0x65C0]  }
0xb7: {  	v10 =	vld [tilespmem:s20+$0x65D0]  }
0xb8: {  	v12 =	vld [tilespmem:s20+$0x65E0]  }
0xb9: {  	v14 =	vld [tilespmem:s20+$0x65F0]  }
0xba: {  	v4 =	vld [tilespmem:s20+$0x6500]  }
0xbb: {  	v6 =	vld [tilespmem:s20+$0x6510]  }
0xbc: {  	v11 =	vld [tilespmem:s20+$0x6520]  }
0xbd: {  	v15 =	vld [tilespmem:s20+$0x6530]  }
0xbe: {  	v16 =	vld [tilespmem:s20+$0x6540]  }
0xbf: {  	v17 =	vld [tilespmem:s20+$0x6550]  }
0xc0: {  	v18 =	vld [tilespmem:s20+$0x6560]  }
0xc1: {  	v19 =	vld [tilespmem:s20+$0x6570]  }
0xc2: {  	v20 =	vld [tilespmem:s20+$0x6480]  }
0xc3: {  	v21 =	vld [tilespmem:s20+$0x6490]  }
0xc4: {  	v22 =	vld [tilespmem:s20+$0x64A0]  }
0xc5: {  	v27 =	vld [tilespmem:s20+$0x64B0]  }
0xc6: {  	v32 =	vld [tilespmem:s20+$0x64C0]  }
0xc7: {  	v33 =	vld [tilespmem:s20+$0x64D0]  }
0xc8: {  	v38 =	vld [tilespmem:s20+$0x64E0]  }
0xc9: {  	v39 =	vld [tilespmem:s20+$0x64F0]  }
0xca: {  	v23 =	vld [tilespmem:s20+$0x6400]  }
0xcb: {  	v24 =	vld [tilespmem:s20+$0x6410]  }
0xcc: {  	v25 =	vld [tilespmem:s20+$0x6420]  }
0xcd: {  	p0 =	por $0x0, $0x0;
	s21 =	simm.s32 $0x1;
	v26 =	vld [tilespmem:s20+$0x6430]  }
0xce: {  	s21 =	simm.s32 @!p0 $0x0;
	v28 =	vld [tilespmem:s20+$0x6440]  }
0xcf: {  	s21 =	sshll.u32 s21, $0x9;
	v36 =	vld [tilespmem:s20+$0x6450]  }
0xd0: {  	s23 =	sadd.s32 $0x0, s21;
	v40 =	vld [tilespmem:s20+$0x6460]  }
0xd1: {  	s25 =	sor.u32 $0x400, s23;
	v41 =	vld [tilespmem:s20+$0x6470]  }
0xd2: {  	s26 =	sor.u32 $0x410, s23;
	v42 =	vld [tilespmem:s25+$0x6400]  }
0xd3: {  	s28 =	sor.u32 $0x420, s23;
	v43 =	vld [tilespmem:s26+$0x6400]  }
0xd4: {  	s21 =	sor.u32 $0x430, s23;
	v29 =	vld [tilespmem:s28+$0x6400]  }
0xd5: {  	v13 =	vimm.f32 $0.0e+00;
	s22 =	sor.u32 $0x440, s23;
	v30 =	vld [tilespmem:s21+$0x6400]  }
0xd6: {  	s24 =	sor.u32 $0x450, s23;
	v31 =	vadd.f32 v23, v13;
	v23 =	vld [tilespmem:s22+$0x6400]  }
0xd7: {  	s25 =	sor.u32 $0x460, s23;
	v35 =	vadd.f32 v25, v13;
	v25 =	vld [tilespmem:s24+$0x6400]  }
0xd8: {  	s26 =	sor.u32 $0x470, s23;
	s21 =	sadd.s32 $0x180, s23;
	v34 =	vadd.f32 v24, v13;
	v37 =	vadd.f32 v26, v13;
	v24 =	vld [tilespmem:s25+$0x6400]  }
0xd9: {  	s28 =	sor.u32 $0x400, s21;
	v26 =	vld [tilespmem:s26+$0x6400];
	v45 =	vadd.f32 v42, v13;
	v20 =	vadd.f32 v20, v31  }
0xda: {  	s22 =	sor.u32 $0x410, s21;
	v21 =	vadd.f32 v21, v34;
	v22 =	vadd.f32 v22, v35;
	v31 =	vld [tilespmem:s28+$0x6400]  }
0xdb: {  	s24 =	sor.u32 $0x420, s21;
	v27 =	vadd.f32 v27, v37;
	v34 =	vld [tilespmem:s22+$0x6400];
	v4 =	vadd.f32 v4, v20  }
0xdc: {  	s25 =	sor.u32 $0x430, s21;
	v35 =	vld [tilespmem:s24+$0x6400];
	v6 =	vadd.f32 v6, v21;
	v11 =	vadd.f32 v11, v22  }
0xdd: {  	s26 =	sor.u32 $0x440, s21;
	v37 =	vld [tilespmem:s25+$0x6400];
	v15 =	vadd.f32 v15, v27;
	v4 =	vadd.f32 v3, v4  }
0xde: {  	s22 =	sadd.s32 $0x100, s23;
	s28 =	sor.u32 $0x450, s21;
	v27 =	vld [tilespmem:s26+$0x6400];
	v6 =	vadd.f32 v5, v6;
	v7 =	vadd.f32 v7, v11  }
0xdf: {  	s24 =	sor.u32 $0x400, s22;
	v3 =	vadd.f32 v28, v13;
	v11 =	vadd.f32 v40, v13;
	v28 =	vld [tilespmem:s28+$0x6400]  }
0xe0: {  	s23 =	sadd.s32 $0x80, s23;
	s25 =	sor.u32 $0x410, s22;
	v8 =	vadd.f32 v8, v15;
	v5 =	vadd.f32 v36, v13;
	v36 =	vld [tilespmem:s24+$0x6400]  }
0xe1: {  	s26 =	sor.u32 $0x400, s23;
	v15 =	vadd.f32 v41, v13;
	v11 =	vadd.f32 v38, v11;
	v38 =	vld [tilespmem:s25+$0x6400]  }
0xe2: {  	s28 =	sor.u32 $0x410, s23;
	v3 =	vadd.f32 v32, v3;
	v5 =	vadd.f32 v33, v5;
	v32 =	vld [tilespmem:s26+$0x6400]  }
0xe3: {  	v46 =	vadd.f32 v43, v13;
	v21 =	vimm.f32 $0.0e+00;
	s24 =	sor.u32 $0x420, s23;
	v15 =	vadd.f32 v39, v15;
	v33 =	vld [tilespmem:s28+$0x6400]  }
0xe4: {  	v22 =	vimm.f32 $0.0e+00;
	v39 =	vld [tilespmem:s24+$0x6400];
	s25 =	sor.u32 $0x430, s23;
	v3 =	vadd.f32 v16, v3;
	v5 =	vadd.f32 v17, v5  }
0xe5: {  	v20 =	vimm.f32 $0.0e+00;
	s26 =	sor.u32 $0x420, s22;
	v41 =	vld [tilespmem:s25+$0x6400];
	v16 =	vadd.f32 v18, v11;
	v15 =	vadd.f32 v19, v15  }
0xe6: {  	s28 =	sor.u32 $0x430, s22;
	v40 =	vld [tilespmem:s26+$0x6400];
	v18 =	vimm.f32 $0.0e+00;
	v9 =	vadd.f32 v9, v3;
	v11 =	vadd.f32 v10, v5  }
0xe7: {  	s20 =	simm.s32 $0x200;
	s24 =	sor.u32 $0x440, s22;
	v42 =	vld [tilespmem:s28+$0x6400];
	v19 =	vimm.f32 $0.0e+00;
	v10 =	vadd.f32 v12, v16;
	v12 =	vadd.f32 v14, v15  }
.LBB2_3:
0xe8: {  	p1 =	sne.s32 s20, $0x1200;
	v3 =	vadd.f32 v29, v13;
	v5 =	vadd.f32 v30, v18;
	v14 =	vld [tilespmem:s24+$0x6400];
	s24 =	sor.u32 $0x450, s22  }
0xe9: {  	s25 =	sor.u32 $0x440, s23;
	v13 =	vadd.f32 v32, v45;
	v15 =	vadd.f32 v33, v46;
	v16 =	vld [tilespmem:s24+$0x6400]  }
0xea: {  	s24 =	sor.u32 $0x450, s23;
	v3 =	vadd.f32 v39, v3;
	v5 =	vadd.f32 v41, v5;
	v17 =	vld [tilespmem:s25+$0x6400]  }
0xeb: {  	v29 =	vld [tilespmem:s24+$0x6400];
	s24 =	sor.u32 $0x460, s23;
	v13 =	vadd.f32 v36, v13;
	v15 =	vadd.f32 v38, v15  }
0xec: {  	s23 =	sor.u32 $0x470, s23;
	v30 =	vld [tilespmem:s24+$0x6400];
	v18 =	vadd.f32 v40, v3;
	v32 =	vadd.f32 v42, v5  }
0xed: {  	v33 =	vld [tilespmem:s23+$0x6400];
	s23 =	sor.u32 $0x460, s22;
	v3 =	vadd.f32 v31, v13;
	v5 =	vadd.f32 v34, v15  }
0xee: {  	s22 =	sor.u32 $0x470, s22;
	v15 =	vld [tilespmem:s23+$0x6400];
	v13 =	vadd.f32 v35, v18;
	v18 =	vadd.f32 v37, v32  }
0xef: {  	v21 =	vadd.f32 v23, v21;
	v22 =	vadd.f32 v25, v22;
	s19 =	sadd.s32 $0x400, s19;
	v23 =	vld [tilespmem:s22+$0x6400];
	s22 =	sor.u32 $0x460, s21  }
0xf0: {  	v19 =	vadd.f32 v24, v19;
	v20 =	vadd.f32 v26, v20;
	s24 =	sand.u32 $0x200, s20;
	s23 =	sand.u32 $0x3800, s19;
	v24 =	vld [tilespmem:s22+$0x6400];
	s22 =	sor.u32 $0x470, s21  }
0xf1: {  	v17 =	vadd.f32 v17, v21;
	s21 =	sor.u32 s24, s23;
	v21 =	vadd.f32 v29, v22;
	v25 =	vld [tilespmem:s22+$0x6400]  }
0xf2: {  	v19 =	vadd.f32 v30, v19;
	v32 =	vld [tilespmem:s21+$0x6580];
	v20 =	vadd.f32 v33, v20  }
0xf3: {  	v14 =	vadd.f32 v14, v17;
	v16 =	vadd.f32 v16, v21;
	v33 =	vld [tilespmem:s21+$0x6590]  }
0xf4: {  	v15 =	vadd.f32 v15, v19;
	v36 =	vld [tilespmem:s21+$0x65A0];
	v17 =	vadd.f32 v23, v20  }
0xf5: {  	v21 =	vadd.f32 v27, v14;
	v22 =	vadd.f32 v28, v16;
	v38 =	vld [tilespmem:s21+$0x65B0]  }
0xf6: {  	v19 =	vadd.f32 v24, v15;
	v14 =	vld [tilespmem:s21+$0x65C0];
	v20 =	vadd.f32 v25, v17  }
0xf7: {  	v17 =	vld [tilespmem:s21+$0x65D0]  }
0xf8: {  	v15 =	vld [tilespmem:s21+$0x65E0]  }
0xf9: {  	v16 =	vld [tilespmem:s21+$0x65F0]  }
0xfa: {  	v27 =	vld [tilespmem:s21+$0x6500]  }
0xfb: {  	v28 =	vld [tilespmem:s21+$0x6510]  }
0xfc: {  	v35 =	vld [tilespmem:s21+$0x6520]  }
0xfd: {  	v37 =	vld [tilespmem:s21+$0x6530]  }
0xfe: {  	v39 =	vld [tilespmem:s21+$0x6540]  }
0xff: {  	v40 =	vld [tilespmem:s21+$0x6550]  }
0x100: {  	v41 =	vld [tilespmem:s21+$0x6560]  }
0x101: {  	v42 =	vld [tilespmem:s21+$0x6570]  }
0x102: {  	v31 =	vld [tilespmem:s21+$0x6480]  }
0x103: {  	v34 =	vld [tilespmem:s21+$0x6490]  }
0x104: {  	v43 =	vld [tilespmem:s21+$0x64A0]  }
0x105: {  	v44 =	vld [tilespmem:s21+$0x64B0]  }
0x106: {  	v45 =	vld [tilespmem:s21+$0x64C0]  }
0x107: {  	v46 =	vld [tilespmem:s21+$0x64D0]  }
0x108: {  	v47 =	vld [tilespmem:s21+$0x64E0]  }
0x109: {  	v48 =	vld [tilespmem:s21+$0x64F0]  }
0x10a: {  	v24 =	vld [tilespmem:s21+$0x6400]  }
0x10b: {  	v25 =	vld [tilespmem:s21+$0x6410]  }
0x10c: {  	v26 =	vld [tilespmem:s21+$0x6420]  }
0x10d: {  	p0 =	por !p0, !p0;
	s22 =	simm.s32 $0x1;
	v49 =	vld [tilespmem:s21+$0x6430]  }
0x10e: {  	s22 =	simm.s32 @!p0 $0x0;
	v50 =	vld [tilespmem:s21+$0x6440]  }
0x10f: {  	s22 =	sshll.u32 s22, $0x9;
	v51 =	vld [tilespmem:s21+$0x6450]  }
0x110: {  	s23 =	sadd.s32 s22, s19;
	v52 =	vld [tilespmem:s21+$0x6460]  }
0x111: {  	v53 =	vld [tilespmem:s21+$0x6470];
	s21 =	sor.u32 $0x400, s23  }
0x112: {  	v54 =	vld [tilespmem:s21+$0x6400];
	s21 =	sor.u32 $0x410, s23  }
0x113: {  	v55 =	vld [tilespmem:s21+$0x6400];
	s21 =	sor.u32 $0x420, s23  }
0x114: {  	v29 =	vld [tilespmem:s21+$0x6400];
	s21 =	sor.u32 $0x430, s23  }
0x115: {  	v30 =	vld [tilespmem:s21+$0x6400];
	s21 =	sor.u32 $0x440, s23  }
0x116: {  	v23 =	vld [tilespmem:s21+$0x6400];
	s21 =	sor.u32 $0x450, s23  }
0x117: {  	v4 =	vadd.f32 v24, v4;
	v6 =	vadd.f32 v25, v6;
	v25 =	vld [tilespmem:s21+$0x6400];
	s21 =	sor.u32 $0x460, s23  }
0x118: {  	s22 =	sor.u32 $0x470, s23;
	v7 =	vadd.f32 v26, v7;
	v8 =	vadd.f32 v49, v8;
	v24 =	vld [tilespmem:s21+$0x6400];
	s21 =	sadd.s32 $0x180, s23  }
0x119: {  	v4 =	vadd.f32 v31, v4;
	v6 =	vadd.f32 v34, v6;
	v26 =	vld [tilespmem:s22+$0x6400];
	s22 =	sor.u32 $0x400, s21  }
0x11a: {  	v7 =	vadd.f32 v43, v7;
	v8 =	vadd.f32 v44, v8;
	v31 =	vld [tilespmem:s22+$0x6400];
	s22 =	sor.u32 $0x410, s21  }
0x11b: {  	v4 =	vadd.f32 v27, v4;
	v6 =	vadd.f32 v28, v6;
	v34 =	vld [tilespmem:s22+$0x6400];
	s22 =	sor.u32 $0x420, s21  }
0x11c: {  	v7 =	vadd.f32 v35, v7;
	v8 =	vadd.f32 v37, v8;
	v35 =	vld [tilespmem:s22+$0x6400];
	s22 =	sor.u32 $0x430, s21  }
0x11d: {  	v4 =	vadd.f32 v32, v4;
	v6 =	vadd.f32 v33, v6;
	s24 =	sor.u32 $0x440, s21;
	v37 =	vld [tilespmem:s22+$0x6400]  }
0x11e: {  	v7 =	vadd.f32 v36, v7;
	v8 =	vadd.f32 v38, v8;
	s22 =	sadd.s32 $0x100, s23;
	v27 =	vld [tilespmem:s24+$0x6400];
	s24 =	sor.u32 $0x450, s21  }
0x11f: {  	v9 =	vadd.f32 v50, v9;
	v11 =	vadd.f32 v51, v11;
	s25 =	sor.u32 $0x400, s22;
	v28 =	vld [tilespmem:s24+$0x6400]  }
0x120: {  	v10 =	vadd.f32 v52, v10;
	v12 =	vadd.f32 v53, v12;
	s23 =	sadd.s32 $0x80, s23;
	s24 =	sor.u32 $0x410, s22;
	v36 =	vld [tilespmem:s25+$0x6400]  }
0x121: {  	v9 =	vadd.f32 v45, v9;
	v11 =	vadd.f32 v46, v11;
	s25 =	sor.u32 $0x400, s23;
	v38 =	vld [tilespmem:s24+$0x6400]  }
0x122: {  	v10 =	vadd.f32 v47, v10;
	v12 =	vadd.f32 v48, v12;
	s24 =	sor.u32 $0x410, s23;
	v32 =	vld [tilespmem:s25+$0x6400]  }
.Ltmp0:
0x123: {  	v9 =	vadd.f32 v39, v9;
	v11 =	vadd.f32 v40, v11;
	v33 =	vld [tilespmem:s24+$0x6400];
	s24 =	sor.u32 $0x420, s23;
	(pc) =	sbr.rel @p1 .LBB2_3-.Ltmp0, $4  }
0x124: {  	v10 =	vadd.f32 v41, v10;
	v12 =	vadd.f32 v42, v12;
	v39 =	vld [tilespmem:s24+$0x6400];
	s24 =	sor.u32 $0x430, s23  }
0x125: {  	v9 =	vadd.f32 v14, v9;
	v11 =	vadd.f32 v17, v11;
	v41 =	vld [tilespmem:s24+$0x6400];
	s24 =	sor.u32 $0x420, s22  }
0x126: {  	v10 =	vadd.f32 v15, v10;
	v12 =	vadd.f32 v16, v12;
	v40 =	vld [tilespmem:s24+$0x6400];
	s24 =	sor.u32 $0x430, s22  }
0x127: {  	s20 =	sadd.s32 $0x200, s20;
	v45 =	vadd.f32 v54, v3;
	v46 =	vadd.f32 v55, v5;
	v42 =	vld [tilespmem:s24+$0x6400];
	s24 =	sor.u32 $0x440, s22  }
0x128: {  	p0 =	seq.s32 s16, $0x7F  }
0x129: {  	v3 =	vld @!p0 [tilespmem:s18+$0xC8];
	_ =	sdelay $0x2  }
0x12a: {  	v0 =	vld [tilespmem:s24+$0x6400];
	_ =	sdelay $0x1  }
0x12b: {  	v5 =	vshll.u32 @!p0 v3, $0x1  }
0x12c: {  	s25 =	sor.u32 $0x450, s23;
	v14 =	vlaneseq.u32 @!p0;
	v3 =	vand.u32 @!p0 $0x7, v3;
	v5 =	vand.u32 @!p0 $0xFFFFFFF0, v5  }
0x12d: {  	s19 =	sor.u32 $0x450, s22;
	v59 =	vld [tilespmem:s25+$0x6400];
	v15 =	vshrl.u32 @!p0 v14, $0x3;
	v3 =	vor.u32 @!p0 v3, v5;
	v5 =	vand.u32 @!p0 $0x7, v14  }
0x12e: {  	s26 =	sor.u32 $0x460, s23;
	v15 =	vmul.u32 @!p0 $0x8, v15;
	[tilespmem:$0x1FFA0] =	vst v0;
	v0 =	vld [tilespmem:s19+$0x6400];
	v16 =	vperm.xlane @!p0 v3, v5  }
0x12f: {  	s28 =	sor.u32 $0x470, s23;
	v49 =	vld [tilespmem:s26+$0x6400];
	v14 =	vor.u32 @!p0 $0x8, v14  }
0x130: {  	s20 =	sor.u32 $0x440, s23;
	s23 =	sor.u32 $0x470, s22;
	v50 =	vld [tilespmem:s28+$0x6400];
	v3 =	vperm.xlane @!p0 v3, v14;
	v16 =	vadd.s32 @!p0 v15, v16  }
0x131: {  	s24 =	sor.u32 $0x460, s21;
	v52 =	vld [tilespmem:s23+$0x6400]  }
0x132: {  	v53 =	vld [tilespmem:s24+$0x6400];
	v3 =	vadd.s32 @!p0 v15, v3  }
0x133: {  	[tilespmem:$0x1FFB0] =	vst v0;
	v0 =	vld [tilespmem:s20+$0x6400];
	s20 =	sor.u32 $0x460, s22  }
0x134: {  	s25 =	sor.u32 $0x470, s21;
	vm1 =	vmmov @!p0 $0xffff;
	s19 =	simm.s32 @!p0 $0x0;
	v51 =	vld [tilespmem:s20+$0x6400];
	s20 =	simm.s32 @!p0 $0x6400  }
0x135: {  	v54 =	vld [tilespmem:s25+$0x6400];
	[tilespmem:s20], [sflag:$0x1] =	stream.indirect_vreg.gather @!p0 [hbm4b:s3+s19], $0x80, v16, vm1, $0xb8  }
0x136: {  	s20 =	simm.s32 @!p0 $0x6C00  }
0x137: {  	[tilespmem:s20], [sflag:$0x1] =	stream.indirect_vreg.gather @!p0 [hbm4b:s3+s19], $0x80, v3, vm1, $0xb8;
	[tilespmem:$0x12E00] =	vst v63  }
0x138: {  	v3 =	vld @!p0 [tilespmem:s18+$0xD8];
	_ =	sdelay $0x4  }
0x139: {  	v16 =	vshll.u32 @!p0 v3, $0x1  }
0x13a: {  	v3 =	vand.u32 @!p0 $0x7, v3;
	v16 =	vand.u32 @!p0 $0xFFFFFFF0, v16  }
0x13b: {  	v3 =	vor.u32 @!p0 v3, v16  }
0x13c: {  	v16 =	vperm.xlane @!p0 v3, v5;
	_ =	sdelay $0x1  }
0x13d: {  	v3 =	vperm.xlane @!p0 v3, v14;
	v16 =	vadd.s32 @!p0 v15, v16;
	_ =	sdelay $0x1  }
0x13e: {  	v3 =	vadd.s32 @!p0 v15, v3;
	_ =	sdelay $0x1  }
0x13f: {  	s20 =	simm.s32 @!p0 $0x7400  }
0x140: {  	[tilespmem:s20], [sflag:$0x1] =	stream.indirect_vreg.gather @!p0 [hbm4b:s3+s19], $0x80, v16, vm1, $0xb8;
	[tilespmem:$0x12E00] =	vst v63  }
0x141: {  	s20 =	simm.s32 @!p0 $0x7C00  }
0x142: {  	[tilespmem:s20], [sflag:$0x1] =	stream.indirect_vreg.gather @!p0 [hbm4b:s3+s19], $0x80, v3, vm1, $0xb8;
	[tilespmem:$0x12E00] =	vst v63  }
0x143: {  	v3 =	vld.msk @!p0 [tilespmem:s18+$0xE8], $0xff;
	_ =	sdelay $0x4  }
0x144: {  	v14 =	vshll.u32 @!p0 v3, $0x1  }
0x145: {  	v3 =	vand.u32 @!p0 $0x7, v3;
	v14 =	vand.u32 @!p0 $0xFFFFFFF0, v14  }
0x146: {  	v3 =	vor.u32 @!p0 v3, v14  }
0x147: {  	v3 =	vperm.xlane @!p0 v3, v5;
	_ =	sdelay $0x1  }
0x148: {  	v3 =	vadd.s32 @!p0 v15, v3;
	_ =	sdelay $0x3  }
0x149: {  	[tilespmem:$0x1FF90] =	vst v0;
	s20 =	simm.s32 @!p0 $0x8400  }
0x14a: {  	v18 =	vadd.f32 v30, v18;
	[tilespmem:s20], [sflag:$0x1] =	stream.indirect_vreg.gather @!p0 [hbm4b:s3+s19], $0x80, v3, vm1, $0xb8;
	[tilespmem:$0x12E00] =	vst v63  }
0x14b: {  	s19 =	simm.s32 $0x0;
	_ =	swait.ge [sflag:s9], $0x2800  }
0x14c: {  	v22 =	vadd.f32 v25, v22;
	v18 =	vadd.f32 v41, v18;
	s26 =	sand.u32 $0x3800, s19;
	s22 =	sand.u32 $0x200, s19;
	v25 =	vld [tilespmem:$0x1FF90]  }
0x14d: {  	v13 =	vadd.f32 v29, v13;
	v29 =	vadd.f32 v32, v45;
	[sflag:s9] =	ssyncset.done $0x0;
	s24 =	sadd.s32 $0x8C00, s26;
	s28 =	sor.u32 $0x180, s22;
	v41 =	vld [tilespmem:$0x1FFA0]  }
0x14e: {  	v45 =	vadd.f32 v33, v46;
	v46 =	vadd.f32 v42, v18;
	v42 =	vld [tilespmem:$0x1FFB0];
	[sflag:s9] =	ssyncadd.s32 $0xFFFFD800;
	s25 =	sor.u32 s28, s24  }
0x14f: {  	v55 =	vld [tilespmem:s25+$0x0]  }
0x150: {  	v56 =	vld [tilespmem:s25+$0x10]  }
0x151: {  	v57 =	vld [tilespmem:s25+$0x20]  }
0x152: {  	v58 =	vld [tilespmem:s25+$0x30]  }
0x153: {  	v0 =	vld [tilespmem:s25+$0x40]  }
0x154: {  	v60 =	vld [tilespmem:s25+$0x50]  }
0x155: {  	s23 =	sadd.s32 $0x9000, s26;
	v61 =	vld [tilespmem:s25+$0x60]  }
0x156: {  	s20 =	sor.u32 s28, s23;
	v62 =	vld [tilespmem:s25+$0x70]  }
0x157: {  	v16 =	vld [tilespmem:s20+$0x0]  }
0x158: {  	v17 =	vld [tilespmem:s20+$0x10]  }
0x159: {  	v14 =	vld [tilespmem:s20+$0x20]  }
0x15a: {  	v15 =	vld [tilespmem:s20+$0x30]  }
0x15b: {  	s25 =	sor.u32 $0x100, s22;
	v3 =	vld [tilespmem:s20+$0x40]  }
0x15c: {  	v5 =	vld [tilespmem:s20+$0x50];
	s26 =	sor.u32 s25, s24  }
0x15d: {  	v63 =	vld [tilespmem:s26+$0x0]  }
0x15e: {  	v2 =	vld [tilespmem:s26+$0x10]  }
0x15f: {  	v1 =	vld [tilespmem:s26+$0x30]  }
0x160: {  	v43 =	vld [tilespmem:s26+$0x40]  }
0x161: {  	v44 =	vld [tilespmem:s26+$0x50]  }
0x162: {  	v48 =	vld [tilespmem:s26+$0x60]  }
0x163: {  	s21 =	sor.u32 s25, s23;
	v47 =	vld [tilespmem:s26+$0x70]  }
0x164: {  	v30 =	vld [tilespmem:s21+$0x0]  }
0x165: {  	v32 =	vld [tilespmem:s21+$0x10]  }
0x166: {  	v33 =	vld [tilespmem:s21+$0x20]  }
0x167: {  	v29 =	vadd.f32 v36, v29;
	v36 =	vld [tilespmem:s21+$0x30]  }
0x168: {  	v13 =	vadd.f32 v39, v13;
	v18 =	vld [tilespmem:s21+$0x40]  }
0x169: {  	v38 =	vadd.f32 v38, v45;
	v31 =	vadd.f32 v31, v29;
	s28 =	sor.u32 $0x80, s22;
	v29 =	vld [tilespmem:s21+$0x50]  }
0x16a: {  	[tilespmem:$0x1FFC0] =	vst v0;
	v0 =	vld [tilespmem:s26+$0x20];
	s26 =	sor.u32 s28, s24  }
0x16b: {  	v13 =	vadd.f32 v40, v13;
	v40 =	vadd.f32 v34, v38;
	v34 =	vld [tilespmem:s26+$0x0]  }
0x16c: {  	v21 =	vadd.f32 v23, v21;
	s24 =	sor.u32 s22, s24;
	v23 =	vld [tilespmem:s26+$0x10]  }
0x16d: {  	v19 =	vadd.f32 v24, v19;
	v20 =	vadd.f32 v26, v20;
	v24 =	vld [tilespmem:s24+$0x0]  }
0x16e: {  	v22 =	vadd.f32 v59, v22;
	v21 =	vadd.f32 v25, v21;
	v25 =	vld [tilespmem:s24+$0x10]  }
0x16f: {  	v19 =	vadd.f32 v49, v19;
	v20 =	vadd.f32 v50, v20;
	v26 =	vld [tilespmem:s24+$0x20]  }
0x170: {  	v45 =	vadd.f32 v37, v46;
	v22 =	vadd.f32 v42, v22;
	v46 =	vld [tilespmem:s24+$0x30]  }
0x171: {  	v49 =	vadd.f32 v52, v20;
	v19 =	vadd.f32 v51, v19;
	v50 =	vld [tilespmem:s26+$0x20]  }
0x172: {  	v21 =	vadd.f32 v41, v21;
	v28 =	vadd.f32 v28, v22;
	v22 =	vld [tilespmem:s26+$0x30]  }
0x173: {  	v13 =	vadd.f32 v35, v13;
	v20 =	vadd.f32 v53, v19;
	v51 =	vld [tilespmem:s26+$0x40]  }
0x174: {  	v52 =	vld [tilespmem:s26+$0x50];
	v27 =	vadd.f32 v27, v21;
	v21 =	vadd.f32 v54, v49  }
0x175: {  	v53 =	vld [tilespmem:s24+$0x50];
	v4 =	vadd.f32 v24, v4;
	v6 =	vadd.f32 v25, v6  }
0x176: {  	v59 =	vld [tilespmem:s24+$0x70];
	v7 =	vadd.f32 v26, v7;
	v8 =	vadd.f32 v46, v8  }
0x177: {  	v54 =	vld [tilespmem:s24+$0x60];
	v4 =	vadd.f32 v34, v4;
	v6 =	vadd.f32 v23, v6  }
0x178: {  	v26 =	vld [tilespmem:s24+$0x40];
	s24 =	sor.u32 s28, s23;
	v7 =	vadd.f32 v50, v7;
	v8 =	vadd.f32 v22, v8  }
0x179: {  	v19 =	vld [tilespmem:s24+$0x0];
	v4 =	vadd.f32 v63, v4;
	v2 =	vadd.f32 v2, v6  }
0x17a: {  	v6 =	vld [tilespmem:s26+$0x60];
	v0 =	vadd.f32 v0, v7;
	v1 =	vadd.f32 v1, v8  }
0x17b: {  	v7 =	vld [tilespmem:s26+$0x70];
	v22 =	vadd.f32 v55, v4;
	v23 =	vadd.f32 v56, v2  }
0x17c: {  	s23 =	sor.u32 s22, s23;
	v35 =	vld [tilespmem:s24+$0x20];
	v24 =	vadd.f32 v57, v0;
	v25 =	vadd.f32 v58, v1  }
0x17d: {  	v63 =	vld [tilespmem:s23+$0x20];
	v0 =	vadd.f32 v26, v9;
	v1 =	vadd.f32 v53, v11  }
0x17e: {  	v2 =	vadd.f32 v54, v10;
	v4 =	vadd.f32 v59, v12;
	v9 =	vld [tilespmem:s23+$0x0]  }
0x17f: {  	v11 =	vld [tilespmem:s23+$0x10];
	v0 =	vadd.f32 v51, v0;
	v1 =	vadd.f32 v52, v1  }
0x180: {  	v2 =	vadd.f32 v6, v2;
	v4 =	vadd.f32 v7, v4;
	v6 =	vld [tilespmem:s23+$0x30]  }
0x181: {  	v7 =	vld [tilespmem:$0x1FFC0];
	v0 =	vadd.f32 v43, v0;
	v1 =	vadd.f32 v44, v1  }
0x182: {  	v34 =	vld [tilespmem:s24+$0x10];
	v43 =	vadd.f32 v63, v13;
	v2 =	vadd.f32 v48, v2  }
0x183: {  	v37 =	vld [tilespmem:s24+$0x30];
	v4 =	vadd.f32 v47, v4;
	v41 =	vadd.f32 v9, v31  }
0x184: {  	v38 =	vld [tilespmem:s24+$0x40];
	v42 =	vadd.f32 v11, v40;
	v26 =	vadd.f32 v60, v1  }
0x185: {  	v39 =	vld [tilespmem:s24+$0x50];
	v8 =	vadd.f32 v61, v2;
	v10 =	vadd.f32 v62, v4  }
0x186: {  	s22 =	simm.s32 $0x200;
	v40 =	vld [tilespmem:s23+$0x40];
	v12 =	vadd.f32 v7, v0;
	v44 =	vadd.f32 v6, v45  }
.LBB2_5:
0x187: {  	p1 =	sne.s32 s22, $0x1200;
	v0 =	vld [tilespmem:s23+$0x50];
	v1 =	vadd.f32 v19, v41;
	v2 =	vadd.f32 v34, v42  }
0x188: {  	v11 =	vld [tilespmem:s23+$0x60];
	v4 =	vadd.f32 v35, v43;
	v6 =	vadd.f32 v37, v44  }
0x189: {  	v13 =	vld [tilespmem:s23+$0x70];
	v1 =	vadd.f32 v30, v1;
	v2 =	vadd.f32 v32, v2  }
0x18a: {  	v19 =	vld [tilespmem:s24+$0x60];
	v7 =	vadd.f32 v33, v4;
	v9 =	vadd.f32 v36, v6  }
0x18b: {  	v30 =	vld [tilespmem:s24+$0x70];
	v4 =	vadd.f32 v16, v1;
	v6 =	vadd.f32 v17, v2  }
0x18c: {  	s19 =	sadd.s32 $0x400, s19;
	v1 =	vld [tilespmem:s21+$0x60];
	v7 =	vadd.f32 v14, v7;
	v9 =	vadd.f32 v15, v9  }
0x18d: {  	s25 =	sand.u32 $0x3800, s19;
	s23 =	sand.u32 $0x200, s22;
	v2 =	vadd.f32 v40, v27;
	v0 =	vadd.f32 v0, v28;
	v14 =	vld [tilespmem:s21+$0x70]  }
0x18e: {  	s24 =	sadd.s32 $0x8C00, s25;
	s21 =	sor.u32 $0x180, s23;
	v11 =	vadd.f32 v11, v20;
	v13 =	vadd.f32 v13, v21;
	v15 =	vld [tilespmem:s20+$0x60]  }
0x18f: {  	v2 =	vadd.f32 v38, v2;
	s26 =	sor.u32 s21, s24;
	v0 =	vadd.f32 v39, v0;
	v16 =	vld [tilespmem:s20+$0x70]  }
0x190: {  	v11 =	vadd.f32 v19, v11;
	v34 =	vld [tilespmem:s26+$0x0];
	v13 =	vadd.f32 v30, v13  }
0x191: {  	v2 =	vadd.f32 v18, v2;
	v0 =	vadd.f32 v29, v0;
	v19 =	vld [tilespmem:s26+$0x10]  }
0x192: {  	v1 =	vadd.f32 v1, v11;
	v35 =	vld [tilespmem:s26+$0x20];
	v13 =	vadd.f32 v14, v13  }
0x193: {  	v27 =	vadd.f32 v3, v2;
	v28 =	vadd.f32 v5, v0;
	v37 =	vld [tilespmem:s26+$0x30]  }
0x194: {  	v20 =	vadd.f32 v15, v1;
	v11 =	vld [tilespmem:s26+$0x40];
	v21 =	vadd.f32 v16, v13  }
0x195: {  	v13 =	vld [tilespmem:s26+$0x50]  }
0x196: {  	s25 =	sadd.s32 $0x9000, s25;
	v31 =	vld [tilespmem:s26+$0x60]  }
0x197: {  	s20 =	sor.u32 s21, s25;
	v39 =	vld [tilespmem:s26+$0x70]  }
0x198: {  	v16 =	vld [tilespmem:s20+$0x0]  }
0x199: {  	v17 =	vld [tilespmem:s20+$0x10]  }
0x19a: {  	v14 =	vld [tilespmem:s20+$0x20]  }
0x19b: {  	v15 =	vld [tilespmem:s20+$0x30]  }
0x19c: {  	s21 =	sor.u32 $0x100, s23;
	v3 =	vld [tilespmem:s20+$0x40]  }
0x19d: {  	s26 =	sor.u32 s21, s24;
	v5 =	vld [tilespmem:s20+$0x50]  }
0x19e: {  	v0 =	vld [tilespmem:s26+$0x0]  }
0x19f: {  	v1 =	vld [tilespmem:s26+$0x10]  }
0x1a0: {  	v2 =	vld [tilespmem:s26+$0x20]  }
0x1a1: {  	v38 =	vld [tilespmem:s26+$0x30]  }
0x1a2: {  	v40 =	vld [tilespmem:s26+$0x40]  }
0x1a3: {  	v41 =	vld [tilespmem:s26+$0x50]  }
0x1a4: {  	v42 =	vld [tilespmem:s26+$0x60]  }
0x1a5: {  	s21 =	sor.u32 s21, s25;
	v43 =	vld [tilespmem:s26+$0x70]  }
0x1a6: {  	v30 =	vld [tilespmem:s21+$0x0]  }
0x1a7: {  	v32 =	vld [tilespmem:s21+$0x10]  }
0x1a8: {  	v33 =	vld [tilespmem:s21+$0x20]  }
0x1a9: {  	v36 =	vld [tilespmem:s21+$0x30]  }
0x1aa: {  	s26 =	sor.u32 $0x80, s23;
	v18 =	vld [tilespmem:s21+$0x40]  }
0x1ab: {  	s28 =	sor.u32 s26, s24;
	v29 =	vld [tilespmem:s21+$0x50]  }
0x1ac: {  	v44 =	vld [tilespmem:s28+$0x0]  }
0x1ad: {  	s24 =	sor.u32 s23, s24;
	v45 =	vld [tilespmem:s28+$0x10]  }
0x1ae: {  	v46 =	vld [tilespmem:s24+$0x0]  }
0x1af: {  	v47 =	vld [tilespmem:s24+$0x10]  }
0x1b0: {  	v48 =	vld [tilespmem:s24+$0x20]  }
0x1b1: {  	v49 =	vld [tilespmem:s24+$0x30]  }
0x1b2: {  	v50 =	vld [tilespmem:s28+$0x20]  }
0x1b3: {  	v51 =	vld [tilespmem:s28+$0x30]  }
0x1b4: {  	v52 =	vld [tilespmem:s28+$0x40]  }
0x1b5: {  	v22 =	vadd.f32 v46, v22;
	v23 =	vadd.f32 v47, v23;
	v46 =	vld [tilespmem:s28+$0x50]  }
0x1b6: {  	v24 =	vadd.f32 v48, v24;
	v25 =	vadd.f32 v49, v25;
	v47 =	vld [tilespmem:s24+$0x40]  }
0x1b7: {  	v22 =	vadd.f32 v44, v22;
	v23 =	vadd.f32 v45, v23;
	v48 =	vld [tilespmem:s24+$0x50]  }
0x1b8: {  	v24 =	vadd.f32 v50, v24;
	v44 =	vld [tilespmem:s24+$0x60];
	v25 =	vadd.f32 v51, v25  }
0x1b9: {  	v0 =	vadd.f32 v0, v22;
	v1 =	vadd.f32 v1, v23;
	v45 =	vld [tilespmem:s24+$0x70]  }
0x1ba: {  	v2 =	vadd.f32 v2, v24;
	v49 =	vld [tilespmem:s28+$0x60];
	v25 =	vadd.f32 v38, v25  }
0x1bb: {  	s24 =	sor.u32 s26, s25;
	v22 =	vadd.f32 v34, v0;
	v23 =	vadd.f32 v19, v1;
	v38 =	vld [tilespmem:s28+$0x70]  }
0x1bc: {  	v24 =	vadd.f32 v35, v2;
	v19 =	vld [tilespmem:s24+$0x0];
	v25 =	vadd.f32 v37, v25  }
0x1bd: {  	s23 =	sor.u32 s23, s25;
	v0 =	vadd.f32 v47, v12;
	v1 =	vadd.f32 v48, v26;
	v34 =	vld [tilespmem:s24+$0x10]  }
0x1be: {  	v2 =	vadd.f32 v44, v8;
	v8 =	vadd.f32 v45, v10;
	v44 =	vld [tilespmem:s23+$0x0]  }
0x1bf: {  	v0 =	vadd.f32 v52, v0;
	v1 =	vadd.f32 v46, v1;
	v45 =	vld [tilespmem:s23+$0x10]  }
0x1c0: {  	v2 =	vadd.f32 v49, v2;
	v46 =	vld [tilespmem:s23+$0x20];
	v8 =	vadd.f32 v38, v8  }
0x1c1: {  	v0 =	vadd.f32 v40, v0;
	v1 =	vadd.f32 v41, v1;
	v47 =	vld [tilespmem:s23+$0x30]  }
.Ltmp1:
0x1c2: {  	v2 =	vadd.f32 v42, v2;
	v35 =	vld [tilespmem:s24+$0x20];
	v10 =	vadd.f32 v43, v8;
	(pc) =	sbr.rel @p1 .LBB2_5-.Ltmp1, $4  }
0x1c3: {  	v12 =	vadd.f32 v11, v0;
	v26 =	vadd.f32 v13, v1;
	v37 =	vld [tilespmem:s24+$0x30]  }
0x1c4: {  	v8 =	vadd.f32 v31, v2;
	v38 =	vld [tilespmem:s24+$0x40];
	v10 =	vadd.f32 v39, v10  }
0x1c5: {  	v41 =	vadd.f32 v44, v4;
	v42 =	vadd.f32 v45, v6;
	v39 =	vld [tilespmem:s24+$0x50]  }
0x1c6: {  	s22 =	sadd.s32 $0x200, s22;
	v43 =	vadd.f32 v46, v7;
	v44 =	vadd.f32 v47, v9;
	v40 =	vld [tilespmem:s23+$0x40]  }
0x1c7: {  	v0 =	vld @!p0 [tilespmem:s18+$0xF0];
	_ =	sdelay $0x4  }
0x1c8: {  	v1 =	vshll.u32 @!p0 v0, $0x1  }
0x1c9: {  	v4 =	vlaneseq.u32 @!p0;
	v0 =	vand.u32 @!p0 $0x7, v0;
	v1 =	vand.u32 @!p0 $0xFFFFFFF0, v1  }
0x1ca: {  	v55 =	vld [tilespmem:s23+$0x50];
	v6 =	vshrl.u32 @!p0 v4, $0x3;
	v0 =	vor.u32 @!p0 v0, v1;
	v1 =	vand.u32 @!p0 $0x7, v4  }
0x1cb: {  	v51 =	vld [tilespmem:s23+$0x60];
	v6 =	vmul.u32 @!p0 $0x8, v6;
	v7 =	vperm.xlane @!p0 v0, v1  }
0x1cc: {  	v47 =	vld [tilespmem:s23+$0x70];
	v4 =	vor.u32 @!p0 $0x8, v4  }
0x1cd: {  	v49 =	vld [tilespmem:s24+$0x60];
	v0 =	vperm.xlane @!p0 v0, v4;
	v7 =	vadd.s32 @!p0 v6, v7  }
0x1ce: {  	v48 =	vld [tilespmem:s24+$0x70]  }
0x1cf: {  	v52 =	vld [tilespmem:s21+$0x60];
	v0 =	vadd.s32 @!p0 v6, v0  }
0x1d0: {  	v57 =	vld [tilespmem:s20+$0x60]  }
0x1d1: {  	v56 =	vld [tilespmem:s20+$0x70];
	s19 =	simm.s32 @!p0 $0x0;
	s20 =	simm.s32 @!p0 $0x8C00  }
0x1d2: {  	v50 =	vld [tilespmem:s21+$0x70];
	[tilespmem:s20], [sflag:$0x2] =	stream.indirect_vreg.gather @!p0 [hbm4b:s3+s19], $0x80, v7, vm1, $0xb8  }
0x1d3: {  	s20 =	simm.s32 @!p0 $0x9400  }
0x1d4: {  	[tilespmem:s20], [sflag:$0x2] =	stream.indirect_vreg.gather @!p0 [hbm4b:s3+s19], $0x80, v0, vm1, $0xb8;
	[tilespmem:$0x12E00] =	vst v63  }
0x1d5: {  	v0 =	vld @!p0 [tilespmem:s18+$0x100];
	_ =	sdelay $0x4  }
0x1d6: {  	v7 =	vshll.u32 @!p0 v0, $0x1  }
0x1d7: {  	v0 =	vand.u32 @!p0 $0x7, v0;
	v7 =	vand.u32 @!p0 $0xFFFFFFF0, v7  }
0x1d8: {  	v0 =	vor.u32 @!p0 v0, v7  }
0x1d9: {  	v7 =	vperm.xlane @!p0 v0, v1;
	_ =	sdelay $0x1  }
0x1da: {  	v0 =	vperm.xlane @!p0 v0, v4;
	v7 =	vadd.s32 @!p0 v6, v7;
	_ =	sdelay $0x1  }
0x1db: {  	v0 =	vadd.s32 @!p0 v6, v0;
	_ =	sdelay $0x1  }
0x1dc: {  	s20 =	simm.s32 @!p0 $0x9C00  }
0x1dd: {  	[tilespmem:s20], [sflag:$0x2] =	stream.indirect_vreg.gather @!p0 [hbm4b:s3+s19], $0x80, v7, vm1, $0xb8;
	[tilespmem:$0x12E00] =	vst v63  }
0x1de: {  	s20 =	simm.s32 @!p0 $0xA400  }
0x1df: {  	[tilespmem:s20], [sflag:$0x2] =	stream.indirect_vreg.gather @!p0 [hbm4b:s3+s19], $0x80, v0, vm1, $0xb8;
	[tilespmem:$0x12E00] =	vst v63  }
0x1e0: {  	v0 =	vld.msk @!p0 [tilespmem:s18+$0x110], $0xff;
	_ =	sdelay $0x4  }
0x1e1: {  	v4 =	vshll.u32 @!p0 v0, $0x1  }
0x1e2: {  	v0 =	vand.u32 @!p0 $0x7, v0;
	v4 =	vand.u32 @!p0 $0xFFFFFFF0, v4  }
0x1e3: {  	v0 =	vor.u32 @!p0 v0, v4  }
0x1e4: {  	v0 =	vperm.xlane @!p0 v0, v1;
	_ =	sdelay $0x1  }
0x1e5: {  	v0 =	vadd.s32 @!p0 v6, v0;
	_ =	sdelay $0x3  }
0x1e6: {  	s20 =	simm.s32 @!p0 $0xAC00  }
0x1e7: {  	[tilespmem:s20], [sflag:$0x2] =	stream.indirect_vreg.gather @!p0 [hbm4b:s3+s19], $0x80, v0, vm1, $0xb8;
	[tilespmem:$0x12E00] =	vst v63  }
0x1e8: {  	s19 =	simm.s32 $0x0  }
0x1e9: {  	_ =	swait.ge [sflag:s10], $0x2800;
	s26 =	sand.u32 $0x3800, s19;
	s22 =	sand.u32 $0x200, s19  }
0x1ea: {  	[sflag:s10] =	ssyncset.done $0x0;
	s24 =	sadd.s32 $0xB400, s26;
	s28 =	sor.u32 $0x180, s22  }
0x1eb: {  	[sflag:s10] =	ssyncadd.s32 $0xFFFFD800;
	s25 =	sor.u32 s28, s24  }
0x1ec: {  	v46 =	vld [tilespmem:s25+$0x0]  }
0x1ed: {  	v45 =	vld [tilespmem:s25+$0x10]  }
0x1ee: {  	v53 =	vld [tilespmem:s25+$0x20]  }
0x1ef: {  	v54 =	vld [tilespmem:s25+$0x30]  }
0x1f0: {  	v61 =	vld [tilespmem:s25+$0x40]  }
0x1f1: {  	v62 =	vld [tilespmem:s25+$0x50]  }
0x1f2: {  	s23 =	sadd.s32 $0xB800, s26;
	v63 =	vld [tilespmem:s25+$0x60]  }
0x1f3: {  	s20 =	sor.u32 s28, s23;
	v58 =	vld [tilespmem:s25+$0x70]  }
0x1f4: {  	v11 =	vld [tilespmem:s20+$0x0]  }
0x1f5: {  	v13 =	vld [tilespmem:s20+$0x10]  }
0x1f6: {  	v7 =	vld [tilespmem:s20+$0x20]  }
0x1f7: {  	v9 =	vld [tilespmem:s20+$0x30]  }
0x1f8: {  	s25 =	sor.u32 $0x100, s22;
	v4 =	vld [tilespmem:s20+$0x40]  }
0x1f9: {  	v6 =	vld [tilespmem:s20+$0x50];
	s26 =	sor.u32 s25, s24  }
0x1fa: {  	v59 =	vld [tilespmem:s26+$0x0]  }
0x1fb: {  	v60 =	vld [tilespmem:s26+$0x10]  }
0x1fc: {  	v0 =	vld [tilespmem:s26+$0x50]  }
0x1fd: {  	v2 =	vld [tilespmem:s26+$0x60]  }
0x1fe: {  	s21 =	sor.u32 s25, s23;
	v1 =	vld [tilespmem:s26+$0x70]  }
0x1ff: {  	v31 =	vld [tilespmem:s21+$0x0]  }
0x200: {  	v19 =	vadd.f32 v19, v41;
	v41 =	vadd.f32 v34, v42;
	v34 =	vld [tilespmem:s21+$0x10]  }
0x201: {  	v42 =	vadd.f32 v35, v43;
	v35 =	vld [tilespmem:s21+$0x20]  }
0x202: {  	v43 =	vadd.f32 v37, v44;
	v30 =	vadd.f32 v30, v19;
	v37 =	vld [tilespmem:s21+$0x30]  }
0x203: {  	v19 =	vld [tilespmem:s21+$0x40]  }
0x204: {  	v33 =	vadd.f32 v33, v42;
	v42 =	vadd.f32 v16, v30;
	v30 =	vld [tilespmem:s21+$0x50]  }
0x205: {  	[tilespmem:$0x1FF60] =	vst v61;
	v61 =	vld [tilespmem:s26+$0x20]  }
0x206: {  	v32 =	vadd.f32 v32, v41;
	v36 =	vadd.f32 v36, v43;
	s28 =	sor.u32 $0x80, s22;
	[tilespmem:$0x1FF70] =	vst v62;
	v62 =	vld [tilespmem:s26+$0x30]  }
0x207: {  	v16 =	vadd.f32 v40, v27;
	[tilespmem:$0x1FF80] =	vst v63;
	v63 =	vld [tilespmem:s26+$0x40];
	s26 =	sor.u32 s28, s24  }
0x208: {  	v32 =	vadd.f32 v17, v32;
	v44 =	vadd.f32 v15, v36;
	v15 =	vld [tilespmem:s26+$0x0]  }
0x209: {  	v14 =	vadd.f32 v14, v33;
	v16 =	vadd.f32 v38, v16;
	s24 =	sor.u32 s22, s24;
	v33 =	vld [tilespmem:s26+$0x10]  }
0x20a: {  	v17 =	vadd.f32 v55, v28;
	v20 =	vadd.f32 v51, v20;
	v43 =	vld [tilespmem:s24+$0x0]  }
0x20b: {  	v21 =	vadd.f32 v47, v21;
	v16 =	vadd.f32 v18, v16;
	v18 =	vld [tilespmem:s24+$0x30]  }
0x20c: {  	v17 =	vadd.f32 v39, v17;
	v20 =	vadd.f32 v49, v20;
	v47 =	vld [tilespmem:s24+$0x10]  }
0x20d: {  	v21 =	vadd.f32 v48, v21;
	v27 =	vadd.f32 v3, v16;
	v3 =	vld [tilespmem:s26+$0x30]  }
0x20e: {  	v17 =	vadd.f32 v29, v17;
	v51 =	vld [tilespmem:s24+$0x20]  }
0x20f: {  	v20 =	vadd.f32 v52, v20;
	v21 =	vadd.f32 v50, v21;
	v29 =	vld [tilespmem:s26+$0x20]  }
0x210: {  	v28 =	vadd.f32 v5, v17;
	v5 =	vld [tilespmem:s26+$0x40];
	v18 =	vadd.f32 v18, v25  }
0x211: {  	v16 =	vadd.f32 v57, v20;
	v55 =	vld [tilespmem:s24+$0x50]  }
0x212: {  	v17 =	vadd.f32 v56, v21;
	v25 =	vld [tilespmem:s24+$0x40];
	v3 =	vadd.f32 v3, v18  }
0x213: {  	v52 =	vld [tilespmem:s26+$0x50];
	v20 =	vadd.f32 v43, v22;
	v21 =	vadd.f32 v47, v23  }
0x214: {  	v56 =	vld [tilespmem:s24+$0x60];
	v22 =	vadd.f32 v51, v24;
	v3 =	vadd.f32 v62, v3  }
0x215: {  	v57 =	vld [tilespmem:s26+$0x60];
	v15 =	vadd.f32 v15, v20;
	v20 =	vadd.f32 v33, v21  }
0x216: {  	v21 =	vadd.f32 v29, v22;
	v18 =	vld [tilespmem:s24+$0x70];
	s24 =	sor.u32 s28, s23;
	v24 =	vadd.f32 v54, v3  }
0x217: {  	v29 =	vld [tilespmem:s24+$0x10];
	v3 =	vadd.f32 v25, v12;
	v12 =	vadd.f32 v55, v26  }
0x218: {  	v36 =	vld [tilespmem:s24+$0x20];
	v15 =	vadd.f32 v59, v15  }
0x219: {  	s23 =	sor.u32 s22, s23;
	v59 =	vld [tilespmem:s26+$0x70];
	v3 =	vadd.f32 v5, v3;
	v5 =	vadd.f32 v52, v12  }
0x21a: {  	v20 =	vadd.f32 v60, v20;
	v60 =	vld [tilespmem:s23+$0x0]  }
0x21b: {  	v8 =	vadd.f32 v56, v8;
	v0 =	vadd.f32 v0, v5;
	v5 =	vld [tilespmem:$0x1FF60]  }
0x21c: {  	v23 =	vadd.f32 v61, v21;
	v61 =	vld [tilespmem:s23+$0x10]  }
0x21d: {  	v8 =	vadd.f32 v57, v8;
	v62 =	vld [tilespmem:s23+$0x30]  }
0x21e: {  	v10 =	vadd.f32 v18, v10;
	v12 =	vld [tilespmem:s23+$0x20];
	v3 =	vadd.f32 v63, v3  }
0x21f: {  	v2 =	vadd.f32 v2, v8;
	v21 =	vadd.f32 v46, v15;
	v63 =	vld [tilespmem:$0x1FF80]  }
0x220: {  	v10 =	vadd.f32 v59, v10;
	v25 =	vadd.f32 v5, v3;
	v3 =	vld [tilespmem:$0x1FF70]  }
0x221: {  	v22 =	vadd.f32 v45, v20;
	v15 =	vld [tilespmem:s24+$0x0];
	v23 =	vadd.f32 v53, v23  }
0x222: {  	v41 =	vld [tilespmem:s24+$0x30];
	v33 =	vadd.f32 v60, v42;
	v1 =	vadd.f32 v1, v10  }
0x223: {  	v38 =	vld [tilespmem:s24+$0x40];
	v42 =	vadd.f32 v61, v32;
	v44 =	vadd.f32 v62, v44  }
0x224: {  	v39 =	vld [tilespmem:s24+$0x50];
	v20 =	vadd.f32 v58, v1;
	v43 =	vadd.f32 v12, v14  }
0x225: {  	s22 =	simm.s32 $0x200;
	v40 =	vld [tilespmem:s23+$0x40];
	v18 =	vadd.f32 v63, v2;
	v26 =	vadd.f32 v3, v0  }
.LBB2_7:
0x226: {  	p1 =	sne.s32 s22, $0x1200;
	v0 =	vld [tilespmem:s23+$0x50];
	v1 =	vadd.f32 v15, v33;
	v2 =	vadd.f32 v29, v42  }
0x227: {  	v12 =	vld [tilespmem:s23+$0x60];
	v3 =	vadd.f32 v36, v43;
	v5 =	vadd.f32 v41, v44  }
0x228: {  	v14 =	vld [tilespmem:s23+$0x70];
	v1 =	vadd.f32 v31, v1;
	v2 =	vadd.f32 v34, v2  }
0x229: {  	v15 =	vld [tilespmem:s24+$0x60];
	v8 =	vadd.f32 v35, v3;
	v10 =	vadd.f32 v37, v5  }
0x22a: {  	v29 =	vld [tilespmem:s24+$0x70];
	v3 =	vadd.f32 v11, v1;
	v5 =	vadd.f32 v13, v2  }
0x22b: {  	s19 =	sadd.s32 $0x400, s19;
	v1 =	vld [tilespmem:s21+$0x60];
	v8 =	vadd.f32 v7, v8;
	v10 =	vadd.f32 v9, v10  }
0x22c: {  	s25 =	sand.u32 $0x3800, s19;
	s23 =	sand.u32 $0x200, s22;
	v2 =	vadd.f32 v40, v27;
	v0 =	vadd.f32 v0, v28;
	v7 =	vld [tilespmem:s21+$0x70]  }
0x22d: {  	s24 =	sadd.s32 $0xB400, s25;
	s21 =	sor.u32 $0x180, s23;
	v9 =	vadd.f32 v12, v16;
	v11 =	vadd.f32 v14, v17;
	v13 =	vld [tilespmem:s20+$0x60]  }
0x22e: {  	v2 =	vadd.f32 v38, v2;
	s26 =	sor.u32 s21, s24;
	v0 =	vadd.f32 v39, v0;
	v14 =	vld [tilespmem:s20+$0x70]  }
0x22f: {  	v9 =	vadd.f32 v15, v9;
	v36 =	vld [tilespmem:s26+$0x0];
	v11 =	vadd.f32 v29, v11  }
0x230: {  	v2 =	vadd.f32 v19, v2;
	v0 =	vadd.f32 v30, v0;
	v15 =	vld [tilespmem:s26+$0x10]  }
0x231: {  	v1 =	vadd.f32 v1, v9;
	v29 =	vld [tilespmem:s26+$0x20];
	v7 =	vadd.f32 v7, v11  }
0x232: {  	v27 =	vadd.f32 v4, v2;
	v28 =	vadd.f32 v6, v0;
	v38 =	vld [tilespmem:s26+$0x30]  }
0x233: {  	v16 =	vadd.f32 v13, v1;
	v12 =	vld [tilespmem:s26+$0x40];
	v17 =	vadd.f32 v14, v7  }
0x234: {  	v14 =	vld [tilespmem:s26+$0x50]  }
0x235: {  	s25 =	sadd.s32 $0xB800, s25;
	v32 =	vld [tilespmem:s26+$0x60]  }
0x236: {  	s20 =	sor.u32 s21, s25;
	v33 =	vld [tilespmem:s26+$0x70]  }
0x237: {  	v11 =	vld [tilespmem:s20+$0x0]  }
0x238: {  	v13 =	vld [tilespmem:s20+$0x10]  }
0x239: {  	v7 =	vld [tilespmem:s20+$0x20]  }
0x23a: {  	v9 =	vld [tilespmem:s20+$0x30]  }
0x23b: {  	s21 =	sor.u32 $0x100, s23;
	v4 =	vld [tilespmem:s20+$0x40]  }
0x23c: {  	s26 =	sor.u32 s21, s24;
	v6 =	vld [tilespmem:s20+$0x50]  }
0x23d: {  	v0 =	vld [tilespmem:s26+$0x0]  }
0x23e: {  	v1 =	vld [tilespmem:s26+$0x10]  }
0x23f: {  	v2 =	vld [tilespmem:s26+$0x20]  }
0x240: {  	v39 =	vld [tilespmem:s26+$0x30]  }
0x241: {  	v40 =	vld [tilespmem:s26+$0x40]  }
0x242: {  	v41 =	vld [tilespmem:s26+$0x50]  }
0x243: {  	v42 =	vld [tilespmem:s26+$0x60]  }
0x244: {  	s21 =	sor.u32 s21, s25;
	v43 =	vld [tilespmem:s26+$0x70]  }
0x245: {  	v31 =	vld [tilespmem:s21+$0x0]  }
0x246: {  	v34 =	vld [tilespmem:s21+$0x10]  }
0x247: {  	v35 =	vld [tilespmem:s21+$0x20]  }
0x248: {  	v37 =	vld [tilespmem:s21+$0x30]  }
0x249: {  	s26 =	sor.u32 $0x80, s23;
	v19 =	vld [tilespmem:s21+$0x40]  }
0x24a: {  	s28 =	sor.u32 s26, s24;
	v30 =	vld [tilespmem:s21+$0x50]  }
0x24b: {  	v44 =	vld [tilespmem:s28+$0x0]  }
0x24c: {  	s24 =	sor.u32 s23, s24;
	v45 =	vld [tilespmem:s28+$0x10]  }
0x24d: {  	v46 =	vld [tilespmem:s24+$0x0]  }
0x24e: {  	v47 =	vld [tilespmem:s24+$0x10]  }
0x24f: {  	v48 =	vld [tilespmem:s24+$0x20]  }
0x250: {  	v49 =	vld [tilespmem:s24+$0x30]  }
0x251: {  	v50 =	vld [tilespmem:s28+$0x20]  }
0x252: {  	v51 =	vld [tilespmem:s28+$0x30]  }
0x253: {  	v52 =	vld [tilespmem:s28+$0x40]  }
0x254: {  	v21 =	vadd.f32 v46, v21;
	v22 =	vadd.f32 v47, v22;
	v46 =	vld [tilespmem:s28+$0x50]  }
0x255: {  	v23 =	vadd.f32 v48, v23;
	v24 =	vadd.f32 v49, v24;
	v47 =	vld [tilespmem:s24+$0x40]  }
0x256: {  	v21 =	vadd.f32 v44, v21;
	v22 =	vadd.f32 v45, v22;
	v48 =	vld [tilespmem:s24+$0x50]  }
0x257: {  	v23 =	vadd.f32 v50, v23;
	v44 =	vld [tilespmem:s24+$0x60];
	v24 =	vadd.f32 v51, v24  }
0x258: {  	v0 =	vadd.f32 v0, v21;
	v1 =	vadd.f32 v1, v22;
	v45 =	vld [tilespmem:s24+$0x70]  }
0x259: {  	v2 =	vadd.f32 v2, v23;
	v49 =	vld [tilespmem:s28+$0x60];
	v24 =	vadd.f32 v39, v24  }
0x25a: {  	s24 =	sor.u32 s26, s25;
	v21 =	vadd.f32 v36, v0;
	v22 =	vadd.f32 v15, v1;
	v39 =	vld [tilespmem:s28+$0x70]  }
0x25b: {  	v23 =	vadd.f32 v29, v2;
	v15 =	vld [tilespmem:s24+$0x0];
	v24 =	vadd.f32 v38, v24  }
0x25c: {  	s23 =	sor.u32 s23, s25;
	v0 =	vadd.f32 v47, v25;
	v1 =	vadd.f32 v48, v26;
	v29 =	vld [tilespmem:s24+$0x10]  }
0x25d: {  	v2 =	vadd.f32 v44, v18;
	v18 =	vadd.f32 v45, v20;
	v44 =	vld [tilespmem:s23+$0x0]  }
0x25e: {  	v0 =	vadd.f32 v52, v0;
	v1 =	vadd.f32 v46, v1;
	v45 =	vld [tilespmem:s23+$0x10]  }
0x25f: {  	v2 =	vadd.f32 v49, v2;
	v46 =	vld [tilespmem:s23+$0x20];
	v18 =	vadd.f32 v39, v18  }
0x260: {  	v0 =	vadd.f32 v40, v0;
	v1 =	vadd.f32 v41, v1;
	v47 =	vld [tilespmem:s23+$0x30]  }
.Ltmp2:
0x261: {  	v2 =	vadd.f32 v42, v2;
	v36 =	vld [tilespmem:s24+$0x20];
	v20 =	vadd.f32 v43, v18;
	(pc) =	sbr.rel @p1 .LBB2_7-.Ltmp2, $4  }
0x262: {  	v25 =	vadd.f32 v12, v0;
	v26 =	vadd.f32 v14, v1;
	v41 =	vld [tilespmem:s24+$0x30]  }
0x263: {  	v18 =	vadd.f32 v32, v2;
	v38 =	vld [tilespmem:s24+$0x40];
	v20 =	vadd.f32 v33, v20  }
0x264: {  	v33 =	vadd.f32 v44, v3;
	v42 =	vadd.f32 v45, v5;
	v39 =	vld [tilespmem:s24+$0x50]  }
0x265: {  	s22 =	sadd.s32 $0x200, s22;
	v43 =	vadd.f32 v46, v8;
	v44 =	vadd.f32 v47, v10;
	v40 =	vld [tilespmem:s23+$0x40]  }
0x266: {  	v0 =	vld @!p0 [tilespmem:s18+$0x118];
	_ =	sdelay $0x4  }
0x267: {  	v1 =	vshll.u32 @!p0 v0, $0x1  }
0x268: {  	v3 =	vlaneseq.u32 @!p0;
	v0 =	vand.u32 @!p0 $0x7, v0;
	v1 =	vand.u32 @!p0 $0xFFFFFFF0, v1  }
0x269: {  	v56 =	vld [tilespmem:s23+$0x50];
	v5 =	vshrl.u32 @!p0 v3, $0x3;
	v0 =	vor.u32 @!p0 v0, v1;
	v1 =	vand.u32 @!p0 $0x7, v3  }
0x26a: {  	v51 =	vld [tilespmem:s23+$0x60];
	v5 =	vmul.u32 @!p0 $0x8, v5;
	v8 =	vperm.xlane @!p0 v0, v1  }
0x26b: {  	v48 =	vld [tilespmem:s23+$0x70];
	v3 =	vor.u32 @!p0 $0x8, v3  }
0x26c: {  	v50 =	vld [tilespmem:s24+$0x60];
	v0 =	vperm.xlane @!p0 v0, v3;
	v8 =	vadd.s32 @!p0 v5, v8  }
0x26d: {  	v49 =	vld [tilespmem:s24+$0x70]  }
0x26e: {  	v52 =	vld [tilespmem:s21+$0x60];
	v0 =	vadd.s32 @!p0 v5, v0  }
0x26f: {  	v57 =	vld [tilespmem:s20+$0x60]  }
0x270: {  	v58 =	vld [tilespmem:s20+$0x70];
	s19 =	simm.s32 @!p0 $0x0;
	s20 =	simm.s32 @!p0 $0xB400  }
0x271: {  	v55 =	vld [tilespmem:s21+$0x70];
	[tilespmem:s20], [sflag:$0x3] =	stream.indirect_vreg.gather @!p0 [hbm4b:s3+s19], $0x80, v8, vm1, $0xb8  }
0x272: {  	s20 =	simm.s32 @!p0 $0xBC00  }
0x273: {  	[tilespmem:s20], [sflag:$0x3] =	stream.indirect_vreg.gather @!p0 [hbm4b:s3+s19], $0x80, v0, vm1, $0xb8;
	[tilespmem:$0x12E00] =	vst v63  }
0x274: {  	v0 =	vld @!p0 [tilespmem:s18+$0x128];
	_ =	sdelay $0x4  }
0x275: {  	v8 =	vshll.u32 @!p0 v0, $0x1  }
0x276: {  	v0 =	vand.u32 @!p0 $0x7, v0;
	v8 =	vand.u32 @!p0 $0xFFFFFFF0, v8  }
0x277: {  	v0 =	vor.u32 @!p0 v0, v8  }
0x278: {  	v8 =	vperm.xlane @!p0 v0, v1;
	_ =	sdelay $0x1  }
0x279: {  	v0 =	vperm.xlane @!p0 v0, v3;
	v8 =	vadd.s32 @!p0 v5, v8;
	_ =	sdelay $0x1  }
0x27a: {  	v0 =	vadd.s32 @!p0 v5, v0;
	_ =	sdelay $0x1  }
0x27b: {  	s20 =	simm.s32 @!p0 $0xC400  }
0x27c: {  	[tilespmem:s20], [sflag:$0x3] =	stream.indirect_vreg.gather @!p0 [hbm4b:s3+s19], $0x80, v8, vm1, $0xb8;
	[tilespmem:$0x12E00] =	vst v63  }
0x27d: {  	s20 =	simm.s32 @!p0 $0xCC00  }
0x27e: {  	[tilespmem:s20], [sflag:$0x3] =	stream.indirect_vreg.gather @!p0 [hbm4b:s3+s19], $0x80, v0, vm1, $0xb8;
	[tilespmem:$0x12E00] =	vst v63  }
0x27f: {  	v0 =	vld.msk @!p0 [tilespmem:s18+$0x138], $0xff;
	_ =	sdelay $0x4  }
0x280: {  	v3 =	vshll.u32 @!p0 v0, $0x1  }
0x281: {  	v0 =	vand.u32 @!p0 $0x7, v0;
	v3 =	vand.u32 @!p0 $0xFFFFFFF0, v3  }
0x282: {  	v0 =	vor.u32 @!p0 v0, v3  }
0x283: {  	v0 =	vperm.xlane @!p0 v0, v1;
	_ =	sdelay $0x1  }
0x284: {  	v0 =	vadd.s32 @!p0 v5, v0;
	_ =	sdelay $0x3  }
0x285: {  	s20 =	simm.s32 @!p0 $0xD400  }
0x286: {  	[tilespmem:s20], [sflag:$0x3] =	stream.indirect_vreg.gather @!p0 [hbm4b:s3+s19], $0x80, v0, vm1, $0xb8;
	[tilespmem:$0x12E00] =	vst v63  }
0x287: {  	s19 =	simm.s32 $0x0  }
0x288: {  	_ =	swait.ge [sflag:s11], $0x2800;
	s26 =	sand.u32 $0x3800, s19;
	s22 =	sand.u32 $0x200, s19  }
0x289: {  	[sflag:s11] =	ssyncset.done $0x0;
	s24 =	sadd.s32 $0xDC00, s26;
	s28 =	sor.u32 $0x180, s22  }
0x28a: {  	[sflag:s11] =	ssyncadd.s32 $0xFFFFD800;
	s25 =	sor.u32 s28, s24  }
0x28b: {  	v0 =	vld [tilespmem:s25+$0x40];
	_ =	sdelay $0x4  }
0x28c: {  	[tilespmem:$0x1FF20] =	vst v0;
	v0 =	vld [tilespmem:s25+$0x50];
	_ =	sdelay $0x3  }
0x28d: {  	v46 =	vld [tilespmem:s25+$0x0]  }
0x28e: {  	[tilespmem:$0x1FF30] =	vst v0;
	v0 =	vld [tilespmem:s25+$0x60]  }
0x28f: {  	v47 =	vld [tilespmem:s25+$0x10]  }
0x290: {  	s23 =	sadd.s32 $0xE000, s26;
	v53 =	vld [tilespmem:s25+$0x20]  }
0x291: {  	s20 =	sor.u32 s28, s23;
	v54 =	vld [tilespmem:s25+$0x30]  }
0x292: {  	v12 =	vld [tilespmem:s20+$0x0]  }
0x293: {  	[tilespmem:$0x1FF40] =	vst v0;
	v0 =	vld [tilespmem:s25+$0x70];
	s25 =	sor.u32 $0x100, s22  }
0x294: {  	v14 =	vld [tilespmem:s20+$0x10];
	s26 =	sor.u32 s25, s24  }
0x295: {  	v59 =	vld [tilespmem:s26+$0x0]  }
0x296: {  	v60 =	vld [tilespmem:s26+$0x10]  }
0x297: {  	v15 =	vadd.f32 v15, v33;
	v29 =	vadd.f32 v29, v42;
	v61 =	vld [tilespmem:s26+$0x20]  }
0x298: {  	v42 =	vadd.f32 v36, v43;
	v41 =	vadd.f32 v41, v44;
	v62 =	vld [tilespmem:s26+$0x30]  }
0x299: {  	v43 =	vadd.f32 v31, v15;
	v29 =	vadd.f32 v34, v29;
	v63 =	vld [tilespmem:s26+$0x40]  }
0x29a: {  	v34 =	vadd.f32 v35, v42;
	v37 =	vadd.f32 v37, v41;
	v2 =	vld [tilespmem:s26+$0x50]  }
0x29b: {  	v42 =	vadd.f32 v11, v43;
	v43 =	vadd.f32 v13, v29;
	s28 =	sor.u32 $0x80, s22;
	v45 =	vld [tilespmem:s26+$0x60]  }
0x29c: {  	v44 =	vadd.f32 v7, v34;
	v11 =	vadd.f32 v56, v28;
	v1 =	vld [tilespmem:s26+$0x70];
	s26 =	sor.u32 s28, s24  }
0x29d: {  	v16 =	vadd.f32 v51, v16;
	v17 =	vadd.f32 v48, v17;
	v7 =	vld [tilespmem:s26+$0x0]  }
0x29e: {  	s24 =	sor.u32 s22, s24;
	v13 =	vld [tilespmem:s26+$0x10];
	[tilespmem:$0x1FF50] =	vst v0;
	v0 =	vadd.f32 v9, v37;
	v9 =	vadd.f32 v40, v27  }
0x29f: {  	v11 =	vadd.f32 v39, v11;
	v17 =	vadd.f32 v49, v17;
	v41 =	vld [tilespmem:s24+$0x0]  }
0x2a0: {  	v16 =	vadd.f32 v50, v16;
	v48 =	vld [tilespmem:s24+$0x10];
	v9 =	vadd.f32 v38, v9  }
0x2a1: {  	v11 =	vadd.f32 v30, v11;
	v17 =	vadd.f32 v55, v17;
	v51 =	vld [tilespmem:s24+$0x20]  }
0x2a2: {  	v16 =	vadd.f32 v52, v16;
	v9 =	vadd.f32 v19, v9;
	v19 =	vld [tilespmem:s24+$0x30]  }
0x2a3: {  	v28 =	vadd.f32 v6, v11;
	v6 =	vadd.f32 v58, v17;
	v30 =	vld [tilespmem:s26+$0x20]  }
0x2a4: {  	v11 =	vadd.f32 v41, v21;
	v27 =	vadd.f32 v4, v9;
	v9 =	vld [tilespmem:s26+$0x30]  }
0x2a5: {  	v8 =	vld [tilespmem:s20+$0x20];
	v4 =	vadd.f32 v57, v16;
	v16 =	vadd.f32 v48, v22  }
0x2a6: {  	v10 =	vld [tilespmem:s20+$0x30];
	v17 =	vadd.f32 v51, v23;
	v7 =	vadd.f32 v7, v11  }
0x2a7: {  	v11 =	vadd.f32 v13, v16;
	v19 =	vadd.f32 v19, v24;
	v24 =	vld [tilespmem:s24+$0x60]  }
0x2a8: {  	v58 =	vld [tilespmem:s24+$0x50];
	v13 =	vadd.f32 v30, v17  }
0x2a9: {  	v56 =	vld [tilespmem:s26+$0x50];
	v16 =	vadd.f32 v60, v11;
	v9 =	vadd.f32 v9, v19  }
0x2aa: {  	v30 =	vld [tilespmem:s26+$0x60];
	v17 =	vadd.f32 v61, v13  }
0x2ab: {  	v57 =	vld [tilespmem:s24+$0x40];
	v13 =	vadd.f32 v47, v16;
	v9 =	vadd.f32 v62, v9  }
0x2ac: {  	v3 =	vld [tilespmem:s20+$0x40];
	v16 =	vadd.f32 v53, v17;
	v18 =	vadd.f32 v24, v18  }
0x2ad: {  	v55 =	vld [tilespmem:s26+$0x40];
	v17 =	vadd.f32 v54, v9;
	v9 =	vadd.f32 v58, v26  }
0x2ae: {  	v5 =	vld [tilespmem:s20+$0x50];
	s21 =	sor.u32 s25, s23;
	v7 =	vadd.f32 v59, v7  }
0x2af: {  	v32 =	vld [tilespmem:s21+$0x0];
	v18 =	vadd.f32 v30, v18;
	v9 =	vadd.f32 v56, v9  }
0x2b0: {  	v33 =	vld [tilespmem:s21+$0x10];
	v11 =	vadd.f32 v46, v7;
	v7 =	vadd.f32 v57, v25  }
0x2b1: {  	v2 =	vadd.f32 v2, v9;
	v9 =	vadd.f32 v45, v18;
	v18 =	vld [tilespmem:$0x1FF20]  }
0x2b2: {  	v19 =	vld [tilespmem:s24+$0x70];
	v7 =	vadd.f32 v55, v7  }
0x2b3: {  	v36 =	vld [tilespmem:s21+$0x20]  }
0x2b4: {  	v59 =	vld [tilespmem:s26+$0x70];
	v7 =	vadd.f32 v63, v7  }
0x2b5: {  	v31 =	vld [tilespmem:s21+$0x30]  }
0x2b6: {  	v18 =	vadd.f32 v18, v7;
	v7 =	vld [tilespmem:$0x1FF30]  }
0x2b7: {  	v15 =	vld [tilespmem:s21+$0x40];
	v19 =	vadd.f32 v19, v20  }
0x2b8: {  	v29 =	vld [tilespmem:s21+$0x50];
	s24 =	sor.u32 s28, s23  }
0x2b9: {  	s23 =	sor.u32 s22, s23;
	v34 =	vld [tilespmem:s24+$0x0];
	v19 =	vadd.f32 v59, v19  }
0x2ba: {  	v60 =	vld [tilespmem:s23+$0x10]  }
0x2bb: {  	v1 =	vadd.f32 v1, v19;
	v19 =	vadd.f32 v7, v2;
	v2 =	vld [tilespmem:$0x1FF40]  }
0x2bc: {  	v61 =	vld [tilespmem:s23+$0x20]  }
0x2bd: {  	v40 =	vld [tilespmem:s24+$0x20]  }
0x2be: {  	v20 =	vld [tilespmem:s23+$0x0]  }
0x2bf: {  	v62 =	vld [tilespmem:s23+$0x30]  }
0x2c0: {  	v7 =	vadd.f32 v2, v9;
	v2 =	vld [tilespmem:$0x1FF50]  }
0x2c1: {  	v26 =	vld [tilespmem:s24+$0x10]  }
0x2c2: {  	v41 =	vld [tilespmem:s24+$0x30]  }
0x2c3: {  	v37 =	vld [tilespmem:s24+$0x40];
	v35 =	vadd.f32 v20, v42  }
0x2c4: {  	v38 =	vld [tilespmem:s24+$0x50];
	v42 =	vadd.f32 v60, v43;
	v43 =	vadd.f32 v61, v44  }
0x2c5: {  	s22 =	simm.s32 $0x200;
	v39 =	vld [tilespmem:s23+$0x40];
	v44 =	vadd.f32 v62, v0;
	v9 =	vadd.f32 v2, v1  }
.LBB2_9:
0x2c6: {  	p1 =	sne.s32 s22, $0x1200;
	v0 =	vld [tilespmem:s23+$0x50];
	v1 =	vadd.f32 v34, v35;
	v2 =	vadd.f32 v26, v42  }
0x2c7: {  	v24 =	vld [tilespmem:s23+$0x60];
	v20 =	vadd.f32 v40, v43;
	v21 =	vadd.f32 v41, v44  }
0x2c8: {  	v25 =	vld [tilespmem:s23+$0x70];
	v1 =	vadd.f32 v32, v1;
	v2 =	vadd.f32 v33, v2  }
0x2c9: {  	v26 =	vld [tilespmem:s24+$0x60];
	v22 =	vadd.f32 v36, v20;
	v23 =	vadd.f32 v31, v21  }
0x2ca: {  	v30 =	vld [tilespmem:s24+$0x70];
	v20 =	vadd.f32 v12, v1;
	v21 =	vadd.f32 v14, v2  }
0x2cb: {  	s19 =	sadd.s32 $0x400, s19;
	v1 =	vld [tilespmem:s21+$0x60];
	v22 =	vadd.f32 v8, v22;
	v23 =	vadd.f32 v10, v23  }
0x2cc: {  	s25 =	sand.u32 $0x3800, s19;
	s23 =	sand.u32 $0x200, s22;
	v2 =	vadd.f32 v39, v27;
	v0 =	vadd.f32 v0, v28;
	v8 =	vld [tilespmem:s21+$0x70]  }
0x2cd: {  	s24 =	sadd.s32 $0xDC00, s25;
	s21 =	sor.u32 $0x180, s23;
	v4 =	vadd.f32 v24, v4;
	v6 =	vadd.f32 v25, v6;
	v10 =	vld [tilespmem:s20+$0x60]  }
0x2ce: {  	v2 =	vadd.f32 v37, v2;
	s26 =	sor.u32 s21, s24;
	v0 =	vadd.f32 v38, v0;
	v12 =	vld [tilespmem:s20+$0x70]  }
0x2cf: {  	v4 =	vadd.f32 v26, v4;
	v34 =	vld [tilespmem:s26+$0x0];
	v6 =	vadd.f32 v30, v6  }
0x2d0: {  	v2 =	vadd.f32 v15, v2;
	v0 =	vadd.f32 v29, v0;
	v26 =	vld [tilespmem:s26+$0x10]  }
0x2d1: {  	v1 =	vadd.f32 v1, v4;
	v37 =	vld [tilespmem:s26+$0x20];
	v6 =	vadd.f32 v8, v6  }
0x2d2: {  	v27 =	vadd.f32 v3, v2;
	v28 =	vadd.f32 v5, v0;
	v38 =	vld [tilespmem:s26+$0x30]  }
0x2d3: {  	v4 =	vadd.f32 v10, v1;
	v24 =	vld [tilespmem:s26+$0x40];
	v6 =	vadd.f32 v12, v6  }
0x2d4: {  	v25 =	vld [tilespmem:s26+$0x50]  }
0x2d5: {  	s25 =	sadd.s32 $0xE000, s25;
	v30 =	vld [tilespmem:s26+$0x60]  }
0x2d6: {  	s20 =	sor.u32 s21, s25;
	v35 =	vld [tilespmem:s26+$0x70]  }
0x2d7: {  	v12 =	vld [tilespmem:s20+$0x0]  }
0x2d8: {  	v14 =	vld [tilespmem:s20+$0x10]  }
0x2d9: {  	v8 =	vld [tilespmem:s20+$0x20]  }
0x2da: {  	v10 =	vld [tilespmem:s20+$0x30]  }
0x2db: {  	s21 =	sor.u32 $0x100, s23;
	v3 =	vld [tilespmem:s20+$0x40]  }
0x2dc: {  	s26 =	sor.u32 s21, s24;
	v5 =	vld [tilespmem:s20+$0x50]  }
0x2dd: {  	v0 =	vld [tilespmem:s26+$0x0]  }
0x2de: {  	v1 =	vld [tilespmem:s26+$0x10]  }
0x2df: {  	v2 =	vld [tilespmem:s26+$0x20]  }
0x2e0: {  	v39 =	vld [tilespmem:s26+$0x30]  }
0x2e1: {  	v40 =	vld [tilespmem:s26+$0x40]  }
0x2e2: {  	v41 =	vld [tilespmem:s26+$0x50]  }
0x2e3: {  	v42 =	vld [tilespmem:s26+$0x60]  }
0x2e4: {  	s21 =	sor.u32 s21, s25;
	v43 =	vld [tilespmem:s26+$0x70]  }
0x2e5: {  	v32 =	vld [tilespmem:s21+$0x0]  }
0x2e6: {  	v33 =	vld [tilespmem:s21+$0x10]  }
0x2e7: {  	v36 =	vld [tilespmem:s21+$0x20]  }
0x2e8: {  	v31 =	vld [tilespmem:s21+$0x30]  }
0x2e9: {  	s26 =	sor.u32 $0x80, s23;
	v15 =	vld [tilespmem:s21+$0x40]  }
0x2ea: {  	s28 =	sor.u32 s26, s24;
	v29 =	vld [tilespmem:s21+$0x50]  }
0x2eb: {  	v44 =	vld [tilespmem:s28+$0x0]  }
0x2ec: {  	s24 =	sor.u32 s23, s24;
	v45 =	vld [tilespmem:s28+$0x10]  }
0x2ed: {  	v46 =	vld [tilespmem:s24+$0x0]  }
0x2ee: {  	v47 =	vld [tilespmem:s24+$0x10]  }
0x2ef: {  	v48 =	vld [tilespmem:s24+$0x20]  }
0x2f0: {  	v49 =	vld [tilespmem:s24+$0x30]  }
0x2f1: {  	v50 =	vld [tilespmem:s28+$0x20]  }
0x2f2: {  	v51 =	vld [tilespmem:s28+$0x30]  }
0x2f3: {  	v52 =	vld [tilespmem:s28+$0x40]  }
0x2f4: {  	v11 =	vadd.f32 v46, v11;
	v13 =	vadd.f32 v47, v13;
	v46 =	vld [tilespmem:s28+$0x50]  }
0x2f5: {  	v16 =	vadd.f32 v48, v16;
	v17 =	vadd.f32 v49, v17;
	v47 =	vld [tilespmem:s24+$0x40]  }
0x2f6: {  	v11 =	vadd.f32 v44, v11;
	v13 =	vadd.f32 v45, v13;
	v48 =	vld [tilespmem:s24+$0x50]  }
0x2f7: {  	v16 =	vadd.f32 v50, v16;
	v44 =	vld [tilespmem:s24+$0x60];
	v17 =	vadd.f32 v51, v17  }
0x2f8: {  	v0 =	vadd.f32 v0, v11;
	v1 =	vadd.f32 v1, v13;
	v45 =	vld [tilespmem:s24+$0x70]  }
0x2f9: {  	v2 =	vadd.f32 v2, v16;
	v49 =	vld [tilespmem:s28+$0x60];
	v17 =	vadd.f32 v39, v17  }
0x2fa: {  	s24 =	sor.u32 s26, s25;
	v11 =	vadd.f32 v34, v0;
	v13 =	vadd.f32 v26, v1;
	v39 =	vld [tilespmem:s28+$0x70]  }
0x2fb: {  	v16 =	vadd.f32 v37, v2;
	v34 =	vld [tilespmem:s24+$0x0];
	v17 =	vadd.f32 v38, v17  }
0x2fc: {  	s23 =	sor.u32 s23, s25;
	v0 =	vadd.f32 v47, v18;
	v1 =	vadd.f32 v48, v19;
	v26 =	vld [tilespmem:s24+$0x10]  }
0x2fd: {  	v2 =	vadd.f32 v44, v7;
	v7 =	vadd.f32 v45, v9;
	v38 =	vld [tilespmem:s23+$0x0]  }
0x2fe: {  	v0 =	vadd.f32 v52, v0;
	v1 =	vadd.f32 v46, v1;
	v44 =	vld [tilespmem:s23+$0x10]  }
0x2ff: {  	v2 =	vadd.f32 v49, v2;
	v45 =	vld [tilespmem:s23+$0x20];
	v7 =	vadd.f32 v39, v7  }
0x300: {  	v0 =	vadd.f32 v40, v0;
	v1 =	vadd.f32 v41, v1;
	v39 =	vld [tilespmem:s23+$0x30]  }
.Ltmp3:
0x301: {  	v2 =	vadd.f32 v42, v2;
	v40 =	vld [tilespmem:s24+$0x20];
	v9 =	vadd.f32 v43, v7;
	(pc) =	sbr.rel @p1 .LBB2_9-.Ltmp3, $4  }
0x302: {  	v18 =	vadd.f32 v24, v0;
	v19 =	vadd.f32 v25, v1;
	v41 =	vld [tilespmem:s24+$0x30]  }
0x303: {  	v7 =	vadd.f32 v30, v2;
	v37 =	vld [tilespmem:s24+$0x40];
	v9 =	vadd.f32 v35, v9  }
0x304: {  	v35 =	vadd.f32 v38, v20;
	v42 =	vadd.f32 v44, v21;
	v38 =	vld [tilespmem:s24+$0x50]  }
0x305: {  	s22 =	sadd.s32 $0x200, s22;
	v43 =	vadd.f32 v45, v22;
	v44 =	vadd.f32 v39, v23;
	v39 =	vld [tilespmem:s23+$0x40]  }
0x306: {  	v0 =	vld @!p0 [tilespmem:s18+$0x140];
	_ =	sdelay $0x4  }
0x307: {  	v1 =	vshll.u32 @!p0 v0, $0x1  }
0x308: {  	v20 =	vlaneseq.u32 @!p0;
	v0 =	vand.u32 @!p0 $0x7, v0;
	v1 =	vand.u32 @!p0 $0xFFFFFFF0, v1  }
0x309: {  	v56 =	vld [tilespmem:s23+$0x50];
	v21 =	vshrl.u32 @!p0 v20, $0x3;
	v0 =	vor.u32 @!p0 v0, v1;
	v1 =	vand.u32 @!p0 $0x7, v20  }
0x30a: {  	v51 =	vld [tilespmem:s23+$0x60];
	v21 =	vmul.u32 @!p0 $0x8, v21;
	v22 =	vperm.xlane @!p0 v0, v1  }
0x30b: {  	v48 =	vld [tilespmem:s23+$0x70];
	v20 =	vor.u32 @!p0 $0x8, v20  }
0x30c: {  	v50 =	vld [tilespmem:s24+$0x60];
	v0 =	vperm.xlane @!p0 v0, v20;
	v22 =	vadd.s32 @!p0 v21, v22  }
0x30d: {  	v49 =	vld [tilespmem:s24+$0x70]  }
0x30e: {  	v52 =	vld [tilespmem:s21+$0x60];
	v0 =	vadd.s32 @!p0 v21, v0  }
0x30f: {  	v57 =	vld [tilespmem:s20+$0x60]  }
0x310: {  	v58 =	vld [tilespmem:s20+$0x70];
	s19 =	simm.s32 @!p0 $0x0;
	s20 =	simm.s32 @!p0 $0xDC00  }
0x311: {  	v55 =	vld [tilespmem:s21+$0x70];
	[tilespmem:s20], [sflag:$0x4] =	stream.indirect_vreg.gather @!p0 [hbm4b:s3+s19], $0x80, v22, vm1, $0xb8  }
0x312: {  	s20 =	simm.s32 @!p0 $0xE400  }
0x313: {  	[tilespmem:s20], [sflag:$0x4] =	stream.indirect_vreg.gather @!p0 [hbm4b:s3+s19], $0x80, v0, vm1, $0xb8;
	[tilespmem:$0x12E00] =	vst v63  }
0x314: {  	v0 =	vld @!p0 [tilespmem:s18+$0x150];
	_ =	sdelay $0x4  }
0x315: {  	v22 =	vshll.u32 @!p0 v0, $0x1  }
0x316: {  	v0 =	vand.u32 @!p0 $0x7, v0;
	v22 =	vand.u32 @!p0 $0xFFFFFFF0, v22  }
0x317: {  	v0 =	vor.u32 @!p0 v0, v22  }
0x318: {  	v22 =	vperm.xlane @!p0 v0, v1;
	_ =	sdelay $0x1  }
0x319: {  	v0 =	vperm.xlane @!p0 v0, v20;
	v22 =	vadd.s32 @!p0 v21, v22;
	_ =	sdelay $0x1  }
0x31a: {  	v0 =	vadd.s32 @!p0 v21, v0;
	_ =	sdelay $0x1  }
0x31b: {  	s20 =	simm.s32 @!p0 $0xEC00  }
0x31c: {  	[tilespmem:s20], [sflag:$0x4] =	stream.indirect_vreg.gather @!p0 [hbm4b:s3+s19], $0x80, v22, vm1, $0xb8;
	[tilespmem:$0x12E00] =	vst v63  }
0x31d: {  	s20 =	simm.s32 @!p0 $0xF400  }
0x31e: {  	[tilespmem:s20], [sflag:$0x4] =	stream.indirect_vreg.gather @!p0 [hbm4b:s3+s19], $0x80, v0, vm1, $0xb8;
	[tilespmem:$0x12E00] =	vst v63  }
0x31f: {  	v0 =	vld.msk @!p0 [tilespmem:s18+$0x160], $0xff;
	_ =	sdelay $0x4  }
0x320: {  	v20 =	vshll.u32 @!p0 v0, $0x1  }
0x321: {  	v0 =	vand.u32 @!p0 $0x7, v0;
	v20 =	vand.u32 @!p0 $0xFFFFFFF0, v20  }
0x322: {  	v0 =	vor.u32 @!p0 v0, v20  }
0x323: {  	v0 =	vperm.xlane @!p0 v0, v1;
	_ =	sdelay $0x1  }
0x324: {  	v0 =	vadd.s32 @!p0 v21, v0;
	_ =	sdelay $0x3  }
0x325: {  	s18 =	simm.s32 @!p0 $0xFC00  }
0x326: {  	[tilespmem:s18], [sflag:$0x4] =	stream.indirect_vreg.gather @!p0 [hbm4b:s3+s19], $0x80, v0, vm1, $0xb8;
	[tilespmem:$0x12E00] =	vst v63  }
0x327: {  	s18 =	simm.s32 $0x0  }
0x328: {  	_ =	swait.ge [sflag:s12], $0x2800;
	s25 =	sand.u32 $0x3800, s18;
	s21 =	sand.u32 $0x200, s18  }
0x329: {  	[sflag:s12] =	ssyncset.done $0x0;
	s23 =	sor.u32 $0x10400, s25;
	s26 =	sor.u32 $0x180, s21  }
0x32a: {  	[sflag:s12] =	ssyncadd.s32 $0xFFFFD800;
	s28 =	sor.u32 s26, s23  }
0x32b: {  	v0 =	vld [tilespmem:s28+$0x40]  }
0x32c: {  	v46 =	vld [tilespmem:s28+$0x0]  }
0x32d: {  	v47 =	vld [tilespmem:s28+$0x10]  }
0x32e: {  	v53 =	vld [tilespmem:s28+$0x20]  }
0x32f: {  	s22 =	sadd.s32 $0x10800, s25;
	v54 =	vld [tilespmem:s28+$0x30]  }
0x330: {  	s19 =	sor.u32 s26, s22;
	[tilespmem:$0x1FEE0] =	vst v0;
	v0 =	vld [tilespmem:s28+$0x50]  }
0x331: {  	v24 =	vld [tilespmem:s19+$0x0]  }
0x332: {  	v25 =	vld [tilespmem:s19+$0x10]  }
0x333: {  	v23 =	vld [tilespmem:s19+$0x20]  }
0x334: {  	v22 =	vld [tilespmem:s19+$0x30]  }
0x335: {  	[tilespmem:$0x1FEF0] =	vst v0;
	v0 =	vld [tilespmem:s28+$0x60]  }
0x336: {  	s25 =	sor.u32 $0x100, s21;
	v20 =	vld [tilespmem:s19+$0x40]  }
0x337: {  	s26 =	sor.u32 s25, s23;
	v21 =	vld [tilespmem:s19+$0x50]  }
0x338: {  	v40 =	vadd.f32 v40, v43;
	v59 =	vld [tilespmem:s26+$0x0]  }
0x339: {  	v41 =	vadd.f32 v41, v44;
	v60 =	vld [tilespmem:s26+$0x10]  }
0x33a: {  	v26 =	vadd.f32 v26, v42;
	v36 =	vadd.f32 v36, v40;
	[tilespmem:$0x1FF00] =	vst v0;
	v0 =	vld [tilespmem:s28+$0x70];
	s28 =	sor.u32 $0x80, s21  }
0x33b: {  	v31 =	vadd.f32 v31, v41;
	s20 =	sor.u32 s25, s22;
	v61 =	vld [tilespmem:s26+$0x20];
	s25 =	sor.u32 s28, s23  }
0x33c: {  	v33 =	vadd.f32 v33, v26;
	v44 =	vadd.f32 v8, v36;
	v8 =	vld [tilespmem:s25+$0x0]  }
0x33d: {  	v31 =	vadd.f32 v10, v31;
	v10 =	vadd.f32 v39, v27;
	s23 =	sor.u32 s21, s23;
	v27 =	vld [tilespmem:s25+$0x10]  }
0x33e: {  	v40 =	vadd.f32 v14, v33;
	v14 =	vadd.f32 v56, v28;
	v28 =	vld [tilespmem:s23+$0x0]  }
0x33f: {  	v6 =	vadd.f32 v48, v6;
	v10 =	vadd.f32 v37, v10;
	v48 =	vld [tilespmem:s23+$0x10]  }
0x340: {  	v4 =	vadd.f32 v51, v4;
	v14 =	vadd.f32 v38, v14;
	v51 =	vld [tilespmem:s23+$0x20]  }
0x341: {  	v6 =	vadd.f32 v49, v6;
	v10 =	vadd.f32 v15, v10;
	v15 =	vld [tilespmem:s23+$0x30]  }
0x342: {  	v14 =	vadd.f32 v29, v14;
	v56 =	vld [tilespmem:s25+$0x20]  }
0x343: {  	v29 =	vadd.f32 v55, v6;
	v6 =	vadd.f32 v3, v10;
	v10 =	vld [tilespmem:s25+$0x30]  }
0x344: {  	v62 =	vld [tilespmem:s26+$0x30]  }
0x345: {  	v63 =	vld [tilespmem:s26+$0x40];
	v11 =	vadd.f32 v28, v11;
	v13 =	vadd.f32 v48, v13  }
0x346: {  	v2 =	vld [tilespmem:s26+$0x50];
	v16 =	vadd.f32 v51, v16;
	v15 =	vadd.f32 v15, v17  }
0x347: {  	v45 =	vld [tilespmem:s26+$0x60];
	v8 =	vadd.f32 v8, v11;
	v11 =	vadd.f32 v27, v13  }
0x348: {  	v13 =	vadd.f32 v56, v16;
	v10 =	vadd.f32 v10, v15;
	v15 =	vld [tilespmem:s23+$0x70]  }
0x349: {  	v1 =	vld [tilespmem:s26+$0x70]  }
0x34a: {  	v8 =	vadd.f32 v59, v8;
	v59 =	vadd.f32 v61, v13;
	v61 =	vld [tilespmem:s25+$0x70]  }
0x34b: {  	v17 =	vld [tilespmem:s23+$0x40]  }
0x34c: {  	v5 =	vadd.f32 v5, v14;
	v14 =	vld [tilespmem:s25+$0x40]  }
0x34d: {  	v3 =	vadd.f32 v58, v29;
	v29 =	vld [tilespmem:s23+$0x50];
	v9 =	vadd.f32 v15, v9  }
0x34e: {  	v30 =	vld [tilespmem:s20+$0x0]  }
0x34f: {  	v28 =	vld [tilespmem:s25+$0x50];
	v9 =	vadd.f32 v61, v9  }
0x350: {  	v26 =	vld [tilespmem:s20+$0x40];
	v17 =	vadd.f32 v17, v18  }
0x351: {  	[tilespmem:$0x1FF10] =	vst v0;
	v0 =	vadd.f32 v34, v35;
	v1 =	vadd.f32 v1, v9;
	v9 =	vld [tilespmem:$0x1FEE0]  }
0x352: {  	v35 =	vld [tilespmem:s20+$0x10];
	v18 =	vadd.f32 v29, v19;
	v14 =	vadd.f32 v14, v17  }
0x353: {  	v34 =	vld [tilespmem:s20+$0x20];
	v0 =	vadd.f32 v32, v0  }
0x354: {  	v32 =	vld [tilespmem:s20+$0x30];
	v15 =	vadd.f32 v28, v18;
	v14 =	vadd.f32 v63, v14  }
0x355: {  	v27 =	vld [tilespmem:s23+$0x60]  }
0x356: {  	v2 =	vadd.f32 v2, v15;
	v15 =	vadd.f32 v9, v14;
	v9 =	vld [tilespmem:$0x1FEF0]  }
0x357: {  	v16 =	vld [tilespmem:s25+$0x60]  }
0x358: {  	v0 =	vadd.f32 v12, v0;
	v12 =	vld [tilespmem:s20+$0x50];
	s23 =	sor.u32 s28, s22  }
0x359: {  	v33 =	vld [tilespmem:s23+$0x0]  }
0x35a: {  	v36 =	vld [tilespmem:s23+$0x10];
	v7 =	vadd.f32 v27, v7  }
0x35b: {  	s22 =	sor.u32 s21, s22;
	v11 =	vadd.f32 v60, v11;
	v14 =	vadd.f32 v9, v2;
	v2 =	vld [tilespmem:$0x1FF00]  }
0x35c: {  	v60 =	vadd.f32 v62, v10;
	v62 =	vld [tilespmem:s22+$0x30];
	v7 =	vadd.f32 v16, v7  }
0x35d: {  	v4 =	vadd.f32 v50, v4;
	v19 =	vld [tilespmem:s22+$0x0]  }
0x35e: {  	v29 =	vld [tilespmem:s22+$0x10];
	v7 =	vadd.f32 v45, v7  }
0x35f: {  	v4 =	vadd.f32 v52, v4;
	v18 =	vld [tilespmem:s22+$0x20]  }
0x360: {  	v9 =	vadd.f32 v2, v7;
	v2 =	vld [tilespmem:$0x1FF10]  }
0x361: {  	v4 =	vadd.f32 v57, v4;
	v37 =	vld [tilespmem:s23+$0x20];
	v13 =	vadd.f32 v46, v8  }
0x362: {  	v38 =	vld [tilespmem:s23+$0x30];
	v11 =	vadd.f32 v47, v11;
	v10 =	vadd.f32 v53, v59  }
0x363: {  	v8 =	vadd.f32 v54, v60;
	v27 =	vld [tilespmem:s23+$0x40];
	v16 =	vadd.f32 v19, v0  }
0x364: {  	v28 =	vld [tilespmem:s23+$0x50];
	v17 =	vadd.f32 v29, v40;
	v19 =	vadd.f32 v62, v31  }
0x365: {  	s21 =	simm.s32 $0x200;
	v29 =	vld [tilespmem:s22+$0x40];
	v18 =	vadd.f32 v18, v44;
	v7 =	vadd.f32 v2, v1  }
.LBB2_11:
0x366: {  	p0 =	sne.s32 s21, $0x1200;
	v0 =	vld [tilespmem:s22+$0x50];
	v1 =	vadd.f32 v33, v16;
	v2 =	vadd.f32 v36, v17  }
0x367: {  	v31 =	vld [tilespmem:s22+$0x60];
	v16 =	vadd.f32 v37, v18;
	v17 =	vadd.f32 v38, v19  }
0x368: {  	v33 =	vld [tilespmem:s22+$0x70];
	v1 =	vadd.f32 v30, v1;
	v2 =	vadd.f32 v35, v2  }
0x369: {  	v30 =	vld [tilespmem:s23+$0x60];
	v18 =	vadd.f32 v34, v16;
	v19 =	vadd.f32 v32, v17  }
0x36a: {  	v32 =	vld [tilespmem:s23+$0x70];
	v16 =	vadd.f32 v24, v1;
	v17 =	vadd.f32 v25, v2  }
0x36b: {  	s18 =	sadd.s32 $0x400, s18;
	v1 =	vld [tilespmem:s20+$0x60];
	v18 =	vadd.f32 v23, v18;
	v19 =	vadd.f32 v22, v19  }
0x36c: {  	s24 =	sand.u32 $0x3800, s18;
	s22 =	sand.u32 $0x200, s21;
	v2 =	vadd.f32 v29, v6;
	v0 =	vadd.f32 v0, v5;
	v5 =	vld [tilespmem:s20+$0x70]  }
0x36d: {  	s23 =	sor.u32 $0x10400, s24;
	s20 =	sor.u32 $0x180, s22;
	v4 =	vadd.f32 v31, v4;
	v3 =	vadd.f32 v33, v3;
	v22 =	vld [tilespmem:s19+$0x60]  }
0x36e: {  	v2 =	vadd.f32 v27, v2;
	s25 =	sor.u32 s20, s23;
	v0 =	vadd.f32 v28, v0;
	v23 =	vld [tilespmem:s19+$0x70]  }
0x36f: {  	v4 =	vadd.f32 v30, v4;
	v33 =	vld [tilespmem:s25+$0x0];
	v3 =	vadd.f32 v32, v3  }
0x370: {  	v2 =	vadd.f32 v26, v2;
	v0 =	vadd.f32 v12, v0;
	v36 =	vld [tilespmem:s25+$0x10]  }
0x371: {  	v1 =	vadd.f32 v1, v4;
	v37 =	vld [tilespmem:s25+$0x20];
	v3 =	vadd.f32 v5, v3  }
0x372: {  	v6 =	vadd.f32 v20, v2;
	v5 =	vadd.f32 v21, v0;
	v38 =	vld [tilespmem:s25+$0x30]  }
0x373: {  	v4 =	vadd.f32 v22, v1;
	v27 =	vld [tilespmem:s25+$0x40];
	v3 =	vadd.f32 v23, v3  }
0x374: {  	v28 =	vld [tilespmem:s25+$0x50]  }
0x375: {  	s24 =	sadd.s32 $0x10800, s24;
	v29 =	vld [tilespmem:s25+$0x60]  }
0x376: {  	s19 =	sor.u32 s20, s24;
	v31 =	vld [tilespmem:s25+$0x70]  }
0x377: {  	v24 =	vld [tilespmem:s19+$0x0]  }
0x378: {  	v25 =	vld [tilespmem:s19+$0x10]  }
0x379: {  	v23 =	vld [tilespmem:s19+$0x20]  }
0x37a: {  	v22 =	vld [tilespmem:s19+$0x30]  }
0x37b: {  	s20 =	sor.u32 $0x100, s22;
	v20 =	vld [tilespmem:s19+$0x40]  }
0x37c: {  	s25 =	sor.u32 s20, s23;
	v21 =	vld [tilespmem:s19+$0x50]  }
0x37d: {  	v0 =	vld [tilespmem:s25+$0x0]  }
0x37e: {  	v1 =	vld [tilespmem:s25+$0x10]  }
0x37f: {  	v2 =	vld [tilespmem:s25+$0x20]  }
0x380: {  	v39 =	vld [tilespmem:s25+$0x30]  }
0x381: {  	v40 =	vld [tilespmem:s25+$0x40]  }
0x382: {  	v41 =	vld [tilespmem:s25+$0x50]  }
0x383: {  	v42 =	vld [tilespmem:s25+$0x60]  }
0x384: {  	s20 =	sor.u32 s20, s24;
	v43 =	vld [tilespmem:s25+$0x70]  }
0x385: {  	v30 =	vld [tilespmem:s20+$0x0]  }
0x386: {  	v35 =	vld [tilespmem:s20+$0x10]  }
0x387: {  	v34 =	vld [tilespmem:s20+$0x20]  }
0x388: {  	v32 =	vld [tilespmem:s20+$0x30]  }
0x389: {  	s25 =	sor.u32 $0x80, s22;
	v26 =	vld [tilespmem:s20+$0x40]  }
0x38a: {  	s26 =	sor.u32 s25, s23;
	v12 =	vld [tilespmem:s20+$0x50]  }
0x38b: {  	v44 =	vld [tilespmem:s26+$0x0]  }
0x38c: {  	s23 =	sor.u32 s22, s23;
	v45 =	vld [tilespmem:s26+$0x10]  }
0x38d: {  	v46 =	vld [tilespmem:s23+$0x0]  }
0x38e: {  	v47 =	vld [tilespmem:s23+$0x10]  }
0x38f: {  	v48 =	vld [tilespmem:s23+$0x20]  }
0x390: {  	v49 =	vld [tilespmem:s23+$0x30]  }
0x391: {  	v50 =	vld [tilespmem:s26+$0x20]  }
0x392: {  	v51 =	vld [tilespmem:s26+$0x30]  }
0x393: {  	v52 =	vld [tilespmem:s26+$0x40]  }
0x394: {  	v13 =	vadd.f32 v46, v13;
	v11 =	vadd.f32 v47, v11;
	v46 =	vld [tilespmem:s26+$0x50]  }
0x395: {  	v10 =	vadd.f32 v48, v10;
	v8 =	vadd.f32 v49, v8;
	v47 =	vld [tilespmem:s23+$0x40]  }
0x396: {  	v13 =	vadd.f32 v44, v13;
	v11 =	vadd.f32 v45, v11;
	v48 =	vld [tilespmem:s23+$0x50]  }
0x397: {  	v10 =	vadd.f32 v50, v10;
	v44 =	vld [tilespmem:s23+$0x60];
	v8 =	vadd.f32 v51, v8  }
0x398: {  	v0 =	vadd.f32 v0, v13;
	v1 =	vadd.f32 v1, v11;
	v45 =	vld [tilespmem:s23+$0x70]  }
0x399: {  	v2 =	vadd.f32 v2, v10;
	v49 =	vld [tilespmem:s26+$0x60];
	v8 =	vadd.f32 v39, v8  }
0x39a: {  	s23 =	sor.u32 s25, s24;
	v13 =	vadd.f32 v33, v0;
	v11 =	vadd.f32 v36, v1;
	v39 =	vld [tilespmem:s26+$0x70]  }
0x39b: {  	v10 =	vadd.f32 v37, v2;
	v33 =	vld [tilespmem:s23+$0x0];
	v8 =	vadd.f32 v38, v8  }
0x39c: {  	s22 =	sor.u32 s22, s24;
	v0 =	vadd.f32 v47, v15;
	v1 =	vadd.f32 v48, v14;
	v36 =	vld [tilespmem:s23+$0x10]  }
0x39d: {  	v2 =	vadd.f32 v44, v9;
	v7 =	vadd.f32 v45, v7;
	v44 =	vld [tilespmem:s22+$0x0]  }
0x39e: {  	v0 =	vadd.f32 v52, v0;
	v1 =	vadd.f32 v46, v1;
	v45 =	vld [tilespmem:s22+$0x10]  }
0x39f: {  	v2 =	vadd.f32 v49, v2;
	v46 =	vld [tilespmem:s22+$0x20];
	v7 =	vadd.f32 v39, v7  }
0x3a0: {  	v0 =	vadd.f32 v40, v0;
	v1 =	vadd.f32 v41, v1;
	v39 =	vld [tilespmem:s22+$0x30]  }
.Ltmp4:
0x3a1: {  	v2 =	vadd.f32 v42, v2;
	v37 =	vld [tilespmem:s23+$0x20];
	v7 =	vadd.f32 v43, v7;
	(pc) =	sbr.rel @p0 .LBB2_11-.Ltmp4, $4  }
0x3a2: {  	v15 =	vadd.f32 v27, v0;
	v14 =	vadd.f32 v28, v1;
	v38 =	vld [tilespmem:s23+$0x30]  }
0x3a3: {  	v9 =	vadd.f32 v29, v2;
	v27 =	vld [tilespmem:s23+$0x40];
	v7 =	vadd.f32 v31, v7  }
0x3a4: {  	v16 =	vadd.f32 v44, v16;
	v17 =	vadd.f32 v45, v17;
	v28 =	vld [tilespmem:s23+$0x50]  }
0x3a5: {  	s21 =	sadd.s32 $0x200, s21;
	v18 =	vadd.f32 v46, v18;
	v19 =	vadd.f32 v39, v19;
	v29 =	vld [tilespmem:s22+$0x40]  }
0x3a6: {  	v0 =	vld [tilespmem:s22+$0x50]  }
0x3a7: {  	v1 =	vld [tilespmem:s22+$0x60]  }
0x3a8: {  	v2 =	vld [tilespmem:s22+$0x70]  }
0x3a9: {  	v31 =	vld [tilespmem:s23+$0x60]  }
0x3aa: {  	v39 =	vld [tilespmem:s23+$0x70]  }
0x3ab: {  	v40 =	vld [tilespmem:s20+$0x60];
	v16 =	vadd.f32 v33, v16;
	v17 =	vadd.f32 v36, v17  }
0x3ac: {  	v47 =	vld [tilespmem:s20+$0x70];
	v13 =	vmul.f32 $4.999999890e-03, v13;
	v18 =	vadd.f32 v37, v18;
	v19 =	vadd.f32 v38, v19  }
0x3ad: {  	v48 =	vld [tilespmem:s19+$0x60];
	s18 =	sshll.u32 s17, $0x7;
	v11 =	vmul.f32 $4.999999890e-03, v11;
	v16 =	vadd.f32 v30, v16;
	v17 =	vadd.f32 v35, v17  }
0x3ae: {  	v49 =	vld [tilespmem:s19+$0x70];
	v10 =	vmul.f32 $4.999999890e-03, v10;
	[tilespmem:s18+$0x12C00] =	vst v13;
	v18 =	vadd.f32 v34, v18;
	v19 =	vadd.f32 v32, v19  }
0x3af: {  	v8 =	vmul.f32 $4.999999890e-03, v8;
	[tilespmem:s18+$0x12C10] =	vst v11;
	v50 =	vadd.f32 v24, v16;
	v51 =	vadd.f32 v25, v17  }
0x3b0: {  	v53 =	vmul.f32 $4.999999890e-03, v15;
	[tilespmem:s18+$0x12C20] =	vst v10;
	v6 =	vadd.f32 v29, v6;
	v52 =	vadd.f32 v23, v18  }
0x3b1: {  	v55 =	vmul.f32 $4.999999890e-03, v14;
	[tilespmem:s18+$0x12C30] =	vst v8;
	v54 =	vadd.f32 v22, v19;
	v0 =	vadd.f32 v0, v5  }
0x3b2: {  	v57 =	vmul.f32 $4.999999890e-03, v9;
	[tilespmem:s18+$0x12C40] =	vst v53;
	v1 =	vadd.f32 v1, v4;
	v56 =	vadd.f32 v27, v6  }
0x3b3: {  	v58 =	vmul.f32 $4.999999890e-03, v7;
	[tilespmem:s18+$0x12C50] =	vst v55;
	v2 =	vadd.f32 v2, v3;
	v0 =	vadd.f32 v28, v0  }
0x3b4: {  	[tilespmem:s18+$0x12C60] =	vst v57;
	v59 =	vmul.f32 $4.999999890e-03, v50;
	v1 =	vadd.f32 v31, v1;
	v4 =	vadd.f32 v26, v56  }
0x3b5: {  	[tilespmem:s18+$0x12C70] =	vst v58;
	v60 =	vmul.f32 $4.999999890e-03, v51;
	v2 =	vadd.f32 v39, v2;
	v0 =	vadd.f32 v12, v0  }
0x3b6: {  	v61 =	vmul.f32 $4.999999890e-03, v52;
	[tilespmem:s18+$0x12D00] =	vst v59;
	v1 =	vadd.f32 v40, v1;
	v4 =	vadd.f32 v20, v4  }
0x3b7: {  	v62 =	vmul.f32 $4.999999890e-03, v54;
	[tilespmem:s18+$0x12D10] =	vst v60;
	v2 =	vadd.f32 v47, v2;
	v0 =	vadd.f32 v21, v0  }
0x3b8: {  	[tilespmem:s18+$0x12D20] =	vst v61;
	v1 =	vadd.f32 v48, v1;
	v4 =	vmul.f32 $4.999999890e-03, v4  }
0x3b9: {  	[tilespmem:s18+$0x12D30] =	vst v62;
	v2 =	vadd.f32 v49, v2;
	v0 =	vmul.f32 $4.999999890e-03, v0  }
0x3ba: {  	s25 =	sshll.u32 s16, $0x5;
	s26 =	sshll.u32 s16, $0x4;
	s16 =	sadd.s32 $0x1, s16;
	v1 =	vmul.f32 $4.999999890e-03, v1;
	[tilespmem:s18+$0x12D40] =	vst v4  }
0x3bb: {  	s19 =	sand.u32 $0xF00, s25;
	p0 =	sne.s32 s16, $0x80;
	v63 =	vmul.f32 $4.999999890e-03, v2;
	[tilespmem:s18+$0x12D50] =	vst v0  }
.Ltmp5:
0x3bc: {  	s20 =	sand.u32 $0x70, s26;
	s19 =	sadd.s32 s19, s5;
	[tilespmem:s18+$0x12D60] =	vst v1;
	(pc) =	sbr.rel @p0 .LBB2_2-.Ltmp5, $4  }
0x3bd: {  	s28 =	sor.u32 $0x6, s17;
	s21 =	sor.u32 $0x12C00, s18;
	s19 =	sadd.s32 s20, s19;
	[tilespmem:s18+$0x12D70] =	vst v63  }
0x3be: {  	[hbm4b:s19+s2] =	stream.linear.scatter [tilespmem:s21], [sflag:s28], $0x80, $0x38;
	[tilespmem:$0x12E00] =	vst v63  }
0x3bf: {  	s18 =	sor.u32 $0x12D00, s18;
	s19 =	sadd.s32 $0x80, s19  }
0x3c0: {  	[hbm4b:s19+s2] =	stream.linear.scatter [tilespmem:s18], [sflag:s28], $0x80, $0x38;
	[tilespmem:$0x12E00] =	vst v63  }
0x3c1: {  	s15 =	sadd.s32 $0x1, s15  }
0x3c2: {  	_ =	swait.ge [sflag:s13], $0x100;
	p0 =	sne.s32 s15, s6  }
.Ltmp6:
0x3c3: {  	[sflag:s13] =	ssyncset.done $0x0;
	(pc) =	sbr.rel @p0 .LBB2_1-.Ltmp6, $4  }
0x3c4: {  	[sflag:s13] =	ssyncadd.s32 $0xFFFFFF00  }
0x3c5: {  	_ =	swait.ge [sflag:s14], $0x100  }
0x3c6: {  	[sflag:s14] =	ssyncset.done $0x0  }
0x3c7: {  	[sflag:s14] =	ssyncadd.s32 $0xFFFFFF00  }
0x3c8: {  	_ =	sfence.sel $0x180000  }
0x3c9: {  	[bflag:$0x0] =	sbarrier.arrive $0xFFFF  }
0x3ca: {  	_ =	strace $0x90000047  }
0x3cb: {  	s0 =	stileid.u32;
	[bflag:$0x2] =	sbarrier.arrive $0xFFFF  }
0x3cc: {  	p0 =	sne.s32 s0, $0x0;
	s0 =	rddreg [dreg:$0x3]  }
0x3cd: {  	s0 =	sadd.s32 @!p0 $0x100000, s0  }
0x3ce: {  	[sflag:s0] =	ssyncadd.tile.s32 @!p0 $0x1;
	_ =	shalt  }
.Lfunc_end2:
_tile_overlayer_lowered:
.L_overlay_start_2:
0x3cf: {  	(tag) =	ssettag $0x2  }
0x3d0: {  	s0 =	rddreg [dreg:$0x0];
	s2 =	stileid.u32  }
0x3d1: {  	s1 =	rddreg [dreg:$0x1];
	p0 =	sne.s32 s2, $0x0  }
0x3d2: {  	s3 =	rddreg [dreg:$0x2];
	[bflag:$0x3] =	sbarrier.arrive $0xFFFF;
	s2 =	simm.s32 @!p0 $0x1C08  }
0x3d3: {  	[timem:s3], [sflag:s2] =	dma.local @!p0 [hbm:s0], s1  }
0x3d4: {  	s0 =	simm.s32 @!p0 $0x8  }
0x3d5: {  	_ =	swait.ge @!p0 [sflag:s0], s1  }
0x3d6: {  	s1 =	ssub.s32 @!p0 $0x0, s1;
	[sflag:s0] =	ssyncset.done @!p0 $0x0  }
0x3d7: {  	[sflag:s0] =	ssyncadd.s32 @!p0 s1  }
0x3d8: {  	[bflag:$0x3] =	sbarrier.arrive $0xFFFF  }
0x3d9: {  	_ =	shalt  }

</sc_bundles>
